<compile_context>
chip_gen: v7x
topology: tpu7x:2x2x1
jax: 0.10.2.dev20260603
libtpu: 0.0.44.dev20260713+nightly
codegen_flags: <defaults>
</compile_context>

<pallas_src>
import functools
import math

import jax
import jax.numpy as jnp
from jax import lax
from jax.experimental import pallas as pl
from jax.experimental.pallas import tpu as pltpu
from jax.experimental.pallas import tpu_sc as plsc

_M1, _M2, _M3, _S = 1.0, 0.5, 0.0, 64.0
_COS_M2 = math.cos(_M2)
_SIN_M2 = math.sin(_M2)

_RPW = 8
_CW = 4096


def _sc_row_stats(fc7, target):
    b, c = fc7.shape
    info = plsc.get_sparse_core_info()
    nw = info.num_cores * info.num_subcores
    nwave = b // (nw * _RPW)
    nfull = c // _CW
    tail = c - nfull * _CW
    mesh = plsc.VectorSubcoreMesh(core_axis_name="c", subcore_axis_name="s")

    @functools.partial(
        pl.kernel,
        out_type=jax.ShapeDtypeStruct((nw, 128), jnp.float32),
        mesh=mesh,
        scratch_types=[
            pltpu.VMEM((_RPW, _CW), jnp.float32),
            pltpu.VMEM((_RPW, _CW), jnp.float32),
            pltpu.VMEM((_RPW, tail), jnp.float32),
            pltpu.VMEM((16,), jnp.int32),
            pltpu.VMEM((128,), jnp.float32),
            pltpu.SemaphoreType.DMA,
            pltpu.SemaphoreType.DMA,
        ],
    )
    def k(fc7_hbm, tgt_hbm, out_hbm, buf0, buf1, buft, tgtv, stag,
          sem0, sem1):
        wid = lax.axis_index("s") * info.num_cores + lax.axis_index("c")
        r0 = wid * _RPW
        lane = lax.iota(jnp.int32, 16)

        def chunk_compute(buf, width, carry, tgtb):
            @plsc.parallel_loop(0, width, 16, unroll=4, carry=carry)
            def final_carry(q, cr):
                a8, z8, col = cr
                xs = [buf[r, pl.ds(q, 16)] for r in range(_RPW)]
                a8 = tuple(a8[r] + jnp.exp(xs[r]) for r in range(_RPW))
                z8 = tuple(
                    z8[r] + jnp.where(col == tgtb[r], xs[r], 0.0)
                    for r in range(_RPW))
                return a8, z8, col + 16

            return final_carry

        gdn = lax.GatherDimensionNumbers(
            offset_dims=(), collapsed_slice_dims=(0,), start_index_map=(0,))

        for wave in range(nwave):
            rw = r0 + wave * (nw * _RPW)
            pltpu.sync_copy(tgt_hbm.at[pl.ds(rw, _RPW)],
                            tgtv.at[pl.ds(0, _RPW)])
            tv = tgtv[...]
            tgtb = tuple(
                lax.gather(tv, jnp.full((16, 1), r, jnp.int32), gdn, (1,),
                           mode=lax.GatherScatterMode.PROMISE_IN_BOUNDS)
                for r in range(_RPW))
            pltpu.async_copy(
                fc7_hbm.at[pl.ds(rw, _RPW), pl.ds(0, _CW)], buf0, sem0)

            def pair_body(k2, carry, rw=rw, tgtb=tgtb):
                c0 = 2 * k2
                pltpu.async_copy(
                    fc7_hbm.at[pl.ds(rw, _RPW), pl.ds((c0 + 1) * _CW, _CW)],
                    buf1, sem1)
                pltpu.make_async_copy(
                    fc7_hbm.at[pl.ds(rw, _RPW), pl.ds(0, _CW)],
                    buf0, sem0).wait()
                carry = chunk_compute(buf0, _CW, carry, tgtb)
                nxt = jnp.minimum(c0 + 2, nfull - 1)
                pltpu.async_copy(
                    fc7_hbm.at[pl.ds(rw, _RPW), pl.ds(nxt * _CW, _CW)],
                    buf0, sem0)
                pltpu.make_async_copy(
                    fc7_hbm.at[pl.ds(rw, _RPW), pl.ds(0, _CW)],
                    buf1, sem1).wait()
                carry = chunk_compute(buf1, _CW, carry, tgtb)
                return carry

            carry0 = (tuple(jnp.zeros((16,), jnp.float32)
                            for _ in range(_RPW)),
                      tuple(jnp.zeros((16,), jnp.float32)
                            for _ in range(_RPW)),
                      lane)
            carry = lax.fori_loop(0, nfull // 2, pair_body, carry0)
            pltpu.make_async_copy(
                fc7_hbm.at[pl.ds(rw, _RPW), pl.ds(0, _CW)],
                buf0, sem0).wait()
            pltpu.sync_copy(
                fc7_hbm.at[pl.ds(rw, _RPW), pl.ds(nfull * _CW, tail)], buft)
            accs, zaccs, _ = chunk_compute(buft, tail, carry, tgtb)

            perms = [jnp.bitwise_xor(lane, sh)[:, None] for sh in (8, 4, 2, 1)]

            def lane_total(v):
                for perm in perms:
                    v = v + lax.gather(
                        v, perm, gdn, (1,),
                        mode=lax.GatherScatterMode.PROMISE_IN_BOUNDS)
                return v

            s_vec = jnp.zeros((16,), jnp.float32)
            zy_vec = jnp.zeros((16,), jnp.float32)
            for r in range(_RPW):
                s_vec = jnp.where(lane == r, lane_total(accs[r]), s_vec)
                zy_vec = jnp.where(lane == r, lane_total(zaccs[r]), zy_vec)
            stag[pl.ds(wave * 16, 16)] = s_vec
            stag[pl.ds(64 + wave * 16, 16)] = zy_vec

        pltpu.sync_copy(stag, out_hbm.at[wid])

    return k(fc7, target)


def _tc_combine(stats, b):
    def body(st_ref, out_ref):
        st = st_ref[...]
        s = st[:, 0:64]
        zy = st[:, 64:128]
        valid = (lax.broadcasted_iota(jnp.int32, st.shape[:1] + (64,), 1)
                 % 16) < _RPW
        cth = zy * (1.0 / _S)
        sth = jnp.sqrt(jnp.maximum(1.0 - cth * cth, 0.0))
        new_zy = _S * (cth * _COS_M2 - sth * _SIN_M2)
        s_adj = s - jnp.exp(zy) + jnp.exp(new_zy)
        nll = jnp.log(jnp.where(valid, s_adj, 1.0)) - jnp.where(
            valid, new_zy, 0.0)
        out_ref[0, 0] = jnp.sum(jnp.where(valid, nll, 0.0)) * (1.0 / b)

    out = pl.pallas_call(
        body,
        out_specs=pl.BlockSpec(memory_space=pltpu.SMEM),
        out_shape=jax.ShapeDtypeStruct((1, 1), jnp.float32),
    )(stats)
    return out[0, 0]


def kernel(fc7, weight, nembedding, target):
    b, _ = fc7.shape
    stats = _sc_row_stats(fc7, target)
    return _tc_combine(stats, b)

# --- scband reference (transcript-rebuilt; emitter-appended) ---
"""Pipeline reference for scband-arc-loss-86260123173964 (READ-ONLY COPY).

The authoritative reference and input builder live on the scoring server;
editing this copy changes nothing except your own understanding.
"""

import jax, jax.numpy as jnp
import numpy as np

M1, M2, M3, S = 1.0, 0.5, 0.0, 64.0
B, C, D = 1024, 100000, 128

def setup_inputs(seed: int = 0) -> dict:
    key = jax.random.key(seed)
    k1, k2, k3, k4 = jax.random.split(key, 4)
    # fc7 = s*cos(theta) logits; use uniform[0,1) so fc7/s is inside acos domain [-1,1]
    fc7 = jax.random.uniform(k1, (B, C), dtype=jnp.float32)
    weight = jax.random.normal(k2, (C, D), dtype=jnp.float32)
    nembedding = jax.random.normal(k3, (B, D), dtype=jnp.float32)
    target = jax.random.randint(k4, (B,), 0, C, dtype=jnp.int32)
    return {"fc7": fc7, "weight": weight, "nembedding": nembedding, "target": target}

def reference(fc7, weight, nembedding, target):
    # input tuple in torch = (fc7, _weight, nembedding); _weight and nembedding unused
    rows = jnp.arange(fc7.shape[0])
    # index.scatter_(1, target, 1); zy = fc7[index] -> gather target-class logit per row
    zy = fc7[rows, target]
    cos_t = zy / S
    t = jnp.arccos(cos_t)
    t = t * M1 + M2
    body = jnp.cos(t) - M3
    new_zy = body * S
    # fc7[index] += (new_zy - zy)  == overwrite target-class logit with new_zy
    fc7_new = fc7.at[rows, target].set(new_zy)
    # F.cross_entropy(fc7, target) with default mean reduction
    logp = jax.nn.log_softmax(fc7_new, axis=-1)
    loss = -jnp.mean(logp[rows, target])
    return loss

if __name__ == "__main__":
    import jax
    _d = setup_inputs()
    print(jax.jit(kernel)(*tuple(_d.values())))

</pallas_src>

<mosaic_0001>
#map = affine_map<(d0, d1) -> (0, 0)>
#map1 = affine_map<(d0, d1) -> (0)>
module attributes {stable_mosaic.version = 14 : i64} {
  func.func @k(%arg0: i32, %arg1: i32, %arg2: memref<1024x100000xf32, #tpu.memory_space<hbm>>, %arg3: memref<1024xi32, #tpu.memory_space<hbm>>, %arg4: memref<32x128xf32, #tpu.memory_space<hbm>>, %arg5: memref<8x4096xf32, #tpu.memory_space<vmem>>, %arg6: memref<8x4096xf32, #tpu.memory_space<vmem>>, %arg7: memref<8x1696xf32, #tpu.memory_space<vmem>>, %arg8: memref<16xi32, #tpu.memory_space<vmem>>, %arg9: memref<128xf32, #tpu.memory_space<vmem>>, %arg10: memref<!tpu.dma_semaphore, #tpu.memory_space<semaphore_mem>>, %arg11: memref<!tpu.dma_semaphore, #tpu.memory_space<semaphore_mem>>) attributes {dimension_semantics = [#tpu.dimension_semantics<core_parallel>, #tpu.dimension_semantics<subcore_parallel>], iteration_bounds = array<i64: 2, 16>, scalar_prefetch = 0 : i64, scratch_operands = 7 : i64, tpu.core_type = #tpu.core_type<sc_vector_subcore>, window_params = [{transform_indices = #map}, {transform_indices = #map1}, {transform_indices = #map}]} {
    %mul3A = arith.constant 2 : i32
    %mul3A_0 = arith.muli %arg1, %mul3A : i32
    %add3A = arith.addi %mul3A_0, %arg0 : i32
    %mul3A_1 = arith.constant 8 : i32
    %mul3A_2 = arith.muli %add3A, %mul3A_1 : i32
    %iota3A = tpu.iota {dimensions = array<i32: 0>} : vector<16xi32>
    %add3A_3 = arith.constant 0 : i32
    %add3A_4 = arith.addi %mul3A_2, %add3A_3 : i32
    "tpu.region"() ({
      %run_scoped3A = tpu.sem_alloc : memref<!tpu.dma_semaphore, #tpu.memory_space<semaphore_mem>>
      %dma_start3A_1476 = arith.constant 0 : i32
      %dma_start3A_1477 = tpu.memref_slice %arg8[%dma_start3A_1476] : memref<16xi32, #tpu.memory_space<vmem>> -> memref<8xi32, #tpu.memory_space<vmem>>
      %dma_start3A_1478 = tpu.memref_slice %arg3[%add3A_4] : memref<1024xi32, #tpu.memory_space<hbm>> -> memref<8xi32, #tpu.memory_space<hbm>>
      %dma_start3A_1479 = arith.constant 0 : i32
      %dma_start3A_1480 = tpu.memref_slice %arg8[%dma_start3A_1479] : memref<16xi32, #tpu.memory_space<vmem>> -> memref<8xi32, #tpu.memory_space<vmem>>
      %dma_start3A_1481 = tpu.memref_slice %arg3[%add3A_4] : memref<1024xi32, #tpu.memory_space<hbm>> -> memref<8xi32, #tpu.memory_space<hbm>>
      tpu.enqueue_dma source(%dma_start3A_1481 : memref<8xi32, #tpu.memory_space<hbm>>) target(%dma_start3A_1480 : memref<8xi32, #tpu.memory_space<vmem>>) target_semaphore(%run_scoped3A : memref<!tpu.dma_semaphore, #tpu.memory_space<semaphore_mem>>)
      %dma_wait3A_1482 = arith.constant 0 : i32
      %dma_wait3A_1483 = tpu.memref_slice %arg8[%dma_wait3A_1482] : memref<16xi32, #tpu.memory_space<vmem>> -> memref<8xi32, #tpu.memory_space<vmem>>
      %dma_wait3A_1484 = tpu.memref_slice %arg3[%add3A_4] : memref<1024xi32, #tpu.memory_space<hbm>> -> memref<8xi32, #tpu.memory_space<hbm>>
      %dma_wait3A_1485 = arith.constant 0 : i32
      %dma_wait3A_1486 = tpu.memref_slice %arg8[%dma_wait3A_1485] : memref<16xi32, #tpu.memory_space<vmem>> -> memref<8xi32, #tpu.memory_space<vmem>>
      %dma_wait3A_1487 = tpu.memref_slice %arg3[%add3A_4] : memref<1024xi32, #tpu.memory_space<hbm>> -> memref<8xi32, #tpu.memory_space<hbm>>
      tpu.wait_dma2 semaphore(%run_scoped3A : memref<!tpu.dma_semaphore, #tpu.memory_space<semaphore_mem>>) src(%dma_wait3A_1487 : memref<8xi32, #tpu.memory_space<hbm>>) dst(%dma_wait3A_1486 : memref<8xi32, #tpu.memory_space<vmem>>)
      tpu.yield
    }) : () -> ()
    %get3A = arith.constant 0 : index
    %get3A_5 = tpu.vector_load %arg8[%get3A] {strides = array<i32>} : memref<16xi32, #tpu.memory_space<vmem>>, vector<16xi32>,
    %get3A_6 = vector.shape_cast %get3A_5 : vector<16xi32> to vector<16xi32>
    %broadcast_in_dim3A = arith.constant 0 : i32
    %broadcast_in_dim3A_7 = vector.broadcast %broadcast_in_dim3A : i32 to vector<16x1xi32>
    %gather3A = vector.shape_cast %broadcast_in_dim3A_7 : vector<16x1xi32> to vector<16xi32>
    %gather3A_8 = tpu.dynamic_gather %get3A_6[%gather3A] in [0] : vector<16xi32>, vector<16xi32> -> vector<16xi32>
    %broadcast_in_dim3A_9 = arith.constant 1 : i32
    %broadcast_in_dim3A_10 = vector.broadcast %broadcast_in_dim3A_9 : i32 to vector<16x1xi32>
    %gather3A_11 = vector.shape_cast %broadcast_in_dim3A_10 : vector<16x1xi32> to vector<16xi32>
    %gather3A_12 = tpu.dynamic_gather %get3A_6[%gather3A_11] in [0] : vector<16xi32>, vector<16xi32> -> vector<16xi32>
    %broadcast_in_dim3A_13 = arith.constant 2 : i32
    %broadcast_in_dim3A_14 = vector.broadcast %broadcast_in_dim3A_13 : i32 to vector<16x1xi32>
    %gather3A_15 = vector.shape_cast %broadcast_in_dim3A_14 : vector<16x1xi32> to vector<16xi32>
    %gather3A_16 = tpu.dynamic_gather %get3A_6[%gather3A_15] in [0] : vector<16xi32>, vector<16xi32> -> vector<16xi32>
    %broadcast_in_dim3A_17 = arith.constant 3 : i32
    %broadcast_in_dim3A_18 = vector.broadcast %broadcast_in_dim3A_17 : i32 to vector<16x1xi32>
    %gather3A_19 = vector.shape_cast %broadcast_in_dim3A_18 : vector<16x1xi32> to vector<16xi32>
    %gather3A_20 = tpu.dynamic_gather %get3A_6[%gather3A_19] in [0] : vector<16xi32>, vector<16xi32> -> vector<16xi32>
    %broadcast_in_dim3A_21 = arith.constant 4 : i32
    %broadcast_in_dim3A_22 = vector.broadcast %broadcast_in_dim3A_21 : i32 to vector<16x1xi32>
    %gather3A_23 = vector.shape_cast %broadcast_in_dim3A_22 : vector<16x1xi32> to vector<16xi32>
    %gather3A_24 = tpu.dynamic_gather %get3A_6[%gather3A_23] in [0] : vector<16xi32>, vector<16xi32> -> vector<16xi32>
    %broadcast_in_dim3A_25 = arith.constant 5 : i32
    %broadcast_in_dim3A_26 = vector.broadcast %broadcast_in_dim3A_25 : i32 to vector<16x1xi32>
    %gather3A_27 = vector.shape_cast %broadcast_in_dim3A_26 : vector<16x1xi32> to vector<16xi32>
    %gather3A_28 = tpu.dynamic_gather %get3A_6[%gather3A_27] in [0] : vector<16xi32>, vector<16xi32> -> vector<16xi32>
    %broadcast_in_dim3A_29 = arith.constant 6 : i32
    %broadcast_in_dim3A_30 = vector.broadcast %broadcast_in_dim3A_29 : i32 to vector<16x1xi32>
    %gather3A_31 = vector.shape_cast %broadcast_in_dim3A_30 : vector<16x1xi32> to vector<16xi32>
    %gather3A_32 = tpu.dynamic_gather %get3A_6[%gather3A_31] in [0] : vector<16xi32>, vector<16xi32> -> vector<16xi32>
    %broadcast_in_dim3A_33 = arith.constant 7 : i32
    %broadcast_in_dim3A_34 = vector.broadcast %broadcast_in_dim3A_33 : i32 to vector<16x1xi32>
    %gather3A_35 = vector.shape_cast %broadcast_in_dim3A_34 : vector<16x1xi32> to vector<16xi32>
    %gather3A_36 = tpu.dynamic_gather %get3A_6[%gather3A_35] in [0] : vector<16xi32>, vector<16xi32> -> vector<16xi32>
    %dma_start3A = arith.constant 0 : i32
    %dma_start3A_37 = tpu.memref_slice %arg2[%add3A_4, %dma_start3A] : memref<1024x100000xf32, #tpu.memory_space<hbm>> -> memref<8x4096xf32, #tpu.memory_space<hbm>>
    %dma_start3A_38 = arith.constant 0 : i32
    %dma_start3A_39 = tpu.memref_slice %arg2[%add3A_4, %dma_start3A_38] : memref<1024x100000xf32, #tpu.memory_space<hbm>> -> memref<8x4096xf32, #tpu.memory_space<hbm>>
    tpu.enqueue_dma source(%dma_start3A_39 : memref<8x4096xf32, #tpu.memory_space<hbm>>) target(%arg5 : memref<8x4096xf32, #tpu.memory_space<vmem>>) target_semaphore(%arg10 : memref<!tpu.dma_semaphore, #tpu.memory_space<semaphore_mem>>)
    %broadcast_in_dim3A_40 = arith.constant 0.000000e+00 : f32
    %broadcast_in_dim3A_41 = vector.broadcast %broadcast_in_dim3A_40 : f32 to vector<16xf32>
    %broadcast_in_dim3A_42 = arith.constant 0.000000e+00 : f32
    %broadcast_in_dim3A_43 = vector.broadcast %broadcast_in_dim3A_42 : f32 to vector<16xf32>
    %broadcast_in_dim3A_44 = arith.constant 0.000000e+00 : f32
    %broadcast_in_dim3A_45 = vector.broadcast %broadcast_in_dim3A_44 : f32 to vector<16xf32>
    %broadcast_in_dim3A_46 = arith.constant 0.000000e+00 : f32
    %broadcast_in_dim3A_47 = vector.broadcast %broadcast_in_dim3A_46 : f32 to vector<16xf32>
    %broadcast_in_dim3A_48 = arith.constant 0.000000e+00 : f32
    %broadcast_in_dim3A_49 = vector.broadcast %broadcast_in_dim3A_48 : f32 to vector<16xf32>
    %broadcast_in_dim3A_50 = arith.constant 0.000000e+00 : f32
    %broadcast_in_dim3A_51 = vector.broadcast %broadcast_in_dim3A_50 : f32 to vector<16xf32>
    %broadcast_in_dim3A_52 = arith.constant 0.000000e+00 : f32
    %broadcast_in_dim3A_53 = vector.broadcast %broadcast_in_dim3A_52 : f32 to vector<16xf32>
    %broadcast_in_dim3A_54 = arith.constant 0.000000e+00 : f32
    %broadcast_in_dim3A_55 = vector.broadcast %broadcast_in_dim3A_54 : f32 to vector<16xf32>
    %broadcast_in_dim3A_56 = arith.constant 0.000000e+00 : f32
    %broadcast_in_dim3A_57 = vector.broadcast %broadcast_in_dim3A_56 : f32 to vector<16xf32>
    %broadcast_in_dim3A_58 = arith.constant 0.000000e+00 : f32
    %broadcast_in_dim3A_59 = vector.broadcast %broadcast_in_dim3A_58 : f32 to vector<16xf32>
    %broadcast_in_dim3A_60 = arith.constant 0.000000e+00 : f32
    %broadcast_in_dim3A_61 = vector.broadcast %broadcast_in_dim3A_60 : f32 to vector<16xf32>
    %broadcast_in_dim3A_62 = arith.constant 0.000000e+00 : f32
    %broadcast_in_dim3A_63 = vector.broadcast %broadcast_in_dim3A_62 : f32 to vector<16xf32>
    %broadcast_in_dim3A_64 = arith.constant 0.000000e+00 : f32
    %broadcast_in_dim3A_65 = vector.broadcast %broadcast_in_dim3A_64 : f32 to vector<16xf32>
    %broadcast_in_dim3A_66 = arith.constant 0.000000e+00 : f32
    %broadcast_in_dim3A_67 = vector.broadcast %broadcast_in_dim3A_66 : f32 to vector<16xf32>
    %broadcast_in_dim3A_68 = arith.constant 0.000000e+00 : f32
    %broadcast_in_dim3A_69 = vector.broadcast %broadcast_in_dim3A_68 : f32 to vector<16xf32>
    %broadcast_in_dim3A_70 = arith.constant 0.000000e+00 : f32
    %broadcast_in_dim3A_71 = vector.broadcast %broadcast_in_dim3A_70 : f32 to vector<16xf32>
    %scan3A = arith.constant 0 : i32
    %scan3A_72 = arith.constant 12 : i32
    %scan3A_73 = arith.addi %scan3A, %scan3A_72 : i32
    %scan3A_74 = arith.constant 1 : i32
    %scan3A_75:17 = scf.for %scan3A_1476 = %scan3A to %scan3A_73 step %scan3A_74 iter_args(%scan3A_1477 = %broadcast_in_dim3A_41, %scan3A_1478 = %broadcast_in_dim3A_43, %scan3A_1479 = %broadcast_in_dim3A_45, %scan3A_1480 = %broadcast_in_dim3A_47, %scan3A_1481 = %broadcast_in_dim3A_49, %scan3A_1482 = %broadcast_in_dim3A_51, %scan3A_1483 = %broadcast_in_dim3A_53, %scan3A_1484 = %broadcast_in_dim3A_55, %scan3A_1485 = %broadcast_in_dim3A_57, %scan3A_1486 = %broadcast_in_dim3A_59, %scan3A_1487 = %broadcast_in_dim3A_61, %scan3A_1488 = %broadcast_in_dim3A_63, %scan3A_1489 = %broadcast_in_dim3A_65, %scan3A_1490 = %broadcast_in_dim3A_67, %scan3A_1491 = %broadcast_in_dim3A_69, %scan3A_1492 = %broadcast_in_dim3A_71, %scan3A_1493 = %iota3A) -> (vector<16xf32>, vector<16xf32>, vector<16xf32>, vector<16xf32>, vector<16xf32>, vector<16xf32>, vector<16xf32>, vector<16xf32>, vector<16xf32>, vector<16xf32>, vector<16xf32>, vector<16xf32>, vector<16xf32>, vector<16xf32>, vector<16xf32>, vector<16xf32>, vector<16xi32>)  : i32 {
      %mul3A_1494 = arith.constant 2 : i32
      %mul3A_1495 = arith.muli %mul3A_1494, %scan3A_1476 : i32
      %add3A_1496 = arith.constant 1 : i32
      %add3A_1497 = arith.addi %mul3A_1495, %add3A_1496 : i32
      %mul3A_1498 = arith.constant 4096 : i32
      %mul3A_1499 = arith.muli %add3A_1497, %mul3A_1498 : i32
      %dma_start3A_1500 = tpu.memref_slice %arg2[%add3A_4, %mul3A_1499] : memref<1024x100000xf32, #tpu.memory_space<hbm>> -> memref<8x4096xf32, #tpu.memory_space<hbm>>
      %dma_start3A_1501 = tpu.memref_slice %arg2[%add3A_4, %mul3A_1499] : memref<1024x100000xf32, #tpu.memory_space<hbm>> -> memref<8x4096xf32, #tpu.memory_space<hbm>>
      tpu.enqueue_dma source(%dma_start3A_1501 : memref<8x4096xf32, #tpu.memory_space<hbm>>) target(%arg6 : memref<8x4096xf32, #tpu.memory_space<vmem>>) target_semaphore(%arg11 : memref<!tpu.dma_semaphore, #tpu.memory_space<semaphore_mem>>)
      %dma_wait3A_1502 = arith.constant 0 : i32
      %dma_wait3A_1503 = tpu.memref_slice %arg2[%add3A_4, %dma_wait3A_1502] : memref<1024x100000xf32, #tpu.memory_space<hbm>> -> memref<8x4096xf32, #tpu.memory_space<hbm>>
      %dma_wait3A_1504 = arith.constant 0 : i32
      %dma_wait3A_1505 = tpu.memref_slice %arg2[%add3A_4, %dma_wait3A_1504] : memref<1024x100000xf32, #tpu.memory_space<hbm>> -> memref<8x4096xf32, #tpu.memory_space<hbm>>
      tpu.wait_dma2 semaphore(%arg10 : memref<!tpu.dma_semaphore, #tpu.memory_space<semaphore_mem>>) src(%dma_wait3A_1505 : memref<8x4096xf32, #tpu.memory_space<hbm>>) dst(%arg5 : memref<8x4096xf32, #tpu.memory_space<vmem>>)
      %parallel_loop3A_1506 = arith.constant 0 : i32
      %parallel_loop3A_1507 = arith.constant 4096 : i32
      %parallel_loop3A_1508 = arith.constant 16 : i32
      %parallel_loop3A_1509:17 = scf.for %parallel_loop3A_1525 = %parallel_loop3A_1506 to %parallel_loop3A_1507 step %parallel_loop3A_1508 iter_args(%parallel_loop3A_1526 = %scan3A_1477, %parallel_loop3A_1527 = %scan3A_1478, %parallel_loop3A_1528 = %scan3A_1479, %parallel_loop3A_1529 = %scan3A_1480, %parallel_loop3A_1530 = %scan3A_1481, %parallel_loop3A_1531 = %scan3A_1482, %parallel_loop3A_1532 = %scan3A_1483, %parallel_loop3A_1533 = %scan3A_1484, %parallel_loop3A_1534 = %scan3A_1485, %parallel_loop3A_1535 = %scan3A_1486, %parallel_loop3A_1536 = %scan3A_1487, %parallel_loop3A_1537 = %scan3A_1488, %parallel_loop3A_1538 = %scan3A_1489, %parallel_loop3A_1539 = %scan3A_1490, %parallel_loop3A_1540 = %scan3A_1491, %parallel_loop3A_1541 = %scan3A_1492, %parallel_loop3A_1542 = %scan3A_1493) -> (vector<16xf32>, vector<16xf32>, vector<16xf32>, vector<16xf32>, vector<16xf32>, vector<16xf32>, vector<16xf32>, vector<16xf32>, vector<16xf32>, vector<16xf32>, vector<16xf32>, vector<16xf32>, vector<16xf32>, vector<16xf32>, vector<16xf32>, vector<16xf32>, vector<16xi32>)  : i32 {
        %parallel_loop3A_1543 = arith.constant 0 : i32
        %parallel_loop3A_1544 = arith.index_cast %parallel_loop3A_1543 : i32 to index
        %parallel_loop3A_1545 = arith.index_cast %parallel_loop3A_1525 : i32 to index
        %parallel_loop3A_1546 = tpu.vector_load %arg5[%parallel_loop3A_1544, %parallel_loop3A_1545] {strides = array<i32>} : memref<8x4096xf32, #tpu.memory_space<vmem>>, vector<1x16xf32>,
        %parallel_loop3A_1547 = vector.shape_cast %parallel_loop3A_1546 : vector<1x16xf32> to vector<16xf32>
        %parallel_loop3A_1548 = arith.constant 1 : i32
        %parallel_loop3A_1549 = arith.index_cast %parallel_loop3A_1548 : i32 to index
        %parallel_loop3A_1550 = arith.index_cast %parallel_loop3A_1525 : i32 to index
        %parallel_loop3A_1551 = tpu.vector_load %arg5[%parallel_loop3A_1549, %parallel_loop3A_1550] {strides = array<i32>} : memref<8x4096xf32, #tpu.memory_space<vmem>>, vector<1x16xf32>,
        %parallel_loop3A_1552 = vector.shape_cast %parallel_loop3A_1551 : vector<1x16xf32> to vector<16xf32>
        %parallel_loop3A_1553 = arith.constant 2 : i32
        %parallel_loop3A_1554 = arith.index_cast %parallel_loop3A_1553 : i32 to index
        %parallel_loop3A_1555 = arith.index_cast %parallel_loop3A_1525 : i32 to index
        %parallel_loop3A_1556 = tpu.vector_load %arg5[%parallel_loop3A_1554, %parallel_loop3A_1555] {strides = array<i32>} : memref<8x4096xf32, #tpu.memory_space<vmem>>, vector<1x16xf32>,
        %parallel_loop3A_1557 = vector.shape_cast %parallel_loop3A_1556 : vector<1x16xf32> to vector<16xf32>
        %parallel_loop3A_1558 = arith.constant 3 : i32
        %parallel_loop3A_1559 = arith.index_cast %parallel_loop3A_1558 : i32 to index
        %parallel_loop3A_1560 = arith.index_cast %parallel_loop3A_1525 : i32 to index
        %parallel_loop3A_1561 = tpu.vector_load %arg5[%parallel_loop3A_1559, %parallel_loop3A_1560] {strides = array<i32>} : memref<8x4096xf32, #tpu.memory_space<vmem>>, vector<1x16xf32>,
        %parallel_loop3A_1562 = vector.shape_cast %parallel_loop3A_1561 : vector<1x16xf32> to vector<16xf32>
        %parallel_loop3A_1563 = arith.constant 4 : i32
        %parallel_loop3A_1564 = arith.index_cast %parallel_loop3A_1563 : i32 to index
        %parallel_loop3A_1565 = arith.index_cast %parallel_loop3A_1525 : i32 to index
        %parallel_loop3A_1566 = tpu.vector_load %arg5[%parallel_loop3A_1564, %parallel_loop3A_1565] {strides = array<i32>} : memref<8x4096xf32, #tpu.memory_space<vmem>>, vector<1x16xf32>,
        %parallel_loop3A_1567 = vector.shape_cast %parallel_loop3A_1566 : vector<1x16xf32> to vector<16xf32>
        %parallel_loop3A_1568 = arith.constant 5 : i32
        %parallel_loop3A_1569 = arith.index_cast %parallel_loop3A_1568 : i32 to index
        %parallel_loop3A_1570 = arith.index_cast %parallel_loop3A_1525 : i32 to index
        %parallel_loop3A_1571 = tpu.vector_load %arg5[%parallel_loop3A_1569, %parallel_loop3A_1570] {strides = array<i32>} : memref<8x4096xf32, #tpu.memory_space<vmem>>, vector<1x16xf32>,
        %parallel_loop3A_1572 = vector.shape_cast %parallel_loop3A_1571 : vector<1x16xf32> to vector<16xf32>
        %parallel_loop3A_1573 = arith.constant 6 : i32
        %parallel_loop3A_1574 = arith.index_cast %parallel_loop3A_1573 : i32 to index
        %parallel_loop3A_1575 = arith.index_cast %parallel_loop3A_1525 : i32 to index
        %parallel_loop3A_1576 = tpu.vector_load %arg5[%parallel_loop3A_1574, %parallel_loop3A_1575] {strides = array<i32>} : memref<8x4096xf32, #tpu.memory_space<vmem>>, vector<1x16xf32>,
        %parallel_loop3A_1577 = vector.shape_cast %parallel_loop3A_1576 : vector<1x16xf32> to vector<16xf32>
        %parallel_loop3A_1578 = arith.constant 7 : i32
        %parallel_loop3A_1579 = arith.index_cast %parallel_loop3A_1578 : i32 to index
        %parallel_loop3A_1580 = arith.index_cast %parallel_loop3A_1525 : i32 to index
        %parallel_loop3A_1581 = tpu.vector_load %arg5[%parallel_loop3A_1579, %parallel_loop3A_1580] {strides = array<i32>} : memref<8x4096xf32, #tpu.memory_space<vmem>>, vector<1x16xf32>,
        %parallel_loop3A_1582 = vector.shape_cast %parallel_loop3A_1581 : vector<1x16xf32> to vector<16xf32>
        %parallel_loop3A_1583 = math.exp %parallel_loop3A_1547 : vector<16xf32>
        %parallel_loop3A_1584 = arith.addf %parallel_loop3A_1526, %parallel_loop3A_1583 : vector<16xf32>
        %parallel_loop3A_1585 = math.exp %parallel_loop3A_1552 : vector<16xf32>
        %parallel_loop3A_1586 = arith.addf %parallel_loop3A_1527, %parallel_loop3A_1585 : vector<16xf32>
        %parallel_loop3A_1587 = math.exp %parallel_loop3A_1557 : vector<16xf32>
        %parallel_loop3A_1588 = arith.addf %parallel_loop3A_1528, %parallel_loop3A_1587 : vector<16xf32>
        %parallel_loop3A_1589 = math.exp %parallel_loop3A_1562 : vector<16xf32>
        %parallel_loop3A_1590 = arith.addf %parallel_loop3A_1529, %parallel_loop3A_1589 : vector<16xf32>
        %parallel_loop3A_1591 = math.exp %parallel_loop3A_1567 : vector<16xf32>
        %parallel_loop3A_1592 = arith.addf %parallel_loop3A_1530, %parallel_loop3A_1591 : vector<16xf32>
        %parallel_loop3A_1593 = math.exp %parallel_loop3A_1572 : vector<16xf32>
        %parallel_loop3A_1594 = arith.addf %parallel_loop3A_1531, %parallel_loop3A_1593 : vector<16xf32>
        %parallel_loop3A_1595 = math.exp %parallel_loop3A_1577 : vector<16xf32>
        %parallel_loop3A_1596 = arith.addf %parallel_loop3A_1532, %parallel_loop3A_1595 : vector<16xf32>
        %parallel_loop3A_1597 = math.exp %parallel_loop3A_1582 : vector<16xf32>
        %parallel_loop3A_1598 = arith.addf %parallel_loop3A_1533, %parallel_loop3A_1597 : vector<16xf32>
        %parallel_loop3A_1599 = arith.cmpi eq, %parallel_loop3A_1542, %gather3A_8 : vector<16xi32>
        %parallel_loop3A_1600 = arith.constant 0.000000e+00 : f32
        %parallel_loop3A_1601 = vector.broadcast %parallel_loop3A_1600 : f32 to vector<16xf32>
        %parallel_loop3A_1602 = arith.select %parallel_loop3A_1599, %parallel_loop3A_1547, %parallel_loop3A_1601 : vector<16xi1>, vector<16xf32>
        %parallel_loop3A_1603 = arith.addf %parallel_loop3A_1534, %parallel_loop3A_1602 : vector<16xf32>
        %parallel_loop3A_1604 = arith.cmpi eq, %parallel_loop3A_1542, %gather3A_12 : vector<16xi32>
        %parallel_loop3A_1605 = arith.constant 0.000000e+00 : f32
        %parallel_loop3A_1606 = vector.broadcast %parallel_loop3A_1605 : f32 to vector<16xf32>
        %parallel_loop3A_1607 = arith.select %parallel_loop3A_1604, %parallel_loop3A_1552, %parallel_loop3A_1606 : vector<16xi1>, vector<16xf32>
        %parallel_loop3A_1608 = arith.addf %parallel_loop3A_1535, %parallel_loop3A_1607 : vector<16xf32>
        %parallel_loop3A_1609 = arith.cmpi eq, %parallel_loop3A_1542, %gather3A_16 : vector<16xi32>
        %parallel_loop3A_1610 = arith.constant 0.000000e+00 : f32
        %parallel_loop3A_1611 = vector.broadcast %parallel_loop3A_1610 : f32 to vector<16xf32>
        %parallel_loop3A_1612 = arith.select %parallel_loop3A_1609, %parallel_loop3A_1557, %parallel_loop3A_1611 : vector<16xi1>, vector<16xf32>
        %parallel_loop3A_1613 = arith.addf %parallel_loop3A_1536, %parallel_loop3A_1612 : vector<16xf32>
        %parallel_loop3A_1614 = arith.cmpi eq, %parallel_loop3A_1542, %gather3A_20 : vector<16xi32>
        %parallel_loop3A_1615 = arith.constant 0.000000e+00 : f32
        %parallel_loop3A_1616 = vector.broadcast %parallel_loop3A_1615 : f32 to vector<16xf32>
        %parallel_loop3A_1617 = arith.select %parallel_loop3A_1614, %parallel_loop3A_1562, %parallel_loop3A_1616 : vector<16xi1>, vector<16xf32>
        %parallel_loop3A_1618 = arith.addf %parallel_loop3A_1537, %parallel_loop3A_1617 : vector<16xf32>
        %parallel_loop3A_1619 = arith.cmpi eq, %parallel_loop3A_1542, %gather3A_24 : vector<16xi32>
        %parallel_loop3A_1620 = arith.constant 0.000000e+00 : f32
        %parallel_loop3A_1621 = vector.broadcast %parallel_loop3A_1620 : f32 to vector<16xf32>
        %parallel_loop3A_1622 = arith.select %parallel_loop3A_1619, %parallel_loop3A_1567, %parallel_loop3A_1621 : vector<16xi1>, vector<16xf32>
        %parallel_loop3A_1623 = arith.addf %parallel_loop3A_1538, %parallel_loop3A_1622 : vector<16xf32>
        %parallel_loop3A_1624 = arith.cmpi eq, %parallel_loop3A_1542, %gather3A_28 : vector<16xi32>
        %parallel_loop3A_1625 = arith.constant 0.000000e+00 : f32
        %parallel_loop3A_1626 = vector.broadcast %parallel_loop3A_1625 : f32 to vector<16xf32>
        %parallel_loop3A_1627 = arith.select %parallel_loop3A_1624, %parallel_loop3A_1572, %parallel_loop3A_1626 : vector<16xi1>, vector<16xf32>
        %parallel_loop3A_1628 = arith.addf %parallel_loop3A_1539, %parallel_loop3A_1627 : vector<16xf32>
        %parallel_loop3A_1629 = arith.cmpi eq, %parallel_loop3A_1542, %gather3A_32 : vector<16xi32>
        %parallel_loop3A_1630 = arith.constant 0.000000e+00 : f32
        %parallel_loop3A_1631 = vector.broadcast %parallel_loop3A_1630 : f32 to vector<16xf32>
        %parallel_loop3A_1632 = arith.select %parallel_loop3A_1629, %parallel_loop3A_1577, %parallel_loop3A_1631 : vector<16xi1>, vector<16xf32>
        %parallel_loop3A_1633 = arith.addf %parallel_loop3A_1540, %parallel_loop3A_1632 : vector<16xf32>
        %parallel_loop3A_1634 = arith.cmpi eq, %parallel_loop3A_1542, %gather3A_36 : vector<16xi32>
        %parallel_loop3A_1635 = arith.constant 0.000000e+00 : f32
        %parallel_loop3A_1636 = vector.broadcast %parallel_loop3A_1635 : f32 to vector<16xf32>
        %parallel_loop3A_1637 = arith.select %parallel_loop3A_1634, %parallel_loop3A_1582, %parallel_loop3A_1636 : vector<16xi1>, vector<16xf32>
        %parallel_loop3A_1638 = arith.addf %parallel_loop3A_1541, %parallel_loop3A_1637 : vector<16xf32>
        %parallel_loop3A_1639 = arith.constant 16 : i32
        %parallel_loop3A_1640 = vector.broadcast %parallel_loop3A_1639 : i32 to vector<16xi32>
        %parallel_loop3A_1641 = arith.addi %parallel_loop3A_1542, %parallel_loop3A_1640 : vector<16xi32>
        scf.yield %parallel_loop3A_1584, %parallel_loop3A_1586, %parallel_loop3A_1588, %parallel_loop3A_1590, %parallel_loop3A_1592, %parallel_loop3A_1594, %parallel_loop3A_1596, %parallel_loop3A_1598, %parallel_loop3A_1603, %parallel_loop3A_1608, %parallel_loop3A_1613, %parallel_loop3A_1618, %parallel_loop3A_1623, %parallel_loop3A_1628, %parallel_loop3A_1633, %parallel_loop3A_1638, %parallel_loop3A_1641 : vector<16xf32>, vector<16xf32>, vector<16xf32>, vector<16xf32>, vector<16xf32>, vector<16xf32>, vector<16xf32>, vector<16xf32>, vector<16xf32>, vector<16xf32>, vector<16xf32>, vector<16xf32>, vector<16xf32>, vector<16xf32>, vector<16xf32>, vector<16xf32>, vector<16xi32>
      } {sc.loop_unroll_factor = 4 : i64, sc.parallel_access}
      %add3A_1510 = arith.constant 2 : i32
      %add3A_1511 = arith.addi %mul3A_1495, %add3A_1510 : i32
      %min3A = arith.constant 23 : i32
      %min3A_1512 = arith.minsi %add3A_1511, %min3A : i32
      %mul3A_1513 = arith.constant 4096 : i32
      %mul3A_1514 = arith.muli %min3A_1512, %mul3A_1513 : i32
      %dma_start3A_1515 = tpu.memref_slice %arg2[%add3A_4, %mul3A_1514] : memref<1024x100000xf32, #tpu.memory_space<hbm>> -> memref<8x4096xf32, #tpu.memory_space<hbm>>
      %dma_start3A_1516 = tpu.memref_slice %arg2[%add3A_4, %mul3A_1514] : memref<1024x100000xf32, #tpu.memory_space<hbm>> -> memref<8x4096xf32, #tpu.memory_space<hbm>>
      tpu.enqueue_dma source(%dma_start3A_1516 : memref<8x4096xf32, #tpu.memory_space<hbm>>) target(%arg5 : memref<8x4096xf32, #tpu.memory_space<vmem>>) target_semaphore(%arg10 : memref<!tpu.dma_semaphore, #tpu.memory_space<semaphore_mem>>)
      %dma_wait3A_1517 = arith.constant 0 : i32
      %dma_wait3A_1518 = tpu.memref_slice %arg2[%add3A_4, %dma_wait3A_1517] : memref<1024x100000xf32, #tpu.memory_space<hbm>> -> memref<8x4096xf32, #tpu.memory_space<hbm>>
      %dma_wait3A_1519 = arith.constant 0 : i32
      %dma_wait3A_1520 = tpu.memref_slice %arg2[%add3A_4, %dma_wait3A_1519] : memref<1024x100000xf32, #tpu.memory_space<hbm>> -> memref<8x4096xf32, #tpu.memory_space<hbm>>
      tpu.wait_dma2 semaphore(%arg11 : memref<!tpu.dma_semaphore, #tpu.memory_space<semaphore_mem>>) src(%dma_wait3A_1520 : memref<8x4096xf32, #tpu.memory_space<hbm>>) dst(%arg6 : memref<8x4096xf32, #tpu.memory_space<vmem>>)
      %parallel_loop3A_1521 = arith.constant 0 : i32
      %parallel_loop3A_1522 = arith.constant 4096 : i32
      %parallel_loop3A_1523 = arith.constant 16 : i32
      %parallel_loop3A_1524:17 = scf.for %parallel_loop3A_1525 = %parallel_loop3A_1521 to %parallel_loop3A_1522 step %parallel_loop3A_1523 iter_args(%parallel_loop3A_1526 = %parallel_loop3A_1509#0, %parallel_loop3A_1527 = %parallel_loop3A_1509#1, %parallel_loop3A_1528 = %parallel_loop3A_1509#2, %parallel_loop3A_1529 = %parallel_loop3A_1509#3, %parallel_loop3A_1530 = %parallel_loop3A_1509#4, %parallel_loop3A_1531 = %parallel_loop3A_1509#5, %parallel_loop3A_1532 = %parallel_loop3A_1509#6, %parallel_loop3A_1533 = %parallel_loop3A_1509#7, %parallel_loop3A_1534 = %parallel_loop3A_1509#8, %parallel_loop3A_1535 = %parallel_loop3A_1509#9, %parallel_loop3A_1536 = %parallel_loop3A_1509#10, %parallel_loop3A_1537 = %parallel_loop3A_1509#11, %parallel_loop3A_1538 = %parallel_loop3A_1509#12, %parallel_loop3A_1539 = %parallel_loop3A_1509#13, %parallel_loop3A_1540 = %parallel_loop3A_1509#14, %parallel_loop3A_1541 = %parallel_loop3A_1509#15, %parallel_loop3A_1542 = %parallel_loop3A_1509#16) -> (vector<16xf32>, vector<16xf32>, vector<16xf32>, vector<16xf32>, vector<16xf32>, vector<16xf32>, vector<16xf32>, vector<16xf32>, vector<16xf32>, vector<16xf32>, vector<16xf32>, vector<16xf32>, vector<16xf32>, vector<16xf32>, vector<16xf32>, vector<16xf32>, vector<16xi32>)  : i32 {
        %parallel_loop3A_1543 = arith.constant 0 : i32
        %parallel_loop3A_1544 = arith.index_cast %parallel_loop3A_1543 : i32 to index
        %parallel_loop3A_1545 = arith.index_cast %parallel_loop3A_1525 : i32 to index
        %parallel_loop3A_1546 = tpu.vector_load %arg6[%parallel_loop3A_1544, %parallel_loop3A_1545] {strides = array<i32>} : memref<8x4096xf32, #tpu.memory_space<vmem>>, vector<1x16xf32>,
        %parallel_loop3A_1547 = vector.shape_cast %parallel_loop3A_1546 : vector<1x16xf32> to vector<16xf32>
        %parallel_loop3A_1548 = arith.constant 1 : i32
        %parallel_loop3A_1549 = arith.index_cast %parallel_loop3A_1548 : i32 to index
        %parallel_loop3A_1550 = arith.index_cast %parallel_loop3A_1525 : i32 to index
        %parallel_loop3A_1551 = tpu.vector_load %arg6[%parallel_loop3A_1549, %parallel_loop3A_1550] {strides = array<i32>} : memref<8x4096xf32, #tpu.memory_space<vmem>>, vector<1x16xf32>,
        %parallel_loop3A_1552 = vector.shape_cast %parallel_loop3A_1551 : vector<1x16xf32> to vector<16xf32>
        %parallel_loop3A_1553 = arith.constant 2 : i32
        %parallel_loop3A_1554 = arith.index_cast %parallel_loop3A_1553 : i32 to index
        %parallel_loop3A_1555 = arith.index_cast %parallel_loop3A_1525 : i32 to index
        %parallel_loop3A_1556 = tpu.vector_load %arg6[%parallel_loop3A_1554, %parallel_loop3A_1555] {strides = array<i32>} : memref<8x4096xf32, #tpu.memory_space<vmem>>, vector<1x16xf32>,
        %parallel_loop3A_1557 = vector.shape_cast %parallel_loop3A_1556 : vector<1x16xf32> to vector<16xf32>
        %parallel_loop3A_1558 = arith.constant 3 : i32
        %parallel_loop3A_1559 = arith.index_cast %parallel_loop3A_1558 : i32 to index
        %parallel_loop3A_1560 = arith.index_cast %parallel_loop3A_1525 : i32 to index
        %parallel_loop3A_1561 = tpu.vector_load %arg6[%parallel_loop3A_1559, %parallel_loop3A_1560] {strides = array<i32>} : memref<8x4096xf32, #tpu.memory_space<vmem>>, vector<1x16xf32>,
        %parallel_loop3A_1562 = vector.shape_cast %parallel_loop3A_1561 : vector<1x16xf32> to vector<16xf32>
        %parallel_loop3A_1563 = arith.constant 4 : i32
        %parallel_loop3A_1564 = arith.index_cast %parallel_loop3A_1563 : i32 to index
        %parallel_loop3A_1565 = arith.index_cast %parallel_loop3A_1525 : i32 to index
        %parallel_loop3A_1566 = tpu.vector_load %arg6[%parallel_loop3A_1564, %parallel_loop3A_1565] {strides = array<i32>} : memref<8x4096xf32, #tpu.memory_space<vmem>>, vector<1x16xf32>,
        %parallel_loop3A_1567 = vector.shape_cast %parallel_loop3A_1566 : vector<1x16xf32> to vector<16xf32>
        %parallel_loop3A_1568 = arith.constant 5 : i32
        %parallel_loop3A_1569 = arith.index_cast %parallel_loop3A_1568 : i32 to index
        %parallel_loop3A_1570 = arith.index_cast %parallel_loop3A_1525 : i32 to index
        %parallel_loop3A_1571 = tpu.vector_load %arg6[%parallel_loop3A_1569, %parallel_loop3A_1570] {strides = array<i32>} : memref<8x4096xf32, #tpu.memory_space<vmem>>, vector<1x16xf32>,
        %parallel_loop3A_1572 = vector.shape_cast %parallel_loop3A_1571 : vector<1x16xf32> to vector<16xf32>
        %parallel_loop3A_1573 = arith.constant 6 : i32
        %parallel_loop3A_1574 = arith.index_cast %parallel_loop3A_1573 : i32 to index
        %parallel_loop3A_1575 = arith.index_cast %parallel_loop3A_1525 : i32 to index
        %parallel_loop3A_1576 = tpu.vector_load %arg6[%parallel_loop3A_1574, %parallel_loop3A_1575] {strides = array<i32>} : memref<8x4096xf32, #tpu.memory_space<vmem>>, vector<1x16xf32>,
        %parallel_loop3A_1577 = vector.shape_cast %parallel_loop3A_1576 : vector<1x16xf32> to vector<16xf32>
        %parallel_loop3A_1578 = arith.constant 7 : i32
        %parallel_loop3A_1579 = arith.index_cast %parallel_loop3A_1578 : i32 to index
        %parallel_loop3A_1580 = arith.index_cast %parallel_loop3A_1525 : i32 to index
        %parallel_loop3A_1581 = tpu.vector_load %arg6[%parallel_loop3A_1579, %parallel_loop3A_1580] {strides = array<i32>} : memref<8x4096xf32, #tpu.memory_space<vmem>>, vector<1x16xf32>,
        %parallel_loop3A_1582 = vector.shape_cast %parallel_loop3A_1581 : vector<1x16xf32> to vector<16xf32>
        %parallel_loop3A_1583 = math.exp %parallel_loop3A_1547 : vector<16xf32>
        %parallel_loop3A_1584 = arith.addf %parallel_loop3A_1526, %parallel_loop3A_1583 : vector<16xf32>
        %parallel_loop3A_1585 = math.exp %parallel_loop3A_1552 : vector<16xf32>
        %parallel_loop3A_1586 = arith.addf %parallel_loop3A_1527, %parallel_loop3A_1585 : vector<16xf32>
        %parallel_loop3A_1587 = math.exp %parallel_loop3A_1557 : vector<16xf32>
        %parallel_loop3A_1588 = arith.addf %parallel_loop3A_1528, %parallel_loop3A_1587 : vector<16xf32>
        %parallel_loop3A_1589 = math.exp %parallel_loop3A_1562 : vector<16xf32>
        %parallel_loop3A_1590 = arith.addf %parallel_loop3A_1529, %parallel_loop3A_1589 : vector<16xf32>
        %parallel_loop3A_1591 = math.exp %parallel_loop3A_1567 : vector<16xf32>
        %parallel_loop3A_1592 = arith.addf %parallel_loop3A_1530, %parallel_loop3A_1591 : vector<16xf32>
        %parallel_loop3A_1593 = math.exp %parallel_loop3A_1572 : vector<16xf32>
        %parallel_loop3A_1594 = arith.addf %parallel_loop3A_1531, %parallel_loop3A_1593 : vector<16xf32>
        %parallel_loop3A_1595 = math.exp %parallel_loop3A_1577 : vector<16xf32>
        %parallel_loop3A_1596 = arith.addf %parallel_loop3A_1532, %parallel_loop3A_1595 : vector<16xf32>
        %parallel_loop3A_1597 = math.exp %parallel_loop3A_1582 : vector<16xf32>
        %parallel_loop3A_1598 = arith.addf %parallel_loop3A_1533, %parallel_loop3A_1597 : vector<16xf32>
        %parallel_loop3A_1599 = arith.cmpi eq, %parallel_loop3A_1542, %gather3A_8 : vector<16xi32>
        %parallel_loop3A_1600 = arith.constant 0.000000e+00 : f32
        %parallel_loop3A_1601 = vector.broadcast %parallel_loop3A_1600 : f32 to vector<16xf32>
        %parallel_loop3A_1602 = arith.select %parallel_loop3A_1599, %parallel_loop3A_1547, %parallel_loop3A_1601 : vector<16xi1>, vector<16xf32>
        %parallel_loop3A_1603 = arith.addf %parallel_loop3A_1534, %parallel_loop3A_1602 : vector<16xf32>
        %parallel_loop3A_1604 = arith.cmpi eq, %parallel_loop3A_1542, %gather3A_12 : vector<16xi32>
        %parallel_loop3A_1605 = arith.constant 0.000000e+00 : f32
        %parallel_loop3A_1606 = vector.broadcast %parallel_loop3A_1605 : f32 to vector<16xf32>
        %parallel_loop3A_1607 = arith.select %parallel_loop3A_1604, %parallel_loop3A_1552, %parallel_loop3A_1606 : vector<16xi1>, vector<16xf32>
        %parallel_loop3A_1608 = arith.addf %parallel_loop3A_1535, %parallel_loop3A_1607 : vector<16xf32>
        %parallel_loop3A_1609 = arith.cmpi eq, %parallel_loop3A_1542, %gather3A_16 : vector<16xi32>
        %parallel_loop3A_1610 = arith.constant 0.000000e+00 : f32
        %parallel_loop3A_1611 = vector.broadcast %parallel_loop3A_1610 : f32 to vector<16xf32>
        %parallel_loop3A_1612 = arith.select %parallel_loop3A_1609, %parallel_loop3A_1557, %parallel_loop3A_1611 : vector<16xi1>, vector<16xf32>
        %parallel_loop3A_1613 = arith.addf %parallel_loop3A_1536, %parallel_loop3A_1612 : vector<16xf32>
        %parallel_loop3A_1614 = arith.cmpi eq, %parallel_loop3A_1542, %gather3A_20 : vector<16xi32>
        %parallel_loop3A_1615 = arith.constant 0.000000e+00 : f32
        %parallel_loop3A_1616 = vector.broadcast %parallel_loop3A_1615 : f32 to vector<16xf32>
        %parallel_loop3A_1617 = arith.select %parallel_loop3A_1614, %parallel_loop3A_1562, %parallel_loop3A_1616 : vector<16xi1>, vector<16xf32>
        %parallel_loop3A_1618 = arith.addf %parallel_loop3A_1537, %parallel_loop3A_1617 : vector<16xf32>
        %parallel_loop3A_1619 = arith.cmpi eq, %parallel_loop3A_1542, %gather3A_24 : vector<16xi32>
        %parallel_loop3A_1620 = arith.constant 0.000000e+00 : f32
        %parallel_loop3A_1621 = vector.broadcast %parallel_loop3A_1620 : f32 to vector<16xf32>
        %parallel_loop3A_1622 = arith.select %parallel_loop3A_1619, %parallel_loop3A_1567, %parallel_loop3A_1621 : vector<16xi1>, vector<16xf32>
        %parallel_loop3A_1623 = arith.addf %parallel_loop3A_1538, %parallel_loop3A_1622 : vector<16xf32>
        %parallel_loop3A_1624 = arith.cmpi eq, %parallel_loop3A_1542, %gather3A_28 : vector<16xi32>
        %parallel_loop3A_1625 = arith.constant 0.000000e+00 : f32
        %parallel_loop3A_1626 = vector.broadcast %parallel_loop3A_1625 : f32 to vector<16xf32>
        %parallel_loop3A_1627 = arith.select %parallel_loop3A_1624, %parallel_loop3A_1572, %parallel_loop3A_1626 : vector<16xi1>, vector<16xf32>
        %parallel_loop3A_1628 = arith.addf %parallel_loop3A_1539, %parallel_loop3A_1627 : vector<16xf32>
        %parallel_loop3A_1629 = arith.cmpi eq, %parallel_loop3A_1542, %gather3A_32 : vector<16xi32>
        %parallel_loop3A_1630 = arith.constant 0.000000e+00 : f32
        %parallel_loop3A_1631 = vector.broadcast %parallel_loop3A_1630 : f32 to vector<16xf32>
        %parallel_loop3A_1632 = arith.select %parallel_loop3A_1629, %parallel_loop3A_1577, %parallel_loop3A_1631 : vector<16xi1>, vector<16xf32>
        %parallel_loop3A_1633 = arith.addf %parallel_loop3A_1540, %parallel_loop3A_1632 : vector<16xf32>
        %parallel_loop3A_1634 = arith.cmpi eq, %parallel_loop3A_1542, %gather3A_36 : vector<16xi32>
        %parallel_loop3A_1635 = arith.constant 0.000000e+00 : f32
        %parallel_loop3A_1636 = vector.broadcast %parallel_loop3A_1635 : f32 to vector<16xf32>
        %parallel_loop3A_1637 = arith.select %parallel_loop3A_1634, %parallel_loop3A_1582, %parallel_loop3A_1636 : vector<16xi1>, vector<16xf32>
        %parallel_loop3A_1638 = arith.addf %parallel_loop3A_1541, %parallel_loop3A_1637 : vector<16xf32>
        %parallel_loop3A_1639 = arith.constant 16 : i32
        %parallel_loop3A_1640 = vector.broadcast %parallel_loop3A_1639 : i32 to vector<16xi32>
        %parallel_loop3A_1641 = arith.addi %parallel_loop3A_1542, %parallel_loop3A_1640 : vector<16xi32>
        scf.yield %parallel_loop3A_1584, %parallel_loop3A_1586, %parallel_loop3A_1588, %parallel_loop3A_1590, %parallel_loop3A_1592, %parallel_loop3A_1594, %parallel_loop3A_1596, %parallel_loop3A_1598, %parallel_loop3A_1603, %parallel_loop3A_1608, %parallel_loop3A_1613, %parallel_loop3A_1618, %parallel_loop3A_1623, %parallel_loop3A_1628, %parallel_loop3A_1633, %parallel_loop3A_1638, %parallel_loop3A_1641 : vector<16xf32>, vector<16xf32>, vector<16xf32>, vector<16xf32>, vector<16xf32>, vector<16xf32>, vector<16xf32>, vector<16xf32>, vector<16xf32>, vector<16xf32>, vector<16xf32>, vector<16xf32>, vector<16xf32>, vector<16xf32>, vector<16xf32>, vector<16xf32>, vector<16xi32>
      } {sc.loop_unroll_factor = 4 : i64, sc.parallel_access}
      scf.yield %parallel_loop3A_1524#0, %parallel_loop3A_1524#1, %parallel_loop3A_1524#2, %parallel_loop3A_1524#3, %parallel_loop3A_1524#4, %parallel_loop3A_1524#5, %parallel_loop3A_1524#6, %parallel_loop3A_1524#7, %parallel_loop3A_1524#8, %parallel_loop3A_1524#9, %parallel_loop3A_1524#10, %parallel_loop3A_1524#11, %parallel_loop3A_1524#12, %parallel_loop3A_1524#13, %parallel_loop3A_1524#14, %parallel_loop3A_1524#15, %parallel_loop3A_1524#16 : vector<16xf32>, vector<16xf32>, vector<16xf32>, vector<16xf32>, vector<16xf32>, vector<16xf32>, vector<16xf32>, vector<16xf32>, vector<16xf32>, vector<16xf32>, vector<16xf32>, vector<16xf32>, vector<16xf32>, vector<16xf32>, vector<16xf32>, vector<16xf32>, vector<16xi32>
    }
    %scan3A_76 = arith.constant 12 : i32
    %dma_wait3A = arith.constant 0 : i32
    %dma_wait3A_77 = tpu.memref_slice %arg2[%add3A_4, %dma_wait3A] : memref<1024x100000xf32, #tpu.memory_space<hbm>> -> memref<8x4096xf32, #tpu.memory_space<hbm>>
    %dma_wait3A_78 = arith.constant 0 : i32
    %dma_wait3A_79 = tpu.memref_slice %arg2[%add3A_4, %dma_wait3A_78] : memref<1024x100000xf32, #tpu.memory_space<hbm>> -> memref<8x4096xf32, #tpu.memory_space<hbm>>
    tpu.wait_dma2 semaphore(%arg10 : memref<!tpu.dma_semaphore, #tpu.memory_space<semaphore_mem>>) src(%dma_wait3A_79 : memref<8x4096xf32, #tpu.memory_space<hbm>>) dst(%arg5 : memref<8x4096xf32, #tpu.memory_space<vmem>>)
    "tpu.region"() ({
      %run_scoped3A = tpu.sem_alloc : memref<!tpu.dma_semaphore, #tpu.memory_space<semaphore_mem>>
      %dma_start3A_1476 = arith.constant 98304 : i32
      %dma_start3A_1477 = tpu.memref_slice %arg2[%add3A_4, %dma_start3A_1476] : memref<1024x100000xf32, #tpu.memory_space<hbm>> -> memref<8x1696xf32, #tpu.memory_space<hbm>>
      %dma_start3A_1478 = arith.constant 98304 : i32
      %dma_start3A_1479 = tpu.memref_slice %arg2[%add3A_4, %dma_start3A_1478] : memref<1024x100000xf32, #tpu.memory_space<hbm>> -> memref<8x1696xf32, #tpu.memory_space<hbm>>
      tpu.enqueue_dma source(%dma_start3A_1479 : memref<8x1696xf32, #tpu.memory_space<hbm>>) target(%arg7 : memref<8x1696xf32, #tpu.memory_space<vmem>>) target_semaphore(%run_scoped3A : memref<!tpu.dma_semaphore, #tpu.memory_space<semaphore_mem>>)
      %dma_wait3A_1480 = arith.constant 98304 : i32
      %dma_wait3A_1481 = tpu.memref_slice %arg2[%add3A_4, %dma_wait3A_1480] : memref<1024x100000xf32, #tpu.memory_space<hbm>> -> memref<8x1696xf32, #tpu.memory_space<hbm>>
      %dma_wait3A_1482 = arith.constant 98304 : i32
      %dma_wait3A_1483 = tpu.memref_slice %arg2[%add3A_4, %dma_wait3A_1482] : memref<1024x100000xf32, #tpu.memory_space<hbm>> -> memref<8x1696xf32, #tpu.memory_space<hbm>>
      tpu.wait_dma2 semaphore(%run_scoped3A : memref<!tpu.dma_semaphore, #tpu.memory_space<semaphore_mem>>) src(%dma_wait3A_1483 : memref<8x1696xf32, #tpu.memory_space<hbm>>) dst(%arg7 : memref<8x1696xf32, #tpu.memory_space<vmem>>)
      tpu.yield
    }) : () -> ()
    %parallel_loop3A = arith.constant 0 : i32
    %parallel_loop3A_80 = arith.constant 1696 : i32
    %parallel_loop3A_81 = arith.constant 16 : i32
    %parallel_loop3A_82:17 = scf.for %parallel_loop3A_1476 = %parallel_loop3A to %parallel_loop3A_80 step %parallel_loop3A_81 iter_args(%parallel_loop3A_1477 = %scan3A_75#0, %parallel_loop3A_1478 = %scan3A_75#1, %parallel_loop3A_1479 = %scan3A_75#2, %parallel_loop3A_1480 = %scan3A_75#3, %parallel_loop3A_1481 = %scan3A_75#4, %parallel_loop3A_1482 = %scan3A_75#5, %parallel_loop3A_1483 = %scan3A_75#6, %parallel_loop3A_1484 = %scan3A_75#7, %parallel_loop3A_1485 = %scan3A_75#8, %parallel_loop3A_1486 = %scan3A_75#9, %parallel_loop3A_1487 = %scan3A_75#10, %parallel_loop3A_1488 = %scan3A_75#11, %parallel_loop3A_1489 = %scan3A_75#12, %parallel_loop3A_1490 = %scan3A_75#13, %parallel_loop3A_1491 = %scan3A_75#14, %parallel_loop3A_1492 = %scan3A_75#15, %parallel_loop3A_1493 = %scan3A_75#16) -> (vector<16xf32>, vector<16xf32>, vector<16xf32>, vector<16xf32>, vector<16xf32>, vector<16xf32>, vector<16xf32>, vector<16xf32>, vector<16xf32>, vector<16xf32>, vector<16xf32>, vector<16xf32>, vector<16xf32>, vector<16xf32>, vector<16xf32>, vector<16xf32>, vector<16xi32>)  : i32 {
      %parallel_loop3A_1494 = arith.constant 0 : i32
      %parallel_loop3A_1495 = arith.index_cast %parallel_loop3A_1494 : i32 to index
      %parallel_loop3A_1496 = arith.index_cast %parallel_loop3A_1476 : i32 to index
      %parallel_loop3A_1497 = tpu.vector_load %arg7[%parallel_loop3A_1495, %parallel_loop3A_1496] {strides = array<i32>} : memref<8x1696xf32, #tpu.memory_space<vmem>>, vector<1x16xf32>,
      %parallel_loop3A_1498 = vector.shape_cast %parallel_loop3A_1497 : vector<1x16xf32> to vector<16xf32>
      %parallel_loop3A_1499 = arith.constant 1 : i32
      %parallel_loop3A_1500 = arith.index_cast %parallel_loop3A_1499 : i32 to index
      %parallel_loop3A_1501 = arith.index_cast %parallel_loop3A_1476 : i32 to index
      %parallel_loop3A_1502 = tpu.vector_load %arg7[%parallel_loop3A_1500, %parallel_loop3A_1501] {strides = array<i32>} : memref<8x1696xf32, #tpu.memory_space<vmem>>, vector<1x16xf32>,
      %parallel_loop3A_1503 = vector.shape_cast %parallel_loop3A_1502 : vector<1x16xf32> to vector<16xf32>
      %parallel_loop3A_1504 = arith.constant 2 : i32
      %parallel_loop3A_1505 = arith.index_cast %parallel_loop3A_1504 : i32 to index
      %parallel_loop3A_1506 = arith.index_cast %parallel_loop3A_1476 : i32 to index
      %parallel_loop3A_1507 = tpu.vector_load %arg7[%parallel_loop3A_1505, %parallel_loop3A_1506] {strides = array<i32>} : memref<8x1696xf32, #tpu.memory_space<vmem>>, vector<1x16xf32>,
      %parallel_loop3A_1508 = vector.shape_cast %parallel_loop3A_1507 : vector<1x16xf32> to vector<16xf32>
      %parallel_loop3A_1509 = arith.constant 3 : i32
      %parallel_loop3A_1510 = arith.index_cast %parallel_loop3A_1509 : i32 to index
      %parallel_loop3A_1511 = arith.index_cast %parallel_loop3A_1476 : i32 to index
      %parallel_loop3A_1512 = tpu.vector_load %arg7[%parallel_loop3A_1510, %parallel_loop3A_1511] {strides = array<i32>} : memref<8x1696xf32, #tpu.memory_space<vmem>>, vector<1x16xf32>,
      %parallel_loop3A_1513 = vector.shape_cast %parallel_loop3A_1512 : vector<1x16xf32> to vector<16xf32>
      %parallel_loop3A_1514 = arith.constant 4 : i32
      %parallel_loop3A_1515 = arith.index_cast %parallel_loop3A_1514 : i32 to index
      %parallel_loop3A_1516 = arith.index_cast %parallel_loop3A_1476 : i32 to index
      %parallel_loop3A_1517 = tpu.vector_load %arg7[%parallel_loop3A_1515, %parallel_loop3A_1516] {strides = array<i32>} : memref<8x1696xf32, #tpu.memory_space<vmem>>, vector<1x16xf32>,
      %parallel_loop3A_1518 = vector.shape_cast %parallel_loop3A_1517 : vector<1x16xf32> to vector<16xf32>
      %parallel_loop3A_1519 = arith.constant 5 : i32
      %parallel_loop3A_1520 = arith.index_cast %parallel_loop3A_1519 : i32 to index
      %parallel_loop3A_1521 = arith.index_cast %parallel_loop3A_1476 : i32 to index
      %parallel_loop3A_1522 = tpu.vector_load %arg7[%parallel_loop3A_1520, %parallel_loop3A_1521] {strides = array<i32>} : memref<8x1696xf32, #tpu.memory_space<vmem>>, vector<1x16xf32>,
      %parallel_loop3A_1523 = vector.shape_cast %parallel_loop3A_1522 : vector<1x16xf32> to vector<16xf32>
      %parallel_loop3A_1524 = arith.constant 6 : i32
      %parallel_loop3A_1525 = arith.index_cast %parallel_loop3A_1524 : i32 to index
      %parallel_loop3A_1526 = arith.index_cast %parallel_loop3A_1476 : i32 to index
      %parallel_loop3A_1527 = tpu.vector_load %arg7[%parallel_loop3A_1525, %parallel_loop3A_1526] {strides = array<i32>} : memref<8x1696xf32, #tpu.memory_space<vmem>>, vector<1x16xf32>,
      %parallel_loop3A_1528 = vector.shape_cast %parallel_loop3A_1527 : vector<1x16xf32> to vector<16xf32>
      %parallel_loop3A_1529 = arith.constant 7 : i32
      %parallel_loop3A_1530 = arith.index_cast %parallel_loop3A_1529 : i32 to index
      %parallel_loop3A_1531 = arith.index_cast %parallel_loop3A_1476 : i32 to index
      %parallel_loop3A_1532 = tpu.vector_load %arg7[%parallel_loop3A_1530, %parallel_loop3A_1531] {strides = array<i32>} : memref<8x1696xf32, #tpu.memory_space<vmem>>, vector<1x16xf32>,
      %parallel_loop3A_1533 = vector.shape_cast %parallel_loop3A_1532 : vector<1x16xf32> to vector<16xf32>
      %parallel_loop3A_1534 = math.exp %parallel_loop3A_1498 : vector<16xf32>
      %parallel_loop3A_1535 = arith.addf %parallel_loop3A_1477, %parallel_loop3A_1534 : vector<16xf32>
      %parallel_loop3A_1536 = math.exp %parallel_loop3A_1503 : vector<16xf32>
      %parallel_loop3A_1537 = arith.addf %parallel_loop3A_1478, %parallel_loop3A_1536 : vector<16xf32>
      %parallel_loop3A_1538 = math.exp %parallel_loop3A_1508 : vector<16xf32>
      %parallel_loop3A_1539 = arith.addf %parallel_loop3A_1479, %parallel_loop3A_1538 : vector<16xf32>
      %parallel_loop3A_1540 = math.exp %parallel_loop3A_1513 : vector<16xf32>
      %parallel_loop3A_1541 = arith.addf %parallel_loop3A_1480, %parallel_loop3A_1540 : vector<16xf32>
      %parallel_loop3A_1542 = math.exp %parallel_loop3A_1518 : vector<16xf32>
      %parallel_loop3A_1543 = arith.addf %parallel_loop3A_1481, %parallel_loop3A_1542 : vector<16xf32>
      %parallel_loop3A_1544 = math.exp %parallel_loop3A_1523 : vector<16xf32>
      %parallel_loop3A_1545 = arith.addf %parallel_loop3A_1482, %parallel_loop3A_1544 : vector<16xf32>
      %parallel_loop3A_1546 = math.exp %parallel_loop3A_1528 : vector<16xf32>
      %parallel_loop3A_1547 = arith.addf %parallel_loop3A_1483, %parallel_loop3A_1546 : vector<16xf32>
      %parallel_loop3A_1548 = math.exp %parallel_loop3A_1533 : vector<16xf32>
      %parallel_loop3A_1549 = arith.addf %parallel_loop3A_1484, %parallel_loop3A_1548 : vector<16xf32>
      %parallel_loop3A_1550 = arith.cmpi eq, %parallel_loop3A_1493, %gather3A_8 : vector<16xi32>
      %parallel_loop3A_1551 = arith.constant 0.000000e+00 : f32
      %parallel_loop3A_1552 = vector.broadcast %parallel_loop3A_1551 : f32 to vector<16xf32>
      %parallel_loop3A_1553 = arith.select %parallel_loop3A_1550, %parallel_loop3A_1498, %parallel_loop3A_1552 : vector<16xi1>, vector<16xf32>
      %parallel_loop3A_1554 = arith.addf %parallel_loop3A_1485, %parallel_loop3A_1553 : vector<16xf32>
      %parallel_loop3A_1555 = arith.cmpi eq, %parallel_loop3A_1493, %gather3A_12 : vector<16xi32>
      %parallel_loop3A_1556 = arith.constant 0.000000e+00 : f32
      %parallel_loop3A_1557 = vector.broadcast %parallel_loop3A_1556 : f32 to vector<16xf32>
      %parallel_loop3A_1558 = arith.select %parallel_loop3A_1555, %parallel_loop3A_1503, %parallel_loop3A_1557 : vector<16xi1>, vector<16xf32>
      %parallel_loop3A_1559 = arith.addf %parallel_loop3A_1486, %parallel_loop3A_1558 : vector<16xf32>
      %parallel_loop3A_1560 = arith.cmpi eq, %parallel_loop3A_1493, %gather3A_16 : vector<16xi32>
      %parallel_loop3A_1561 = arith.constant 0.000000e+00 : f32
      %parallel_loop3A_1562 = vector.broadcast %parallel_loop3A_1561 : f32 to vector<16xf32>
      %parallel_loop3A_1563 = arith.select %parallel_loop3A_1560, %parallel_loop3A_1508, %parallel_loop3A_1562 : vector<16xi1>, vector<16xf32>
      %parallel_loop3A_1564 = arith.addf %parallel_loop3A_1487, %parallel_loop3A_1563 : vector<16xf32>
      %parallel_loop3A_1565 = arith.cmpi eq, %parallel_loop3A_1493, %gather3A_20 : vector<16xi32>
      %parallel_loop3A_1566 = arith.constant 0.000000e+00 : f32
      %parallel_loop3A_1567 = vector.broadcast %parallel_loop3A_1566 : f32 to vector<16xf32>
      %parallel_loop3A_1568 = arith.select %parallel_loop3A_1565, %parallel_loop3A_1513, %parallel_loop3A_1567 : vector<16xi1>, vector<16xf32>
      %parallel_loop3A_1569 = arith.addf %parallel_loop3A_1488, %parallel_loop3A_1568 : vector<16xf32>
      %parallel_loop3A_1570 = arith.cmpi eq, %parallel_loop3A_1493, %gather3A_24 : vector<16xi32>
      %parallel_loop3A_1571 = arith.constant 0.000000e+00 : f32
      %parallel_loop3A_1572 = vector.broadcast %parallel_loop3A_1571 : f32 to vector<16xf32>
      %parallel_loop3A_1573 = arith.select %parallel_loop3A_1570, %parallel_loop3A_1518, %parallel_loop3A_1572 : vector<16xi1>, vector<16xf32>
      %parallel_loop3A_1574 = arith.addf %parallel_loop3A_1489, %parallel_loop3A_1573 : vector<16xf32>
      %parallel_loop3A_1575 = arith.cmpi eq, %parallel_loop3A_1493, %gather3A_28 : vector<16xi32>
      %parallel_loop3A_1576 = arith.constant 0.000000e+00 : f32
      %parallel_loop3A_1577 = vector.broadcast %parallel_loop3A_1576 : f32 to vector<16xf32>
      %parallel_loop3A_1578 = arith.select %parallel_loop3A_1575, %parallel_loop3A_1523, %parallel_loop3A_1577 : vector<16xi1>, vector<16xf32>
      %parallel_loop3A_1579 = arith.addf %parallel_loop3A_1490, %parallel_loop3A_1578 : vector<16xf32>
      %parallel_loop3A_1580 = arith.cmpi eq, %parallel_loop3A_1493, %gather3A_32 : vector<16xi32>
      %parallel_loop3A_1581 = arith.constant 0.000000e+00 : f32
      %parallel_loop3A_1582 = vector.broadcast %parallel_loop3A_1581 : f32 to vector<16xf32>
      %parallel_loop3A_1583 = arith.select %parallel_loop3A_1580, %parallel_loop3A_1528, %parallel_loop3A_1582 : vector<16xi1>, vector<16xf32>
      %parallel_loop3A_1584 = arith.addf %parallel_loop3A_1491, %parallel_loop3A_1583 : vector<16xf32>
      %parallel_loop3A_1585 = arith.cmpi eq, %parallel_loop3A_1493, %gather3A_36 : vector<16xi32>
      %parallel_loop3A_1586 = arith.constant 0.000000e+00 : f32
      %parallel_loop3A_1587 = vector.broadcast %parallel_loop3A_1586 : f32 to vector<16xf32>
      %parallel_loop3A_1588 = arith.select %parallel_loop3A_1585, %parallel_loop3A_1533, %parallel_loop3A_1587 : vector<16xi1>, vector<16xf32>
      %parallel_loop3A_1589 = arith.addf %parallel_loop3A_1492, %parallel_loop3A_1588 : vector<16xf32>
      %parallel_loop3A_1590 = arith.constant 16 : i32
      %parallel_loop3A_1591 = vector.broadcast %parallel_loop3A_1590 : i32 to vector<16xi32>
      %parallel_loop3A_1592 = arith.addi %parallel_loop3A_1493, %parallel_loop3A_1591 : vector<16xi32>
      scf.yield %parallel_loop3A_1535, %parallel_loop3A_1537, %parallel_loop3A_1539, %parallel_loop3A_1541, %parallel_loop3A_1543, %parallel_loop3A_1545, %parallel_loop3A_1547, %parallel_loop3A_1549, %parallel_loop3A_1554, %parallel_loop3A_1559, %parallel_loop3A_1564, %parallel_loop3A_1569, %parallel_loop3A_1574, %parallel_loop3A_1579, %parallel_loop3A_1584, %parallel_loop3A_1589, %parallel_loop3A_1592 : vector<16xf32>, vector<16xf32>, vector<16xf32>, vector<16xf32>, vector<16xf32>, vector<16xf32>, vector<16xf32>, vector<16xf32>, vector<16xf32>, vector<16xf32>, vector<16xf32>, vector<16xf32>, vector<16xf32>, vector<16xf32>, vector<16xf32>, vector<16xf32>, vector<16xi32>
    } {sc.loop_unroll_factor = 4 : i64, sc.parallel_access}
    %xor3A = arith.constant 8 : i32
    %xor3A_83 = vector.broadcast %xor3A : i32 to vector<16xi32>
    %xor3A_84 = arith.xori %iota3A, %xor3A_83 : vector<16xi32>
    %broadcast_in_dim3A_85 = vector.shape_cast %xor3A_84 : vector<16xi32> to vector<16x1xi32>
    %xor3A_86 = arith.constant 4 : i32
    %xor3A_87 = vector.broadcast %xor3A_86 : i32 to vector<16xi32>
    %xor3A_88 = arith.xori %iota3A, %xor3A_87 : vector<16xi32>
    %broadcast_in_dim3A_89 = vector.shape_cast %xor3A_88 : vector<16xi32> to vector<16x1xi32>
    %xor3A_90 = arith.constant 2 : i32
    %xor3A_91 = vector.broadcast %xor3A_90 : i32 to vector<16xi32>
    %xor3A_92 = arith.xori %iota3A, %xor3A_91 : vector<16xi32>
    %broadcast_in_dim3A_93 = vector.shape_cast %xor3A_92 : vector<16xi32> to vector<16x1xi32>
    %xor3A_94 = arith.constant 1 : i32
    %xor3A_95 = vector.broadcast %xor3A_94 : i32 to vector<16xi32>
    %xor3A_96 = arith.xori %iota3A, %xor3A_95 : vector<16xi32>
    %broadcast_in_dim3A_97 = vector.shape_cast %xor3A_96 : vector<16xi32> to vector<16x1xi32>
    %broadcast_in_dim3A_98 = arith.constant 0.000000e+00 : f32
    %broadcast_in_dim3A_99 = vector.broadcast %broadcast_in_dim3A_98 : f32 to vector<16xf32>
    %broadcast_in_dim3A_100 = arith.constant 0.000000e+00 : f32
    %broadcast_in_dim3A_101 = vector.broadcast %broadcast_in_dim3A_100 : f32 to vector<16xf32>
    %eq3A = arith.constant 0 : i32
    %eq3A_102 = vector.broadcast %eq3A : i32 to vector<16xi32>
    %eq3A_103 = arith.cmpi eq, %iota3A, %eq3A_102 : vector<16xi32>
    %gather3A_104 = vector.shape_cast %broadcast_in_dim3A_85 : vector<16x1xi32> to vector<16xi32>
    %gather3A_105 = tpu.dynamic_gather %parallel_loop3A_82#0[%gather3A_104] in [0] : vector<16xf32>, vector<16xi32> -> vector<16xf32>
    %add3A_106 = arith.addf %parallel_loop3A_82#0, %gather3A_105 : vector<16xf32>
    %gather3A_107 = vector.shape_cast %broadcast_in_dim3A_89 : vector<16x1xi32> to vector<16xi32>
    %gather3A_108 = tpu.dynamic_gather %add3A_106[%gather3A_107] in [0] : vector<16xf32>, vector<16xi32> -> vector<16xf32>
    %add3A_109 = arith.addf %add3A_106, %gather3A_108 : vector<16xf32>
    %gather3A_110 = vector.shape_cast %broadcast_in_dim3A_93 : vector<16x1xi32> to vector<16xi32>
    %gather3A_111 = tpu.dynamic_gather %add3A_109[%gather3A_110] in [0] : vector<16xf32>, vector<16xi32> -> vector<16xf32>
    %add3A_112 = arith.addf %add3A_109, %gather3A_111 : vector<16xf32>
    %gather3A_113 = vector.shape_cast %broadcast_in_dim3A_97 : vector<16x1xi32> to vector<16xi32>
    %gather3A_114 = tpu.dynamic_gather %add3A_112[%gather3A_113] in [0] : vector<16xf32>, vector<16xi32> -> vector<16xf32>
    %add3A_115 = arith.addf %add3A_112, %gather3A_114 : vector<16xf32>
    %select_n3A = arith.select %eq3A_103, %add3A_115, %broadcast_in_dim3A_99 : vector<16xi1>, vector<16xf32>
    %eq3A_116 = arith.constant 0 : i32
    %eq3A_117 = vector.broadcast %eq3A_116 : i32 to vector<16xi32>
    %eq3A_118 = arith.cmpi eq, %iota3A, %eq3A_117 : vector<16xi32>
    %gather3A_119 = vector.shape_cast %broadcast_in_dim3A_85 : vector<16x1xi32> to vector<16xi32>
    %gather3A_120 = tpu.dynamic_gather %parallel_loop3A_82#8[%gather3A_119] in [0] : vector<16xf32>, vector<16xi32> -> vector<16xf32>
    %add3A_121 = arith.addf %parallel_loop3A_82#8, %gather3A_120 : vector<16xf32>
    %gather3A_122 = vector.shape_cast %broadcast_in_dim3A_89 : vector<16x1xi32> to vector<16xi32>
    %gather3A_123 = tpu.dynamic_gather %add3A_121[%gather3A_122] in [0] : vector<16xf32>, vector<16xi32> -> vector<16xf32>
    %add3A_124 = arith.addf %add3A_121, %gather3A_123 : vector<16xf32>
    %gather3A_125 = vector.shape_cast %broadcast_in_dim3A_93 : vector<16x1xi32> to vector<16xi32>
    %gather3A_126 = tpu.dynamic_gather %add3A_124[%gather3A_125] in [0] : vector<16xf32>, vector<16xi32> -> vector<16xf32>
    %add3A_127 = arith.addf %add3A_124, %gather3A_126 : vector<16xf32>
    %gather3A_128 = vector.shape_cast %broadcast_in_dim3A_97 : vector<16x1xi32> to vector<16xi32>
    %gather3A_129 = tpu.dynamic_gather %add3A_127[%gather3A_128] in [0] : vector<16xf32>, vector<16xi32> -> vector<16xf32>
    %add3A_130 = arith.addf %add3A_127, %gather3A_129 : vector<16xf32>
    %select_n3A_131 = arith.select %eq3A_118, %add3A_130, %broadcast_in_dim3A_101 : vector<16xi1>, vector<16xf32>
    %eq3A_132 = arith.constant 1 : i32
    %eq3A_133 = vector.broadcast %eq3A_132 : i32 to vector<16xi32>
    %eq3A_134 = arith.cmpi eq, %iota3A, %eq3A_133 : vector<16xi32>
    %gather3A_135 = vector.shape_cast %broadcast_in_dim3A_85 : vector<16x1xi32> to vector<16xi32>
    %gather3A_136 = tpu.dynamic_gather %parallel_loop3A_82#1[%gather3A_135] in [0] : vector<16xf32>, vector<16xi32> -> vector<16xf32>
    %add3A_137 = arith.addf %parallel_loop3A_82#1, %gather3A_136 : vector<16xf32>
    %gather3A_138 = vector.shape_cast %broadcast_in_dim3A_89 : vector<16x1xi32> to vector<16xi32>
    %gather3A_139 = tpu.dynamic_gather %add3A_137[%gather3A_138] in [0] : vector<16xf32>, vector<16xi32> -> vector<16xf32>
    %add3A_140 = arith.addf %add3A_137, %gather3A_139 : vector<16xf32>
    %gather3A_141 = vector.shape_cast %broadcast_in_dim3A_93 : vector<16x1xi32> to vector<16xi32>
    %gather3A_142 = tpu.dynamic_gather %add3A_140[%gather3A_141] in [0] : vector<16xf32>, vector<16xi32> -> vector<16xf32>
    %add3A_143 = arith.addf %add3A_140, %gather3A_142 : vector<16xf32>
    %gather3A_144 = vector.shape_cast %broadcast_in_dim3A_97 : vector<16x1xi32> to vector<16xi32>
    %gather3A_145 = tpu.dynamic_gather %add3A_143[%gather3A_144] in [0] : vector<16xf32>, vector<16xi32> -> vector<16xf32>
    %add3A_146 = arith.addf %add3A_143, %gather3A_145 : vector<16xf32>
    %select_n3A_147 = arith.select %eq3A_134, %add3A_146, %select_n3A : vector<16xi1>, vector<16xf32>
    %eq3A_148 = arith.constant 1 : i32
    %eq3A_149 = vector.broadcast %eq3A_148 : i32 to vector<16xi32>
    %eq3A_150 = arith.cmpi eq, %iota3A, %eq3A_149 : vector<16xi32>
    %gather3A_151 = vector.shape_cast %broadcast_in_dim3A_85 : vector<16x1xi32> to vector<16xi32>
    %gather3A_152 = tpu.dynamic_gather %parallel_loop3A_82#9[%gather3A_151] in [0] : vector<16xf32>, vector<16xi32> -> vector<16xf32>
    %add3A_153 = arith.addf %parallel_loop3A_82#9, %gather3A_152 : vector<16xf32>
    %gather3A_154 = vector.shape_cast %broadcast_in_dim3A_89 : vector<16x1xi32> to vector<16xi32>
    %gather3A_155 = tpu.dynamic_gather %add3A_153[%gather3A_154] in [0] : vector<16xf32>, vector<16xi32> -> vector<16xf32>
    %add3A_156 = arith.addf %add3A_153, %gather3A_155 : vector<16xf32>
    %gather3A_157 = vector.shape_cast %broadcast_in_dim3A_93 : vector<16x1xi32> to vector<16xi32>
    %gather3A_158 = tpu.dynamic_gather %add3A_156[%gather3A_157] in [0] : vector<16xf32>, vector<16xi32> -> vector<16xf32>
    %add3A_159 = arith.addf %add3A_156, %gather3A_158 : vector<16xf32>
    %gather3A_160 = vector.shape_cast %broadcast_in_dim3A_97 : vector<16x1xi32> to vector<16xi32>
    %gather3A_161 = tpu.dynamic_gather %add3A_159[%gather3A_160] in [0] : vector<16xf32>, vector<16xi32> -> vector<16xf32>
    %add3A_162 = arith.addf %add3A_159, %gather3A_161 : vector<16xf32>
    %select_n3A_163 = arith.select %eq3A_150, %add3A_162, %select_n3A_131 : vector<16xi1>, vector<16xf32>
    %eq3A_164 = arith.constant 2 : i32
    %eq3A_165 = vector.broadcast %eq3A_164 : i32 to vector<16xi32>
    %eq3A_166 = arith.cmpi eq, %iota3A, %eq3A_165 : vector<16xi32>
    %gather3A_167 = vector.shape_cast %broadcast_in_dim3A_85 : vector<16x1xi32> to vector<16xi32>
    %gather3A_168 = tpu.dynamic_gather %parallel_loop3A_82#2[%gather3A_167] in [0] : vector<16xf32>, vector<16xi32> -> vector<16xf32>
    %add3A_169 = arith.addf %parallel_loop3A_82#2, %gather3A_168 : vector<16xf32>
    %gather3A_170 = vector.shape_cast %broadcast_in_dim3A_89 : vector<16x1xi32> to vector<16xi32>
    %gather3A_171 = tpu.dynamic_gather %add3A_169[%gather3A_170] in [0] : vector<16xf32>, vector<16xi32> -> vector<16xf32>
    %add3A_172 = arith.addf %add3A_169, %gather3A_171 : vector<16xf32>
    %gather3A_173 = vector.shape_cast %broadcast_in_dim3A_93 : vector<16x1xi32> to vector<16xi32>
    %gather3A_174 = tpu.dynamic_gather %add3A_172[%gather3A_173] in [0] : vector<16xf32>, vector<16xi32> -> vector<16xf32>
    %add3A_175 = arith.addf %add3A_172, %gather3A_174 : vector<16xf32>
    %gather3A_176 = vector.shape_cast %broadcast_in_dim3A_97 : vector<16x1xi32> to vector<16xi32>
    %gather3A_177 = tpu.dynamic_gather %add3A_175[%gather3A_176] in [0] : vector<16xf32>, vector<16xi32> -> vector<16xf32>
    %add3A_178 = arith.addf %add3A_175, %gather3A_177 : vector<16xf32>
    %select_n3A_179 = arith.select %eq3A_166, %add3A_178, %select_n3A_147 : vector<16xi1>, vector<16xf32>
    %eq3A_180 = arith.constant 2 : i32
    %eq3A_181 = vector.broadcast %eq3A_180 : i32 to vector<16xi32>
    %eq3A_182 = arith.cmpi eq, %iota3A, %eq3A_181 : vector<16xi32>
    %gather3A_183 = vector.shape_cast %broadcast_in_dim3A_85 : vector<16x1xi32> to vector<16xi32>
    %gather3A_184 = tpu.dynamic_gather %parallel_loop3A_82#10[%gather3A_183] in [0] : vector<16xf32>, vector<16xi32> -> vector<16xf32>
    %add3A_185 = arith.addf %parallel_loop3A_82#10, %gather3A_184 : vector<16xf32>
    %gather3A_186 = vector.shape_cast %broadcast_in_dim3A_89 : vector<16x1xi32> to vector<16xi32>
    %gather3A_187 = tpu.dynamic_gather %add3A_185[%gather3A_186] in [0] : vector<16xf32>, vector<16xi32> -> vector<16xf32>
    %add3A_188 = arith.addf %add3A_185, %gather3A_187 : vector<16xf32>
    %gather3A_189 = vector.shape_cast %broadcast_in_dim3A_93 : vector<16x1xi32> to vector<16xi32>
    %gather3A_190 = tpu.dynamic_gather %add3A_188[%gather3A_189] in [0] : vector<16xf32>, vector<16xi32> -> vector<16xf32>
    %add3A_191 = arith.addf %add3A_188, %gather3A_190 : vector<16xf32>
    %gather3A_192 = vector.shape_cast %broadcast_in_dim3A_97 : vector<16x1xi32> to vector<16xi32>
    %gather3A_193 = tpu.dynamic_gather %add3A_191[%gather3A_192] in [0] : vector<16xf32>, vector<16xi32> -> vector<16xf32>
    %add3A_194 = arith.addf %add3A_191, %gather3A_193 : vector<16xf32>
    %select_n3A_195 = arith.select %eq3A_182, %add3A_194, %select_n3A_163 : vector<16xi1>, vector<16xf32>
    %eq3A_196 = arith.constant 3 : i32
    %eq3A_197 = vector.broadcast %eq3A_196 : i32 to vector<16xi32>
    %eq3A_198 = arith.cmpi eq, %iota3A, %eq3A_197 : vector<16xi32>
    %gather3A_199 = vector.shape_cast %broadcast_in_dim3A_85 : vector<16x1xi32> to vector<16xi32>
    %gather3A_200 = tpu.dynamic_gather %parallel_loop3A_82#3[%gather3A_199] in [0] : vector<16xf32>, vector<16xi32> -> vector<16xf32>
    %add3A_201 = arith.addf %parallel_loop3A_82#3, %gather3A_200 : vector<16xf32>
    %gather3A_202 = vector.shape_cast %broadcast_in_dim3A_89 : vector<16x1xi32> to vector<16xi32>
    %gather3A_203 = tpu.dynamic_gather %add3A_201[%gather3A_202] in [0] : vector<16xf32>, vector<16xi32> -> vector<16xf32>
    %add3A_204 = arith.addf %add3A_201, %gather3A_203 : vector<16xf32>
    %gather3A_205 = vector.shape_cast %broadcast_in_dim3A_93 : vector<16x1xi32> to vector<16xi32>
    %gather3A_206 = tpu.dynamic_gather %add3A_204[%gather3A_205] in [0] : vector<16xf32>, vector<16xi32> -> vector<16xf32>
    %add3A_207 = arith.addf %add3A_204, %gather3A_206 : vector<16xf32>
    %gather3A_208 = vector.shape_cast %broadcast_in_dim3A_97 : vector<16x1xi32> to vector<16xi32>
    %gather3A_209 = tpu.dynamic_gather %add3A_207[%gather3A_208] in [0] : vector<16xf32>, vector<16xi32> -> vector<16xf32>
    %add3A_210 = arith.addf %add3A_207, %gather3A_209 : vector<16xf32>
    %select_n3A_211 = arith.select %eq3A_198, %add3A_210, %select_n3A_179 : vector<16xi1>, vector<16xf32>
    %eq3A_212 = arith.constant 3 : i32
    %eq3A_213 = vector.broadcast %eq3A_212 : i32 to vector<16xi32>
    %eq3A_214 = arith.cmpi eq, %iota3A, %eq3A_213 : vector<16xi32>
    %gather3A_215 = vector.shape_cast %broadcast_in_dim3A_85 : vector<16x1xi32> to vector<16xi32>
    %gather3A_216 = tpu.dynamic_gather %parallel_loop3A_82#11[%gather3A_215] in [0] : vector<16xf32>, vector<16xi32> -> vector<16xf32>
    %add3A_217 = arith.addf %parallel_loop3A_82#11, %gather3A_216 : vector<16xf32>
    %gather3A_218 = vector.shape_cast %broadcast_in_dim3A_89 : vector<16x1xi32> to vector<16xi32>
    %gather3A_219 = tpu.dynamic_gather %add3A_217[%gather3A_218] in [0] : vector<16xf32>, vector<16xi32> -> vector<16xf32>
    %add3A_220 = arith.addf %add3A_217, %gather3A_219 : vector<16xf32>
    %gather3A_221 = vector.shape_cast %broadcast_in_dim3A_93 : vector<16x1xi32> to vector<16xi32>
    %gather3A_222 = tpu.dynamic_gather %add3A_220[%gather3A_221] in [0] : vector<16xf32>, vector<16xi32> -> vector<16xf32>
    %add3A_223 = arith.addf %add3A_220, %gather3A_222 : vector<16xf32>
    %gather3A_224 = vector.shape_cast %broadcast_in_dim3A_97 : vector<16x1xi32> to vector<16xi32>
    %gather3A_225 = tpu.dynamic_gather %add3A_223[%gather3A_224] in [0] : vector<16xf32>, vector<16xi32> -> vector<16xf32>
    %add3A_226 = arith.addf %add3A_223, %gather3A_225 : vector<16xf32>
    %select_n3A_227 = arith.select %eq3A_214, %add3A_226, %select_n3A_195 : vector<16xi1>, vector<16xf32>
    %eq3A_228 = arith.constant 4 : i32
    %eq3A_229 = vector.broadcast %eq3A_228 : i32 to vector<16xi32>
    %eq3A_230 = arith.cmpi eq, %iota3A, %eq3A_229 : vector<16xi32>
    %gather3A_231 = vector.shape_cast %broadcast_in_dim3A_85 : vector<16x1xi32> to vector<16xi32>
    %gather3A_232 = tpu.dynamic_gather %parallel_loop3A_82#4[%gather3A_231] in [0] : vector<16xf32>, vector<16xi32> -> vector<16xf32>
    %add3A_233 = arith.addf %parallel_loop3A_82#4, %gather3A_232 : vector<16xf32>
    %gather3A_234 = vector.shape_cast %broadcast_in_dim3A_89 : vector<16x1xi32> to vector<16xi32>
    %gather3A_235 = tpu.dynamic_gather %add3A_233[%gather3A_234] in [0] : vector<16xf32>, vector<16xi32> -> vector<16xf32>
    %add3A_236 = arith.addf %add3A_233, %gather3A_235 : vector<16xf32>
    %gather3A_237 = vector.shape_cast %broadcast_in_dim3A_93 : vector<16x1xi32> to vector<16xi32>
    %gather3A_238 = tpu.dynamic_gather %add3A_236[%gather3A_237] in [0] : vector<16xf32>, vector<16xi32> -> vector<16xf32>
    %add3A_239 = arith.addf %add3A_236, %gather3A_238 : vector<16xf32>
    %gather3A_240 = vector.shape_cast %broadcast_in_dim3A_97 : vector<16x1xi32> to vector<16xi32>
    %gather3A_241 = tpu.dynamic_gather %add3A_239[%gather3A_240] in [0] : vector<16xf32>, vector<16xi32> -> vector<16xf32>
    %add3A_242 = arith.addf %add3A_239, %gather3A_241 : vector<16xf32>
    %select_n3A_243 = arith.select %eq3A_230, %add3A_242, %select_n3A_211 : vector<16xi1>, vector<16xf32>
    %eq3A_244 = arith.constant 4 : i32
    %eq3A_245 = vector.broadcast %eq3A_244 : i32 to vector<16xi32>
    %eq3A_246 = arith.cmpi eq, %iota3A, %eq3A_245 : vector<16xi32>
    %gather3A_247 = vector.shape_cast %broadcast_in_dim3A_85 : vector<16x1xi32> to vector<16xi32>
    %gather3A_248 = tpu.dynamic_gather %parallel_loop3A_82#12[%gather3A_247] in [0] : vector<16xf32>, vector<16xi32> -> vector<16xf32>
    %add3A_249 = arith.addf %parallel_loop3A_82#12, %gather3A_248 : vector<16xf32>
    %gather3A_250 = vector.shape_cast %broadcast_in_dim3A_89 : vector<16x1xi32> to vector<16xi32>
    %gather3A_251 = tpu.dynamic_gather %add3A_249[%gather3A_250] in [0] : vector<16xf32>, vector<16xi32> -> vector<16xf32>
    %add3A_252 = arith.addf %add3A_249, %gather3A_251 : vector<16xf32>
    %gather3A_253 = vector.shape_cast %broadcast_in_dim3A_93 : vector<16x1xi32> to vector<16xi32>
    %gather3A_254 = tpu.dynamic_gather %add3A_252[%gather3A_253] in [0] : vector<16xf32>, vector<16xi32> -> vector<16xf32>
    %add3A_255 = arith.addf %add3A_252, %gather3A_254 : vector<16xf32>
    %gather3A_256 = vector.shape_cast %broadcast_in_dim3A_97 : vector<16x1xi32> to vector<16xi32>
    %gather3A_257 = tpu.dynamic_gather %add3A_255[%gather3A_256] in [0] : vector<16xf32>, vector<16xi32> -> vector<16xf32>
    %add3A_258 = arith.addf %add3A_255, %gather3A_257 : vector<16xf32>
    %select_n3A_259 = arith.select %eq3A_246, %add3A_258, %select_n3A_227 : vector<16xi1>, vector<16xf32>
    %eq3A_260 = arith.constant 5 : i32
    %eq3A_261 = vector.broadcast %eq3A_260 : i32 to vector<16xi32>
    %eq3A_262 = arith.cmpi eq, %iota3A, %eq3A_261 : vector<16xi32>
    %gather3A_263 = vector.shape_cast %broadcast_in_dim3A_85 : vector<16x1xi32> to vector<16xi32>
    %gather3A_264 = tpu.dynamic_gather %parallel_loop3A_82#5[%gather3A_263] in [0] : vector<16xf32>, vector<16xi32> -> vector<16xf32>
    %add3A_265 = arith.addf %parallel_loop3A_82#5, %gather3A_264 : vector<16xf32>
    %gather3A_266 = vector.shape_cast %broadcast_in_dim3A_89 : vector<16x1xi32> to vector<16xi32>
    %gather3A_267 = tpu.dynamic_gather %add3A_265[%gather3A_266] in [0] : vector<16xf32>, vector<16xi32> -> vector<16xf32>
    %add3A_268 = arith.addf %add3A_265, %gather3A_267 : vector<16xf32>
    %gather3A_269 = vector.shape_cast %broadcast_in_dim3A_93 : vector<16x1xi32> to vector<16xi32>
    %gather3A_270 = tpu.dynamic_gather %add3A_268[%gather3A_269] in [0] : vector<16xf32>, vector<16xi32> -> vector<16xf32>
    %add3A_271 = arith.addf %add3A_268, %gather3A_270 : vector<16xf32>
    %gather3A_272 = vector.shape_cast %broadcast_in_dim3A_97 : vector<16x1xi32> to vector<16xi32>
    %gather3A_273 = tpu.dynamic_gather %add3A_271[%gather3A_272] in [0] : vector<16xf32>, vector<16xi32> -> vector<16xf32>
    %add3A_274 = arith.addf %add3A_271, %gather3A_273 : vector<16xf32>
    %select_n3A_275 = arith.select %eq3A_262, %add3A_274, %select_n3A_243 : vector<16xi1>, vector<16xf32>
    %eq3A_276 = arith.constant 5 : i32
    %eq3A_277 = vector.broadcast %eq3A_276 : i32 to vector<16xi32>
    %eq3A_278 = arith.cmpi eq, %iota3A, %eq3A_277 : vector<16xi32>
    %gather3A_279 = vector.shape_cast %broadcast_in_dim3A_85 : vector<16x1xi32> to vector<16xi32>
    %gather3A_280 = tpu.dynamic_gather %parallel_loop3A_82#13[%gather3A_279] in [0] : vector<16xf32>, vector<16xi32> -> vector<16xf32>
    %add3A_281 = arith.addf %parallel_loop3A_82#13, %gather3A_280 : vector<16xf32>
    %gather3A_282 = vector.shape_cast %broadcast_in_dim3A_89 : vector<16x1xi32> to vector<16xi32>
    %gather3A_283 = tpu.dynamic_gather %add3A_281[%gather3A_282] in [0] : vector<16xf32>, vector<16xi32> -> vector<16xf32>
    %add3A_284 = arith.addf %add3A_281, %gather3A_283 : vector<16xf32>
    %gather3A_285 = vector.shape_cast %broadcast_in_dim3A_93 : vector<16x1xi32> to vector<16xi32>
    %gather3A_286 = tpu.dynamic_gather %add3A_284[%gather3A_285] in [0] : vector<16xf32>, vector<16xi32> -> vector<16xf32>
    %add3A_287 = arith.addf %add3A_284, %gather3A_286 : vector<16xf32>
    %gather3A_288 = vector.shape_cast %broadcast_in_dim3A_97 : vector<16x1xi32> to vector<16xi32>
    %gather3A_289 = tpu.dynamic_gather %add3A_287[%gather3A_288] in [0] : vector<16xf32>, vector<16xi32> -> vector<16xf32>
    %add3A_290 = arith.addf %add3A_287, %gather3A_289 : vector<16xf32>
    %select_n3A_291 = arith.select %eq3A_278, %add3A_290, %select_n3A_259 : vector<16xi1>, vector<16xf32>
    %eq3A_292 = arith.constant 6 : i32
    %eq3A_293 = vector.broadcast %eq3A_292 : i32 to vector<16xi32>
    %eq3A_294 = arith.cmpi eq, %iota3A, %eq3A_293 : vector<16xi32>
    %gather3A_295 = vector.shape_cast %broadcast_in_dim3A_85 : vector<16x1xi32> to vector<16xi32>
    %gather3A_296 = tpu.dynamic_gather %parallel_loop3A_82#6[%gather3A_295] in [0] : vector<16xf32>, vector<16xi32> -> vector<16xf32>
    %add3A_297 = arith.addf %parallel_loop3A_82#6, %gather3A_296 : vector<16xf32>
    %gather3A_298 = vector.shape_cast %broadcast_in_dim3A_89 : vector<16x1xi32> to vector<16xi32>
    %gather3A_299 = tpu.dynamic_gather %add3A_297[%gather3A_298] in [0] : vector<16xf32>, vector<16xi32> -> vector<16xf32>
    %add3A_300 = arith.addf %add3A_297, %gather3A_299 : vector<16xf32>
    %gather3A_301 = vector.shape_cast %broadcast_in_dim3A_93 : vector<16x1xi32> to vector<16xi32>
    %gather3A_302 = tpu.dynamic_gather %add3A_300[%gather3A_301] in [0] : vector<16xf32>, vector<16xi32> -> vector<16xf32>
    %add3A_303 = arith.addf %add3A_300, %gather3A_302 : vector<16xf32>
    %gather3A_304 = vector.shape_cast %broadcast_in_dim3A_97 : vector<16x1xi32> to vector<16xi32>
    %gather3A_305 = tpu.dynamic_gather %add3A_303[%gather3A_304] in [0] : vector<16xf32>, vector<16xi32> -> vector<16xf32>
    %add3A_306 = arith.addf %add3A_303, %gather3A_305 : vector<16xf32>
    %select_n3A_307 = arith.select %eq3A_294, %add3A_306, %select_n3A_275 : vector<16xi1>, vector<16xf32>
    %eq3A_308 = arith.constant 6 : i32
    %eq3A_309 = vector.broadcast %eq3A_308 : i32 to vector<16xi32>
    %eq3A_310 = arith.cmpi eq, %iota3A, %eq3A_309 : vector<16xi32>
    %gather3A_311 = vector.shape_cast %broadcast_in_dim3A_85 : vector<16x1xi32> to vector<16xi32>
    %gather3A_312 = tpu.dynamic_gather %parallel_loop3A_82#14[%gather3A_311] in [0] : vector<16xf32>, vector<16xi32> -> vector<16xf32>
    %add3A_313 = arith.addf %parallel_loop3A_82#14, %gather3A_312 : vector<16xf32>
    %gather3A_314 = vector.shape_cast %broadcast_in_dim3A_89 : vector<16x1xi32> to vector<16xi32>
    %gather3A_315 = tpu.dynamic_gather %add3A_313[%gather3A_314] in [0] : vector<16xf32>, vector<16xi32> -> vector<16xf32>
    %add3A_316 = arith.addf %add3A_313, %gather3A_315 : vector<16xf32>
    %gather3A_317 = vector.shape_cast %broadcast_in_dim3A_93 : vector<16x1xi32> to vector<16xi32>
    %gather3A_318 = tpu.dynamic_gather %add3A_316[%gather3A_317] in [0] : vector<16xf32>, vector<16xi32> -> vector<16xf32>
    %add3A_319 = arith.addf %add3A_316, %gather3A_318 : vector<16xf32>
    %gather3A_320 = vector.shape_cast %broadcast_in_dim3A_97 : vector<16x1xi32> to vector<16xi32>
    %gather3A_321 = tpu.dynamic_gather %add3A_319[%gather3A_320] in [0] : vector<16xf32>, vector<16xi32> -> vector<16xf32>
    %add3A_322 = arith.addf %add3A_319, %gather3A_321 : vector<16xf32>
    %select_n3A_323 = arith.select %eq3A_310, %add3A_322, %select_n3A_291 : vector<16xi1>, vector<16xf32>
    %eq3A_324 = arith.constant 7 : i32
    %eq3A_325 = vector.broadcast %eq3A_324 : i32 to vector<16xi32>
    %eq3A_326 = arith.cmpi eq, %iota3A, %eq3A_325 : vector<16xi32>
    %gather3A_327 = vector.shape_cast %broadcast_in_dim3A_85 : vector<16x1xi32> to vector<16xi32>
    %gather3A_328 = tpu.dynamic_gather %parallel_loop3A_82#7[%gather3A_327] in [0] : vector<16xf32>, vector<16xi32> -> vector<16xf32>
    %add3A_329 = arith.addf %parallel_loop3A_82#7, %gather3A_328 : vector<16xf32>
    %gather3A_330 = vector.shape_cast %broadcast_in_dim3A_89 : vector<16x1xi32> to vector<16xi32>
    %gather3A_331 = tpu.dynamic_gather %add3A_329[%gather3A_330] in [0] : vector<16xf32>, vector<16xi32> -> vector<16xf32>
    %add3A_332 = arith.addf %add3A_329, %gather3A_331 : vector<16xf32>
    %gather3A_333 = vector.shape_cast %broadcast_in_dim3A_93 : vector<16x1xi32> to vector<16xi32>
    %gather3A_334 = tpu.dynamic_gather %add3A_332[%gather3A_333] in [0] : vector<16xf32>, vector<16xi32> -> vector<16xf32>
    %add3A_335 = arith.addf %add3A_332, %gather3A_334 : vector<16xf32>
    %gather3A_336 = vector.shape_cast %broadcast_in_dim3A_97 : vector<16x1xi32> to vector<16xi32>
    %gather3A_337 = tpu.dynamic_gather %add3A_335[%gather3A_336] in [0] : vector<16xf32>, vector<16xi32> -> vector<16xf32>
    %add3A_338 = arith.addf %add3A_335, %gather3A_337 : vector<16xf32>
    %select_n3A_339 = arith.select %eq3A_326, %add3A_338, %select_n3A_307 : vector<16xi1>, vector<16xf32>
    %eq3A_340 = arith.constant 7 : i32
    %eq3A_341 = vector.broadcast %eq3A_340 : i32 to vector<16xi32>
    %eq3A_342 = arith.cmpi eq, %iota3A, %eq3A_341 : vector<16xi32>
    %gather3A_343 = vector.shape_cast %broadcast_in_dim3A_85 : vector<16x1xi32> to vector<16xi32>
    %gather3A_344 = tpu.dynamic_gather %parallel_loop3A_82#15[%gather3A_343] in [0] : vector<16xf32>, vector<16xi32> -> vector<16xf32>
    %add3A_345 = arith.addf %parallel_loop3A_82#15, %gather3A_344 : vector<16xf32>
    %gather3A_346 = vector.shape_cast %broadcast_in_dim3A_89 : vector<16x1xi32> to vector<16xi32>
    %gather3A_347 = tpu.dynamic_gather %add3A_345[%gather3A_346] in [0] : vector<16xf32>, vector<16xi32> -> vector<16xf32>
    %add3A_348 = arith.addf %add3A_345, %gather3A_347 : vector<16xf32>
    %gather3A_349 = vector.shape_cast %broadcast_in_dim3A_93 : vector<16x1xi32> to vector<16xi32>
    %gather3A_350 = tpu.dynamic_gather %add3A_348[%gather3A_349] in [0] : vector<16xf32>, vector<16xi32> -> vector<16xf32>
    %add3A_351 = arith.addf %add3A_348, %gather3A_350 : vector<16xf32>
    %gather3A_352 = vector.shape_cast %broadcast_in_dim3A_97 : vector<16x1xi32> to vector<16xi32>
    %gather3A_353 = tpu.dynamic_gather %add3A_351[%gather3A_352] in [0] : vector<16xf32>, vector<16xi32> -> vector<16xf32>
    %add3A_354 = arith.addf %add3A_351, %gather3A_353 : vector<16xf32>
    %select_n3A_355 = arith.select %eq3A_342, %add3A_354, %select_n3A_323 : vector<16xi1>, vector<16xf32>
    %swap3A = arith.constant 0 : index
    %swap3A_356 = tpu.vector_load %arg9[%swap3A] {strides = array<i32>} : memref<128xf32, #tpu.memory_space<vmem>>, vector<16xf32>,
    %swap3A_357 = vector.shape_cast %swap3A_356 : vector<16xf32> to vector<16xf32>
    %swap3A_358 = vector.shape_cast %select_n3A_339 : vector<16xf32> to vector<16xf32>
    tpu.vector_store %arg9[%swap3A], %swap3A_358 {strides = array<i32>} : memref<128xf32, #tpu.memory_space<vmem>>, vector<16xf32>,
    %swap3A_359 = arith.constant 64 : index
    %swap3A_360 = tpu.vector_load %arg9[%swap3A_359] {strides = array<i32>} : memref<128xf32, #tpu.memory_space<vmem>>, vector<16xf32>,
    %swap3A_361 = vector.shape_cast %swap3A_360 : vector<16xf32> to vector<16xf32>
    %swap3A_362 = vector.shape_cast %select_n3A_355 : vector<16xf32> to vector<16xf32>
    tpu.vector_store %arg9[%swap3A_359], %swap3A_362 {strides = array<i32>} : memref<128xf32, #tpu.memory_space<vmem>>, vector<16xf32>,
    %add3A_363 = arith.constant 256 : i32
    %add3A_364 = arith.addi %mul3A_2, %add3A_363 : i32
    "tpu.region"() ({
      %run_scoped3A = tpu.sem_alloc : memref<!tpu.dma_semaphore, #tpu.memory_space<semaphore_mem>>
      %dma_start3A_1476 = arith.constant 0 : i32
      %dma_start3A_1477 = tpu.memref_slice %arg8[%dma_start3A_1476] : memref<16xi32, #tpu.memory_space<vmem>> -> memref<8xi32, #tpu.memory_space<vmem>>
      %dma_start3A_1478 = tpu.memref_slice %arg3[%add3A_364] : memref<1024xi32, #tpu.memory_space<hbm>> -> memref<8xi32, #tpu.memory_space<hbm>>
      %dma_start3A_1479 = arith.constant 0 : i32
      %dma_start3A_1480 = tpu.memref_slice %arg8[%dma_start3A_1479] : memref<16xi32, #tpu.memory_space<vmem>> -> memref<8xi32, #tpu.memory_space<vmem>>
      %dma_start3A_1481 = tpu.memref_slice %arg3[%add3A_364] : memref<1024xi32, #tpu.memory_space<hbm>> -> memref<8xi32, #tpu.memory_space<hbm>>
      tpu.enqueue_dma source(%dma_start3A_1481 : memref<8xi32, #tpu.memory_space<hbm>>) target(%dma_start3A_1480 : memref<8xi32, #tpu.memory_space<vmem>>) target_semaphore(%run_scoped3A : memref<!tpu.dma_semaphore, #tpu.memory_space<semaphore_mem>>)
      %dma_wait3A_1482 = arith.constant 0 : i32
      %dma_wait3A_1483 = tpu.memref_slice %arg8[%dma_wait3A_1482] : memref<16xi32, #tpu.memory_space<vmem>> -> memref<8xi32, #tpu.memory_space<vmem>>
      %dma_wait3A_1484 = tpu.memref_slice %arg3[%add3A_364] : memref<1024xi32, #tpu.memory_space<hbm>> -> memref<8xi32, #tpu.memory_space<hbm>>
      %dma_wait3A_1485 = arith.constant 0 : i32
      %dma_wait3A_1486 = tpu.memref_slice %arg8[%dma_wait3A_1485] : memref<16xi32, #tpu.memory_space<vmem>> -> memref<8xi32, #tpu.memory_space<vmem>>
      %dma_wait3A_1487 = tpu.memref_slice %arg3[%add3A_364] : memref<1024xi32, #tpu.memory_space<hbm>> -> memref<8xi32, #tpu.memory_space<hbm>>
      tpu.wait_dma2 semaphore(%run_scoped3A : memref<!tpu.dma_semaphore, #tpu.memory_space<semaphore_mem>>) src(%dma_wait3A_1487 : memref<8xi32, #tpu.memory_space<hbm>>) dst(%dma_wait3A_1486 : memref<8xi32, #tpu.memory_space<vmem>>)
      tpu.yield
    }) : () -> ()
    %get3A_365 = arith.constant 0 : index
    %get3A_366 = tpu.vector_load %arg8[%get3A_365] {strides = array<i32>} : memref<16xi32, #tpu.memory_space<vmem>>, vector<16xi32>,
    %get3A_367 = vector.shape_cast %get3A_366 : vector<16xi32> to vector<16xi32>
    %broadcast_in_dim3A_368 = arith.constant 0 : i32
    %broadcast_in_dim3A_369 = vector.broadcast %broadcast_in_dim3A_368 : i32 to vector<16x1xi32>
    %gather3A_370 = vector.shape_cast %broadcast_in_dim3A_369 : vector<16x1xi32> to vector<16xi32>
    %gather3A_371 = tpu.dynamic_gather %get3A_367[%gather3A_370] in [0] : vector<16xi32>, vector<16xi32> -> vector<16xi32>
    %broadcast_in_dim3A_372 = arith.constant 1 : i32
    %broadcast_in_dim3A_373 = vector.broadcast %broadcast_in_dim3A_372 : i32 to vector<16x1xi32>
    %gather3A_374 = vector.shape_cast %broadcast_in_dim3A_373 : vector<16x1xi32> to vector<16xi32>
    %gather3A_375 = tpu.dynamic_gather %get3A_367[%gather3A_374] in [0] : vector<16xi32>, vector<16xi32> -> vector<16xi32>
    %broadcast_in_dim3A_376 = arith.constant 2 : i32
    %broadcast_in_dim3A_377 = vector.broadcast %broadcast_in_dim3A_376 : i32 to vector<16x1xi32>
    %gather3A_378 = vector.shape_cast %broadcast_in_dim3A_377 : vector<16x1xi32> to vector<16xi32>
    %gather3A_379 = tpu.dynamic_gather %get3A_367[%gather3A_378] in [0] : vector<16xi32>, vector<16xi32> -> vector<16xi32>
    %broadcast_in_dim3A_380 = arith.constant 3 : i32
    %broadcast_in_dim3A_381 = vector.broadcast %broadcast_in_dim3A_380 : i32 to vector<16x1xi32>
    %gather3A_382 = vector.shape_cast %broadcast_in_dim3A_381 : vector<16x1xi32> to vector<16xi32>
    %gather3A_383 = tpu.dynamic_gather %get3A_367[%gather3A_382] in [0] : vector<16xi32>, vector<16xi32> -> vector<16xi32>
    %broadcast_in_dim3A_384 = arith.constant 4 : i32
    %broadcast_in_dim3A_385 = vector.broadcast %broadcast_in_dim3A_384 : i32 to vector<16x1xi32>
    %gather3A_386 = vector.shape_cast %broadcast_in_dim3A_385 : vector<16x1xi32> to vector<16xi32>
    %gather3A_387 = tpu.dynamic_gather %get3A_367[%gather3A_386] in [0] : vector<16xi32>, vector<16xi32> -> vector<16xi32>
    %broadcast_in_dim3A_388 = arith.constant 5 : i32
    %broadcast_in_dim3A_389 = vector.broadcast %broadcast_in_dim3A_388 : i32 to vector<16x1xi32>
    %gather3A_390 = vector.shape_cast %broadcast_in_dim3A_389 : vector<16x1xi32> to vector<16xi32>
    %gather3A_391 = tpu.dynamic_gather %get3A_367[%gather3A_390] in [0] : vector<16xi32>, vector<16xi32> -> vector<16xi32>
    %broadcast_in_dim3A_392 = arith.constant 6 : i32
    %broadcast_in_dim3A_393 = vector.broadcast %broadcast_in_dim3A_392 : i32 to vector<16x1xi32>
    %gather3A_394 = vector.shape_cast %broadcast_in_dim3A_393 : vector<16x1xi32> to vector<16xi32>
    %gather3A_395 = tpu.dynamic_gather %get3A_367[%gather3A_394] in [0] : vector<16xi32>, vector<16xi32> -> vector<16xi32>
    %broadcast_in_dim3A_396 = arith.constant 7 : i32
    %broadcast_in_dim3A_397 = vector.broadcast %broadcast_in_dim3A_396 : i32 to vector<16x1xi32>
    %gather3A_398 = vector.shape_cast %broadcast_in_dim3A_397 : vector<16x1xi32> to vector<16xi32>
    %gather3A_399 = tpu.dynamic_gather %get3A_367[%gather3A_398] in [0] : vector<16xi32>, vector<16xi32> -> vector<16xi32>
    %dma_start3A_400 = arith.constant 0 : i32
    %dma_start3A_401 = tpu.memref_slice %arg2[%add3A_364, %dma_start3A_400] : memref<1024x100000xf32, #tpu.memory_space<hbm>> -> memref<8x4096xf32, #tpu.memory_space<hbm>>
    %dma_start3A_402 = arith.constant 0 : i32
    %dma_start3A_403 = tpu.memref_slice %arg2[%add3A_364, %dma_start3A_402] : memref<1024x100000xf32, #tpu.memory_space<hbm>> -> memref<8x4096xf32, #tpu.memory_space<hbm>>
    tpu.enqueue_dma source(%dma_start3A_403 : memref<8x4096xf32, #tpu.memory_space<hbm>>) target(%arg5 : memref<8x4096xf32, #tpu.memory_space<vmem>>) target_semaphore(%arg10 : memref<!tpu.dma_semaphore, #tpu.memory_space<semaphore_mem>>)
    %broadcast_in_dim3A_404 = arith.constant 0.000000e+00 : f32
    %broadcast_in_dim3A_405 = vector.broadcast %broadcast_in_dim3A_404 : f32 to vector<16xf32>
    %broadcast_in_dim3A_406 = arith.constant 0.000000e+00 : f32
    %broadcast_in_dim3A_407 = vector.broadcast %broadcast_in_dim3A_406 : f32 to vector<16xf32>
    %broadcast_in_dim3A_408 = arith.constant 0.000000e+00 : f32
    %broadcast_in_dim3A_409 = vector.broadcast %broadcast_in_dim3A_408 : f32 to vector<16xf32>
    %broadcast_in_dim3A_410 = arith.constant 0.000000e+00 : f32
    %broadcast_in_dim3A_411 = vector.broadcast %broadcast_in_dim3A_410 : f32 to vector<16xf32>
    %broadcast_in_dim3A_412 = arith.constant 0.000000e+00 : f32
    %broadcast_in_dim3A_413 = vector.broadcast %broadcast_in_dim3A_412 : f32 to vector<16xf32>
    %broadcast_in_dim3A_414 = arith.constant 0.000000e+00 : f32
    %broadcast_in_dim3A_415 = vector.broadcast %broadcast_in_dim3A_414 : f32 to vector<16xf32>
    %broadcast_in_dim3A_416 = arith.constant 0.000000e+00 : f32
    %broadcast_in_dim3A_417 = vector.broadcast %broadcast_in_dim3A_416 : f32 to vector<16xf32>
    %broadcast_in_dim3A_418 = arith.constant 0.000000e+00 : f32
    %broadcast_in_dim3A_419 = vector.broadcast %broadcast_in_dim3A_418 : f32 to vector<16xf32>
    %broadcast_in_dim3A_420 = arith.constant 0.000000e+00 : f32
    %broadcast_in_dim3A_421 = vector.broadcast %broadcast_in_dim3A_420 : f32 to vector<16xf32>
    %broadcast_in_dim3A_422 = arith.constant 0.000000e+00 : f32
    %broadcast_in_dim3A_423 = vector.broadcast %broadcast_in_dim3A_422 : f32 to vector<16xf32>
    %broadcast_in_dim3A_424 = arith.constant 0.000000e+00 : f32
    %broadcast_in_dim3A_425 = vector.broadcast %broadcast_in_dim3A_424 : f32 to vector<16xf32>
    %broadcast_in_dim3A_426 = arith.constant 0.000000e+00 : f32
    %broadcast_in_dim3A_427 = vector.broadcast %broadcast_in_dim3A_426 : f32 to vector<16xf32>
    %broadcast_in_dim3A_428 = arith.constant 0.000000e+00 : f32
    %broadcast_in_dim3A_429 = vector.broadcast %broadcast_in_dim3A_428 : f32 to vector<16xf32>
    %broadcast_in_dim3A_430 = arith.constant 0.000000e+00 : f32
    %broadcast_in_dim3A_431 = vector.broadcast %broadcast_in_dim3A_430 : f32 to vector<16xf32>
    %broadcast_in_dim3A_432 = arith.constant 0.000000e+00 : f32
    %broadcast_in_dim3A_433 = vector.broadcast %broadcast_in_dim3A_432 : f32 to vector<16xf32>
    %broadcast_in_dim3A_434 = arith.constant 0.000000e+00 : f32
    %broadcast_in_dim3A_435 = vector.broadcast %broadcast_in_dim3A_434 : f32 to vector<16xf32>
    %scan3A_436 = arith.constant 0 : i32
    %scan3A_437 = arith.constant 12 : i32
    %scan3A_438 = arith.addi %scan3A_436, %scan3A_437 : i32
    %scan3A_439 = arith.constant 1 : i32
    %scan3A_440:17 = scf.for %scan3A_1476 = %scan3A_436 to %scan3A_438 step %scan3A_439 iter_args(%scan3A_1477 = %broadcast_in_dim3A_405, %scan3A_1478 = %broadcast_in_dim3A_407, %scan3A_1479 = %broadcast_in_dim3A_409, %scan3A_1480 = %broadcast_in_dim3A_411, %scan3A_1481 = %broadcast_in_dim3A_413, %scan3A_1482 = %broadcast_in_dim3A_415, %scan3A_1483 = %broadcast_in_dim3A_417, %scan3A_1484 = %broadcast_in_dim3A_419, %scan3A_1485 = %broadcast_in_dim3A_421, %scan3A_1486 = %broadcast_in_dim3A_423, %scan3A_1487 = %broadcast_in_dim3A_425, %scan3A_1488 = %broadcast_in_dim3A_427, %scan3A_1489 = %broadcast_in_dim3A_429, %scan3A_1490 = %broadcast_in_dim3A_431, %scan3A_1491 = %broadcast_in_dim3A_433, %scan3A_1492 = %broadcast_in_dim3A_435, %scan3A_1493 = %iota3A) -> (vector<16xf32>, vector<16xf32>, vector<16xf32>, vector<16xf32>, vector<16xf32>, vector<16xf32>, vector<16xf32>, vector<16xf32>, vector<16xf32>, vector<16xf32>, vector<16xf32>, vector<16xf32>, vector<16xf32>, vector<16xf32>, vector<16xf32>, vector<16xf32>, vector<16xi32>)  : i32 {
      %mul3A_1494 = arith.constant 2 : i32
      %mul3A_1495 = arith.muli %mul3A_1494, %scan3A_1476 : i32
      %add3A_1496 = arith.constant 1 : i32
      %add3A_1497 = arith.addi %mul3A_1495, %add3A_1496 : i32
      %mul3A_1498 = arith.constant 4096 : i32
      %mul3A_1499 = arith.muli %add3A_1497, %mul3A_1498 : i32
      %dma_start3A_1500 = tpu.memref_slice %arg2[%add3A_364, %mul3A_1499] : memref<1024x100000xf32, #tpu.memory_space<hbm>> -> memref<8x4096xf32, #tpu.memory_space<hbm>>
      %dma_start3A_1501 = tpu.memref_slice %arg2[%add3A_364, %mul3A_1499] : memref<1024x100000xf32, #tpu.memory_space<hbm>> -> memref<8x4096xf32, #tpu.memory_space<hbm>>
      tpu.enqueue_dma source(%dma_start3A_1501 : memref<8x4096xf32, #tpu.memory_space<hbm>>) target(%arg6 : memref<8x4096xf32, #tpu.memory_space<vmem>>) target_semaphore(%arg11 : memref<!tpu.dma_semaphore, #tpu.memory_space<semaphore_mem>>)
      %dma_wait3A_1502 = arith.constant 0 : i32
      %dma_wait3A_1503 = tpu.memref_slice %arg2[%add3A_364, %dma_wait3A_1502] : memref<1024x100000xf32, #tpu.memory_space<hbm>> -> memref<8x4096xf32, #tpu.memory_space<hbm>>
      %dma_wait3A_1504 = arith.constant 0 : i32
      %dma_wait3A_1505 = tpu.memref_slice %arg2[%add3A_364, %dma_wait3A_1504] : memref<1024x100000xf32, #tpu.memory_space<hbm>> -> memref<8x4096xf32, #tpu.memory_space<hbm>>
      tpu.wait_dma2 semaphore(%arg10 : memref<!tpu.dma_semaphore, #tpu.memory_space<semaphore_mem>>) src(%dma_wait3A_1505 : memref<8x4096xf32, #tpu.memory_space<hbm>>) dst(%arg5 : memref<8x4096xf32, #tpu.memory_space<vmem>>)
      %parallel_loop3A_1506 = arith.constant 0 : i32
      %parallel_loop3A_1507 = arith.constant 4096 : i32
      %parallel_loop3A_1508 = arith.constant 16 : i32
      %parallel_loop3A_1509:17 = scf.for %parallel_loop3A_1525 = %parallel_loop3A_1506 to %parallel_loop3A_1507 step %parallel_loop3A_1508 iter_args(%parallel_loop3A_1526 = %scan3A_1477, %parallel_loop3A_1527 = %scan3A_1478, %parallel_loop3A_1528 = %scan3A_1479, %parallel_loop3A_1529 = %scan3A_1480, %parallel_loop3A_1530 = %scan3A_1481, %parallel_loop3A_1531 = %scan3A_1482, %parallel_loop3A_1532 = %scan3A_1483, %parallel_loop3A_1533 = %scan3A_1484, %parallel_loop3A_1534 = %scan3A_1485, %parallel_loop3A_1535 = %scan3A_1486, %parallel_loop3A_1536 = %scan3A_1487, %parallel_loop3A_1537 = %scan3A_1488, %parallel_loop3A_1538 = %scan3A_1489, %parallel_loop3A_1539 = %scan3A_1490, %parallel_loop3A_1540 = %scan3A_1491, %parallel_loop3A_1541 = %scan3A_1492, %parallel_loop3A_1542 = %scan3A_1493) -> (vector<16xf32>, vector<16xf32>, vector<16xf32>, vector<16xf32>, vector<16xf32>, vector<16xf32>, vector<16xf32>, vector<16xf32>, vector<16xf32>, vector<16xf32>, vector<16xf32>, vector<16xf32>, vector<16xf32>, vector<16xf32>, vector<16xf32>, vector<16xf32>, vector<16xi32>)  : i32 {
        %parallel_loop3A_1543 = arith.constant 0 : i32
        %parallel_loop3A_1544 = arith.index_cast %parallel_loop3A_1543 : i32 to index
        %parallel_loop3A_1545 = arith.index_cast %parallel_loop3A_1525 : i32 to index
        %parallel_loop3A_1546 = tpu.vector_load %arg5[%parallel_loop3A_1544, %parallel_loop3A_1545] {strides = array<i32>} : memref<8x4096xf32, #tpu.memory_space<vmem>>, vector<1x16xf32>,
        %parallel_loop3A_1547 = vector.shape_cast %parallel_loop3A_1546 : vector<1x16xf32> to vector<16xf32>
        %parallel_loop3A_1548 = arith.constant 1 : i32
        %parallel_loop3A_1549 = arith.index_cast %parallel_loop3A_1548 : i32 to index
        %parallel_loop3A_1550 = arith.index_cast %parallel_loop3A_1525 : i32 to index
        %parallel_loop3A_1551 = tpu.vector_load %arg5[%parallel_loop3A_1549, %parallel_loop3A_1550] {strides = array<i32>} : memref<8x4096xf32, #tpu.memory_space<vmem>>, vector<1x16xf32>,
        %parallel_loop3A_1552 = vector.shape_cast %parallel_loop3A_1551 : vector<1x16xf32> to vector<16xf32>
        %parallel_loop3A_1553 = arith.constant 2 : i32
        %parallel_loop3A_1554 = arith.index_cast %parallel_loop3A_1553 : i32 to index
        %parallel_loop3A_1555 = arith.index_cast %parallel_loop3A_1525 : i32 to index
        %parallel_loop3A_1556 = tpu.vector_load %arg5[%parallel_loop3A_1554, %parallel_loop3A_1555] {strides = array<i32>} : memref<8x4096xf32, #tpu.memory_space<vmem>>, vector<1x16xf32>,
        %parallel_loop3A_1557 = vector.shape_cast %parallel_loop3A_1556 : vector<1x16xf32> to vector<16xf32>
        %parallel_loop3A_1558 = arith.constant 3 : i32
        %parallel_loop3A_1559 = arith.index_cast %parallel_loop3A_1558 : i32 to index
        %parallel_loop3A_1560 = arith.index_cast %parallel_loop3A_1525 : i32 to index
        %parallel_loop3A_1561 = tpu.vector_load %arg5[%parallel_loop3A_1559, %parallel_loop3A_1560] {strides = array<i32>} : memref<8x4096xf32, #tpu.memory_space<vmem>>, vector<1x16xf32>,
        %parallel_loop3A_1562 = vector.shape_cast %parallel_loop3A_1561 : vector<1x16xf32> to vector<16xf32>
        %parallel_loop3A_1563 = arith.constant 4 : i32
        %parallel_loop3A_1564 = arith.index_cast %parallel_loop3A_1563 : i32 to index
        %parallel_loop3A_1565 = arith.index_cast %parallel_loop3A_1525 : i32 to index
        %parallel_loop3A_1566 = tpu.vector_load %arg5[%parallel_loop3A_1564, %parallel_loop3A_1565] {strides = array<i32>} : memref<8x4096xf32, #tpu.memory_space<vmem>>, vector<1x16xf32>,
        %parallel_loop3A_1567 = vector.shape_cast %parallel_loop3A_1566 : vector<1x16xf32> to vector<16xf32>
        %parallel_loop3A_1568 = arith.constant 5 : i32
        %parallel_loop3A_1569 = arith.index_cast %parallel_loop3A_1568 : i32 to index
        %parallel_loop3A_1570 = arith.index_cast %parallel_loop3A_1525 : i32 to index
        %parallel_loop3A_1571 = tpu.vector_load %arg5[%parallel_loop3A_1569, %parallel_loop3A_1570] {strides = array<i32>} : memref<8x4096xf32, #tpu.memory_space<vmem>>, vector<1x16xf32>,
        %parallel_loop3A_1572 = vector.shape_cast %parallel_loop3A_1571 : vector<1x16xf32> to vector<16xf32>
        %parallel_loop3A_1573 = arith.constant 6 : i32
        %parallel_loop3A_1574 = arith.index_cast %parallel_loop3A_1573 : i32 to index
        %parallel_loop3A_1575 = arith.index_cast %parallel_loop3A_1525 : i32 to index
        %parallel_loop3A_1576 = tpu.vector_load %arg5[%parallel_loop3A_1574, %parallel_loop3A_1575] {strides = array<i32>} : memref<8x4096xf32, #tpu.memory_space<vmem>>, vector<1x16xf32>,
        %parallel_loop3A_1577 = vector.shape_cast %parallel_loop3A_1576 : vector<1x16xf32> to vector<16xf32>
        %parallel_loop3A_1578 = arith.constant 7 : i32
        %parallel_loop3A_1579 = arith.index_cast %parallel_loop3A_1578 : i32 to index
        %parallel_loop3A_1580 = arith.index_cast %parallel_loop3A_1525 : i32 to index
        %parallel_loop3A_1581 = tpu.vector_load %arg5[%parallel_loop3A_1579, %parallel_loop3A_1580] {strides = array<i32>} : memref<8x4096xf32, #tpu.memory_space<vmem>>, vector<1x16xf32>,
        %parallel_loop3A_1582 = vector.shape_cast %parallel_loop3A_1581 : vector<1x16xf32> to vector<16xf32>
        %parallel_loop3A_1583 = math.exp %parallel_loop3A_1547 : vector<16xf32>
        %parallel_loop3A_1584 = arith.addf %parallel_loop3A_1526, %parallel_loop3A_1583 : vector<16xf32>
        %parallel_loop3A_1585 = math.exp %parallel_loop3A_1552 : vector<16xf32>
        %parallel_loop3A_1586 = arith.addf %parallel_loop3A_1527, %parallel_loop3A_1585 : vector<16xf32>
        %parallel_loop3A_1587 = math.exp %parallel_loop3A_1557 : vector<16xf32>
        %parallel_loop3A_1588 = arith.addf %parallel_loop3A_1528, %parallel_loop3A_1587 : vector<16xf32>
        %parallel_loop3A_1589 = math.exp %parallel_loop3A_1562 : vector<16xf32>
        %parallel_loop3A_1590 = arith.addf %parallel_loop3A_1529, %parallel_loop3A_1589 : vector<16xf32>
        %parallel_loop3A_1591 = math.exp %parallel_loop3A_1567 : vector<16xf32>
        %parallel_loop3A_1592 = arith.addf %parallel_loop3A_1530, %parallel_loop3A_1591 : vector<16xf32>
        %parallel_loop3A_1593 = math.exp %parallel_loop3A_1572 : vector<16xf32>
        %parallel_loop3A_1594 = arith.addf %parallel_loop3A_1531, %parallel_loop3A_1593 : vector<16xf32>
        %parallel_loop3A_1595 = math.exp %parallel_loop3A_1577 : vector<16xf32>
        %parallel_loop3A_1596 = arith.addf %parallel_loop3A_1532, %parallel_loop3A_1595 : vector<16xf32>
        %parallel_loop3A_1597 = math.exp %parallel_loop3A_1582 : vector<16xf32>
        %parallel_loop3A_1598 = arith.addf %parallel_loop3A_1533, %parallel_loop3A_1597 : vector<16xf32>
        %parallel_loop3A_1599 = arith.cmpi eq, %parallel_loop3A_1542, %gather3A_371 : vector<16xi32>
        %parallel_loop3A_1600 = arith.constant 0.000000e+00 : f32
        %parallel_loop3A_1601 = vector.broadcast %parallel_loop3A_1600 : f32 to vector<16xf32>
        %parallel_loop3A_1602 = arith.select %parallel_loop3A_1599, %parallel_loop3A_1547, %parallel_loop3A_1601 : vector<16xi1>, vector<16xf32>
        %parallel_loop3A_1603 = arith.addf %parallel_loop3A_1534, %parallel_loop3A_1602 : vector<16xf32>
        %parallel_loop3A_1604 = arith.cmpi eq, %parallel_loop3A_1542, %gather3A_375 : vector<16xi32>
        %parallel_loop3A_1605 = arith.constant 0.000000e+00 : f32
        %parallel_loop3A_1606 = vector.broadcast %parallel_loop3A_1605 : f32 to vector<16xf32>
        %parallel_loop3A_1607 = arith.select %parallel_loop3A_1604, %parallel_loop3A_1552, %parallel_loop3A_1606 : vector<16xi1>, vector<16xf32>
        %parallel_loop3A_1608 = arith.addf %parallel_loop3A_1535, %parallel_loop3A_1607 : vector<16xf32>
        %parallel_loop3A_1609 = arith.cmpi eq, %parallel_loop3A_1542, %gather3A_379 : vector<16xi32>
        %parallel_loop3A_1610 = arith.constant 0.000000e+00 : f32
        %parallel_loop3A_1611 = vector.broadcast %parallel_loop3A_1610 : f32 to vector<16xf32>
        %parallel_loop3A_1612 = arith.select %parallel_loop3A_1609, %parallel_loop3A_1557, %parallel_loop3A_1611 : vector<16xi1>, vector<16xf32>
        %parallel_loop3A_1613 = arith.addf %parallel_loop3A_1536, %parallel_loop3A_1612 : vector<16xf32>
        %parallel_loop3A_1614 = arith.cmpi eq, %parallel_loop3A_1542, %gather3A_383 : vector<16xi32>
        %parallel_loop3A_1615 = arith.constant 0.000000e+00 : f32
        %parallel_loop3A_1616 = vector.broadcast %parallel_loop3A_1615 : f32 to vector<16xf32>
        %parallel_loop3A_1617 = arith.select %parallel_loop3A_1614, %parallel_loop3A_1562, %parallel_loop3A_1616 : vector<16xi1>, vector<16xf32>
        %parallel_loop3A_1618 = arith.addf %parallel_loop3A_1537, %parallel_loop3A_1617 : vector<16xf32>
        %parallel_loop3A_1619 = arith.cmpi eq, %parallel_loop3A_1542, %gather3A_387 : vector<16xi32>
        %parallel_loop3A_1620 = arith.constant 0.000000e+00 : f32
        %parallel_loop3A_1621 = vector.broadcast %parallel_loop3A_1620 : f32 to vector<16xf32>
        %parallel_loop3A_1622 = arith.select %parallel_loop3A_1619, %parallel_loop3A_1567, %parallel_loop3A_1621 : vector<16xi1>, vector<16xf32>
        %parallel_loop3A_1623 = arith.addf %parallel_loop3A_1538, %parallel_loop3A_1622 : vector<16xf32>
        %parallel_loop3A_1624 = arith.cmpi eq, %parallel_loop3A_1542, %gather3A_391 : vector<16xi32>
        %parallel_loop3A_1625 = arith.constant 0.000000e+00 : f32
        %parallel_loop3A_1626 = vector.broadcast %parallel_loop3A_1625 : f32 to vector<16xf32>
        %parallel_loop3A_1627 = arith.select %parallel_loop3A_1624, %parallel_loop3A_1572, %parallel_loop3A_1626 : vector<16xi1>, vector<16xf32>
        %parallel_loop3A_1628 = arith.addf %parallel_loop3A_1539, %parallel_loop3A_1627 : vector<16xf32>
        %parallel_loop3A_1629 = arith.cmpi eq, %parallel_loop3A_1542, %gather3A_395 : vector<16xi32>
        %parallel_loop3A_1630 = arith.constant 0.000000e+00 : f32
        %parallel_loop3A_1631 = vector.broadcast %parallel_loop3A_1630 : f32 to vector<16xf32>
        %parallel_loop3A_1632 = arith.select %parallel_loop3A_1629, %parallel_loop3A_1577, %parallel_loop3A_1631 : vector<16xi1>, vector<16xf32>
        %parallel_loop3A_1633 = arith.addf %parallel_loop3A_1540, %parallel_loop3A_1632 : vector<16xf32>
        %parallel_loop3A_1634 = arith.cmpi eq, %parallel_loop3A_1542, %gather3A_399 : vector<16xi32>
        %parallel_loop3A_1635 = arith.constant 0.000000e+00 : f32
        %parallel_loop3A_1636 = vector.broadcast %parallel_loop3A_1635 : f32 to vector<16xf32>
        %parallel_loop3A_1637 = arith.select %parallel_loop3A_1634, %parallel_loop3A_1582, %parallel_loop3A_1636 : vector<16xi1>, vector<16xf32>
        %parallel_loop3A_1638 = arith.addf %parallel_loop3A_1541, %parallel_loop3A_1637 : vector<16xf32>
        %parallel_loop3A_1639 = arith.constant 16 : i32
        %parallel_loop3A_1640 = vector.broadcast %parallel_loop3A_1639 : i32 to vector<16xi32>
        %parallel_loop3A_1641 = arith.addi %parallel_loop3A_1542, %parallel_loop3A_1640 : vector<16xi32>
        scf.yield %parallel_loop3A_1584, %parallel_loop3A_1586, %parallel_loop3A_1588, %parallel_loop3A_1590, %parallel_loop3A_1592, %parallel_loop3A_1594, %parallel_loop3A_1596, %parallel_loop3A_1598, %parallel_loop3A_1603, %parallel_loop3A_1608, %parallel_loop3A_1613, %parallel_loop3A_1618, %parallel_loop3A_1623, %parallel_loop3A_1628, %parallel_loop3A_1633, %parallel_loop3A_1638, %parallel_loop3A_1641 : vector<16xf32>, vector<16xf32>, vector<16xf32>, vector<16xf32>, vector<16xf32>, vector<16xf32>, vector<16xf32>, vector<16xf32>, vector<16xf32>, vector<16xf32>, vector<16xf32>, vector<16xf32>, vector<16xf32>, vector<16xf32>, vector<16xf32>, vector<16xf32>, vector<16xi32>
      } {sc.loop_unroll_factor = 4 : i64, sc.parallel_access}
      %add3A_1510 = arith.constant 2 : i32
      %add3A_1511 = arith.addi %mul3A_1495, %add3A_1510 : i32
      %min3A = arith.constant 23 : i32
      %min3A_1512 = arith.minsi %add3A_1511, %min3A : i32
      %mul3A_1513 = arith.constant 4096 : i32
      %mul3A_1514 = arith.muli %min3A_1512, %mul3A_1513 : i32
      %dma_start3A_1515 = tpu.memref_slice %arg2[%add3A_364, %mul3A_1514] : memref<1024x100000xf32, #tpu.memory_space<hbm>> -> memref<8x4096xf32, #tpu.memory_space<hbm>>
      %dma_start3A_1516 = tpu.memref_slice %arg2[%add3A_364, %mul3A_1514] : memref<1024x100000xf32, #tpu.memory_space<hbm>> -> memref<8x4096xf32, #tpu.memory_space<hbm>>
      tpu.enqueue_dma source(%dma_start3A_1516 : memref<8x4096xf32, #tpu.memory_space<hbm>>) target(%arg5 : memref<8x4096xf32, #tpu.memory_space<vmem>>) target_semaphore(%arg10 : memref<!tpu.dma_semaphore, #tpu.memory_space<semaphore_mem>>)
      %dma_wait3A_1517 = arith.constant 0 : i32
      %dma_wait3A_1518 = tpu.memref_slice %arg2[%add3A_364, %dma_wait3A_1517] : memref<1024x100000xf32, #tpu.memory_space<hbm>> -> memref<8x4096xf32, #tpu.memory_space<hbm>>
      %dma_wait3A_1519 = arith.constant 0 : i32
      %dma_wait3A_1520 = tpu.memref_slice %arg2[%add3A_364, %dma_wait3A_1519] : memref<1024x100000xf32, #tpu.memory_space<hbm>> -> memref<8x4096xf32, #tpu.memory_space<hbm>>
      tpu.wait_dma2 semaphore(%arg11 : memref<!tpu.dma_semaphore, #tpu.memory_space<semaphore_mem>>) src(%dma_wait3A_1520 : memref<8x4096xf32, #tpu.memory_space<hbm>>) dst(%arg6 : memref<8x4096xf32, #tpu.memory_space<vmem>>)
      %parallel_loop3A_1521 = arith.constant 0 : i32
      %parallel_loop3A_1522 = arith.constant 4096 : i32
      %parallel_loop3A_1523 = arith.constant 16 : i32
      %parallel_loop3A_1524:17 = scf.for %parallel_loop3A_1525 = %parallel_loop3A_1521 to %parallel_loop3A_1522 step %parallel_loop3A_1523 iter_args(%parallel_loop3A_1526 = %parallel_loop3A_1509#0, %parallel_loop3A_1527 = %parallel_loop3A_1509#1, %parallel_loop3A_1528 = %parallel_loop3A_1509#2, %parallel_loop3A_1529 = %parallel_loop3A_1509#3, %parallel_loop3A_1530 = %parallel_loop3A_1509#4, %parallel_loop3A_1531 = %parallel_loop3A_1509#5, %parallel_loop3A_1532 = %parallel_loop3A_1509#6, %parallel_loop3A_1533 = %parallel_loop3A_1509#7, %parallel_loop3A_1534 = %parallel_loop3A_1509#8, %parallel_loop3A_1535 = %parallel_loop3A_1509#9, %parallel_loop3A_1536 = %parallel_loop3A_1509#10, %parallel_loop3A_1537 = %parallel_loop3A_1509#11, %parallel_loop3A_1538 = %parallel_loop3A_1509#12, %parallel_loop3A_1539 = %parallel_loop3A_1509#13, %parallel_loop3A_1540 = %parallel_loop3A_1509#14, %parallel_loop3A_1541 = %parallel_loop3A_1509#15, %parallel_loop3A_1542 = %parallel_loop3A_1509#16) -> (vector<16xf32>, vector<16xf32>, vector<16xf32>, vector<16xf32>, vector<16xf32>, vector<16xf32>, vector<16xf32>, vector<16xf32>, vector<16xf32>, vector<16xf32>, vector<16xf32>, vector<16xf32>, vector<16xf32>, vector<16xf32>, vector<16xf32>, vector<16xf32>, vector<16xi32>)  : i32 {
        %parallel_loop3A_1543 = arith.constant 0 : i32
        %parallel_loop3A_1544 = arith.index_cast %parallel_loop3A_1543 : i32 to index
        %parallel_loop3A_1545 = arith.index_cast %parallel_loop3A_1525 : i32 to index
        %parallel_loop3A_1546 = tpu.vector_load %arg6[%parallel_loop3A_1544, %parallel_loop3A_1545] {strides = array<i32>} : memref<8x4096xf32, #tpu.memory_space<vmem>>, vector<1x16xf32>,
        %parallel_loop3A_1547 = vector.shape_cast %parallel_loop3A_1546 : vector<1x16xf32> to vector<16xf32>
        %parallel_loop3A_1548 = arith.constant 1 : i32
        %parallel_loop3A_1549 = arith.index_cast %parallel_loop3A_1548 : i32 to index
        %parallel_loop3A_1550 = arith.index_cast %parallel_loop3A_1525 : i32 to index
        %parallel_loop3A_1551 = tpu.vector_load %arg6[%parallel_loop3A_1549, %parallel_loop3A_1550] {strides = array<i32>} : memref<8x4096xf32, #tpu.memory_space<vmem>>, vector<1x16xf32>,
        %parallel_loop3A_1552 = vector.shape_cast %parallel_loop3A_1551 : vector<1x16xf32> to vector<16xf32>
        %parallel_loop3A_1553 = arith.constant 2 : i32
        %parallel_loop3A_1554 = arith.index_cast %parallel_loop3A_1553 : i32 to index
        %parallel_loop3A_1555 = arith.index_cast %parallel_loop3A_1525 : i32 to index
        %parallel_loop3A_1556 = tpu.vector_load %arg6[%parallel_loop3A_1554, %parallel_loop3A_1555] {strides = array<i32>} : memref<8x4096xf32, #tpu.memory_space<vmem>>, vector<1x16xf32>,
        %parallel_loop3A_1557 = vector.shape_cast %parallel_loop3A_1556 : vector<1x16xf32> to vector<16xf32>
        %parallel_loop3A_1558 = arith.constant 3 : i32
        %parallel_loop3A_1559 = arith.index_cast %parallel_loop3A_1558 : i32 to index
        %parallel_loop3A_1560 = arith.index_cast %parallel_loop3A_1525 : i32 to index
        %parallel_loop3A_1561 = tpu.vector_load %arg6[%parallel_loop3A_1559, %parallel_loop3A_1560] {strides = array<i32>} : memref<8x4096xf32, #tpu.memory_space<vmem>>, vector<1x16xf32>,
        %parallel_loop3A_1562 = vector.shape_cast %parallel_loop3A_1561 : vector<1x16xf32> to vector<16xf32>
        %parallel_loop3A_1563 = arith.constant 4 : i32
        %parallel_loop3A_1564 = arith.index_cast %parallel_loop3A_1563 : i32 to index
        %parallel_loop3A_1565 = arith.index_cast %parallel_loop3A_1525 : i32 to index
        %parallel_loop3A_1566 = tpu.vector_load %arg6[%parallel_loop3A_1564, %parallel_loop3A_1565] {strides = array<i32>} : memref<8x4096xf32, #tpu.memory_space<vmem>>, vector<1x16xf32>,
        %parallel_loop3A_1567 = vector.shape_cast %parallel_loop3A_1566 : vector<1x16xf32> to vector<16xf32>
        %parallel_loop3A_1568 = arith.constant 5 : i32
        %parallel_loop3A_1569 = arith.index_cast %parallel_loop3A_1568 : i32 to index
        %parallel_loop3A_1570 = arith.index_cast %parallel_loop3A_1525 : i32 to index
        %parallel_loop3A_1571 = tpu.vector_load %arg6[%parallel_loop3A_1569, %parallel_loop3A_1570] {strides = array<i32>} : memref<8x4096xf32, #tpu.memory_space<vmem>>, vector<1x16xf32>,
        %parallel_loop3A_1572 = vector.shape_cast %parallel_loop3A_1571 : vector<1x16xf32> to vector<16xf32>
        %parallel_loop3A_1573 = arith.constant 6 : i32
        %parallel_loop3A_1574 = arith.index_cast %parallel_loop3A_1573 : i32 to index
        %parallel_loop3A_1575 = arith.index_cast %parallel_loop3A_1525 : i32 to index
        %parallel_loop3A_1576 = tpu.vector_load %arg6[%parallel_loop3A_1574, %parallel_loop3A_1575] {strides = array<i32>} : memref<8x4096xf32, #tpu.memory_space<vmem>>, vector<1x16xf32>,
        %parallel_loop3A_1577 = vector.shape_cast %parallel_loop3A_1576 : vector<1x16xf32> to vector<16xf32>
        %parallel_loop3A_1578 = arith.constant 7 : i32
        %parallel_loop3A_1579 = arith.index_cast %parallel_loop3A_1578 : i32 to index
        %parallel_loop3A_1580 = arith.index_cast %parallel_loop3A_1525 : i32 to index
        %parallel_loop3A_1581 = tpu.vector_load %arg6[%parallel_loop3A_1579, %parallel_loop3A_1580] {strides = array<i32>} : memref<8x4096xf32, #tpu.memory_space<vmem>>, vector<1x16xf32>,
        %parallel_loop3A_1582 = vector.shape_cast %parallel_loop3A_1581 : vector<1x16xf32> to vector<16xf32>
        %parallel_loop3A_1583 = math.exp %parallel_loop3A_1547 : vector<16xf32>
        %parallel_loop3A_1584 = arith.addf %parallel_loop3A_1526, %parallel_loop3A_1583 : vector<16xf32>
        %parallel_loop3A_1585 = math.exp %parallel_loop3A_1552 : vector<16xf32>
        %parallel_loop3A_1586 = arith.addf %parallel_loop3A_1527, %parallel_loop3A_1585 : vector<16xf32>
        %parallel_loop3A_1587 = math.exp %parallel_loop3A_1557 : vector<16xf32>
        %parallel_loop3A_1588 = arith.addf %parallel_loop3A_1528, %parallel_loop3A_1587 : vector<16xf32>
        %parallel_loop3A_1589 = math.exp %parallel_loop3A_1562 : vector<16xf32>
        %parallel_loop3A_1590 = arith.addf %parallel_loop3A_1529, %parallel_loop3A_1589 : vector<16xf32>
        %parallel_loop3A_1591 = math.exp %parallel_loop3A_1567 : vector<16xf32>
        %parallel_loop3A_1592 = arith.addf %parallel_loop3A_1530, %parallel_loop3A_1591 : vector<16xf32>
        %parallel_loop3A_1593 = math.exp %parallel_loop3A_1572 : vector<16xf32>
        %parallel_loop3A_1594 = arith.addf %parallel_loop3A_1531, %parallel_loop3A_1593 : vector<16xf32>
        %parallel_loop3A_1595 = math.exp %parallel_loop3A_1577 : vector<16xf32>
        %parallel_loop3A_1596 = arith.addf %parallel_loop3A_1532, %parallel_loop3A_1595 : vector<16xf32>
        %parallel_loop3A_1597 = math.exp %parallel_loop3A_1582 : vector<16xf32>
        %parallel_loop3A_1598 = arith.addf %parallel_loop3A_1533, %parallel_loop3A_1597 : vector<16xf32>
        %parallel_loop3A_1599 = arith.cmpi eq, %parallel_loop3A_1542, %gather3A_371 : vector<16xi32>
        %parallel_loop3A_1600 = arith.constant 0.000000e+00 : f32
        %parallel_loop3A_1601 = vector.broadcast %parallel_loop3A_1600 : f32 to vector<16xf32>
        %parallel_loop3A_1602 = arith.select %parallel_loop3A_1599, %parallel_loop3A_1547, %parallel_loop3A_1601 : vector<16xi1>, vector<16xf32>
        %parallel_loop3A_1603 = arith.addf %parallel_loop3A_1534, %parallel_loop3A_1602 : vector<16xf32>
        %parallel_loop3A_1604 = arith.cmpi eq, %parallel_loop3A_1542, %gather3A_375 : vector<16xi32>
        %parallel_loop3A_1605 = arith.constant 0.000000e+00 : f32
        %parallel_loop3A_1606 = vector.broadcast %parallel_loop3A_1605 : f32 to vector<16xf32>
        %parallel_loop3A_1607 = arith.select %parallel_loop3A_1604, %parallel_loop3A_1552, %parallel_loop3A_1606 : vector<16xi1>, vector<16xf32>
        %parallel_loop3A_1608 = arith.addf %parallel_loop3A_1535, %parallel_loop3A_1607 : vector<16xf32>
        %parallel_loop3A_1609 = arith.cmpi eq, %parallel_loop3A_1542, %gather3A_379 : vector<16xi32>
        %parallel_loop3A_1610 = arith.constant 0.000000e+00 : f32
        %parallel_loop3A_1611 = vector.broadcast %parallel_loop3A_1610 : f32 to vector<16xf32>
        %parallel_loop3A_1612 = arith.select %parallel_loop3A_1609, %parallel_loop3A_1557, %parallel_loop3A_1611 : vector<16xi1>, vector<16xf32>
        %parallel_loop3A_1613 = arith.addf %parallel_loop3A_1536, %parallel_loop3A_1612 : vector<16xf32>
        %parallel_loop3A_1614 = arith.cmpi eq, %parallel_loop3A_1542, %gather3A_383 : vector<16xi32>
        %parallel_loop3A_1615 = arith.constant 0.000000e+00 : f32
        %parallel_loop3A_1616 = vector.broadcast %parallel_loop3A_1615 : f32 to vector<16xf32>
        %parallel_loop3A_1617 = arith.select %parallel_loop3A_1614, %parallel_loop3A_1562, %parallel_loop3A_1616 : vector<16xi1>, vector<16xf32>
        %parallel_loop3A_1618 = arith.addf %parallel_loop3A_1537, %parallel_loop3A_1617 : vector<16xf32>
        %parallel_loop3A_1619 = arith.cmpi eq, %parallel_loop3A_1542, %gather3A_387 : vector<16xi32>
        %parallel_loop3A_1620 = arith.constant 0.000000e+00 : f32
        %parallel_loop3A_1621 = vector.broadcast %parallel_loop3A_1620 : f32 to vector<16xf32>
        %parallel_loop3A_1622 = arith.select %parallel_loop3A_1619, %parallel_loop3A_1567, %parallel_loop3A_1621 : vector<16xi1>, vector<16xf32>
        %parallel_loop3A_1623 = arith.addf %parallel_loop3A_1538, %parallel_loop3A_1622 : vector<16xf32>
        %parallel_loop3A_1624 = arith.cmpi eq, %parallel_loop3A_1542, %gather3A_391 : vector<16xi32>
        %parallel_loop3A_1625 = arith.constant 0.000000e+00 : f32
        %parallel_loop3A_1626 = vector.broadcast %parallel_loop3A_1625 : f32 to vector<16xf32>
        %parallel_loop3A_1627 = arith.select %parallel_loop3A_1624, %parallel_loop3A_1572, %parallel_loop3A_1626 : vector<16xi1>, vector<16xf32>
        %parallel_loop3A_1628 = arith.addf %parallel_loop3A_1539, %parallel_loop3A_1627 : vector<16xf32>
        %parallel_loop3A_1629 = arith.cmpi eq, %parallel_loop3A_1542, %gather3A_395 : vector<16xi32>
        %parallel_loop3A_1630 = arith.constant 0.000000e+00 : f32
        %parallel_loop3A_1631 = vector.broadcast %parallel_loop3A_1630 : f32 to vector<16xf32>
        %parallel_loop3A_1632 = arith.select %parallel_loop3A_1629, %parallel_loop3A_1577, %parallel_loop3A_1631 : vector<16xi1>, vector<16xf32>
        %parallel_loop3A_1633 = arith.addf %parallel_loop3A_1540, %parallel_loop3A_1632 : vector<16xf32>
        %parallel_loop3A_1634 = arith.cmpi eq, %parallel_loop3A_1542, %gather3A_399 : vector<16xi32>
        %parallel_loop3A_1635 = arith.constant 0.000000e+00 : f32
        %parallel_loop3A_1636 = vector.broadcast %parallel_loop3A_1635 : f32 to vector<16xf32>
        %parallel_loop3A_1637 = arith.select %parallel_loop3A_1634, %parallel_loop3A_1582, %parallel_loop3A_1636 : vector<16xi1>, vector<16xf32>
        %parallel_loop3A_1638 = arith.addf %parallel_loop3A_1541, %parallel_loop3A_1637 : vector<16xf32>
        %parallel_loop3A_1639 = arith.constant 16 : i32
        %parallel_loop3A_1640 = vector.broadcast %parallel_loop3A_1639 : i32 to vector<16xi32>
        %parallel_loop3A_1641 = arith.addi %parallel_loop3A_1542, %parallel_loop3A_1640 : vector<16xi32>
        scf.yield %parallel_loop3A_1584, %parallel_loop3A_1586, %parallel_loop3A_1588, %parallel_loop3A_1590, %parallel_loop3A_1592, %parallel_loop3A_1594, %parallel_loop3A_1596, %parallel_loop3A_1598, %parallel_loop3A_1603, %parallel_loop3A_1608, %parallel_loop3A_1613, %parallel_loop3A_1618, %parallel_loop3A_1623, %parallel_loop3A_1628, %parallel_loop3A_1633, %parallel_loop3A_1638, %parallel_loop3A_1641 : vector<16xf32>, vector<16xf32>, vector<16xf32>, vector<16xf32>, vector<16xf32>, vector<16xf32>, vector<16xf32>, vector<16xf32>, vector<16xf32>, vector<16xf32>, vector<16xf32>, vector<16xf32>, vector<16xf32>, vector<16xf32>, vector<16xf32>, vector<16xf32>, vector<16xi32>
      } {sc.loop_unroll_factor = 4 : i64, sc.parallel_access}
      scf.yield %parallel_loop3A_1524#0, %parallel_loop3A_1524#1, %parallel_loop3A_1524#2, %parallel_loop3A_1524#3, %parallel_loop3A_1524#4, %parallel_loop3A_1524#5, %parallel_loop3A_1524#6, %parallel_loop3A_1524#7, %parallel_loop3A_1524#8, %parallel_loop3A_1524#9, %parallel_loop3A_1524#10, %parallel_loop3A_1524#11, %parallel_loop3A_1524#12, %parallel_loop3A_1524#13, %parallel_loop3A_1524#14, %parallel_loop3A_1524#15, %parallel_loop3A_1524#16 : vector<16xf32>, vector<16xf32>, vector<16xf32>, vector<16xf32>, vector<16xf32>, vector<16xf32>, vector<16xf32>, vector<16xf32>, vector<16xf32>, vector<16xf32>, vector<16xf32>, vector<16xf32>, vector<16xf32>, vector<16xf32>, vector<16xf32>, vector<16xf32>, vector<16xi32>
    }
    %scan3A_441 = arith.constant 12 : i32
    %dma_wait3A_442 = arith.constant 0 : i32
    %dma_wait3A_443 = tpu.memref_slice %arg2[%add3A_364, %dma_wait3A_442] : memref<1024x100000xf32, #tpu.memory_space<hbm>> -> memref<8x4096xf32, #tpu.memory_space<hbm>>
    %dma_wait3A_444 = arith.constant 0 : i32
    %dma_wait3A_445 = tpu.memref_slice %arg2[%add3A_364, %dma_wait3A_444] : memref<1024x100000xf32, #tpu.memory_space<hbm>> -> memref<8x4096xf32, #tpu.memory_space<hbm>>
    tpu.wait_dma2 semaphore(%arg10 : memref<!tpu.dma_semaphore, #tpu.memory_space<semaphore_mem>>) src(%dma_wait3A_445 : memref<8x4096xf32, #tpu.memory_space<hbm>>) dst(%arg5 : memref<8x4096xf32, #tpu.memory_space<vmem>>)
    "tpu.region"() ({
      %run_scoped3A = tpu.sem_alloc : memref<!tpu.dma_semaphore, #tpu.memory_space<semaphore_mem>>
      %dma_start3A_1476 = arith.constant 98304 : i32
      %dma_start3A_1477 = tpu.memref_slice %arg2[%add3A_364, %dma_start3A_1476] : memref<1024x100000xf32, #tpu.memory_space<hbm>> -> memref<8x1696xf32, #tpu.memory_space<hbm>>
      %dma_start3A_1478 = arith.constant 98304 : i32
      %dma_start3A_1479 = tpu.memref_slice %arg2[%add3A_364, %dma_start3A_1478] : memref<1024x100000xf32, #tpu.memory_space<hbm>> -> memref<8x1696xf32, #tpu.memory_space<hbm>>
      tpu.enqueue_dma source(%dma_start3A_1479 : memref<8x1696xf32, #tpu.memory_space<hbm>>) target(%arg7 : memref<8x1696xf32, #tpu.memory_space<vmem>>) target_semaphore(%run_scoped3A : memref<!tpu.dma_semaphore, #tpu.memory_space<semaphore_mem>>)
      %dma_wait3A_1480 = arith.constant 98304 : i32
      %dma_wait3A_1481 = tpu.memref_slice %arg2[%add3A_364, %dma_wait3A_1480] : memref<1024x100000xf32, #tpu.memory_space<hbm>> -> memref<8x1696xf32, #tpu.memory_space<hbm>>
      %dma_wait3A_1482 = arith.constant 98304 : i32
      %dma_wait3A_1483 = tpu.memref_slice %arg2[%add3A_364, %dma_wait3A_1482] : memref<1024x100000xf32, #tpu.memory_space<hbm>> -> memref<8x1696xf32, #tpu.memory_space<hbm>>
      tpu.wait_dma2 semaphore(%run_scoped3A : memref<!tpu.dma_semaphore, #tpu.memory_space<semaphore_mem>>) src(%dma_wait3A_1483 : memref<8x1696xf32, #tpu.memory_space<hbm>>) dst(%arg7 : memref<8x1696xf32, #tpu.memory_space<vmem>>)
      tpu.yield
    }) : () -> ()
    %parallel_loop3A_446 = arith.constant 0 : i32
    %parallel_loop3A_447 = arith.constant 1696 : i32
    %parallel_loop3A_448 = arith.constant 16 : i32
    %parallel_loop3A_449:17 = scf.for %parallel_loop3A_1476 = %parallel_loop3A_446 to %parallel_loop3A_447 step %parallel_loop3A_448 iter_args(%parallel_loop3A_1477 = %scan3A_440#0, %parallel_loop3A_1478 = %scan3A_440#1, %parallel_loop3A_1479 = %scan3A_440#2, %parallel_loop3A_1480 = %scan3A_440#3, %parallel_loop3A_1481 = %scan3A_440#4, %parallel_loop3A_1482 = %scan3A_440#5, %parallel_loop3A_1483 = %scan3A_440#6, %parallel_loop3A_1484 = %scan3A_440#7, %parallel_loop3A_1485 = %scan3A_440#8, %parallel_loop3A_1486 = %scan3A_440#9, %parallel_loop3A_1487 = %scan3A_440#10, %parallel_loop3A_1488 = %scan3A_440#11, %parallel_loop3A_1489 = %scan3A_440#12, %parallel_loop3A_1490 = %scan3A_440#13, %parallel_loop3A_1491 = %scan3A_440#14, %parallel_loop3A_1492 = %scan3A_440#15, %parallel_loop3A_1493 = %scan3A_440#16) -> (vector<16xf32>, vector<16xf32>, vector<16xf32>, vector<16xf32>, vector<16xf32>, vector<16xf32>, vector<16xf32>, vector<16xf32>, vector<16xf32>, vector<16xf32>, vector<16xf32>, vector<16xf32>, vector<16xf32>, vector<16xf32>, vector<16xf32>, vector<16xf32>, vector<16xi32>)  : i32 {
      %parallel_loop3A_1494 = arith.constant 0 : i32
      %parallel_loop3A_1495 = arith.index_cast %parallel_loop3A_1494 : i32 to index
      %parallel_loop3A_1496 = arith.index_cast %parallel_loop3A_1476 : i32 to index
      %parallel_loop3A_1497 = tpu.vector_load %arg7[%parallel_loop3A_1495, %parallel_loop3A_1496] {strides = array<i32>} : memref<8x1696xf32, #tpu.memory_space<vmem>>, vector<1x16xf32>,
      %parallel_loop3A_1498 = vector.shape_cast %parallel_loop3A_1497 : vector<1x16xf32> to vector<16xf32>
      %parallel_loop3A_1499 = arith.constant 1 : i32
      %parallel_loop3A_1500 = arith.index_cast %parallel_loop3A_1499 : i32 to index
      %parallel_loop3A_1501 = arith.index_cast %parallel_loop3A_1476 : i32 to index
      %parallel_loop3A_1502 = tpu.vector_load %arg7[%parallel_loop3A_1500, %parallel_loop3A_1501] {strides = array<i32>} : memref<8x1696xf32, #tpu.memory_space<vmem>>, vector<1x16xf32>,
      %parallel_loop3A_1503 = vector.shape_cast %parallel_loop3A_1502 : vector<1x16xf32> to vector<16xf32>
      %parallel_loop3A_1504 = arith.constant 2 : i32
      %parallel_loop3A_1505 = arith.index_cast %parallel_loop3A_1504 : i32 to index
      %parallel_loop3A_1506 = arith.index_cast %parallel_loop3A_1476 : i32 to index
      %parallel_loop3A_1507 = tpu.vector_load %arg7[%parallel_loop3A_1505, %parallel_loop3A_1506] {strides = array<i32>} : memref<8x1696xf32, #tpu.memory_space<vmem>>, vector<1x16xf32>,
      %parallel_loop3A_1508 = vector.shape_cast %parallel_loop3A_1507 : vector<1x16xf32> to vector<16xf32>
      %parallel_loop3A_1509 = arith.constant 3 : i32
      %parallel_loop3A_1510 = arith.index_cast %parallel_loop3A_1509 : i32 to index
      %parallel_loop3A_1511 = arith.index_cast %parallel_loop3A_1476 : i32 to index
      %parallel_loop3A_1512 = tpu.vector_load %arg7[%parallel_loop3A_1510, %parallel_loop3A_1511] {strides = array<i32>} : memref<8x1696xf32, #tpu.memory_space<vmem>>, vector<1x16xf32>,
      %parallel_loop3A_1513 = vector.shape_cast %parallel_loop3A_1512 : vector<1x16xf32> to vector<16xf32>
      %parallel_loop3A_1514 = arith.constant 4 : i32
      %parallel_loop3A_1515 = arith.index_cast %parallel_loop3A_1514 : i32 to index
      %parallel_loop3A_1516 = arith.index_cast %parallel_loop3A_1476 : i32 to index
      %parallel_loop3A_1517 = tpu.vector_load %arg7[%parallel_loop3A_1515, %parallel_loop3A_1516] {strides = array<i32>} : memref<8x1696xf32, #tpu.memory_space<vmem>>, vector<1x16xf32>,
      %parallel_loop3A_1518 = vector.shape_cast %parallel_loop3A_1517 : vector<1x16xf32> to vector<16xf32>
      %parallel_loop3A_1519 = arith.constant 5 : i32
      %parallel_loop3A_1520 = arith.index_cast %parallel_loop3A_1519 : i32 to index
      %parallel_loop3A_1521 = arith.index_cast %parallel_loop3A_1476 : i32 to index
      %parallel_loop3A_1522 = tpu.vector_load %arg7[%parallel_loop3A_1520, %parallel_loop3A_1521] {strides = array<i32>} : memref<8x1696xf32, #tpu.memory_space<vmem>>, vector<1x16xf32>,
      %parallel_loop3A_1523 = vector.shape_cast %parallel_loop3A_1522 : vector<1x16xf32> to vector<16xf32>
      %parallel_loop3A_1524 = arith.constant 6 : i32
      %parallel_loop3A_1525 = arith.index_cast %parallel_loop3A_1524 : i32 to index
      %parallel_loop3A_1526 = arith.index_cast %parallel_loop3A_1476 : i32 to index
      %parallel_loop3A_1527 = tpu.vector_load %arg7[%parallel_loop3A_1525, %parallel_loop3A_1526] {strides = array<i32>} : memref<8x1696xf32, #tpu.memory_space<vmem>>, vector<1x16xf32>,
      %parallel_loop3A_1528 = vector.shape_cast %parallel_loop3A_1527 : vector<1x16xf32> to vector<16xf32>
      %parallel_loop3A_1529 = arith.constant 7 : i32
      %parallel_loop3A_1530 = arith.index_cast %parallel_loop3A_1529 : i32 to index
      %parallel_loop3A_1531 = arith.index_cast %parallel_loop3A_1476 : i32 to index
      %parallel_loop3A_1532 = tpu.vector_load %arg7[%parallel_loop3A_1530, %parallel_loop3A_1531] {strides = array<i32>} : memref<8x1696xf32, #tpu.memory_space<vmem>>, vector<1x16xf32>,
      %parallel_loop3A_1533 = vector.shape_cast %parallel_loop3A_1532 : vector<1x16xf32> to vector<16xf32>
      %parallel_loop3A_1534 = math.exp %parallel_loop3A_1498 : vector<16xf32>
      %parallel_loop3A_1535 = arith.addf %parallel_loop3A_1477, %parallel_loop3A_1534 : vector<16xf32>
      %parallel_loop3A_1536 = math.exp %parallel_loop3A_1503 : vector<16xf32>
      %parallel_loop3A_1537 = arith.addf %parallel_loop3A_1478, %parallel_loop3A_1536 : vector<16xf32>
      %parallel_loop3A_1538 = math.exp %parallel_loop3A_1508 : vector<16xf32>
      %parallel_loop3A_1539 = arith.addf %parallel_loop3A_1479, %parallel_loop3A_1538 : vector<16xf32>
      %parallel_loop3A_1540 = math.exp %parallel_loop3A_1513 : vector<16xf32>
      %parallel_loop3A_1541 = arith.addf %parallel_loop3A_1480, %parallel_loop3A_1540 : vector<16xf32>
      %parallel_loop3A_1542 = math.exp %parallel_loop3A_1518 : vector<16xf32>
      %parallel_loop3A_1543 = arith.addf %parallel_loop3A_1481, %parallel_loop3A_1542 : vector<16xf32>
      %parallel_loop3A_1544 = math.exp %parallel_loop3A_1523 : vector<16xf32>
      %parallel_loop3A_1545 = arith.addf %parallel_loop3A_1482, %parallel_loop3A_1544 : vector<16xf32>
      %parallel_loop3A_1546 = math.exp %parallel_loop3A_1528 : vector<16xf32>
      %parallel_loop3A_1547 = arith.addf %parallel_loop3A_1483, %parallel_loop3A_1546 : vector<16xf32>
      %parallel_loop3A_1548 = math.exp %parallel_loop3A_1533 : vector<16xf32>
      %parallel_loop3A_1549 = arith.addf %parallel_loop3A_1484, %parallel_loop3A_1548 : vector<16xf32>
      %parallel_loop3A_1550 = arith.cmpi eq, %parallel_loop3A_1493, %gather3A_371 : vector<16xi32>
      %parallel_loop3A_1551 = arith.constant 0.000000e+00 : f32
      %parallel_loop3A_1552 = vector.broadcast %parallel_loop3A_1551 : f32 to vector<16xf32>
      %parallel_loop3A_1553 = arith.select %parallel_loop3A_1550, %parallel_loop3A_1498, %parallel_loop3A_1552 : vector<16xi1>, vector<16xf32>
      %parallel_loop3A_1554 = arith.addf %parallel_loop3A_1485, %parallel_loop3A_1553 : vector<16xf32>
      %parallel_loop3A_1555 = arith.cmpi eq, %parallel_loop3A_1493, %gather3A_375 : vector<16xi32>
      %parallel_loop3A_1556 = arith.constant 0.000000e+00 : f32
      %parallel_loop3A_1557 = vector.broadcast %parallel_loop3A_1556 : f32 to vector<16xf32>
      %parallel_loop3A_1558 = arith.select %parallel_loop3A_1555, %parallel_loop3A_1503, %parallel_loop3A_1557 : vector<16xi1>, vector<16xf32>
      %parallel_loop3A_1559 = arith.addf %parallel_loop3A_1486, %parallel_loop3A_1558 : vector<16xf32>
      %parallel_loop3A_1560 = arith.cmpi eq, %parallel_loop3A_1493, %gather3A_379 : vector<16xi32>
      %parallel_loop3A_1561 = arith.constant 0.000000e+00 : f32
      %parallel_loop3A_1562 = vector.broadcast %parallel_loop3A_1561 : f32 to vector<16xf32>
      %parallel_loop3A_1563 = arith.select %parallel_loop3A_1560, %parallel_loop3A_1508, %parallel_loop3A_1562 : vector<16xi1>, vector<16xf32>
      %parallel_loop3A_1564 = arith.addf %parallel_loop3A_1487, %parallel_loop3A_1563 : vector<16xf32>
      %parallel_loop3A_1565 = arith.cmpi eq, %parallel_loop3A_1493, %gather3A_383 : vector<16xi32>
      %parallel_loop3A_1566 = arith.constant 0.000000e+00 : f32
      %parallel_loop3A_1567 = vector.broadcast %parallel_loop3A_1566 : f32 to vector<16xf32>
      %parallel_loop3A_1568 = arith.select %parallel_loop3A_1565, %parallel_loop3A_1513, %parallel_loop3A_1567 : vector<16xi1>, vector<16xf32>
      %parallel_loop3A_1569 = arith.addf %parallel_loop3A_1488, %parallel_loop3A_1568 : vector<16xf32>
      %parallel_loop3A_1570 = arith.cmpi eq, %parallel_loop3A_1493, %gather3A_387 : vector<16xi32>
      %parallel_loop3A_1571 = arith.constant 0.000000e+00 : f32
      %parallel_loop3A_1572 = vector.broadcast %parallel_loop3A_1571 : f32 to vector<16xf32>
      %parallel_loop3A_1573 = arith.select %parallel_loop3A_1570, %parallel_loop3A_1518, %parallel_loop3A_1572 : vector<16xi1>, vector<16xf32>
      %parallel_loop3A_1574 = arith.addf %parallel_loop3A_1489, %parallel_loop3A_1573 : vector<16xf32>
      %parallel_loop3A_1575 = arith.cmpi eq, %parallel_loop3A_1493, %gather3A_391 : vector<16xi32>
      %parallel_loop3A_1576 = arith.constant 0.000000e+00 : f32
      %parallel_loop3A_1577 = vector.broadcast %parallel_loop3A_1576 : f32 to vector<16xf32>
      %parallel_loop3A_1578 = arith.select %parallel_loop3A_1575, %parallel_loop3A_1523, %parallel_loop3A_1577 : vector<16xi1>, vector<16xf32>
      %parallel_loop3A_1579 = arith.addf %parallel_loop3A_1490, %parallel_loop3A_1578 : vector<16xf32>
      %parallel_loop3A_1580 = arith.cmpi eq, %parallel_loop3A_1493, %gather3A_395 : vector<16xi32>
      %parallel_loop3A_1581 = arith.constant 0.000000e+00 : f32
      %parallel_loop3A_1582 = vector.broadcast %parallel_loop3A_1581 : f32 to vector<16xf32>
      %parallel_loop3A_1583 = arith.select %parallel_loop3A_1580, %parallel_loop3A_1528, %parallel_loop3A_1582 : vector<16xi1>, vector<16xf32>
      %parallel_loop3A_1584 = arith.addf %parallel_loop3A_1491, %parallel_loop3A_1583 : vector<16xf32>
      %parallel_loop3A_1585 = arith.cmpi eq, %parallel_loop3A_1493, %gather3A_399 : vector<16xi32>
      %parallel_loop3A_1586 = arith.constant 0.000000e+00 : f32
      %parallel_loop3A_1587 = vector.broadcast %parallel_loop3A_1586 : f32 to vector<16xf32>
      %parallel_loop3A_1588 = arith.select %parallel_loop3A_1585, %parallel_loop3A_1533, %parallel_loop3A_1587 : vector<16xi1>, vector<16xf32>
      %parallel_loop3A_1589 = arith.addf %parallel_loop3A_1492, %parallel_loop3A_1588 : vector<16xf32>
      %parallel_loop3A_1590 = arith.constant 16 : i32
      %parallel_loop3A_1591 = vector.broadcast %parallel_loop3A_1590 : i32 to vector<16xi32>
      %parallel_loop3A_1592 = arith.addi %parallel_loop3A_1493, %parallel_loop3A_1591 : vector<16xi32>
      scf.yield %parallel_loop3A_1535, %parallel_loop3A_1537, %parallel_loop3A_1539, %parallel_loop3A_1541, %parallel_loop3A_1543, %parallel_loop3A_1545, %parallel_loop3A_1547, %parallel_loop3A_1549, %parallel_loop3A_1554, %parallel_loop3A_1559, %parallel_loop3A_1564, %parallel_loop3A_1569, %parallel_loop3A_1574, %parallel_loop3A_1579, %parallel_loop3A_1584, %parallel_loop3A_1589, %parallel_loop3A_1592 : vector<16xf32>, vector<16xf32>, vector<16xf32>, vector<16xf32>, vector<16xf32>, vector<16xf32>, vector<16xf32>, vector<16xf32>, vector<16xf32>, vector<16xf32>, vector<16xf32>, vector<16xf32>, vector<16xf32>, vector<16xf32>, vector<16xf32>, vector<16xf32>, vector<16xi32>
    } {sc.loop_unroll_factor = 4 : i64, sc.parallel_access}
    %xor3A_450 = arith.constant 8 : i32
    %xor3A_451 = vector.broadcast %xor3A_450 : i32 to vector<16xi32>
    %xor3A_452 = arith.xori %iota3A, %xor3A_451 : vector<16xi32>
    %broadcast_in_dim3A_453 = vector.shape_cast %xor3A_452 : vector<16xi32> to vector<16x1xi32>
    %xor3A_454 = arith.constant 4 : i32
    %xor3A_455 = vector.broadcast %xor3A_454 : i32 to vector<16xi32>
    %xor3A_456 = arith.xori %iota3A, %xor3A_455 : vector<16xi32>
    %broadcast_in_dim3A_457 = vector.shape_cast %xor3A_456 : vector<16xi32> to vector<16x1xi32>
    %xor3A_458 = arith.constant 2 : i32
    %xor3A_459 = vector.broadcast %xor3A_458 : i32 to vector<16xi32>
    %xor3A_460 = arith.xori %iota3A, %xor3A_459 : vector<16xi32>
    %broadcast_in_dim3A_461 = vector.shape_cast %xor3A_460 : vector<16xi32> to vector<16x1xi32>
    %xor3A_462 = arith.constant 1 : i32
    %xor3A_463 = vector.broadcast %xor3A_462 : i32 to vector<16xi32>
    %xor3A_464 = arith.xori %iota3A, %xor3A_463 : vector<16xi32>
    %broadcast_in_dim3A_465 = vector.shape_cast %xor3A_464 : vector<16xi32> to vector<16x1xi32>
    %broadcast_in_dim3A_466 = arith.constant 0.000000e+00 : f32
    %broadcast_in_dim3A_467 = vector.broadcast %broadcast_in_dim3A_466 : f32 to vector<16xf32>
    %broadcast_in_dim3A_468 = arith.constant 0.000000e+00 : f32
    %broadcast_in_dim3A_469 = vector.broadcast %broadcast_in_dim3A_468 : f32 to vector<16xf32>
    %eq3A_470 = arith.constant 0 : i32
    %eq3A_471 = vector.broadcast %eq3A_470 : i32 to vector<16xi32>
    %eq3A_472 = arith.cmpi eq, %iota3A, %eq3A_471 : vector<16xi32>
    %gather3A_473 = vector.shape_cast %broadcast_in_dim3A_453 : vector<16x1xi32> to vector<16xi32>
    %gather3A_474 = tpu.dynamic_gather %parallel_loop3A_449#0[%gather3A_473] in [0] : vector<16xf32>, vector<16xi32> -> vector<16xf32>
    %add3A_475 = arith.addf %parallel_loop3A_449#0, %gather3A_474 : vector<16xf32>
    %gather3A_476 = vector.shape_cast %broadcast_in_dim3A_457 : vector<16x1xi32> to vector<16xi32>
    %gather3A_477 = tpu.dynamic_gather %add3A_475[%gather3A_476] in [0] : vector<16xf32>, vector<16xi32> -> vector<16xf32>
    %add3A_478 = arith.addf %add3A_475, %gather3A_477 : vector<16xf32>
    %gather3A_479 = vector.shape_cast %broadcast_in_dim3A_461 : vector<16x1xi32> to vector<16xi32>
    %gather3A_480 = tpu.dynamic_gather %add3A_478[%gather3A_479] in [0] : vector<16xf32>, vector<16xi32> -> vector<16xf32>
    %add3A_481 = arith.addf %add3A_478, %gather3A_480 : vector<16xf32>
    %gather3A_482 = vector.shape_cast %broadcast_in_dim3A_465 : vector<16x1xi32> to vector<16xi32>
    %gather3A_483 = tpu.dynamic_gather %add3A_481[%gather3A_482] in [0] : vector<16xf32>, vector<16xi32> -> vector<16xf32>
    %add3A_484 = arith.addf %add3A_481, %gather3A_483 : vector<16xf32>
    %select_n3A_485 = arith.select %eq3A_472, %add3A_484, %broadcast_in_dim3A_467 : vector<16xi1>, vector<16xf32>
    %eq3A_486 = arith.constant 0 : i32
    %eq3A_487 = vector.broadcast %eq3A_486 : i32 to vector<16xi32>
    %eq3A_488 = arith.cmpi eq, %iota3A, %eq3A_487 : vector<16xi32>
    %gather3A_489 = vector.shape_cast %broadcast_in_dim3A_453 : vector<16x1xi32> to vector<16xi32>
    %gather3A_490 = tpu.dynamic_gather %parallel_loop3A_449#8[%gather3A_489] in [0] : vector<16xf32>, vector<16xi32> -> vector<16xf32>
    %add3A_491 = arith.addf %parallel_loop3A_449#8, %gather3A_490 : vector<16xf32>
    %gather3A_492 = vector.shape_cast %broadcast_in_dim3A_457 : vector<16x1xi32> to vector<16xi32>
    %gather3A_493 = tpu.dynamic_gather %add3A_491[%gather3A_492] in [0] : vector<16xf32>, vector<16xi32> -> vector<16xf32>
    %add3A_494 = arith.addf %add3A_491, %gather3A_493 : vector<16xf32>
    %gather3A_495 = vector.shape_cast %broadcast_in_dim3A_461 : vector<16x1xi32> to vector<16xi32>
    %gather3A_496 = tpu.dynamic_gather %add3A_494[%gather3A_495] in [0] : vector<16xf32>, vector<16xi32> -> vector<16xf32>
    %add3A_497 = arith.addf %add3A_494, %gather3A_496 : vector<16xf32>
    %gather3A_498 = vector.shape_cast %broadcast_in_dim3A_465 : vector<16x1xi32> to vector<16xi32>
    %gather3A_499 = tpu.dynamic_gather %add3A_497[%gather3A_498] in [0] : vector<16xf32>, vector<16xi32> -> vector<16xf32>
    %add3A_500 = arith.addf %add3A_497, %gather3A_499 : vector<16xf32>
    %select_n3A_501 = arith.select %eq3A_488, %add3A_500, %broadcast_in_dim3A_469 : vector<16xi1>, vector<16xf32>
    %eq3A_502 = arith.constant 1 : i32
    %eq3A_503 = vector.broadcast %eq3A_502 : i32 to vector<16xi32>
    %eq3A_504 = arith.cmpi eq, %iota3A, %eq3A_503 : vector<16xi32>
    %gather3A_505 = vector.shape_cast %broadcast_in_dim3A_453 : vector<16x1xi32> to vector<16xi32>
    %gather3A_506 = tpu.dynamic_gather %parallel_loop3A_449#1[%gather3A_505] in [0] : vector<16xf32>, vector<16xi32> -> vector<16xf32>
    %add3A_507 = arith.addf %parallel_loop3A_449#1, %gather3A_506 : vector<16xf32>
    %gather3A_508 = vector.shape_cast %broadcast_in_dim3A_457 : vector<16x1xi32> to vector<16xi32>
    %gather3A_509 = tpu.dynamic_gather %add3A_507[%gather3A_508] in [0] : vector<16xf32>, vector<16xi32> -> vector<16xf32>
    %add3A_510 = arith.addf %add3A_507, %gather3A_509 : vector<16xf32>
    %gather3A_511 = vector.shape_cast %broadcast_in_dim3A_461 : vector<16x1xi32> to vector<16xi32>
    %gather3A_512 = tpu.dynamic_gather %add3A_510[%gather3A_511] in [0] : vector<16xf32>, vector<16xi32> -> vector<16xf32>
    %add3A_513 = arith.addf %add3A_510, %gather3A_512 : vector<16xf32>
    %gather3A_514 = vector.shape_cast %broadcast_in_dim3A_465 : vector<16x1xi32> to vector<16xi32>
    %gather3A_515 = tpu.dynamic_gather %add3A_513[%gather3A_514] in [0] : vector<16xf32>, vector<16xi32> -> vector<16xf32>
    %add3A_516 = arith.addf %add3A_513, %gather3A_515 : vector<16xf32>
    %select_n3A_517 = arith.select %eq3A_504, %add3A_516, %select_n3A_485 : vector<16xi1>, vector<16xf32>
    %eq3A_518 = arith.constant 1 : i32
    %eq3A_519 = vector.broadcast %eq3A_518 : i32 to vector<16xi32>
    %eq3A_520 = arith.cmpi eq, %iota3A, %eq3A_519 : vector<16xi32>
    %gather3A_521 = vector.shape_cast %broadcast_in_dim3A_453 : vector<16x1xi32> to vector<16xi32>
    %gather3A_522 = tpu.dynamic_gather %parallel_loop3A_449#9[%gather3A_521] in [0] : vector<16xf32>, vector<16xi32> -> vector<16xf32>
    %add3A_523 = arith.addf %parallel_loop3A_449#9, %gather3A_522 : vector<16xf32>
    %gather3A_524 = vector.shape_cast %broadcast_in_dim3A_457 : vector<16x1xi32> to vector<16xi32>
    %gather3A_525 = tpu.dynamic_gather %add3A_523[%gather3A_524] in [0] : vector<16xf32>, vector<16xi32> -> vector<16xf32>
    %add3A_526 = arith.addf %add3A_523, %gather3A_525 : vector<16xf32>
    %gather3A_527 = vector.shape_cast %broadcast_in_dim3A_461 : vector<16x1xi32> to vector<16xi32>
    %gather3A_528 = tpu.dynamic_gather %add3A_526[%gather3A_527] in [0] : vector<16xf32>, vector<16xi32> -> vector<16xf32>
    %add3A_529 = arith.addf %add3A_526, %gather3A_528 : vector<16xf32>
    %gather3A_530 = vector.shape_cast %broadcast_in_dim3A_465 : vector<16x1xi32> to vector<16xi32>
    %gather3A_531 = tpu.dynamic_gather %add3A_529[%gather3A_530] in [0] : vector<16xf32>, vector<16xi32> -> vector<16xf32>
    %add3A_532 = arith.addf %add3A_529, %gather3A_531 : vector<16xf32>
    %select_n3A_533 = arith.select %eq3A_520, %add3A_532, %select_n3A_501 : vector<16xi1>, vector<16xf32>
    %eq3A_534 = arith.constant 2 : i32
    %eq3A_535 = vector.broadcast %eq3A_534 : i32 to vector<16xi32>
    %eq3A_536 = arith.cmpi eq, %iota3A, %eq3A_535 : vector<16xi32>
    %gather3A_537 = vector.shape_cast %broadcast_in_dim3A_453 : vector<16x1xi32> to vector<16xi32>
    %gather3A_538 = tpu.dynamic_gather %parallel_loop3A_449#2[%gather3A_537] in [0] : vector<16xf32>, vector<16xi32> -> vector<16xf32>
    %add3A_539 = arith.addf %parallel_loop3A_449#2, %gather3A_538 : vector<16xf32>
    %gather3A_540 = vector.shape_cast %broadcast_in_dim3A_457 : vector<16x1xi32> to vector<16xi32>
    %gather3A_541 = tpu.dynamic_gather %add3A_539[%gather3A_540] in [0] : vector<16xf32>, vector<16xi32> -> vector<16xf32>
    %add3A_542 = arith.addf %add3A_539, %gather3A_541 : vector<16xf32>
    %gather3A_543 = vector.shape_cast %broadcast_in_dim3A_461 : vector<16x1xi32> to vector<16xi32>
    %gather3A_544 = tpu.dynamic_gather %add3A_542[%gather3A_543] in [0] : vector<16xf32>, vector<16xi32> -> vector<16xf32>
    %add3A_545 = arith.addf %add3A_542, %gather3A_544 : vector<16xf32>
    %gather3A_546 = vector.shape_cast %broadcast_in_dim3A_465 : vector<16x1xi32> to vector<16xi32>
    %gather3A_547 = tpu.dynamic_gather %add3A_545[%gather3A_546] in [0] : vector<16xf32>, vector<16xi32> -> vector<16xf32>
    %add3A_548 = arith.addf %add3A_545, %gather3A_547 : vector<16xf32>
    %select_n3A_549 = arith.select %eq3A_536, %add3A_548, %select_n3A_517 : vector<16xi1>, vector<16xf32>
    %eq3A_550 = arith.constant 2 : i32
    %eq3A_551 = vector.broadcast %eq3A_550 : i32 to vector<16xi32>
    %eq3A_552 = arith.cmpi eq, %iota3A, %eq3A_551 : vector<16xi32>
    %gather3A_553 = vector.shape_cast %broadcast_in_dim3A_453 : vector<16x1xi32> to vector<16xi32>
    %gather3A_554 = tpu.dynamic_gather %parallel_loop3A_449#10[%gather3A_553] in [0] : vector<16xf32>, vector<16xi32> -> vector<16xf32>
    %add3A_555 = arith.addf %parallel_loop3A_449#10, %gather3A_554 : vector<16xf32>
    %gather3A_556 = vector.shape_cast %broadcast_in_dim3A_457 : vector<16x1xi32> to vector<16xi32>
    %gather3A_557 = tpu.dynamic_gather %add3A_555[%gather3A_556] in [0] : vector<16xf32>, vector<16xi32> -> vector<16xf32>
    %add3A_558 = arith.addf %add3A_555, %gather3A_557 : vector<16xf32>
    %gather3A_559 = vector.shape_cast %broadcast_in_dim3A_461 : vector<16x1xi32> to vector<16xi32>
    %gather3A_560 = tpu.dynamic_gather %add3A_558[%gather3A_559] in [0] : vector<16xf32>, vector<16xi32> -> vector<16xf32>
    %add3A_561 = arith.addf %add3A_558, %gather3A_560 : vector<16xf32>
    %gather3A_562 = vector.shape_cast %broadcast_in_dim3A_465 : vector<16x1xi32> to vector<16xi32>
    %gather3A_563 = tpu.dynamic_gather %add3A_561[%gather3A_562] in [0] : vector<16xf32>, vector<16xi32> -> vector<16xf32>
    %add3A_564 = arith.addf %add3A_561, %gather3A_563 : vector<16xf32>
    %select_n3A_565 = arith.select %eq3A_552, %add3A_564, %select_n3A_533 : vector<16xi1>, vector<16xf32>
    %eq3A_566 = arith.constant 3 : i32
    %eq3A_567 = vector.broadcast %eq3A_566 : i32 to vector<16xi32>
    %eq3A_568 = arith.cmpi eq, %iota3A, %eq3A_567 : vector<16xi32>
    %gather3A_569 = vector.shape_cast %broadcast_in_dim3A_453 : vector<16x1xi32> to vector<16xi32>
    %gather3A_570 = tpu.dynamic_gather %parallel_loop3A_449#3[%gather3A_569] in [0] : vector<16xf32>, vector<16xi32> -> vector<16xf32>
    %add3A_571 = arith.addf %parallel_loop3A_449#3, %gather3A_570 : vector<16xf32>
    %gather3A_572 = vector.shape_cast %broadcast_in_dim3A_457 : vector<16x1xi32> to vector<16xi32>
    %gather3A_573 = tpu.dynamic_gather %add3A_571[%gather3A_572] in [0] : vector<16xf32>, vector<16xi32> -> vector<16xf32>
    %add3A_574 = arith.addf %add3A_571, %gather3A_573 : vector<16xf32>
    %gather3A_575 = vector.shape_cast %broadcast_in_dim3A_461 : vector<16x1xi32> to vector<16xi32>
    %gather3A_576 = tpu.dynamic_gather %add3A_574[%gather3A_575] in [0] : vector<16xf32>, vector<16xi32> -> vector<16xf32>
    %add3A_577 = arith.addf %add3A_574, %gather3A_576 : vector<16xf32>
    %gather3A_578 = vector.shape_cast %broadcast_in_dim3A_465 : vector<16x1xi32> to vector<16xi32>
    %gather3A_579 = tpu.dynamic_gather %add3A_577[%gather3A_578] in [0] : vector<16xf32>, vector<16xi32> -> vector<16xf32>
    %add3A_580 = arith.addf %add3A_577, %gather3A_579 : vector<16xf32>
    %select_n3A_581 = arith.select %eq3A_568, %add3A_580, %select_n3A_549 : vector<16xi1>, vector<16xf32>
    %eq3A_582 = arith.constant 3 : i32
    %eq3A_583 = vector.broadcast %eq3A_582 : i32 to vector<16xi32>
    %eq3A_584 = arith.cmpi eq, %iota3A, %eq3A_583 : vector<16xi32>
    %gather3A_585 = vector.shape_cast %broadcast_in_dim3A_453 : vector<16x1xi32> to vector<16xi32>
    %gather3A_586 = tpu.dynamic_gather %parallel_loop3A_449#11[%gather3A_585] in [0] : vector<16xf32>, vector<16xi32> -> vector<16xf32>
    %add3A_587 = arith.addf %parallel_loop3A_449#11, %gather3A_586 : vector<16xf32>
    %gather3A_588 = vector.shape_cast %broadcast_in_dim3A_457 : vector<16x1xi32> to vector<16xi32>
    %gather3A_589 = tpu.dynamic_gather %add3A_587[%gather3A_588] in [0] : vector<16xf32>, vector<16xi32> -> vector<16xf32>
    %add3A_590 = arith.addf %add3A_587, %gather3A_589 : vector<16xf32>
    %gather3A_591 = vector.shape_cast %broadcast_in_dim3A_461 : vector<16x1xi32> to vector<16xi32>
    %gather3A_592 = tpu.dynamic_gather %add3A_590[%gather3A_591] in [0] : vector<16xf32>, vector<16xi32> -> vector<16xf32>
    %add3A_593 = arith.addf %add3A_590, %gather3A_592 : vector<16xf32>
    %gather3A_594 = vector.shape_cast %broadcast_in_dim3A_465 : vector<16x1xi32> to vector<16xi32>
    %gather3A_595 = tpu.dynamic_gather %add3A_593[%gather3A_594] in [0] : vector<16xf32>, vector<16xi32> -> vector<16xf32>
    %add3A_596 = arith.addf %add3A_593, %gather3A_595 : vector<16xf32>
    %select_n3A_597 = arith.select %eq3A_584, %add3A_596, %select_n3A_565 : vector<16xi1>, vector<16xf32>
    %eq3A_598 = arith.constant 4 : i32
    %eq3A_599 = vector.broadcast %eq3A_598 : i32 to vector<16xi32>
    %eq3A_600 = arith.cmpi eq, %iota3A, %eq3A_599 : vector<16xi32>
    %gather3A_601 = vector.shape_cast %broadcast_in_dim3A_453 : vector<16x1xi32> to vector<16xi32>
    %gather3A_602 = tpu.dynamic_gather %parallel_loop3A_449#4[%gather3A_601] in [0] : vector<16xf32>, vector<16xi32> -> vector<16xf32>
    %add3A_603 = arith.addf %parallel_loop3A_449#4, %gather3A_602 : vector<16xf32>
    %gather3A_604 = vector.shape_cast %broadcast_in_dim3A_457 : vector<16x1xi32> to vector<16xi32>
    %gather3A_605 = tpu.dynamic_gather %add3A_603[%gather3A_604] in [0] : vector<16xf32>, vector<16xi32> -> vector<16xf32>
    %add3A_606 = arith.addf %add3A_603, %gather3A_605 : vector<16xf32>
    %gather3A_607 = vector.shape_cast %broadcast_in_dim3A_461 : vector<16x1xi32> to vector<16xi32>
    %gather3A_608 = tpu.dynamic_gather %add3A_606[%gather3A_607] in [0] : vector<16xf32>, vector<16xi32> -> vector<16xf32>
    %add3A_609 = arith.addf %add3A_606, %gather3A_608 : vector<16xf32>
    %gather3A_610 = vector.shape_cast %broadcast_in_dim3A_465 : vector<16x1xi32> to vector<16xi32>
    %gather3A_611 = tpu.dynamic_gather %add3A_609[%gather3A_610] in [0] : vector<16xf32>, vector<16xi32> -> vector<16xf32>
    %add3A_612 = arith.addf %add3A_609, %gather3A_611 : vector<16xf32>
    %select_n3A_613 = arith.select %eq3A_600, %add3A_612, %select_n3A_581 : vector<16xi1>, vector<16xf32>
    %eq3A_614 = arith.constant 4 : i32
    %eq3A_615 = vector.broadcast %eq3A_614 : i32 to vector<16xi32>
    %eq3A_616 = arith.cmpi eq, %iota3A, %eq3A_615 : vector<16xi32>
    %gather3A_617 = vector.shape_cast %broadcast_in_dim3A_453 : vector<16x1xi32> to vector<16xi32>
    %gather3A_618 = tpu.dynamic_gather %parallel_loop3A_449#12[%gather3A_617] in [0] : vector<16xf32>, vector<16xi32> -> vector<16xf32>
    %add3A_619 = arith.addf %parallel_loop3A_449#12, %gather3A_618 : vector<16xf32>
    %gather3A_620 = vector.shape_cast %broadcast_in_dim3A_457 : vector<16x1xi32> to vector<16xi32>
    %gather3A_621 = tpu.dynamic_gather %add3A_619[%gather3A_620] in [0] : vector<16xf32>, vector<16xi32> -> vector<16xf32>
    %add3A_622 = arith.addf %add3A_619, %gather3A_621 : vector<16xf32>
    %gather3A_623 = vector.shape_cast %broadcast_in_dim3A_461 : vector<16x1xi32> to vector<16xi32>
    %gather3A_624 = tpu.dynamic_gather %add3A_622[%gather3A_623] in [0] : vector<16xf32>, vector<16xi32> -> vector<16xf32>
    %add3A_625 = arith.addf %add3A_622, %gather3A_624 : vector<16xf32>
    %gather3A_626 = vector.shape_cast %broadcast_in_dim3A_465 : vector<16x1xi32> to vector<16xi32>
    %gather3A_627 = tpu.dynamic_gather %add3A_625[%gather3A_626] in [0] : vector<16xf32>, vector<16xi32> -> vector<16xf32>
    %add3A_628 = arith.addf %add3A_625, %gather3A_627 : vector<16xf32>
    %select_n3A_629 = arith.select %eq3A_616, %add3A_628, %select_n3A_597 : vector<16xi1>, vector<16xf32>
    %eq3A_630 = arith.constant 5 : i32
    %eq3A_631 = vector.broadcast %eq3A_630 : i32 to vector<16xi32>
    %eq3A_632 = arith.cmpi eq, %iota3A, %eq3A_631 : vector<16xi32>
    %gather3A_633 = vector.shape_cast %broadcast_in_dim3A_453 : vector<16x1xi32> to vector<16xi32>
    %gather3A_634 = tpu.dynamic_gather %parallel_loop3A_449#5[%gather3A_633] in [0] : vector<16xf32>, vector<16xi32> -> vector<16xf32>
    %add3A_635 = arith.addf %parallel_loop3A_449#5, %gather3A_634 : vector<16xf32>
    %gather3A_636 = vector.shape_cast %broadcast_in_dim3A_457 : vector<16x1xi32> to vector<16xi32>
    %gather3A_637 = tpu.dynamic_gather %add3A_635[%gather3A_636] in [0] : vector<16xf32>, vector<16xi32> -> vector<16xf32>
    %add3A_638 = arith.addf %add3A_635, %gather3A_637 : vector<16xf32>
    %gather3A_639 = vector.shape_cast %broadcast_in_dim3A_461 : vector<16x1xi32> to vector<16xi32>
    %gather3A_640 = tpu.dynamic_gather %add3A_638[%gather3A_639] in [0] : vector<16xf32>, vector<16xi32> -> vector<16xf32>
    %add3A_641 = arith.addf %add3A_638, %gather3A_640 : vector<16xf32>
    %gather3A_642 = vector.shape_cast %broadcast_in_dim3A_465 : vector<16x1xi32> to vector<16xi32>
    %gather3A_643 = tpu.dynamic_gather %add3A_641[%gather3A_642] in [0] : vector<16xf32>, vector<16xi32> -> vector<16xf32>
    %add3A_644 = arith.addf %add3A_641, %gather3A_643 : vector<16xf32>
    %select_n3A_645 = arith.select %eq3A_632, %add3A_644, %select_n3A_613 : vector<16xi1>, vector<16xf32>
    %eq3A_646 = arith.constant 5 : i32
    %eq3A_647 = vector.broadcast %eq3A_646 : i32 to vector<16xi32>
    %eq3A_648 = arith.cmpi eq, %iota3A, %eq3A_647 : vector<16xi32>
    %gather3A_649 = vector.shape_cast %broadcast_in_dim3A_453 : vector<16x1xi32> to vector<16xi32>
    %gather3A_650 = tpu.dynamic_gather %parallel_loop3A_449#13[%gather3A_649] in [0] : vector<16xf32>, vector<16xi32> -> vector<16xf32>
    %add3A_651 = arith.addf %parallel_loop3A_449#13, %gather3A_650 : vector<16xf32>
    %gather3A_652 = vector.shape_cast %broadcast_in_dim3A_457 : vector<16x1xi32> to vector<16xi32>
    %gather3A_653 = tpu.dynamic_gather %add3A_651[%gather3A_652] in [0] : vector<16xf32>, vector<16xi32> -> vector<16xf32>
    %add3A_654 = arith.addf %add3A_651, %gather3A_653 : vector<16xf32>
    %gather3A_655 = vector.shape_cast %broadcast_in_dim3A_461 : vector<16x1xi32> to vector<16xi32>
    %gather3A_656 = tpu.dynamic_gather %add3A_654[%gather3A_655] in [0] : vector<16xf32>, vector<16xi32> -> vector<16xf32>
    %add3A_657 = arith.addf %add3A_654, %gather3A_656 : vector<16xf32>
    %gather3A_658 = vector.shape_cast %broadcast_in_dim3A_465 : vector<16x1xi32> to vector<16xi32>
    %gather3A_659 = tpu.dynamic_gather %add3A_657[%gather3A_658] in [0] : vector<16xf32>, vector<16xi32> -> vector<16xf32>
    %add3A_660 = arith.addf %add3A_657, %gather3A_659 : vector<16xf32>
    %select_n3A_661 = arith.select %eq3A_648, %add3A_660, %select_n3A_629 : vector<16xi1>, vector<16xf32>
    %eq3A_662 = arith.constant 6 : i32
    %eq3A_663 = vector.broadcast %eq3A_662 : i32 to vector<16xi32>
    %eq3A_664 = arith.cmpi eq, %iota3A, %eq3A_663 : vector<16xi32>
    %gather3A_665 = vector.shape_cast %broadcast_in_dim3A_453 : vector<16x1xi32> to vector<16xi32>
    %gather3A_666 = tpu.dynamic_gather %parallel_loop3A_449#6[%gather3A_665] in [0] : vector<16xf32>, vector<16xi32> -> vector<16xf32>
    %add3A_667 = arith.addf %parallel_loop3A_449#6, %gather3A_666 : vector<16xf32>
    %gather3A_668 = vector.shape_cast %broadcast_in_dim3A_457 : vector<16x1xi32> to vector<16xi32>
    %gather3A_669 = tpu.dynamic_gather %add3A_667[%gather3A_668] in [0] : vector<16xf32>, vector<16xi32> -> vector<16xf32>
    %add3A_670 = arith.addf %add3A_667, %gather3A_669 : vector<16xf32>
    %gather3A_671 = vector.shape_cast %broadcast_in_dim3A_461 : vector<16x1xi32> to vector<16xi32>
    %gather3A_672 = tpu.dynamic_gather %add3A_670[%gather3A_671] in [0] : vector<16xf32>, vector<16xi32> -> vector<16xf32>
    %add3A_673 = arith.addf %add3A_670, %gather3A_672 : vector<16xf32>
    %gather3A_674 = vector.shape_cast %broadcast_in_dim3A_465 : vector<16x1xi32> to vector<16xi32>
    %gather3A_675 = tpu.dynamic_gather %add3A_673[%gather3A_674] in [0] : vector<16xf32>, vector<16xi32> -> vector<16xf32>
    %add3A_676 = arith.addf %add3A_673, %gather3A_675 : vector<16xf32>
    %select_n3A_677 = arith.select %eq3A_664, %add3A_676, %select_n3A_645 : vector<16xi1>, vector<16xf32>
    %eq3A_678 = arith.constant 6 : i32
    %eq3A_679 = vector.broadcast %eq3A_678 : i32 to vector<16xi32>
    %eq3A_680 = arith.cmpi eq, %iota3A, %eq3A_679 : vector<16xi32>
    %gather3A_681 = vector.shape_cast %broadcast_in_dim3A_453 : vector<16x1xi32> to vector<16xi32>
    %gather3A_682 = tpu.dynamic_gather %parallel_loop3A_449#14[%gather3A_681] in [0] : vector<16xf32>, vector<16xi32> -> vector<16xf32>
    %add3A_683 = arith.addf %parallel_loop3A_449#14, %gather3A_682 : vector<16xf32>
    %gather3A_684 = vector.shape_cast %broadcast_in_dim3A_457 : vector<16x1xi32> to vector<16xi32>
    %gather3A_685 = tpu.dynamic_gather %add3A_683[%gather3A_684] in [0] : vector<16xf32>, vector<16xi32> -> vector<16xf32>
    %add3A_686 = arith.addf %add3A_683, %gather3A_685 : vector<16xf32>
    %gather3A_687 = vector.shape_cast %broadcast_in_dim3A_461 : vector<16x1xi32> to vector<16xi32>
    %gather3A_688 = tpu.dynamic_gather %add3A_686[%gather3A_687] in [0] : vector<16xf32>, vector<16xi32> -> vector<16xf32>
    %add3A_689 = arith.addf %add3A_686, %gather3A_688 : vector<16xf32>
    %gather3A_690 = vector.shape_cast %broadcast_in_dim3A_465 : vector<16x1xi32> to vector<16xi32>
    %gather3A_691 = tpu.dynamic_gather %add3A_689[%gather3A_690] in [0] : vector<16xf32>, vector<16xi32> -> vector<16xf32>
    %add3A_692 = arith.addf %add3A_689, %gather3A_691 : vector<16xf32>
    %select_n3A_693 = arith.select %eq3A_680, %add3A_692, %select_n3A_661 : vector<16xi1>, vector<16xf32>
    %eq3A_694 = arith.constant 7 : i32
    %eq3A_695 = vector.broadcast %eq3A_694 : i32 to vector<16xi32>
    %eq3A_696 = arith.cmpi eq, %iota3A, %eq3A_695 : vector<16xi32>
    %gather3A_697 = vector.shape_cast %broadcast_in_dim3A_453 : vector<16x1xi32> to vector<16xi32>
    %gather3A_698 = tpu.dynamic_gather %parallel_loop3A_449#7[%gather3A_697] in [0] : vector<16xf32>, vector<16xi32> -> vector<16xf32>
    %add3A_699 = arith.addf %parallel_loop3A_449#7, %gather3A_698 : vector<16xf32>
    %gather3A_700 = vector.shape_cast %broadcast_in_dim3A_457 : vector<16x1xi32> to vector<16xi32>
    %gather3A_701 = tpu.dynamic_gather %add3A_699[%gather3A_700] in [0] : vector<16xf32>, vector<16xi32> -> vector<16xf32>
    %add3A_702 = arith.addf %add3A_699, %gather3A_701 : vector<16xf32>
    %gather3A_703 = vector.shape_cast %broadcast_in_dim3A_461 : vector<16x1xi32> to vector<16xi32>
    %gather3A_704 = tpu.dynamic_gather %add3A_702[%gather3A_703] in [0] : vector<16xf32>, vector<16xi32> -> vector<16xf32>
    %add3A_705 = arith.addf %add3A_702, %gather3A_704 : vector<16xf32>
    %gather3A_706 = vector.shape_cast %broadcast_in_dim3A_465 : vector<16x1xi32> to vector<16xi32>
    %gather3A_707 = tpu.dynamic_gather %add3A_705[%gather3A_706] in [0] : vector<16xf32>, vector<16xi32> -> vector<16xf32>
    %add3A_708 = arith.addf %add3A_705, %gather3A_707 : vector<16xf32>
    %select_n3A_709 = arith.select %eq3A_696, %add3A_708, %select_n3A_677 : vector<16xi1>, vector<16xf32>
    %eq3A_710 = arith.constant 7 : i32
    %eq3A_711 = vector.broadcast %eq3A_710 : i32 to vector<16xi32>
    %eq3A_712 = arith.cmpi eq, %iota3A, %eq3A_711 : vector<16xi32>
    %gather3A_713 = vector.shape_cast %broadcast_in_dim3A_453 : vector<16x1xi32> to vector<16xi32>
    %gather3A_714 = tpu.dynamic_gather %parallel_loop3A_449#15[%gather3A_713] in [0] : vector<16xf32>, vector<16xi32> -> vector<16xf32>
    %add3A_715 = arith.addf %parallel_loop3A_449#15, %gather3A_714 : vector<16xf32>
    %gather3A_716 = vector.shape_cast %broadcast_in_dim3A_457 : vector<16x1xi32> to vector<16xi32>
    %gather3A_717 = tpu.dynamic_gather %add3A_715[%gather3A_716] in [0] : vector<16xf32>, vector<16xi32> -> vector<16xf32>
    %add3A_718 = arith.addf %add3A_715, %gather3A_717 : vector<16xf32>
    %gather3A_719 = vector.shape_cast %broadcast_in_dim3A_461 : vector<16x1xi32> to vector<16xi32>
    %gather3A_720 = tpu.dynamic_gather %add3A_718[%gather3A_719] in [0] : vector<16xf32>, vector<16xi32> -> vector<16xf32>
    %add3A_721 = arith.addf %add3A_718, %gather3A_720 : vector<16xf32>
    %gather3A_722 = vector.shape_cast %broadcast_in_dim3A_465 : vector<16x1xi32> to vector<16xi32>
    %gather3A_723 = tpu.dynamic_gather %add3A_721[%gather3A_722] in [0] : vector<16xf32>, vector<16xi32> -> vector<16xf32>
    %add3A_724 = arith.addf %add3A_721, %gather3A_723 : vector<16xf32>
    %select_n3A_725 = arith.select %eq3A_712, %add3A_724, %select_n3A_693 : vector<16xi1>, vector<16xf32>
    %swap3A_726 = arith.constant 16 : index
    %swap3A_727 = tpu.vector_load %arg9[%swap3A_726] {strides = array<i32>} : memref<128xf32, #tpu.memory_space<vmem>>, vector<16xf32>,
    %swap3A_728 = vector.shape_cast %swap3A_727 : vector<16xf32> to vector<16xf32>
    %swap3A_729 = vector.shape_cast %select_n3A_709 : vector<16xf32> to vector<16xf32>
    tpu.vector_store %arg9[%swap3A_726], %swap3A_729 {strides = array<i32>} : memref<128xf32, #tpu.memory_space<vmem>>, vector<16xf32>,
    %swap3A_730 = arith.constant 80 : index
    %swap3A_731 = tpu.vector_load %arg9[%swap3A_730] {strides = array<i32>} : memref<128xf32, #tpu.memory_space<vmem>>, vector<16xf32>,
    %swap3A_732 = vector.shape_cast %swap3A_731 : vector<16xf32> to vector<16xf32>
    %swap3A_733 = vector.shape_cast %select_n3A_725 : vector<16xf32> to vector<16xf32>
    tpu.vector_store %arg9[%swap3A_730], %swap3A_733 {strides = array<i32>} : memref<128xf32, #tpu.memory_space<vmem>>, vector<16xf32>,
    %add3A_734 = arith.constant 512 : i32
    %add3A_735 = arith.addi %mul3A_2, %add3A_734 : i32
    "tpu.region"() ({
      %run_scoped3A = tpu.sem_alloc : memref<!tpu.dma_semaphore, #tpu.memory_space<semaphore_mem>>
      %dma_start3A_1476 = arith.constant 0 : i32
      %dma_start3A_1477 = tpu.memref_slice %arg8[%dma_start3A_1476] : memref<16xi32, #tpu.memory_space<vmem>> -> memref<8xi32, #tpu.memory_space<vmem>>
      %dma_start3A_1478 = tpu.memref_slice %arg3[%add3A_735] : memref<1024xi32, #tpu.memory_space<hbm>> -> memref<8xi32, #tpu.memory_space<hbm>>
      %dma_start3A_1479 = arith.constant 0 : i32
      %dma_start3A_1480 = tpu.memref_slice %arg8[%dma_start3A_1479] : memref<16xi32, #tpu.memory_space<vmem>> -> memref<8xi32, #tpu.memory_space<vmem>>
      %dma_start3A_1481 = tpu.memref_slice %arg3[%add3A_735] : memref<1024xi32, #tpu.memory_space<hbm>> -> memref<8xi32, #tpu.memory_space<hbm>>
      tpu.enqueue_dma source(%dma_start3A_1481 : memref<8xi32, #tpu.memory_space<hbm>>) target(%dma_start3A_1480 : memref<8xi32, #tpu.memory_space<vmem>>) target_semaphore(%run_scoped3A : memref<!tpu.dma_semaphore, #tpu.memory_space<semaphore_mem>>)
      %dma_wait3A_1482 = arith.constant 0 : i32
      %dma_wait3A_1483 = tpu.memref_slice %arg8[%dma_wait3A_1482] : memref<16xi32, #tpu.memory_space<vmem>> -> memref<8xi32, #tpu.memory_space<vmem>>
      %dma_wait3A_1484 = tpu.memref_slice %arg3[%add3A_735] : memref<1024xi32, #tpu.memory_space<hbm>> -> memref<8xi32, #tpu.memory_space<hbm>>
      %dma_wait3A_1485 = arith.constant 0 : i32
      %dma_wait3A_1486 = tpu.memref_slice %arg8[%dma_wait3A_1485] : memref<16xi32, #tpu.memory_space<vmem>> -> memref<8xi32, #tpu.memory_space<vmem>>
      %dma_wait3A_1487 = tpu.memref_slice %arg3[%add3A_735] : memref<1024xi32, #tpu.memory_space<hbm>> -> memref<8xi32, #tpu.memory_space<hbm>>
      tpu.wait_dma2 semaphore(%run_scoped3A : memref<!tpu.dma_semaphore, #tpu.memory_space<semaphore_mem>>) src(%dma_wait3A_1487 : memref<8xi32, #tpu.memory_space<hbm>>) dst(%dma_wait3A_1486 : memref<8xi32, #tpu.memory_space<vmem>>)
      tpu.yield
    }) : () -> ()
    %get3A_736 = arith.constant 0 : index
    %get3A_737 = tpu.vector_load %arg8[%get3A_736] {strides = array<i32>} : memref<16xi32, #tpu.memory_space<vmem>>, vector<16xi32>,
    %get3A_738 = vector.shape_cast %get3A_737 : vector<16xi32> to vector<16xi32>
    %broadcast_in_dim3A_739 = arith.constant 0 : i32
    %broadcast_in_dim3A_740 = vector.broadcast %broadcast_in_dim3A_739 : i32 to vector<16x1xi32>
    %gather3A_741 = vector.shape_cast %broadcast_in_dim3A_740 : vector<16x1xi32> to vector<16xi32>
    %gather3A_742 = tpu.dynamic_gather %get3A_738[%gather3A_741] in [0] : vector<16xi32>, vector<16xi32> -> vector<16xi32>
    %broadcast_in_dim3A_743 = arith.constant 1 : i32
    %broadcast_in_dim3A_744 = vector.broadcast %broadcast_in_dim3A_743 : i32 to vector<16x1xi32>
    %gather3A_745 = vector.shape_cast %broadcast_in_dim3A_744 : vector<16x1xi32> to vector<16xi32>
    %gather3A_746 = tpu.dynamic_gather %get3A_738[%gather3A_745] in [0] : vector<16xi32>, vector<16xi32> -> vector<16xi32>
    %broadcast_in_dim3A_747 = arith.constant 2 : i32
    %broadcast_in_dim3A_748 = vector.broadcast %broadcast_in_dim3A_747 : i32 to vector<16x1xi32>
    %gather3A_749 = vector.shape_cast %broadcast_in_dim3A_748 : vector<16x1xi32> to vector<16xi32>
    %gather3A_750 = tpu.dynamic_gather %get3A_738[%gather3A_749] in [0] : vector<16xi32>, vector<16xi32> -> vector<16xi32>
    %broadcast_in_dim3A_751 = arith.constant 3 : i32
    %broadcast_in_dim3A_752 = vector.broadcast %broadcast_in_dim3A_751 : i32 to vector<16x1xi32>
    %gather3A_753 = vector.shape_cast %broadcast_in_dim3A_752 : vector<16x1xi32> to vector<16xi32>
    %gather3A_754 = tpu.dynamic_gather %get3A_738[%gather3A_753] in [0] : vector<16xi32>, vector<16xi32> -> vector<16xi32>
    %broadcast_in_dim3A_755 = arith.constant 4 : i32
    %broadcast_in_dim3A_756 = vector.broadcast %broadcast_in_dim3A_755 : i32 to vector<16x1xi32>
    %gather3A_757 = vector.shape_cast %broadcast_in_dim3A_756 : vector<16x1xi32> to vector<16xi32>
    %gather3A_758 = tpu.dynamic_gather %get3A_738[%gather3A_757] in [0] : vector<16xi32>, vector<16xi32> -> vector<16xi32>
    %broadcast_in_dim3A_759 = arith.constant 5 : i32
    %broadcast_in_dim3A_760 = vector.broadcast %broadcast_in_dim3A_759 : i32 to vector<16x1xi32>
    %gather3A_761 = vector.shape_cast %broadcast_in_dim3A_760 : vector<16x1xi32> to vector<16xi32>
    %gather3A_762 = tpu.dynamic_gather %get3A_738[%gather3A_761] in [0] : vector<16xi32>, vector<16xi32> -> vector<16xi32>
    %broadcast_in_dim3A_763 = arith.constant 6 : i32
    %broadcast_in_dim3A_764 = vector.broadcast %broadcast_in_dim3A_763 : i32 to vector<16x1xi32>
    %gather3A_765 = vector.shape_cast %broadcast_in_dim3A_764 : vector<16x1xi32> to vector<16xi32>
    %gather3A_766 = tpu.dynamic_gather %get3A_738[%gather3A_765] in [0] : vector<16xi32>, vector<16xi32> -> vector<16xi32>
    %broadcast_in_dim3A_767 = arith.constant 7 : i32
    %broadcast_in_dim3A_768 = vector.broadcast %broadcast_in_dim3A_767 : i32 to vector<16x1xi32>
    %gather3A_769 = vector.shape_cast %broadcast_in_dim3A_768 : vector<16x1xi32> to vector<16xi32>
    %gather3A_770 = tpu.dynamic_gather %get3A_738[%gather3A_769] in [0] : vector<16xi32>, vector<16xi32> -> vector<16xi32>
    %dma_start3A_771 = arith.constant 0 : i32
    %dma_start3A_772 = tpu.memref_slice %arg2[%add3A_735, %dma_start3A_771] : memref<1024x100000xf32, #tpu.memory_space<hbm>> -> memref<8x4096xf32, #tpu.memory_space<hbm>>
    %dma_start3A_773 = arith.constant 0 : i32
    %dma_start3A_774 = tpu.memref_slice %arg2[%add3A_735, %dma_start3A_773] : memref<1024x100000xf32, #tpu.memory_space<hbm>> -> memref<8x4096xf32, #tpu.memory_space<hbm>>
    tpu.enqueue_dma source(%dma_start3A_774 : memref<8x4096xf32, #tpu.memory_space<hbm>>) target(%arg5 : memref<8x4096xf32, #tpu.memory_space<vmem>>) target_semaphore(%arg10 : memref<!tpu.dma_semaphore, #tpu.memory_space<semaphore_mem>>)
    %broadcast_in_dim3A_775 = arith.constant 0.000000e+00 : f32
    %broadcast_in_dim3A_776 = vector.broadcast %broadcast_in_dim3A_775 : f32 to vector<16xf32>
    %broadcast_in_dim3A_777 = arith.constant 0.000000e+00 : f32
    %broadcast_in_dim3A_778 = vector.broadcast %broadcast_in_dim3A_777 : f32 to vector<16xf32>
    %broadcast_in_dim3A_779 = arith.constant 0.000000e+00 : f32
    %broadcast_in_dim3A_780 = vector.broadcast %broadcast_in_dim3A_779 : f32 to vector<16xf32>
    %broadcast_in_dim3A_781 = arith.constant 0.000000e+00 : f32
    %broadcast_in_dim3A_782 = vector.broadcast %broadcast_in_dim3A_781 : f32 to vector<16xf32>
    %broadcast_in_dim3A_783 = arith.constant 0.000000e+00 : f32
    %broadcast_in_dim3A_784 = vector.broadcast %broadcast_in_dim3A_783 : f32 to vector<16xf32>
    %broadcast_in_dim3A_785 = arith.constant 0.000000e+00 : f32
    %broadcast_in_dim3A_786 = vector.broadcast %broadcast_in_dim3A_785 : f32 to vector<16xf32>
    %broadcast_in_dim3A_787 = arith.constant 0.000000e+00 : f32
    %broadcast_in_dim3A_788 = vector.broadcast %broadcast_in_dim3A_787 : f32 to vector<16xf32>
    %broadcast_in_dim3A_789 = arith.constant 0.000000e+00 : f32
    %broadcast_in_dim3A_790 = vector.broadcast %broadcast_in_dim3A_789 : f32 to vector<16xf32>
    %broadcast_in_dim3A_791 = arith.constant 0.000000e+00 : f32
    %broadcast_in_dim3A_792 = vector.broadcast %broadcast_in_dim3A_791 : f32 to vector<16xf32>
    %broadcast_in_dim3A_793 = arith.constant 0.000000e+00 : f32
    %broadcast_in_dim3A_794 = vector.broadcast %broadcast_in_dim3A_793 : f32 to vector<16xf32>
    %broadcast_in_dim3A_795 = arith.constant 0.000000e+00 : f32
    %broadcast_in_dim3A_796 = vector.broadcast %broadcast_in_dim3A_795 : f32 to vector<16xf32>
    %broadcast_in_dim3A_797 = arith.constant 0.000000e+00 : f32
    %broadcast_in_dim3A_798 = vector.broadcast %broadcast_in_dim3A_797 : f32 to vector<16xf32>
    %broadcast_in_dim3A_799 = arith.constant 0.000000e+00 : f32
    %broadcast_in_dim3A_800 = vector.broadcast %broadcast_in_dim3A_799 : f32 to vector<16xf32>
    %broadcast_in_dim3A_801 = arith.constant 0.000000e+00 : f32
    %broadcast_in_dim3A_802 = vector.broadcast %broadcast_in_dim3A_801 : f32 to vector<16xf32>
    %broadcast_in_dim3A_803 = arith.constant 0.000000e+00 : f32
    %broadcast_in_dim3A_804 = vector.broadcast %broadcast_in_dim3A_803 : f32 to vector<16xf32>
    %broadcast_in_dim3A_805 = arith.constant 0.000000e+00 : f32
    %broadcast_in_dim3A_806 = vector.broadcast %broadcast_in_dim3A_805 : f32 to vector<16xf32>
    %scan3A_807 = arith.constant 0 : i32
    %scan3A_808 = arith.constant 12 : i32
    %scan3A_809 = arith.addi %scan3A_807, %scan3A_808 : i32
    %scan3A_810 = arith.constant 1 : i32
    %scan3A_811:17 = scf.for %scan3A_1476 = %scan3A_807 to %scan3A_809 step %scan3A_810 iter_args(%scan3A_1477 = %broadcast_in_dim3A_776, %scan3A_1478 = %broadcast_in_dim3A_778, %scan3A_1479 = %broadcast_in_dim3A_780, %scan3A_1480 = %broadcast_in_dim3A_782, %scan3A_1481 = %broadcast_in_dim3A_784, %scan3A_1482 = %broadcast_in_dim3A_786, %scan3A_1483 = %broadcast_in_dim3A_788, %scan3A_1484 = %broadcast_in_dim3A_790, %scan3A_1485 = %broadcast_in_dim3A_792, %scan3A_1486 = %broadcast_in_dim3A_794, %scan3A_1487 = %broadcast_in_dim3A_796, %scan3A_1488 = %broadcast_in_dim3A_798, %scan3A_1489 = %broadcast_in_dim3A_800, %scan3A_1490 = %broadcast_in_dim3A_802, %scan3A_1491 = %broadcast_in_dim3A_804, %scan3A_1492 = %broadcast_in_dim3A_806, %scan3A_1493 = %iota3A) -> (vector<16xf32>, vector<16xf32>, vector<16xf32>, vector<16xf32>, vector<16xf32>, vector<16xf32>, vector<16xf32>, vector<16xf32>, vector<16xf32>, vector<16xf32>, vector<16xf32>, vector<16xf32>, vector<16xf32>, vector<16xf32>, vector<16xf32>, vector<16xf32>, vector<16xi32>)  : i32 {
      %mul3A_1494 = arith.constant 2 : i32
      %mul3A_1495 = arith.muli %mul3A_1494, %scan3A_1476 : i32
      %add3A_1496 = arith.constant 1 : i32
      %add3A_1497 = arith.addi %mul3A_1495, %add3A_1496 : i32
      %mul3A_1498 = arith.constant 4096 : i32
      %mul3A_1499 = arith.muli %add3A_1497, %mul3A_1498 : i32
      %dma_start3A_1500 = tpu.memref_slice %arg2[%add3A_735, %mul3A_1499] : memref<1024x100000xf32, #tpu.memory_space<hbm>> -> memref<8x4096xf32, #tpu.memory_space<hbm>>
      %dma_start3A_1501 = tpu.memref_slice %arg2[%add3A_735, %mul3A_1499] : memref<1024x100000xf32, #tpu.memory_space<hbm>> -> memref<8x4096xf32, #tpu.memory_space<hbm>>
      tpu.enqueue_dma source(%dma_start3A_1501 : memref<8x4096xf32, #tpu.memory_space<hbm>>) target(%arg6 : memref<8x4096xf32, #tpu.memory_space<vmem>>) target_semaphore(%arg11 : memref<!tpu.dma_semaphore, #tpu.memory_space<semaphore_mem>>)
      %dma_wait3A_1502 = arith.constant 0 : i32
      %dma_wait3A_1503 = tpu.memref_slice %arg2[%add3A_735, %dma_wait3A_1502] : memref<1024x100000xf32, #tpu.memory_space<hbm>> -> memref<8x4096xf32, #tpu.memory_space<hbm>>
      %dma_wait3A_1504 = arith.constant 0 : i32
      %dma_wait3A_1505 = tpu.memref_slice %arg2[%add3A_735, %dma_wait3A_1504] : memref<1024x100000xf32, #tpu.memory_space<hbm>> -> memref<8x4096xf32, #tpu.memory_space<hbm>>
      tpu.wait_dma2 semaphore(%arg10 : memref<!tpu.dma_semaphore, #tpu.memory_space<semaphore_mem>>) src(%dma_wait3A_1505 : memref<8x4096xf32, #tpu.memory_space<hbm>>) dst(%arg5 : memref<8x4096xf32, #tpu.memory_space<vmem>>)
      %parallel_loop3A_1506 = arith.constant 0 : i32
      %parallel_loop3A_1507 = arith.constant 4096 : i32
      %parallel_loop3A_1508 = arith.constant 16 : i32
      %parallel_loop3A_1509:17 = scf.for %parallel_loop3A_1525 = %parallel_loop3A_1506 to %parallel_loop3A_1507 step %parallel_loop3A_1508 iter_args(%parallel_loop3A_1526 = %scan3A_1477, %parallel_loop3A_1527 = %scan3A_1478, %parallel_loop3A_1528 = %scan3A_1479, %parallel_loop3A_1529 = %scan3A_1480, %parallel_loop3A_1530 = %scan3A_1481, %parallel_loop3A_1531 = %scan3A_1482, %parallel_loop3A_1532 = %scan3A_1483, %parallel_loop3A_1533 = %scan3A_1484, %parallel_loop3A_1534 = %scan3A_1485, %parallel_loop3A_1535 = %scan3A_1486, %parallel_loop3A_1536 = %scan3A_1487, %parallel_loop3A_1537 = %scan3A_1488, %parallel_loop3A_1538 = %scan3A_1489, %parallel_loop3A_1539 = %scan3A_1490, %parallel_loop3A_1540 = %scan3A_1491, %parallel_loop3A_1541 = %scan3A_1492, %parallel_loop3A_1542 = %scan3A_1493) -> (vector<16xf32>, vector<16xf32>, vector<16xf32>, vector<16xf32>, vector<16xf32>, vector<16xf32>, vector<16xf32>, vector<16xf32>, vector<16xf32>, vector<16xf32>, vector<16xf32>, vector<16xf32>, vector<16xf32>, vector<16xf32>, vector<16xf32>, vector<16xf32>, vector<16xi32>)  : i32 {
        %parallel_loop3A_1543 = arith.constant 0 : i32
        %parallel_loop3A_1544 = arith.index_cast %parallel_loop3A_1543 : i32 to index
        %parallel_loop3A_1545 = arith.index_cast %parallel_loop3A_1525 : i32 to index
        %parallel_loop3A_1546 = tpu.vector_load %arg5[%parallel_loop3A_1544, %parallel_loop3A_1545] {strides = array<i32>} : memref<8x4096xf32, #tpu.memory_space<vmem>>, vector<1x16xf32>,
        %parallel_loop3A_1547 = vector.shape_cast %parallel_loop3A_1546 : vector<1x16xf32> to vector<16xf32>
        %parallel_loop3A_1548 = arith.constant 1 : i32
        %parallel_loop3A_1549 = arith.index_cast %parallel_loop3A_1548 : i32 to index
        %parallel_loop3A_1550 = arith.index_cast %parallel_loop3A_1525 : i32 to index
        %parallel_loop3A_1551 = tpu.vector_load %arg5[%parallel_loop3A_1549, %parallel_loop3A_1550] {strides = array<i32>} : memref<8x4096xf32, #tpu.memory_space<vmem>>, vector<1x16xf32>,
        %parallel_loop3A_1552 = vector.shape_cast %parallel_loop3A_1551 : vector<1x16xf32> to vector<16xf32>
        %parallel_loop3A_1553 = arith.constant 2 : i32
        %parallel_loop3A_1554 = arith.index_cast %parallel_loop3A_1553 : i32 to index
        %parallel_loop3A_1555 = arith.index_cast %parallel_loop3A_1525 : i32 to index
        %parallel_loop3A_1556 = tpu.vector_load %arg5[%parallel_loop3A_1554, %parallel_loop3A_1555] {strides = array<i32>} : memref<8x4096xf32, #tpu.memory_space<vmem>>, vector<1x16xf32>,
        %parallel_loop3A_1557 = vector.shape_cast %parallel_loop3A_1556 : vector<1x16xf32> to vector<16xf32>
        %parallel_loop3A_1558 = arith.constant 3 : i32
        %parallel_loop3A_1559 = arith.index_cast %parallel_loop3A_1558 : i32 to index
        %parallel_loop3A_1560 = arith.index_cast %parallel_loop3A_1525 : i32 to index
        %parallel_loop3A_1561 = tpu.vector_load %arg5[%parallel_loop3A_1559, %parallel_loop3A_1560] {strides = array<i32>} : memref<8x4096xf32, #tpu.memory_space<vmem>>, vector<1x16xf32>,
        %parallel_loop3A_1562 = vector.shape_cast %parallel_loop3A_1561 : vector<1x16xf32> to vector<16xf32>
        %parallel_loop3A_1563 = arith.constant 4 : i32
        %parallel_loop3A_1564 = arith.index_cast %parallel_loop3A_1563 : i32 to index
        %parallel_loop3A_1565 = arith.index_cast %parallel_loop3A_1525 : i32 to index
        %parallel_loop3A_1566 = tpu.vector_load %arg5[%parallel_loop3A_1564, %parallel_loop3A_1565] {strides = array<i32>} : memref<8x4096xf32, #tpu.memory_space<vmem>>, vector<1x16xf32>,
        %parallel_loop3A_1567 = vector.shape_cast %parallel_loop3A_1566 : vector<1x16xf32> to vector<16xf32>
        %parallel_loop3A_1568 = arith.constant 5 : i32
        %parallel_loop3A_1569 = arith.index_cast %parallel_loop3A_1568 : i32 to index
        %parallel_loop3A_1570 = arith.index_cast %parallel_loop3A_1525 : i32 to index
        %parallel_loop3A_1571 = tpu.vector_load %arg5[%parallel_loop3A_1569, %parallel_loop3A_1570] {strides = array<i32>} : memref<8x4096xf32, #tpu.memory_space<vmem>>, vector<1x16xf32>,
        %parallel_loop3A_1572 = vector.shape_cast %parallel_loop3A_1571 : vector<1x16xf32> to vector<16xf32>
        %parallel_loop3A_1573 = arith.constant 6 : i32
        %parallel_loop3A_1574 = arith.index_cast %parallel_loop3A_1573 : i32 to index
        %parallel_loop3A_1575 = arith.index_cast %parallel_loop3A_1525 : i32 to index
        %parallel_loop3A_1576 = tpu.vector_load %arg5[%parallel_loop3A_1574, %parallel_loop3A_1575] {strides = array<i32>} : memref<8x4096xf32, #tpu.memory_space<vmem>>, vector<1x16xf32>,
        %parallel_loop3A_1577 = vector.shape_cast %parallel_loop3A_1576 : vector<1x16xf32> to vector<16xf32>
        %parallel_loop3A_1578 = arith.constant 7 : i32
        %parallel_loop3A_1579 = arith.index_cast %parallel_loop3A_1578 : i32 to index
        %parallel_loop3A_1580 = arith.index_cast %parallel_loop3A_1525 : i32 to index
        %parallel_loop3A_1581 = tpu.vector_load %arg5[%parallel_loop3A_1579, %parallel_loop3A_1580] {strides = array<i32>} : memref<8x4096xf32, #tpu.memory_space<vmem>>, vector<1x16xf32>,
        %parallel_loop3A_1582 = vector.shape_cast %parallel_loop3A_1581 : vector<1x16xf32> to vector<16xf32>
        %parallel_loop3A_1583 = math.exp %parallel_loop3A_1547 : vector<16xf32>
        %parallel_loop3A_1584 = arith.addf %parallel_loop3A_1526, %parallel_loop3A_1583 : vector<16xf32>
        %parallel_loop3A_1585 = math.exp %parallel_loop3A_1552 : vector<16xf32>
        %parallel_loop3A_1586 = arith.addf %parallel_loop3A_1527, %parallel_loop3A_1585 : vector<16xf32>
        %parallel_loop3A_1587 = math.exp %parallel_loop3A_1557 : vector<16xf32>
        %parallel_loop3A_1588 = arith.addf %parallel_loop3A_1528, %parallel_loop3A_1587 : vector<16xf32>
        %parallel_loop3A_1589 = math.exp %parallel_loop3A_1562 : vector<16xf32>
        %parallel_loop3A_1590 = arith.addf %parallel_loop3A_1529, %parallel_loop3A_1589 : vector<16xf32>
        %parallel_loop3A_1591 = math.exp %parallel_loop3A_1567 : vector<16xf32>
        %parallel_loop3A_1592 = arith.addf %parallel_loop3A_1530, %parallel_loop3A_1591 : vector<16xf32>
        %parallel_loop3A_1593 = math.exp %parallel_loop3A_1572 : vector<16xf32>
        %parallel_loop3A_1594 = arith.addf %parallel_loop3A_1531, %parallel_loop3A_1593 : vector<16xf32>
        %parallel_loop3A_1595 = math.exp %parallel_loop3A_1577 : vector<16xf32>
        %parallel_loop3A_1596 = arith.addf %parallel_loop3A_1532, %parallel_loop3A_1595 : vector<16xf32>
        %parallel_loop3A_1597 = math.exp %parallel_loop3A_1582 : vector<16xf32>
        %parallel_loop3A_1598 = arith.addf %parallel_loop3A_1533, %parallel_loop3A_1597 : vector<16xf32>
        %parallel_loop3A_1599 = arith.cmpi eq, %parallel_loop3A_1542, %gather3A_742 : vector<16xi32>
        %parallel_loop3A_1600 = arith.constant 0.000000e+00 : f32
        %parallel_loop3A_1601 = vector.broadcast %parallel_loop3A_1600 : f32 to vector<16xf32>
        %parallel_loop3A_1602 = arith.select %parallel_loop3A_1599, %parallel_loop3A_1547, %parallel_loop3A_1601 : vector<16xi1>, vector<16xf32>
        %parallel_loop3A_1603 = arith.addf %parallel_loop3A_1534, %parallel_loop3A_1602 : vector<16xf32>
        %parallel_loop3A_1604 = arith.cmpi eq, %parallel_loop3A_1542, %gather3A_746 : vector<16xi32>
        %parallel_loop3A_1605 = arith.constant 0.000000e+00 : f32
        %parallel_loop3A_1606 = vector.broadcast %parallel_loop3A_1605 : f32 to vector<16xf32>
        %parallel_loop3A_1607 = arith.select %parallel_loop3A_1604, %parallel_loop3A_1552, %parallel_loop3A_1606 : vector<16xi1>, vector<16xf32>
        %parallel_loop3A_1608 = arith.addf %parallel_loop3A_1535, %parallel_loop3A_1607 : vector<16xf32>
        %parallel_loop3A_1609 = arith.cmpi eq, %parallel_loop3A_1542, %gather3A_750 : vector<16xi32>
        %parallel_loop3A_1610 = arith.constant 0.000000e+00 : f32
        %parallel_loop3A_1611 = vector.broadcast %parallel_loop3A_1610 : f32 to vector<16xf32>
        %parallel_loop3A_1612 = arith.select %parallel_loop3A_1609, %parallel_loop3A_1557, %parallel_loop3A_1611 : vector<16xi1>, vector<16xf32>
        %parallel_loop3A_1613 = arith.addf %parallel_loop3A_1536, %parallel_loop3A_1612 : vector<16xf32>
        %parallel_loop3A_1614 = arith.cmpi eq, %parallel_loop3A_1542, %gather3A_754 : vector<16xi32>
        %parallel_loop3A_1615 = arith.constant 0.000000e+00 : f32
        %parallel_loop3A_1616 = vector.broadcast %parallel_loop3A_1615 : f32 to vector<16xf32>
        %parallel_loop3A_1617 = arith.select %parallel_loop3A_1614, %parallel_loop3A_1562, %parallel_loop3A_1616 : vector<16xi1>, vector<16xf32>
        %parallel_loop3A_1618 = arith.addf %parallel_loop3A_1537, %parallel_loop3A_1617 : vector<16xf32>
        %parallel_loop3A_1619 = arith.cmpi eq, %parallel_loop3A_1542, %gather3A_758 : vector<16xi32>
        %parallel_loop3A_1620 = arith.constant 0.000000e+00 : f32
        %parallel_loop3A_1621 = vector.broadcast %parallel_loop3A_1620 : f32 to vector<16xf32>
        %parallel_loop3A_1622 = arith.select %parallel_loop3A_1619, %parallel_loop3A_1567, %parallel_loop3A_1621 : vector<16xi1>, vector<16xf32>
        %parallel_loop3A_1623 = arith.addf %parallel_loop3A_1538, %parallel_loop3A_1622 : vector<16xf32>
        %parallel_loop3A_1624 = arith.cmpi eq, %parallel_loop3A_1542, %gather3A_762 : vector<16xi32>
        %parallel_loop3A_1625 = arith.constant 0.000000e+00 : f32
        %parallel_loop3A_1626 = vector.broadcast %parallel_loop3A_1625 : f32 to vector<16xf32>
        %parallel_loop3A_1627 = arith.select %parallel_loop3A_1624, %parallel_loop3A_1572, %parallel_loop3A_1626 : vector<16xi1>, vector<16xf32>
        %parallel_loop3A_1628 = arith.addf %parallel_loop3A_1539, %parallel_loop3A_1627 : vector<16xf32>
        %parallel_loop3A_1629 = arith.cmpi eq, %parallel_loop3A_1542, %gather3A_766 : vector<16xi32>
        %parallel_loop3A_1630 = arith.constant 0.000000e+00 : f32
        %parallel_loop3A_1631 = vector.broadcast %parallel_loop3A_1630 : f32 to vector<16xf32>
        %parallel_loop3A_1632 = arith.select %parallel_loop3A_1629, %parallel_loop3A_1577, %parallel_loop3A_1631 : vector<16xi1>, vector<16xf32>
        %parallel_loop3A_1633 = arith.addf %parallel_loop3A_1540, %parallel_loop3A_1632 : vector<16xf32>
        %parallel_loop3A_1634 = arith.cmpi eq, %parallel_loop3A_1542, %gather3A_770 : vector<16xi32>
        %parallel_loop3A_1635 = arith.constant 0.000000e+00 : f32
        %parallel_loop3A_1636 = vector.broadcast %parallel_loop3A_1635 : f32 to vector<16xf32>
        %parallel_loop3A_1637 = arith.select %parallel_loop3A_1634, %parallel_loop3A_1582, %parallel_loop3A_1636 : vector<16xi1>, vector<16xf32>
        %parallel_loop3A_1638 = arith.addf %parallel_loop3A_1541, %parallel_loop3A_1637 : vector<16xf32>
        %parallel_loop3A_1639 = arith.constant 16 : i32
        %parallel_loop3A_1640 = vector.broadcast %parallel_loop3A_1639 : i32 to vector<16xi32>
        %parallel_loop3A_1641 = arith.addi %parallel_loop3A_1542, %parallel_loop3A_1640 : vector<16xi32>
        scf.yield %parallel_loop3A_1584, %parallel_loop3A_1586, %parallel_loop3A_1588, %parallel_loop3A_1590, %parallel_loop3A_1592, %parallel_loop3A_1594, %parallel_loop3A_1596, %parallel_loop3A_1598, %parallel_loop3A_1603, %parallel_loop3A_1608, %parallel_loop3A_1613, %parallel_loop3A_1618, %parallel_loop3A_1623, %parallel_loop3A_1628, %parallel_loop3A_1633, %parallel_loop3A_1638, %parallel_loop3A_1641 : vector<16xf32>, vector<16xf32>, vector<16xf32>, vector<16xf32>, vector<16xf32>, vector<16xf32>, vector<16xf32>, vector<16xf32>, vector<16xf32>, vector<16xf32>, vector<16xf32>, vector<16xf32>, vector<16xf32>, vector<16xf32>, vector<16xf32>, vector<16xf32>, vector<16xi32>
      } {sc.loop_unroll_factor = 4 : i64, sc.parallel_access}
      %add3A_1510 = arith.constant 2 : i32
      %add3A_1511 = arith.addi %mul3A_1495, %add3A_1510 : i32
      %min3A = arith.constant 23 : i32
      %min3A_1512 = arith.minsi %add3A_1511, %min3A : i32
      %mul3A_1513 = arith.constant 4096 : i32
      %mul3A_1514 = arith.muli %min3A_1512, %mul3A_1513 : i32
      %dma_start3A_1515 = tpu.memref_slice %arg2[%add3A_735, %mul3A_1514] : memref<1024x100000xf32, #tpu.memory_space<hbm>> -> memref<8x4096xf32, #tpu.memory_space<hbm>>
      %dma_start3A_1516 = tpu.memref_slice %arg2[%add3A_735, %mul3A_1514] : memref<1024x100000xf32, #tpu.memory_space<hbm>> -> memref<8x4096xf32, #tpu.memory_space<hbm>>
      tpu.enqueue_dma source(%dma_start3A_1516 : memref<8x4096xf32, #tpu.memory_space<hbm>>) target(%arg5 : memref<8x4096xf32, #tpu.memory_space<vmem>>) target_semaphore(%arg10 : memref<!tpu.dma_semaphore, #tpu.memory_space<semaphore_mem>>)
      %dma_wait3A_1517 = arith.constant 0 : i32
      %dma_wait3A_1518 = tpu.memref_slice %arg2[%add3A_735, %dma_wait3A_1517] : memref<1024x100000xf32, #tpu.memory_space<hbm>> -> memref<8x4096xf32, #tpu.memory_space<hbm>>
      %dma_wait3A_1519 = arith.constant 0 : i32
      %dma_wait3A_1520 = tpu.memref_slice %arg2[%add3A_735, %dma_wait3A_1519] : memref<1024x100000xf32, #tpu.memory_space<hbm>> -> memref<8x4096xf32, #tpu.memory_space<hbm>>
      tpu.wait_dma2 semaphore(%arg11 : memref<!tpu.dma_semaphore, #tpu.memory_space<semaphore_mem>>) src(%dma_wait3A_1520 : memref<8x4096xf32, #tpu.memory_space<hbm>>) dst(%arg6 : memref<8x4096xf32, #tpu.memory_space<vmem>>)
      %parallel_loop3A_1521 = arith.constant 0 : i32
      %parallel_loop3A_1522 = arith.constant 4096 : i32
      %parallel_loop3A_1523 = arith.constant 16 : i32
      %parallel_loop3A_1524:17 = scf.for %parallel_loop3A_1525 = %parallel_loop3A_1521 to %parallel_loop3A_1522 step %parallel_loop3A_1523 iter_args(%parallel_loop3A_1526 = %parallel_loop3A_1509#0, %parallel_loop3A_1527 = %parallel_loop3A_1509#1, %parallel_loop3A_1528 = %parallel_loop3A_1509#2, %parallel_loop3A_1529 = %parallel_loop3A_1509#3, %parallel_loop3A_1530 = %parallel_loop3A_1509#4, %parallel_loop3A_1531 = %parallel_loop3A_1509#5, %parallel_loop3A_1532 = %parallel_loop3A_1509#6, %parallel_loop3A_1533 = %parallel_loop3A_1509#7, %parallel_loop3A_1534 = %parallel_loop3A_1509#8, %parallel_loop3A_1535 = %parallel_loop3A_1509#9, %parallel_loop3A_1536 = %parallel_loop3A_1509#10, %parallel_loop3A_1537 = %parallel_loop3A_1509#11, %parallel_loop3A_1538 = %parallel_loop3A_1509#12, %parallel_loop3A_1539 = %parallel_loop3A_1509#13, %parallel_loop3A_1540 = %parallel_loop3A_1509#14, %parallel_loop3A_1541 = %parallel_loop3A_1509#15, %parallel_loop3A_1542 = %parallel_loop3A_1509#16) -> (vector<16xf32>, vector<16xf32>, vector<16xf32>, vector<16xf32>, vector<16xf32>, vector<16xf32>, vector<16xf32>, vector<16xf32>, vector<16xf32>, vector<16xf32>, vector<16xf32>, vector<16xf32>, vector<16xf32>, vector<16xf32>, vector<16xf32>, vector<16xf32>, vector<16xi32>)  : i32 {
        %parallel_loop3A_1543 = arith.constant 0 : i32
        %parallel_loop3A_1544 = arith.index_cast %parallel_loop3A_1543 : i32 to index
        %parallel_loop3A_1545 = arith.index_cast %parallel_loop3A_1525 : i32 to index
        %parallel_loop3A_1546 = tpu.vector_load %arg6[%parallel_loop3A_1544, %parallel_loop3A_1545] {strides = array<i32>} : memref<8x4096xf32, #tpu.memory_space<vmem>>, vector<1x16xf32>,
        %parallel_loop3A_1547 = vector.shape_cast %parallel_loop3A_1546 : vector<1x16xf32> to vector<16xf32>
        %parallel_loop3A_1548 = arith.constant 1 : i32
        %parallel_loop3A_1549 = arith.index_cast %parallel_loop3A_1548 : i32 to index
        %parallel_loop3A_1550 = arith.index_cast %parallel_loop3A_1525 : i32 to index
        %parallel_loop3A_1551 = tpu.vector_load %arg6[%parallel_loop3A_1549, %parallel_loop3A_1550] {strides = array<i32>} : memref<8x4096xf32, #tpu.memory_space<vmem>>, vector<1x16xf32>,
        %parallel_loop3A_1552 = vector.shape_cast %parallel_loop3A_1551 : vector<1x16xf32> to vector<16xf32>
        %parallel_loop3A_1553 = arith.constant 2 : i32
        %parallel_loop3A_1554 = arith.index_cast %parallel_loop3A_1553 : i32 to index
        %parallel_loop3A_1555 = arith.index_cast %parallel_loop3A_1525 : i32 to index
        %parallel_loop3A_1556 = tpu.vector_load %arg6[%parallel_loop3A_1554, %parallel_loop3A_1555] {strides = array<i32>} : memref<8x4096xf32, #tpu.memory_space<vmem>>, vector<1x16xf32>,
        %parallel_loop3A_1557 = vector.shape_cast %parallel_loop3A_1556 : vector<1x16xf32> to vector<16xf32>
        %parallel_loop3A_1558 = arith.constant 3 : i32
        %parallel_loop3A_1559 = arith.index_cast %parallel_loop3A_1558 : i32 to index
        %parallel_loop3A_1560 = arith.index_cast %parallel_loop3A_1525 : i32 to index
        %parallel_loop3A_1561 = tpu.vector_load %arg6[%parallel_loop3A_1559, %parallel_loop3A_1560] {strides = array<i32>} : memref<8x4096xf32, #tpu.memory_space<vmem>>, vector<1x16xf32>,
        %parallel_loop3A_1562 = vector.shape_cast %parallel_loop3A_1561 : vector<1x16xf32> to vector<16xf32>
        %parallel_loop3A_1563 = arith.constant 4 : i32
        %parallel_loop3A_1564 = arith.index_cast %parallel_loop3A_1563 : i32 to index
        %parallel_loop3A_1565 = arith.index_cast %parallel_loop3A_1525 : i32 to index
        %parallel_loop3A_1566 = tpu.vector_load %arg6[%parallel_loop3A_1564, %parallel_loop3A_1565] {strides = array<i32>} : memref<8x4096xf32, #tpu.memory_space<vmem>>, vector<1x16xf32>,
        %parallel_loop3A_1567 = vector.shape_cast %parallel_loop3A_1566 : vector<1x16xf32> to vector<16xf32>
        %parallel_loop3A_1568 = arith.constant 5 : i32
        %parallel_loop3A_1569 = arith.index_cast %parallel_loop3A_1568 : i32 to index
        %parallel_loop3A_1570 = arith.index_cast %parallel_loop3A_1525 : i32 to index
        %parallel_loop3A_1571 = tpu.vector_load %arg6[%parallel_loop3A_1569, %parallel_loop3A_1570] {strides = array<i32>} : memref<8x4096xf32, #tpu.memory_space<vmem>>, vector<1x16xf32>,
        %parallel_loop3A_1572 = vector.shape_cast %parallel_loop3A_1571 : vector<1x16xf32> to vector<16xf32>
        %parallel_loop3A_1573 = arith.constant 6 : i32
        %parallel_loop3A_1574 = arith.index_cast %parallel_loop3A_1573 : i32 to index
        %parallel_loop3A_1575 = arith.index_cast %parallel_loop3A_1525 : i32 to index
        %parallel_loop3A_1576 = tpu.vector_load %arg6[%parallel_loop3A_1574, %parallel_loop3A_1575] {strides = array<i32>} : memref<8x4096xf32, #tpu.memory_space<vmem>>, vector<1x16xf32>,
        %parallel_loop3A_1577 = vector.shape_cast %parallel_loop3A_1576 : vector<1x16xf32> to vector<16xf32>
        %parallel_loop3A_1578 = arith.constant 7 : i32
        %parallel_loop3A_1579 = arith.index_cast %parallel_loop3A_1578 : i32 to index
        %parallel_loop3A_1580 = arith.index_cast %parallel_loop3A_1525 : i32 to index
        %parallel_loop3A_1581 = tpu.vector_load %arg6[%parallel_loop3A_1579, %parallel_loop3A_1580] {strides = array<i32>} : memref<8x4096xf32, #tpu.memory_space<vmem>>, vector<1x16xf32>,
        %parallel_loop3A_1582 = vector.shape_cast %parallel_loop3A_1581 : vector<1x16xf32> to vector<16xf32>
        %parallel_loop3A_1583 = math.exp %parallel_loop3A_1547 : vector<16xf32>
        %parallel_loop3A_1584 = arith.addf %parallel_loop3A_1526, %parallel_loop3A_1583 : vector<16xf32>
        %parallel_loop3A_1585 = math.exp %parallel_loop3A_1552 : vector<16xf32>
        %parallel_loop3A_1586 = arith.addf %parallel_loop3A_1527, %parallel_loop3A_1585 : vector<16xf32>
        %parallel_loop3A_1587 = math.exp %parallel_loop3A_1557 : vector<16xf32>
        %parallel_loop3A_1588 = arith.addf %parallel_loop3A_1528, %parallel_loop3A_1587 : vector<16xf32>
        %parallel_loop3A_1589 = math.exp %parallel_loop3A_1562 : vector<16xf32>
        %parallel_loop3A_1590 = arith.addf %parallel_loop3A_1529, %parallel_loop3A_1589 : vector<16xf32>
        %parallel_loop3A_1591 = math.exp %parallel_loop3A_1567 : vector<16xf32>
        %parallel_loop3A_1592 = arith.addf %parallel_loop3A_1530, %parallel_loop3A_1591 : vector<16xf32>
        %parallel_loop3A_1593 = math.exp %parallel_loop3A_1572 : vector<16xf32>
        %parallel_loop3A_1594 = arith.addf %parallel_loop3A_1531, %parallel_loop3A_1593 : vector<16xf32>
        %parallel_loop3A_1595 = math.exp %parallel_loop3A_1577 : vector<16xf32>
        %parallel_loop3A_1596 = arith.addf %parallel_loop3A_1532, %parallel_loop3A_1595 : vector<16xf32>
        %parallel_loop3A_1597 = math.exp %parallel_loop3A_1582 : vector<16xf32>
        %parallel_loop3A_1598 = arith.addf %parallel_loop3A_1533, %parallel_loop3A_1597 : vector<16xf32>
        %parallel_loop3A_1599 = arith.cmpi eq, %parallel_loop3A_1542, %gather3A_742 : vector<16xi32>
        %parallel_loop3A_1600 = arith.constant 0.000000e+00 : f32
        %parallel_loop3A_1601 = vector.broadcast %parallel_loop3A_1600 : f32 to vector<16xf32>
        %parallel_loop3A_1602 = arith.select %parallel_loop3A_1599, %parallel_loop3A_1547, %parallel_loop3A_1601 : vector<16xi1>, vector<16xf32>
        %parallel_loop3A_1603 = arith.addf %parallel_loop3A_1534, %parallel_loop3A_1602 : vector<16xf32>
        %parallel_loop3A_1604 = arith.cmpi eq, %parallel_loop3A_1542, %gather3A_746 : vector<16xi32>
        %parallel_loop3A_1605 = arith.constant 0.000000e+00 : f32
        %parallel_loop3A_1606 = vector.broadcast %parallel_loop3A_1605 : f32 to vector<16xf32>
        %parallel_loop3A_1607 = arith.select %parallel_loop3A_1604, %parallel_loop3A_1552, %parallel_loop3A_1606 : vector<16xi1>, vector<16xf32>
        %parallel_loop3A_1608 = arith.addf %parallel_loop3A_1535, %parallel_loop3A_1607 : vector<16xf32>
        %parallel_loop3A_1609 = arith.cmpi eq, %parallel_loop3A_1542, %gather3A_750 : vector<16xi32>
        %parallel_loop3A_1610 = arith.constant 0.000000e+00 : f32
        %parallel_loop3A_1611 = vector.broadcast %parallel_loop3A_1610 : f32 to vector<16xf32>
        %parallel_loop3A_1612 = arith.select %parallel_loop3A_1609, %parallel_loop3A_1557, %parallel_loop3A_1611 : vector<16xi1>, vector<16xf32>
        %parallel_loop3A_1613 = arith.addf %parallel_loop3A_1536, %parallel_loop3A_1612 : vector<16xf32>
        %parallel_loop3A_1614 = arith.cmpi eq, %parallel_loop3A_1542, %gather3A_754 : vector<16xi32>
        %parallel_loop3A_1615 = arith.constant 0.000000e+00 : f32
        %parallel_loop3A_1616 = vector.broadcast %parallel_loop3A_1615 : f32 to vector<16xf32>
        %parallel_loop3A_1617 = arith.select %parallel_loop3A_1614, %parallel_loop3A_1562, %parallel_loop3A_1616 : vector<16xi1>, vector<16xf32>
        %parallel_loop3A_1618 = arith.addf %parallel_loop3A_1537, %parallel_loop3A_1617 : vector<16xf32>
        %parallel_loop3A_1619 = arith.cmpi eq, %parallel_loop3A_1542, %gather3A_758 : vector<16xi32>
        %parallel_loop3A_1620 = arith.constant 0.000000e+00 : f32
        %parallel_loop3A_1621 = vector.broadcast %parallel_loop3A_1620 : f32 to vector<16xf32>
        %parallel_loop3A_1622 = arith.select %parallel_loop3A_1619, %parallel_loop3A_1567, %parallel_loop3A_1621 : vector<16xi1>, vector<16xf32>
        %parallel_loop3A_1623 = arith.addf %parallel_loop3A_1538, %parallel_loop3A_1622 : vector<16xf32>
        %parallel_loop3A_1624 = arith.cmpi eq, %parallel_loop3A_1542, %gather3A_762 : vector<16xi32>
        %parallel_loop3A_1625 = arith.constant 0.000000e+00 : f32
        %parallel_loop3A_1626 = vector.broadcast %parallel_loop3A_1625 : f32 to vector<16xf32>
        %parallel_loop3A_1627 = arith.select %parallel_loop3A_1624, %parallel_loop3A_1572, %parallel_loop3A_1626 : vector<16xi1>, vector<16xf32>
        %parallel_loop3A_1628 = arith.addf %parallel_loop3A_1539, %parallel_loop3A_1627 : vector<16xf32>
        %parallel_loop3A_1629 = arith.cmpi eq, %parallel_loop3A_1542, %gather3A_766 : vector<16xi32>
        %parallel_loop3A_1630 = arith.constant 0.000000e+00 : f32
        %parallel_loop3A_1631 = vector.broadcast %parallel_loop3A_1630 : f32 to vector<16xf32>
        %parallel_loop3A_1632 = arith.select %parallel_loop3A_1629, %parallel_loop3A_1577, %parallel_loop3A_1631 : vector<16xi1>, vector<16xf32>
        %parallel_loop3A_1633 = arith.addf %parallel_loop3A_1540, %parallel_loop3A_1632 : vector<16xf32>
        %parallel_loop3A_1634 = arith.cmpi eq, %parallel_loop3A_1542, %gather3A_770 : vector<16xi32>
        %parallel_loop3A_1635 = arith.constant 0.000000e+00 : f32
        %parallel_loop3A_1636 = vector.broadcast %parallel_loop3A_1635 : f32 to vector<16xf32>
        %parallel_loop3A_1637 = arith.select %parallel_loop3A_1634, %parallel_loop3A_1582, %parallel_loop3A_1636 : vector<16xi1>, vector<16xf32>
        %parallel_loop3A_1638 = arith.addf %parallel_loop3A_1541, %parallel_loop3A_1637 : vector<16xf32>
        %parallel_loop3A_1639 = arith.constant 16 : i32
        %parallel_loop3A_1640 = vector.broadcast %parallel_loop3A_1639 : i32 to vector<16xi32>
        %parallel_loop3A_1641 = arith.addi %parallel_loop3A_1542, %parallel_loop3A_1640 : vector<16xi32>
        scf.yield %parallel_loop3A_1584, %parallel_loop3A_1586, %parallel_loop3A_1588, %parallel_loop3A_1590, %parallel_loop3A_1592, %parallel_loop3A_1594, %parallel_loop3A_1596, %parallel_loop3A_1598, %parallel_loop3A_1603, %parallel_loop3A_1608, %parallel_loop3A_1613, %parallel_loop3A_1618, %parallel_loop3A_1623, %parallel_loop3A_1628, %parallel_loop3A_1633, %parallel_loop3A_1638, %parallel_loop3A_1641 : vector<16xf32>, vector<16xf32>, vector<16xf32>, vector<16xf32>, vector<16xf32>, vector<16xf32>, vector<16xf32>, vector<16xf32>, vector<16xf32>, vector<16xf32>, vector<16xf32>, vector<16xf32>, vector<16xf32>, vector<16xf32>, vector<16xf32>, vector<16xf32>, vector<16xi32>
      } {sc.loop_unroll_factor = 4 : i64, sc.parallel_access}
      scf.yield %parallel_loop3A_1524#0, %parallel_loop3A_1524#1, %parallel_loop3A_1524#2, %parallel_loop3A_1524#3, %parallel_loop3A_1524#4, %parallel_loop3A_1524#5, %parallel_loop3A_1524#6, %parallel_loop3A_1524#7, %parallel_loop3A_1524#8, %parallel_loop3A_1524#9, %parallel_loop3A_1524#10, %parallel_loop3A_1524#11, %parallel_loop3A_1524#12, %parallel_loop3A_1524#13, %parallel_loop3A_1524#14, %parallel_loop3A_1524#15, %parallel_loop3A_1524#16 : vector<16xf32>, vector<16xf32>, vector<16xf32>, vector<16xf32>, vector<16xf32>, vector<16xf32>, vector<16xf32>, vector<16xf32>, vector<16xf32>, vector<16xf32>, vector<16xf32>, vector<16xf32>, vector<16xf32>, vector<16xf32>, vector<16xf32>, vector<16xf32>, vector<16xi32>
    }
    %scan3A_812 = arith.constant 12 : i32
    %dma_wait3A_813 = arith.constant 0 : i32
    %dma_wait3A_814 = tpu.memref_slice %arg2[%add3A_735, %dma_wait3A_813] : memref<1024x100000xf32, #tpu.memory_space<hbm>> -> memref<8x4096xf32, #tpu.memory_space<hbm>>
    %dma_wait3A_815 = arith.constant 0 : i32
    %dma_wait3A_816 = tpu.memref_slice %arg2[%add3A_735, %dma_wait3A_815] : memref<1024x100000xf32, #tpu.memory_space<hbm>> -> memref<8x4096xf32, #tpu.memory_space<hbm>>
    tpu.wait_dma2 semaphore(%arg10 : memref<!tpu.dma_semaphore, #tpu.memory_space<semaphore_mem>>) src(%dma_wait3A_816 : memref<8x4096xf32, #tpu.memory_space<hbm>>) dst(%arg5 : memref<8x4096xf32, #tpu.memory_space<vmem>>)
    "tpu.region"() ({
      %run_scoped3A = tpu.sem_alloc : memref<!tpu.dma_semaphore, #tpu.memory_space<semaphore_mem>>
      %dma_start3A_1476 = arith.constant 98304 : i32
      %dma_start3A_1477 = tpu.memref_slice %arg2[%add3A_735, %dma_start3A_1476] : memref<1024x100000xf32, #tpu.memory_space<hbm>> -> memref<8x1696xf32, #tpu.memory_space<hbm>>
      %dma_start3A_1478 = arith.constant 98304 : i32
      %dma_start3A_1479 = tpu.memref_slice %arg2[%add3A_735, %dma_start3A_1478] : memref<1024x100000xf32, #tpu.memory_space<hbm>> -> memref<8x1696xf32, #tpu.memory_space<hbm>>
      tpu.enqueue_dma source(%dma_start3A_1479 : memref<8x1696xf32, #tpu.memory_space<hbm>>) target(%arg7 : memref<8x1696xf32, #tpu.memory_space<vmem>>) target_semaphore(%run_scoped3A : memref<!tpu.dma_semaphore, #tpu.memory_space<semaphore_mem>>)
      %dma_wait3A_1480 = arith.constant 98304 : i32
      %dma_wait3A_1481 = tpu.memref_slice %arg2[%add3A_735, %dma_wait3A_1480] : memref<1024x100000xf32, #tpu.memory_space<hbm>> -> memref<8x1696xf32, #tpu.memory_space<hbm>>
      %dma_wait3A_1482 = arith.constant 98304 : i32
      %dma_wait3A_1483 = tpu.memref_slice %arg2[%add3A_735, %dma_wait3A_1482] : memref<1024x100000xf32, #tpu.memory_space<hbm>> -> memref<8x1696xf32, #tpu.memory_space<hbm>>
      tpu.wait_dma2 semaphore(%run_scoped3A : memref<!tpu.dma_semaphore, #tpu.memory_space<semaphore_mem>>) src(%dma_wait3A_1483 : memref<8x1696xf32, #tpu.memory_space<hbm>>) dst(%arg7 : memref<8x1696xf32, #tpu.memory_space<vmem>>)
      tpu.yield
    }) : () -> ()
    %parallel_loop3A_817 = arith.constant 0 : i32
    %parallel_loop3A_818 = arith.constant 1696 : i32
    %parallel_loop3A_819 = arith.constant 16 : i32
    %parallel_loop3A_820:17 = scf.for %parallel_loop3A_1476 = %parallel_loop3A_817 to %parallel_loop3A_818 step %parallel_loop3A_819 iter_args(%parallel_loop3A_1477 = %scan3A_811#0, %parallel_loop3A_1478 = %scan3A_811#1, %parallel_loop3A_1479 = %scan3A_811#2, %parallel_loop3A_1480 = %scan3A_811#3, %parallel_loop3A_1481 = %scan3A_811#4, %parallel_loop3A_1482 = %scan3A_811#5, %parallel_loop3A_1483 = %scan3A_811#6, %parallel_loop3A_1484 = %scan3A_811#7, %parallel_loop3A_1485 = %scan3A_811#8, %parallel_loop3A_1486 = %scan3A_811#9, %parallel_loop3A_1487 = %scan3A_811#10, %parallel_loop3A_1488 = %scan3A_811#11, %parallel_loop3A_1489 = %scan3A_811#12, %parallel_loop3A_1490 = %scan3A_811#13, %parallel_loop3A_1491 = %scan3A_811#14, %parallel_loop3A_1492 = %scan3A_811#15, %parallel_loop3A_1493 = %scan3A_811#16) -> (vector<16xf32>, vector<16xf32>, vector<16xf32>, vector<16xf32>, vector<16xf32>, vector<16xf32>, vector<16xf32>, vector<16xf32>, vector<16xf32>, vector<16xf32>, vector<16xf32>, vector<16xf32>, vector<16xf32>, vector<16xf32>, vector<16xf32>, vector<16xf32>, vector<16xi32>)  : i32 {
      %parallel_loop3A_1494 = arith.constant 0 : i32
      %parallel_loop3A_1495 = arith.index_cast %parallel_loop3A_1494 : i32 to index
      %parallel_loop3A_1496 = arith.index_cast %parallel_loop3A_1476 : i32 to index
      %parallel_loop3A_1497 = tpu.vector_load %arg7[%parallel_loop3A_1495, %parallel_loop3A_1496] {strides = array<i32>} : memref<8x1696xf32, #tpu.memory_space<vmem>>, vector<1x16xf32>,
      %parallel_loop3A_1498 = vector.shape_cast %parallel_loop3A_1497 : vector<1x16xf32> to vector<16xf32>
      %parallel_loop3A_1499 = arith.constant 1 : i32
      %parallel_loop3A_1500 = arith.index_cast %parallel_loop3A_1499 : i32 to index
      %parallel_loop3A_1501 = arith.index_cast %parallel_loop3A_1476 : i32 to index
      %parallel_loop3A_1502 = tpu.vector_load %arg7[%parallel_loop3A_1500, %parallel_loop3A_1501] {strides = array<i32>} : memref<8x1696xf32, #tpu.memory_space<vmem>>, vector<1x16xf32>,
      %parallel_loop3A_1503 = vector.shape_cast %parallel_loop3A_1502 : vector<1x16xf32> to vector<16xf32>
      %parallel_loop3A_1504 = arith.constant 2 : i32
      %parallel_loop3A_1505 = arith.index_cast %parallel_loop3A_1504 : i32 to index
      %parallel_loop3A_1506 = arith.index_cast %parallel_loop3A_1476 : i32 to index
      %parallel_loop3A_1507 = tpu.vector_load %arg7[%parallel_loop3A_1505, %parallel_loop3A_1506] {strides = array<i32>} : memref<8x1696xf32, #tpu.memory_space<vmem>>, vector<1x16xf32>,
      %parallel_loop3A_1508 = vector.shape_cast %parallel_loop3A_1507 : vector<1x16xf32> to vector<16xf32>
      %parallel_loop3A_1509 = arith.constant 3 : i32
      %parallel_loop3A_1510 = arith.index_cast %parallel_loop3A_1509 : i32 to index
      %parallel_loop3A_1511 = arith.index_cast %parallel_loop3A_1476 : i32 to index
      %parallel_loop3A_1512 = tpu.vector_load %arg7[%parallel_loop3A_1510, %parallel_loop3A_1511] {strides = array<i32>} : memref<8x1696xf32, #tpu.memory_space<vmem>>, vector<1x16xf32>,
      %parallel_loop3A_1513 = vector.shape_cast %parallel_loop3A_1512 : vector<1x16xf32> to vector<16xf32>
      %parallel_loop3A_1514 = arith.constant 4 : i32
      %parallel_loop3A_1515 = arith.index_cast %parallel_loop3A_1514 : i32 to index
      %parallel_loop3A_1516 = arith.index_cast %parallel_loop3A_1476 : i32 to index
      %parallel_loop3A_1517 = tpu.vector_load %arg7[%parallel_loop3A_1515, %parallel_loop3A_1516] {strides = array<i32>} : memref<8x1696xf32, #tpu.memory_space<vmem>>, vector<1x16xf32>,
      %parallel_loop3A_1518 = vector.shape_cast %parallel_loop3A_1517 : vector<1x16xf32> to vector<16xf32>
      %parallel_loop3A_1519 = arith.constant 5 : i32
      %parallel_loop3A_1520 = arith.index_cast %parallel_loop3A_1519 : i32 to index
      %parallel_loop3A_1521 = arith.index_cast %parallel_loop3A_1476 : i32 to index
      %parallel_loop3A_1522 = tpu.vector_load %arg7[%parallel_loop3A_1520, %parallel_loop3A_1521] {strides = array<i32>} : memref<8x1696xf32, #tpu.memory_space<vmem>>, vector<1x16xf32>,
      %parallel_loop3A_1523 = vector.shape_cast %parallel_loop3A_1522 : vector<1x16xf32> to vector<16xf32>
      %parallel_loop3A_1524 = arith.constant 6 : i32
      %parallel_loop3A_1525 = arith.index_cast %parallel_loop3A_1524 : i32 to index
      %parallel_loop3A_1526 = arith.index_cast %parallel_loop3A_1476 : i32 to index
      %parallel_loop3A_1527 = tpu.vector_load %arg7[%parallel_loop3A_1525, %parallel_loop3A_1526] {strides = array<i32>} : memref<8x1696xf32, #tpu.memory_space<vmem>>, vector<1x16xf32>,
      %parallel_loop3A_1528 = vector.shape_cast %parallel_loop3A_1527 : vector<1x16xf32> to vector<16xf32>
      %parallel_loop3A_1529 = arith.constant 7 : i32
      %parallel_loop3A_1530 = arith.index_cast %parallel_loop3A_1529 : i32 to index
      %parallel_loop3A_1531 = arith.index_cast %parallel_loop3A_1476 : i32 to index
      %parallel_loop3A_1532 = tpu.vector_load %arg7[%parallel_loop3A_1530, %parallel_loop3A_1531] {strides = array<i32>} : memref<8x1696xf32, #tpu.memory_space<vmem>>, vector<1x16xf32>,
      %parallel_loop3A_1533 = vector.shape_cast %parallel_loop3A_1532 : vector<1x16xf32> to vector<16xf32>
      %parallel_loop3A_1534 = math.exp %parallel_loop3A_1498 : vector<16xf32>
      %parallel_loop3A_1535 = arith.addf %parallel_loop3A_1477, %parallel_loop3A_1534 : vector<16xf32>
      %parallel_loop3A_1536 = math.exp %parallel_loop3A_1503 : vector<16xf32>
      %parallel_loop3A_1537 = arith.addf %parallel_loop3A_1478, %parallel_loop3A_1536 : vector<16xf32>
      %parallel_loop3A_1538 = math.exp %parallel_loop3A_1508 : vector<16xf32>
      %parallel_loop3A_1539 = arith.addf %parallel_loop3A_1479, %parallel_loop3A_1538 : vector<16xf32>
      %parallel_loop3A_1540 = math.exp %parallel_loop3A_1513 : vector<16xf32>
      %parallel_loop3A_1541 = arith.addf %parallel_loop3A_1480, %parallel_loop3A_1540 : vector<16xf32>
      %parallel_loop3A_1542 = math.exp %parallel_loop3A_1518 : vector<16xf32>
      %parallel_loop3A_1543 = arith.addf %parallel_loop3A_1481, %parallel_loop3A_1542 : vector<16xf32>
      %parallel_loop3A_1544 = math.exp %parallel_loop3A_1523 : vector<16xf32>
      %parallel_loop3A_1545 = arith.addf %parallel_loop3A_1482, %parallel_loop3A_1544 : vector<16xf32>
      %parallel_loop3A_1546 = math.exp %parallel_loop3A_1528 : vector<16xf32>
      %parallel_loop3A_1547 = arith.addf %parallel_loop3A_1483, %parallel_loop3A_1546 : vector<16xf32>
      %parallel_loop3A_1548 = math.exp %parallel_loop3A_1533 : vector<16xf32>
      %parallel_loop3A_1549 = arith.addf %parallel_loop3A_1484, %parallel_loop3A_1548 : vector<16xf32>
      %parallel_loop3A_1550 = arith.cmpi eq, %parallel_loop3A_1493, %gather3A_742 : vector<16xi32>
      %parallel_loop3A_1551 = arith.constant 0.000000e+00 : f32
      %parallel_loop3A_1552 = vector.broadcast %parallel_loop3A_1551 : f32 to vector<16xf32>
      %parallel_loop3A_1553 = arith.select %parallel_loop3A_1550, %parallel_loop3A_1498, %parallel_loop3A_1552 : vector<16xi1>, vector<16xf32>
      %parallel_loop3A_1554 = arith.addf %parallel_loop3A_1485, %parallel_loop3A_1553 : vector<16xf32>
      %parallel_loop3A_1555 = arith.cmpi eq, %parallel_loop3A_1493, %gather3A_746 : vector<16xi32>
      %parallel_loop3A_1556 = arith.constant 0.000000e+00 : f32
      %parallel_loop3A_1557 = vector.broadcast %parallel_loop3A_1556 : f32 to vector<16xf32>
      %parallel_loop3A_1558 = arith.select %parallel_loop3A_1555, %parallel_loop3A_1503, %parallel_loop3A_1557 : vector<16xi1>, vector<16xf32>
      %parallel_loop3A_1559 = arith.addf %parallel_loop3A_1486, %parallel_loop3A_1558 : vector<16xf32>
      %parallel_loop3A_1560 = arith.cmpi eq, %parallel_loop3A_1493, %gather3A_750 : vector<16xi32>
      %parallel_loop3A_1561 = arith.constant 0.000000e+00 : f32
      %parallel_loop3A_1562 = vector.broadcast %parallel_loop3A_1561 : f32 to vector<16xf32>
      %parallel_loop3A_1563 = arith.select %parallel_loop3A_1560, %parallel_loop3A_1508, %parallel_loop3A_1562 : vector<16xi1>, vector<16xf32>
      %parallel_loop3A_1564 = arith.addf %parallel_loop3A_1487, %parallel_loop3A_1563 : vector<16xf32>
      %parallel_loop3A_1565 = arith.cmpi eq, %parallel_loop3A_1493, %gather3A_754 : vector<16xi32>
      %parallel_loop3A_1566 = arith.constant 0.000000e+00 : f32
      %parallel_loop3A_1567 = vector.broadcast %parallel_loop3A_1566 : f32 to vector<16xf32>
      %parallel_loop3A_1568 = arith.select %parallel_loop3A_1565, %parallel_loop3A_1513, %parallel_loop3A_1567 : vector<16xi1>, vector<16xf32>
      %parallel_loop3A_1569 = arith.addf %parallel_loop3A_1488, %parallel_loop3A_1568 : vector<16xf32>
      %parallel_loop3A_1570 = arith.cmpi eq, %parallel_loop3A_1493, %gather3A_758 : vector<16xi32>
      %parallel_loop3A_1571 = arith.constant 0.000000e+00 : f32
      %parallel_loop3A_1572 = vector.broadcast %parallel_loop3A_1571 : f32 to vector<16xf32>
      %parallel_loop3A_1573 = arith.select %parallel_loop3A_1570, %parallel_loop3A_1518, %parallel_loop3A_1572 : vector<16xi1>, vector<16xf32>
      %parallel_loop3A_1574 = arith.addf %parallel_loop3A_1489, %parallel_loop3A_1573 : vector<16xf32>
      %parallel_loop3A_1575 = arith.cmpi eq, %parallel_loop3A_1493, %gather3A_762 : vector<16xi32>
      %parallel_loop3A_1576 = arith.constant 0.000000e+00 : f32
      %parallel_loop3A_1577 = vector.broadcast %parallel_loop3A_1576 : f32 to vector<16xf32>
      %parallel_loop3A_1578 = arith.select %parallel_loop3A_1575, %parallel_loop3A_1523, %parallel_loop3A_1577 : vector<16xi1>, vector<16xf32>
      %parallel_loop3A_1579 = arith.addf %parallel_loop3A_1490, %parallel_loop3A_1578 : vector<16xf32>
      %parallel_loop3A_1580 = arith.cmpi eq, %parallel_loop3A_1493, %gather3A_766 : vector<16xi32>
      %parallel_loop3A_1581 = arith.constant 0.000000e+00 : f32
      %parallel_loop3A_1582 = vector.broadcast %parallel_loop3A_1581 : f32 to vector<16xf32>
      %parallel_loop3A_1583 = arith.select %parallel_loop3A_1580, %parallel_loop3A_1528, %parallel_loop3A_1582 : vector<16xi1>, vector<16xf32>
      %parallel_loop3A_1584 = arith.addf %parallel_loop3A_1491, %parallel_loop3A_1583 : vector<16xf32>
      %parallel_loop3A_1585 = arith.cmpi eq, %parallel_loop3A_1493, %gather3A_770 : vector<16xi32>
      %parallel_loop3A_1586 = arith.constant 0.000000e+00 : f32
      %parallel_loop3A_1587 = vector.broadcast %parallel_loop3A_1586 : f32 to vector<16xf32>
      %parallel_loop3A_1588 = arith.select %parallel_loop3A_1585, %parallel_loop3A_1533, %parallel_loop3A_1587 : vector<16xi1>, vector<16xf32>
      %parallel_loop3A_1589 = arith.addf %parallel_loop3A_1492, %parallel_loop3A_1588 : vector<16xf32>
      %parallel_loop3A_1590 = arith.constant 16 : i32
      %parallel_loop3A_1591 = vector.broadcast %parallel_loop3A_1590 : i32 to vector<16xi32>
      %parallel_loop3A_1592 = arith.addi %parallel_loop3A_1493, %parallel_loop3A_1591 : vector<16xi32>
      scf.yield %parallel_loop3A_1535, %parallel_loop3A_1537, %parallel_loop3A_1539, %parallel_loop3A_1541, %parallel_loop3A_1543, %parallel_loop3A_1545, %parallel_loop3A_1547, %parallel_loop3A_1549, %parallel_loop3A_1554, %parallel_loop3A_1559, %parallel_loop3A_1564, %parallel_loop3A_1569, %parallel_loop3A_1574, %parallel_loop3A_1579, %parallel_loop3A_1584, %parallel_loop3A_1589, %parallel_loop3A_1592 : vector<16xf32>, vector<16xf32>, vector<16xf32>, vector<16xf32>, vector<16xf32>, vector<16xf32>, vector<16xf32>, vector<16xf32>, vector<16xf32>, vector<16xf32>, vector<16xf32>, vector<16xf32>, vector<16xf32>, vector<16xf32>, vector<16xf32>, vector<16xf32>, vector<16xi32>
    } {sc.loop_unroll_factor = 4 : i64, sc.parallel_access}
    %xor3A_821 = arith.constant 8 : i32
    %xor3A_822 = vector.broadcast %xor3A_821 : i32 to vector<16xi32>
    %xor3A_823 = arith.xori %iota3A, %xor3A_822 : vector<16xi32>
    %broadcast_in_dim3A_824 = vector.shape_cast %xor3A_823 : vector<16xi32> to vector<16x1xi32>
    %xor3A_825 = arith.constant 4 : i32
    %xor3A_826 = vector.broadcast %xor3A_825 : i32 to vector<16xi32>
    %xor3A_827 = arith.xori %iota3A, %xor3A_826 : vector<16xi32>
    %broadcast_in_dim3A_828 = vector.shape_cast %xor3A_827 : vector<16xi32> to vector<16x1xi32>
    %xor3A_829 = arith.constant 2 : i32
    %xor3A_830 = vector.broadcast %xor3A_829 : i32 to vector<16xi32>
    %xor3A_831 = arith.xori %iota3A, %xor3A_830 : vector<16xi32>
    %broadcast_in_dim3A_832 = vector.shape_cast %xor3A_831 : vector<16xi32> to vector<16x1xi32>
    %xor3A_833 = arith.constant 1 : i32
    %xor3A_834 = vector.broadcast %xor3A_833 : i32 to vector<16xi32>
    %xor3A_835 = arith.xori %iota3A, %xor3A_834 : vector<16xi32>
    %broadcast_in_dim3A_836 = vector.shape_cast %xor3A_835 : vector<16xi32> to vector<16x1xi32>
    %broadcast_in_dim3A_837 = arith.constant 0.000000e+00 : f32
    %broadcast_in_dim3A_838 = vector.broadcast %broadcast_in_dim3A_837 : f32 to vector<16xf32>
    %broadcast_in_dim3A_839 = arith.constant 0.000000e+00 : f32
    %broadcast_in_dim3A_840 = vector.broadcast %broadcast_in_dim3A_839 : f32 to vector<16xf32>
    %eq3A_841 = arith.constant 0 : i32
    %eq3A_842 = vector.broadcast %eq3A_841 : i32 to vector<16xi32>
    %eq3A_843 = arith.cmpi eq, %iota3A, %eq3A_842 : vector<16xi32>
    %gather3A_844 = vector.shape_cast %broadcast_in_dim3A_824 : vector<16x1xi32> to vector<16xi32>
    %gather3A_845 = tpu.dynamic_gather %parallel_loop3A_820#0[%gather3A_844] in [0] : vector<16xf32>, vector<16xi32> -> vector<16xf32>
    %add3A_846 = arith.addf %parallel_loop3A_820#0, %gather3A_845 : vector<16xf32>
    %gather3A_847 = vector.shape_cast %broadcast_in_dim3A_828 : vector<16x1xi32> to vector<16xi32>
    %gather3A_848 = tpu.dynamic_gather %add3A_846[%gather3A_847] in [0] : vector<16xf32>, vector<16xi32> -> vector<16xf32>
    %add3A_849 = arith.addf %add3A_846, %gather3A_848 : vector<16xf32>
    %gather3A_850 = vector.shape_cast %broadcast_in_dim3A_832 : vector<16x1xi32> to vector<16xi32>
    %gather3A_851 = tpu.dynamic_gather %add3A_849[%gather3A_850] in [0] : vector<16xf32>, vector<16xi32> -> vector<16xf32>
    %add3A_852 = arith.addf %add3A_849, %gather3A_851 : vector<16xf32>
    %gather3A_853 = vector.shape_cast %broadcast_in_dim3A_836 : vector<16x1xi32> to vector<16xi32>
    %gather3A_854 = tpu.dynamic_gather %add3A_852[%gather3A_853] in [0] : vector<16xf32>, vector<16xi32> -> vector<16xf32>
    %add3A_855 = arith.addf %add3A_852, %gather3A_854 : vector<16xf32>
    %select_n3A_856 = arith.select %eq3A_843, %add3A_855, %broadcast_in_dim3A_838 : vector<16xi1>, vector<16xf32>
    %eq3A_857 = arith.constant 0 : i32
    %eq3A_858 = vector.broadcast %eq3A_857 : i32 to vector<16xi32>
    %eq3A_859 = arith.cmpi eq, %iota3A, %eq3A_858 : vector<16xi32>
    %gather3A_860 = vector.shape_cast %broadcast_in_dim3A_824 : vector<16x1xi32> to vector<16xi32>
    %gather3A_861 = tpu.dynamic_gather %parallel_loop3A_820#8[%gather3A_860] in [0] : vector<16xf32>, vector<16xi32> -> vector<16xf32>
    %add3A_862 = arith.addf %parallel_loop3A_820#8, %gather3A_861 : vector<16xf32>
    %gather3A_863 = vector.shape_cast %broadcast_in_dim3A_828 : vector<16x1xi32> to vector<16xi32>
    %gather3A_864 = tpu.dynamic_gather %add3A_862[%gather3A_863] in [0] : vector<16xf32>, vector<16xi32> -> vector<16xf32>
    %add3A_865 = arith.addf %add3A_862, %gather3A_864 : vector<16xf32>
    %gather3A_866 = vector.shape_cast %broadcast_in_dim3A_832 : vector<16x1xi32> to vector<16xi32>
    %gather3A_867 = tpu.dynamic_gather %add3A_865[%gather3A_866] in [0] : vector<16xf32>, vector<16xi32> -> vector<16xf32>
    %add3A_868 = arith.addf %add3A_865, %gather3A_867 : vector<16xf32>
    %gather3A_869 = vector.shape_cast %broadcast_in_dim3A_836 : vector<16x1xi32> to vector<16xi32>
    %gather3A_870 = tpu.dynamic_gather %add3A_868[%gather3A_869] in [0] : vector<16xf32>, vector<16xi32> -> vector<16xf32>
    %add3A_871 = arith.addf %add3A_868, %gather3A_870 : vector<16xf32>
    %select_n3A_872 = arith.select %eq3A_859, %add3A_871, %broadcast_in_dim3A_840 : vector<16xi1>, vector<16xf32>
    %eq3A_873 = arith.constant 1 : i32
    %eq3A_874 = vector.broadcast %eq3A_873 : i32 to vector<16xi32>
    %eq3A_875 = arith.cmpi eq, %iota3A, %eq3A_874 : vector<16xi32>
    %gather3A_876 = vector.shape_cast %broadcast_in_dim3A_824 : vector<16x1xi32> to vector<16xi32>
    %gather3A_877 = tpu.dynamic_gather %parallel_loop3A_820#1[%gather3A_876] in [0] : vector<16xf32>, vector<16xi32> -> vector<16xf32>
    %add3A_878 = arith.addf %parallel_loop3A_820#1, %gather3A_877 : vector<16xf32>
    %gather3A_879 = vector.shape_cast %broadcast_in_dim3A_828 : vector<16x1xi32> to vector<16xi32>
    %gather3A_880 = tpu.dynamic_gather %add3A_878[%gather3A_879] in [0] : vector<16xf32>, vector<16xi32> -> vector<16xf32>
    %add3A_881 = arith.addf %add3A_878, %gather3A_880 : vector<16xf32>
    %gather3A_882 = vector.shape_cast %broadcast_in_dim3A_832 : vector<16x1xi32> to vector<16xi32>
    %gather3A_883 = tpu.dynamic_gather %add3A_881[%gather3A_882] in [0] : vector<16xf32>, vector<16xi32> -> vector<16xf32>
    %add3A_884 = arith.addf %add3A_881, %gather3A_883 : vector<16xf32>
    %gather3A_885 = vector.shape_cast %broadcast_in_dim3A_836 : vector<16x1xi32> to vector<16xi32>
    %gather3A_886 = tpu.dynamic_gather %add3A_884[%gather3A_885] in [0] : vector<16xf32>, vector<16xi32> -> vector<16xf32>
    %add3A_887 = arith.addf %add3A_884, %gather3A_886 : vector<16xf32>
    %select_n3A_888 = arith.select %eq3A_875, %add3A_887, %select_n3A_856 : vector<16xi1>, vector<16xf32>
    %eq3A_889 = arith.constant 1 : i32
    %eq3A_890 = vector.broadcast %eq3A_889 : i32 to vector<16xi32>
    %eq3A_891 = arith.cmpi eq, %iota3A, %eq3A_890 : vector<16xi32>
    %gather3A_892 = vector.shape_cast %broadcast_in_dim3A_824 : vector<16x1xi32> to vector<16xi32>
    %gather3A_893 = tpu.dynamic_gather %parallel_loop3A_820#9[%gather3A_892] in [0] : vector<16xf32>, vector<16xi32> -> vector<16xf32>
    %add3A_894 = arith.addf %parallel_loop3A_820#9, %gather3A_893 : vector<16xf32>
    %gather3A_895 = vector.shape_cast %broadcast_in_dim3A_828 : vector<16x1xi32> to vector<16xi32>
    %gather3A_896 = tpu.dynamic_gather %add3A_894[%gather3A_895] in [0] : vector<16xf32>, vector<16xi32> -> vector<16xf32>
    %add3A_897 = arith.addf %add3A_894, %gather3A_896 : vector<16xf32>
    %gather3A_898 = vector.shape_cast %broadcast_in_dim3A_832 : vector<16x1xi32> to vector<16xi32>
    %gather3A_899 = tpu.dynamic_gather %add3A_897[%gather3A_898] in [0] : vector<16xf32>, vector<16xi32> -> vector<16xf32>
    %add3A_900 = arith.addf %add3A_897, %gather3A_899 : vector<16xf32>
    %gather3A_901 = vector.shape_cast %broadcast_in_dim3A_836 : vector<16x1xi32> to vector<16xi32>
    %gather3A_902 = tpu.dynamic_gather %add3A_900[%gather3A_901] in [0] : vector<16xf32>, vector<16xi32> -> vector<16xf32>
    %add3A_903 = arith.addf %add3A_900, %gather3A_902 : vector<16xf32>
    %select_n3A_904 = arith.select %eq3A_891, %add3A_903, %select_n3A_872 : vector<16xi1>, vector<16xf32>
    %eq3A_905 = arith.constant 2 : i32
    %eq3A_906 = vector.broadcast %eq3A_905 : i32 to vector<16xi32>
    %eq3A_907 = arith.cmpi eq, %iota3A, %eq3A_906 : vector<16xi32>
    %gather3A_908 = vector.shape_cast %broadcast_in_dim3A_824 : vector<16x1xi32> to vector<16xi32>
    %gather3A_909 = tpu.dynamic_gather %parallel_loop3A_820#2[%gather3A_908] in [0] : vector<16xf32>, vector<16xi32> -> vector<16xf32>
    %add3A_910 = arith.addf %parallel_loop3A_820#2, %gather3A_909 : vector<16xf32>
    %gather3A_911 = vector.shape_cast %broadcast_in_dim3A_828 : vector<16x1xi32> to vector<16xi32>
    %gather3A_912 = tpu.dynamic_gather %add3A_910[%gather3A_911] in [0] : vector<16xf32>, vector<16xi32> -> vector<16xf32>
    %add3A_913 = arith.addf %add3A_910, %gather3A_912 : vector<16xf32>
    %gather3A_914 = vector.shape_cast %broadcast_in_dim3A_832 : vector<16x1xi32> to vector<16xi32>
    %gather3A_915 = tpu.dynamic_gather %add3A_913[%gather3A_914] in [0] : vector<16xf32>, vector<16xi32> -> vector<16xf32>
    %add3A_916 = arith.addf %add3A_913, %gather3A_915 : vector<16xf32>
    %gather3A_917 = vector.shape_cast %broadcast_in_dim3A_836 : vector<16x1xi32> to vector<16xi32>
    %gather3A_918 = tpu.dynamic_gather %add3A_916[%gather3A_917] in [0] : vector<16xf32>, vector<16xi32> -> vector<16xf32>
    %add3A_919 = arith.addf %add3A_916, %gather3A_918 : vector<16xf32>
    %select_n3A_920 = arith.select %eq3A_907, %add3A_919, %select_n3A_888 : vector<16xi1>, vector<16xf32>
    %eq3A_921 = arith.constant 2 : i32
    %eq3A_922 = vector.broadcast %eq3A_921 : i32 to vector<16xi32>
    %eq3A_923 = arith.cmpi eq, %iota3A, %eq3A_922 : vector<16xi32>
    %gather3A_924 = vector.shape_cast %broadcast_in_dim3A_824 : vector<16x1xi32> to vector<16xi32>
    %gather3A_925 = tpu.dynamic_gather %parallel_loop3A_820#10[%gather3A_924] in [0] : vector<16xf32>, vector<16xi32> -> vector<16xf32>
    %add3A_926 = arith.addf %parallel_loop3A_820#10, %gather3A_925 : vector<16xf32>
    %gather3A_927 = vector.shape_cast %broadcast_in_dim3A_828 : vector<16x1xi32> to vector<16xi32>
    %gather3A_928 = tpu.dynamic_gather %add3A_926[%gather3A_927] in [0] : vector<16xf32>, vector<16xi32> -> vector<16xf32>
    %add3A_929 = arith.addf %add3A_926, %gather3A_928 : vector<16xf32>
    %gather3A_930 = vector.shape_cast %broadcast_in_dim3A_832 : vector<16x1xi32> to vector<16xi32>
    %gather3A_931 = tpu.dynamic_gather %add3A_929[%gather3A_930] in [0] : vector<16xf32>, vector<16xi32> -> vector<16xf32>
    %add3A_932 = arith.addf %add3A_929, %gather3A_931 : vector<16xf32>
    %gather3A_933 = vector.shape_cast %broadcast_in_dim3A_836 : vector<16x1xi32> to vector<16xi32>
    %gather3A_934 = tpu.dynamic_gather %add3A_932[%gather3A_933] in [0] : vector<16xf32>, vector<16xi32> -> vector<16xf32>
    %add3A_935 = arith.addf %add3A_932, %gather3A_934 : vector<16xf32>
    %select_n3A_936 = arith.select %eq3A_923, %add3A_935, %select_n3A_904 : vector<16xi1>, vector<16xf32>
    %eq3A_937 = arith.constant 3 : i32
    %eq3A_938 = vector.broadcast %eq3A_937 : i32 to vector<16xi32>
    %eq3A_939 = arith.cmpi eq, %iota3A, %eq3A_938 : vector<16xi32>
    %gather3A_940 = vector.shape_cast %broadcast_in_dim3A_824 : vector<16x1xi32> to vector<16xi32>
    %gather3A_941 = tpu.dynamic_gather %parallel_loop3A_820#3[%gather3A_940] in [0] : vector<16xf32>, vector<16xi32> -> vector<16xf32>
    %add3A_942 = arith.addf %parallel_loop3A_820#3, %gather3A_941 : vector<16xf32>
    %gather3A_943 = vector.shape_cast %broadcast_in_dim3A_828 : vector<16x1xi32> to vector<16xi32>
    %gather3A_944 = tpu.dynamic_gather %add3A_942[%gather3A_943] in [0] : vector<16xf32>, vector<16xi32> -> vector<16xf32>
    %add3A_945 = arith.addf %add3A_942, %gather3A_944 : vector<16xf32>
    %gather3A_946 = vector.shape_cast %broadcast_in_dim3A_832 : vector<16x1xi32> to vector<16xi32>
    %gather3A_947 = tpu.dynamic_gather %add3A_945[%gather3A_946] in [0] : vector<16xf32>, vector<16xi32> -> vector<16xf32>
    %add3A_948 = arith.addf %add3A_945, %gather3A_947 : vector<16xf32>
    %gather3A_949 = vector.shape_cast %broadcast_in_dim3A_836 : vector<16x1xi32> to vector<16xi32>
    %gather3A_950 = tpu.dynamic_gather %add3A_948[%gather3A_949] in [0] : vector<16xf32>, vector<16xi32> -> vector<16xf32>
    %add3A_951 = arith.addf %add3A_948, %gather3A_950 : vector<16xf32>
    %select_n3A_952 = arith.select %eq3A_939, %add3A_951, %select_n3A_920 : vector<16xi1>, vector<16xf32>
    %eq3A_953 = arith.constant 3 : i32
    %eq3A_954 = vector.broadcast %eq3A_953 : i32 to vector<16xi32>
    %eq3A_955 = arith.cmpi eq, %iota3A, %eq3A_954 : vector<16xi32>
    %gather3A_956 = vector.shape_cast %broadcast_in_dim3A_824 : vector<16x1xi32> to vector<16xi32>
    %gather3A_957 = tpu.dynamic_gather %parallel_loop3A_820#11[%gather3A_956] in [0] : vector<16xf32>, vector<16xi32> -> vector<16xf32>
    %add3A_958 = arith.addf %parallel_loop3A_820#11, %gather3A_957 : vector<16xf32>
    %gather3A_959 = vector.shape_cast %broadcast_in_dim3A_828 : vector<16x1xi32> to vector<16xi32>
    %gather3A_960 = tpu.dynamic_gather %add3A_958[%gather3A_959] in [0] : vector<16xf32>, vector<16xi32> -> vector<16xf32>
    %add3A_961 = arith.addf %add3A_958, %gather3A_960 : vector<16xf32>
    %gather3A_962 = vector.shape_cast %broadcast_in_dim3A_832 : vector<16x1xi32> to vector<16xi32>
    %gather3A_963 = tpu.dynamic_gather %add3A_961[%gather3A_962] in [0] : vector<16xf32>, vector<16xi32> -> vector<16xf32>
    %add3A_964 = arith.addf %add3A_961, %gather3A_963 : vector<16xf32>
    %gather3A_965 = vector.shape_cast %broadcast_in_dim3A_836 : vector<16x1xi32> to vector<16xi32>
    %gather3A_966 = tpu.dynamic_gather %add3A_964[%gather3A_965] in [0] : vector<16xf32>, vector<16xi32> -> vector<16xf32>
    %add3A_967 = arith.addf %add3A_964, %gather3A_966 : vector<16xf32>
    %select_n3A_968 = arith.select %eq3A_955, %add3A_967, %select_n3A_936 : vector<16xi1>, vector<16xf32>
    %eq3A_969 = arith.constant 4 : i32
    %eq3A_970 = vector.broadcast %eq3A_969 : i32 to vector<16xi32>
    %eq3A_971 = arith.cmpi eq, %iota3A, %eq3A_970 : vector<16xi32>
    %gather3A_972 = vector.shape_cast %broadcast_in_dim3A_824 : vector<16x1xi32> to vector<16xi32>
    %gather3A_973 = tpu.dynamic_gather %parallel_loop3A_820#4[%gather3A_972] in [0] : vector<16xf32>, vector<16xi32> -> vector<16xf32>
    %add3A_974 = arith.addf %parallel_loop3A_820#4, %gather3A_973 : vector<16xf32>
    %gather3A_975 = vector.shape_cast %broadcast_in_dim3A_828 : vector<16x1xi32> to vector<16xi32>
    %gather3A_976 = tpu.dynamic_gather %add3A_974[%gather3A_975] in [0] : vector<16xf32>, vector<16xi32> -> vector<16xf32>
    %add3A_977 = arith.addf %add3A_974, %gather3A_976 : vector<16xf32>
    %gather3A_978 = vector.shape_cast %broadcast_in_dim3A_832 : vector<16x1xi32> to vector<16xi32>
    %gather3A_979 = tpu.dynamic_gather %add3A_977[%gather3A_978] in [0] : vector<16xf32>, vector<16xi32> -> vector<16xf32>
    %add3A_980 = arith.addf %add3A_977, %gather3A_979 : vector<16xf32>
    %gather3A_981 = vector.shape_cast %broadcast_in_dim3A_836 : vector<16x1xi32> to vector<16xi32>
    %gather3A_982 = tpu.dynamic_gather %add3A_980[%gather3A_981] in [0] : vector<16xf32>, vector<16xi32> -> vector<16xf32>
    %add3A_983 = arith.addf %add3A_980, %gather3A_982 : vector<16xf32>
    %select_n3A_984 = arith.select %eq3A_971, %add3A_983, %select_n3A_952 : vector<16xi1>, vector<16xf32>
    %eq3A_985 = arith.constant 4 : i32
    %eq3A_986 = vector.broadcast %eq3A_985 : i32 to vector<16xi32>
    %eq3A_987 = arith.cmpi eq, %iota3A, %eq3A_986 : vector<16xi32>
    %gather3A_988 = vector.shape_cast %broadcast_in_dim3A_824 : vector<16x1xi32> to vector<16xi32>
    %gather3A_989 = tpu.dynamic_gather %parallel_loop3A_820#12[%gather3A_988] in [0] : vector<16xf32>, vector<16xi32> -> vector<16xf32>
    %add3A_990 = arith.addf %parallel_loop3A_820#12, %gather3A_989 : vector<16xf32>
    %gather3A_991 = vector.shape_cast %broadcast_in_dim3A_828 : vector<16x1xi32> to vector<16xi32>
    %gather3A_992 = tpu.dynamic_gather %add3A_990[%gather3A_991] in [0] : vector<16xf32>, vector<16xi32> -> vector<16xf32>
    %add3A_993 = arith.addf %add3A_990, %gather3A_992 : vector<16xf32>
    %gather3A_994 = vector.shape_cast %broadcast_in_dim3A_832 : vector<16x1xi32> to vector<16xi32>
    %gather3A_995 = tpu.dynamic_gather %add3A_993[%gather3A_994] in [0] : vector<16xf32>, vector<16xi32> -> vector<16xf32>
    %add3A_996 = arith.addf %add3A_993, %gather3A_995 : vector<16xf32>
    %gather3A_997 = vector.shape_cast %broadcast_in_dim3A_836 : vector<16x1xi32> to vector<16xi32>
    %gather3A_998 = tpu.dynamic_gather %add3A_996[%gather3A_997] in [0] : vector<16xf32>, vector<16xi32> -> vector<16xf32>
    %add3A_999 = arith.addf %add3A_996, %gather3A_998 : vector<16xf32>
    %select_n3A_1000 = arith.select %eq3A_987, %add3A_999, %select_n3A_968 : vector<16xi1>, vector<16xf32>
    %eq3A_1001 = arith.constant 5 : i32
    %eq3A_1002 = vector.broadcast %eq3A_1001 : i32 to vector<16xi32>
    %eq3A_1003 = arith.cmpi eq, %iota3A, %eq3A_1002 : vector<16xi32>
    %gather3A_1004 = vector.shape_cast %broadcast_in_dim3A_824 : vector<16x1xi32> to vector<16xi32>
    %gather3A_1005 = tpu.dynamic_gather %parallel_loop3A_820#5[%gather3A_1004] in [0] : vector<16xf32>, vector<16xi32> -> vector<16xf32>
    %add3A_1006 = arith.addf %parallel_loop3A_820#5, %gather3A_1005 : vector<16xf32>
    %gather3A_1007 = vector.shape_cast %broadcast_in_dim3A_828 : vector<16x1xi32> to vector<16xi32>
    %gather3A_1008 = tpu.dynamic_gather %add3A_1006[%gather3A_1007] in [0] : vector<16xf32>, vector<16xi32> -> vector<16xf32>
    %add3A_1009 = arith.addf %add3A_1006, %gather3A_1008 : vector<16xf32>
    %gather3A_1010 = vector.shape_cast %broadcast_in_dim3A_832 : vector<16x1xi32> to vector<16xi32>
    %gather3A_1011 = tpu.dynamic_gather %add3A_1009[%gather3A_1010] in [0] : vector<16xf32>, vector<16xi32> -> vector<16xf32>
    %add3A_1012 = arith.addf %add3A_1009, %gather3A_1011 : vector<16xf32>
    %gather3A_1013 = vector.shape_cast %broadcast_in_dim3A_836 : vector<16x1xi32> to vector<16xi32>
    %gather3A_1014 = tpu.dynamic_gather %add3A_1012[%gather3A_1013] in [0] : vector<16xf32>, vector<16xi32> -> vector<16xf32>
    %add3A_1015 = arith.addf %add3A_1012, %gather3A_1014 : vector<16xf32>
    %select_n3A_1016 = arith.select %eq3A_1003, %add3A_1015, %select_n3A_984 : vector<16xi1>, vector<16xf32>
    %eq3A_1017 = arith.constant 5 : i32
    %eq3A_1018 = vector.broadcast %eq3A_1017 : i32 to vector<16xi32>
    %eq3A_1019 = arith.cmpi eq, %iota3A, %eq3A_1018 : vector<16xi32>
    %gather3A_1020 = vector.shape_cast %broadcast_in_dim3A_824 : vector<16x1xi32> to vector<16xi32>
    %gather3A_1021 = tpu.dynamic_gather %parallel_loop3A_820#13[%gather3A_1020] in [0] : vector<16xf32>, vector<16xi32> -> vector<16xf32>
    %add3A_1022 = arith.addf %parallel_loop3A_820#13, %gather3A_1021 : vector<16xf32>
    %gather3A_1023 = vector.shape_cast %broadcast_in_dim3A_828 : vector<16x1xi32> to vector<16xi32>
    %gather3A_1024 = tpu.dynamic_gather %add3A_1022[%gather3A_1023] in [0] : vector<16xf32>, vector<16xi32> -> vector<16xf32>
    %add3A_1025 = arith.addf %add3A_1022, %gather3A_1024 : vector<16xf32>
    %gather3A_1026 = vector.shape_cast %broadcast_in_dim3A_832 : vector<16x1xi32> to vector<16xi32>
    %gather3A_1027 = tpu.dynamic_gather %add3A_1025[%gather3A_1026] in [0] : vector<16xf32>, vector<16xi32> -> vector<16xf32>
    %add3A_1028 = arith.addf %add3A_1025, %gather3A_1027 : vector<16xf32>
    %gather3A_1029 = vector.shape_cast %broadcast_in_dim3A_836 : vector<16x1xi32> to vector<16xi32>
    %gather3A_1030 = tpu.dynamic_gather %add3A_1028[%gather3A_1029] in [0] : vector<16xf32>, vector<16xi32> -> vector<16xf32>
    %add3A_1031 = arith.addf %add3A_1028, %gather3A_1030 : vector<16xf32>
    %select_n3A_1032 = arith.select %eq3A_1019, %add3A_1031, %select_n3A_1000 : vector<16xi1>, vector<16xf32>
    %eq3A_1033 = arith.constant 6 : i32
    %eq3A_1034 = vector.broadcast %eq3A_1033 : i32 to vector<16xi32>
    %eq3A_1035 = arith.cmpi eq, %iota3A, %eq3A_1034 : vector<16xi32>
    %gather3A_1036 = vector.shape_cast %broadcast_in_dim3A_824 : vector<16x1xi32> to vector<16xi32>
    %gather3A_1037 = tpu.dynamic_gather %parallel_loop3A_820#6[%gather3A_1036] in [0] : vector<16xf32>, vector<16xi32> -> vector<16xf32>
    %add3A_1038 = arith.addf %parallel_loop3A_820#6, %gather3A_1037 : vector<16xf32>
    %gather3A_1039 = vector.shape_cast %broadcast_in_dim3A_828 : vector<16x1xi32> to vector<16xi32>
    %gather3A_1040 = tpu.dynamic_gather %add3A_1038[%gather3A_1039] in [0] : vector<16xf32>, vector<16xi32> -> vector<16xf32>
    %add3A_1041 = arith.addf %add3A_1038, %gather3A_1040 : vector<16xf32>
    %gather3A_1042 = vector.shape_cast %broadcast_in_dim3A_832 : vector<16x1xi32> to vector<16xi32>
    %gather3A_1043 = tpu.dynamic_gather %add3A_1041[%gather3A_1042] in [0] : vector<16xf32>, vector<16xi32> -> vector<16xf32>
    %add3A_1044 = arith.addf %add3A_1041, %gather3A_1043 : vector<16xf32>
    %gather3A_1045 = vector.shape_cast %broadcast_in_dim3A_836 : vector<16x1xi32> to vector<16xi32>
    %gather3A_1046 = tpu.dynamic_gather %add3A_1044[%gather3A_1045] in [0] : vector<16xf32>, vector<16xi32> -> vector<16xf32>
    %add3A_1047 = arith.addf %add3A_1044, %gather3A_1046 : vector<16xf32>
    %select_n3A_1048 = arith.select %eq3A_1035, %add3A_1047, %select_n3A_1016 : vector<16xi1>, vector<16xf32>
    %eq3A_1049 = arith.constant 6 : i32
    %eq3A_1050 = vector.broadcast %eq3A_1049 : i32 to vector<16xi32>
    %eq3A_1051 = arith.cmpi eq, %iota3A, %eq3A_1050 : vector<16xi32>
    %gather3A_1052 = vector.shape_cast %broadcast_in_dim3A_824 : vector<16x1xi32> to vector<16xi32>
    %gather3A_1053 = tpu.dynamic_gather %parallel_loop3A_820#14[%gather3A_1052] in [0] : vector<16xf32>, vector<16xi32> -> vector<16xf32>
    %add3A_1054 = arith.addf %parallel_loop3A_820#14, %gather3A_1053 : vector<16xf32>
    %gather3A_1055 = vector.shape_cast %broadcast_in_dim3A_828 : vector<16x1xi32> to vector<16xi32>
    %gather3A_1056 = tpu.dynamic_gather %add3A_1054[%gather3A_1055] in [0] : vector<16xf32>, vector<16xi32> -> vector<16xf32>
    %add3A_1057 = arith.addf %add3A_1054, %gather3A_1056 : vector<16xf32>
    %gather3A_1058 = vector.shape_cast %broadcast_in_dim3A_832 : vector<16x1xi32> to vector<16xi32>
    %gather3A_1059 = tpu.dynamic_gather %add3A_1057[%gather3A_1058] in [0] : vector<16xf32>, vector<16xi32> -> vector<16xf32>
    %add3A_1060 = arith.addf %add3A_1057, %gather3A_1059 : vector<16xf32>
    %gather3A_1061 = vector.shape_cast %broadcast_in_dim3A_836 : vector<16x1xi32> to vector<16xi32>
    %gather3A_1062 = tpu.dynamic_gather %add3A_1060[%gather3A_1061] in [0] : vector<16xf32>, vector<16xi32> -> vector<16xf32>
    %add3A_1063 = arith.addf %add3A_1060, %gather3A_1062 : vector<16xf32>
    %select_n3A_1064 = arith.select %eq3A_1051, %add3A_1063, %select_n3A_1032 : vector<16xi1>, vector<16xf32>
    %eq3A_1065 = arith.constant 7 : i32
    %eq3A_1066 = vector.broadcast %eq3A_1065 : i32 to vector<16xi32>
    %eq3A_1067 = arith.cmpi eq, %iota3A, %eq3A_1066 : vector<16xi32>
    %gather3A_1068 = vector.shape_cast %broadcast_in_dim3A_824 : vector<16x1xi32> to vector<16xi32>
    %gather3A_1069 = tpu.dynamic_gather %parallel_loop3A_820#7[%gather3A_1068] in [0] : vector<16xf32>, vector<16xi32> -> vector<16xf32>
    %add3A_1070 = arith.addf %parallel_loop3A_820#7, %gather3A_1069 : vector<16xf32>
    %gather3A_1071 = vector.shape_cast %broadcast_in_dim3A_828 : vector<16x1xi32> to vector<16xi32>
    %gather3A_1072 = tpu.dynamic_gather %add3A_1070[%gather3A_1071] in [0] : vector<16xf32>, vector<16xi32> -> vector<16xf32>
    %add3A_1073 = arith.addf %add3A_1070, %gather3A_1072 : vector<16xf32>
    %gather3A_1074 = vector.shape_cast %broadcast_in_dim3A_832 : vector<16x1xi32> to vector<16xi32>
    %gather3A_1075 = tpu.dynamic_gather %add3A_1073[%gather3A_1074] in [0] : vector<16xf32>, vector<16xi32> -> vector<16xf32>
    %add3A_1076 = arith.addf %add3A_1073, %gather3A_1075 : vector<16xf32>
    %gather3A_1077 = vector.shape_cast %broadcast_in_dim3A_836 : vector<16x1xi32> to vector<16xi32>
    %gather3A_1078 = tpu.dynamic_gather %add3A_1076[%gather3A_1077] in [0] : vector<16xf32>, vector<16xi32> -> vector<16xf32>
    %add3A_1079 = arith.addf %add3A_1076, %gather3A_1078 : vector<16xf32>
    %select_n3A_1080 = arith.select %eq3A_1067, %add3A_1079, %select_n3A_1048 : vector<16xi1>, vector<16xf32>
    %eq3A_1081 = arith.constant 7 : i32
    %eq3A_1082 = vector.broadcast %eq3A_1081 : i32 to vector<16xi32>
    %eq3A_1083 = arith.cmpi eq, %iota3A, %eq3A_1082 : vector<16xi32>
    %gather3A_1084 = vector.shape_cast %broadcast_in_dim3A_824 : vector<16x1xi32> to vector<16xi32>
    %gather3A_1085 = tpu.dynamic_gather %parallel_loop3A_820#15[%gather3A_1084] in [0] : vector<16xf32>, vector<16xi32> -> vector<16xf32>
    %add3A_1086 = arith.addf %parallel_loop3A_820#15, %gather3A_1085 : vector<16xf32>
    %gather3A_1087 = vector.shape_cast %broadcast_in_dim3A_828 : vector<16x1xi32> to vector<16xi32>
    %gather3A_1088 = tpu.dynamic_gather %add3A_1086[%gather3A_1087] in [0] : vector<16xf32>, vector<16xi32> -> vector<16xf32>
    %add3A_1089 = arith.addf %add3A_1086, %gather3A_1088 : vector<16xf32>
    %gather3A_1090 = vector.shape_cast %broadcast_in_dim3A_832 : vector<16x1xi32> to vector<16xi32>
    %gather3A_1091 = tpu.dynamic_gather %add3A_1089[%gather3A_1090] in [0] : vector<16xf32>, vector<16xi32> -> vector<16xf32>
    %add3A_1092 = arith.addf %add3A_1089, %gather3A_1091 : vector<16xf32>
    %gather3A_1093 = vector.shape_cast %broadcast_in_dim3A_836 : vector<16x1xi32> to vector<16xi32>
    %gather3A_1094 = tpu.dynamic_gather %add3A_1092[%gather3A_1093] in [0] : vector<16xf32>, vector<16xi32> -> vector<16xf32>
    %add3A_1095 = arith.addf %add3A_1092, %gather3A_1094 : vector<16xf32>
    %select_n3A_1096 = arith.select %eq3A_1083, %add3A_1095, %select_n3A_1064 : vector<16xi1>, vector<16xf32>
    %swap3A_1097 = arith.constant 32 : index
    %swap3A_1098 = tpu.vector_load %arg9[%swap3A_1097] {strides = array<i32>} : memref<128xf32, #tpu.memory_space<vmem>>, vector<16xf32>,
    %swap3A_1099 = vector.shape_cast %swap3A_1098 : vector<16xf32> to vector<16xf32>
    %swap3A_1100 = vector.shape_cast %select_n3A_1080 : vector<16xf32> to vector<16xf32>
    tpu.vector_store %arg9[%swap3A_1097], %swap3A_1100 {strides = array<i32>} : memref<128xf32, #tpu.memory_space<vmem>>, vector<16xf32>,
    %swap3A_1101 = arith.constant 96 : index
    %swap3A_1102 = tpu.vector_load %arg9[%swap3A_1101] {strides = array<i32>} : memref<128xf32, #tpu.memory_space<vmem>>, vector<16xf32>,
    %swap3A_1103 = vector.shape_cast %swap3A_1102 : vector<16xf32> to vector<16xf32>
    %swap3A_1104 = vector.shape_cast %select_n3A_1096 : vector<16xf32> to vector<16xf32>
    tpu.vector_store %arg9[%swap3A_1101], %swap3A_1104 {strides = array<i32>} : memref<128xf32, #tpu.memory_space<vmem>>, vector<16xf32>,
    %add3A_1105 = arith.constant 768 : i32
    %add3A_1106 = arith.addi %mul3A_2, %add3A_1105 : i32
    "tpu.region"() ({
      %run_scoped3A = tpu.sem_alloc : memref<!tpu.dma_semaphore, #tpu.memory_space<semaphore_mem>>
      %dma_start3A_1476 = arith.constant 0 : i32
      %dma_start3A_1477 = tpu.memref_slice %arg8[%dma_start3A_1476] : memref<16xi32, #tpu.memory_space<vmem>> -> memref<8xi32, #tpu.memory_space<vmem>>
      %dma_start3A_1478 = tpu.memref_slice %arg3[%add3A_1106] : memref<1024xi32, #tpu.memory_space<hbm>> -> memref<8xi32, #tpu.memory_space<hbm>>
      %dma_start3A_1479 = arith.constant 0 : i32
      %dma_start3A_1480 = tpu.memref_slice %arg8[%dma_start3A_1479] : memref<16xi32, #tpu.memory_space<vmem>> -> memref<8xi32, #tpu.memory_space<vmem>>
      %dma_start3A_1481 = tpu.memref_slice %arg3[%add3A_1106] : memref<1024xi32, #tpu.memory_space<hbm>> -> memref<8xi32, #tpu.memory_space<hbm>>
      tpu.enqueue_dma source(%dma_start3A_1481 : memref<8xi32, #tpu.memory_space<hbm>>) target(%dma_start3A_1480 : memref<8xi32, #tpu.memory_space<vmem>>) target_semaphore(%run_scoped3A : memref<!tpu.dma_semaphore, #tpu.memory_space<semaphore_mem>>)
      %dma_wait3A_1482 = arith.constant 0 : i32
      %dma_wait3A_1483 = tpu.memref_slice %arg8[%dma_wait3A_1482] : memref<16xi32, #tpu.memory_space<vmem>> -> memref<8xi32, #tpu.memory_space<vmem>>
      %dma_wait3A_1484 = tpu.memref_slice %arg3[%add3A_1106] : memref<1024xi32, #tpu.memory_space<hbm>> -> memref<8xi32, #tpu.memory_space<hbm>>
      %dma_wait3A_1485 = arith.constant 0 : i32
      %dma_wait3A_1486 = tpu.memref_slice %arg8[%dma_wait3A_1485] : memref<16xi32, #tpu.memory_space<vmem>> -> memref<8xi32, #tpu.memory_space<vmem>>
      %dma_wait3A_1487 = tpu.memref_slice %arg3[%add3A_1106] : memref<1024xi32, #tpu.memory_space<hbm>> -> memref<8xi32, #tpu.memory_space<hbm>>
      tpu.wait_dma2 semaphore(%run_scoped3A : memref<!tpu.dma_semaphore, #tpu.memory_space<semaphore_mem>>) src(%dma_wait3A_1487 : memref<8xi32, #tpu.memory_space<hbm>>) dst(%dma_wait3A_1486 : memref<8xi32, #tpu.memory_space<vmem>>)
      tpu.yield
    }) : () -> ()
    %get3A_1107 = arith.constant 0 : index
    %get3A_1108 = tpu.vector_load %arg8[%get3A_1107] {strides = array<i32>} : memref<16xi32, #tpu.memory_space<vmem>>, vector<16xi32>,
    %get3A_1109 = vector.shape_cast %get3A_1108 : vector<16xi32> to vector<16xi32>
    %broadcast_in_dim3A_1110 = arith.constant 0 : i32
    %broadcast_in_dim3A_1111 = vector.broadcast %broadcast_in_dim3A_1110 : i32 to vector<16x1xi32>
    %gather3A_1112 = vector.shape_cast %broadcast_in_dim3A_1111 : vector<16x1xi32> to vector<16xi32>
    %gather3A_1113 = tpu.dynamic_gather %get3A_1109[%gather3A_1112] in [0] : vector<16xi32>, vector<16xi32> -> vector<16xi32>
    %broadcast_in_dim3A_1114 = arith.constant 1 : i32
    %broadcast_in_dim3A_1115 = vector.broadcast %broadcast_in_dim3A_1114 : i32 to vector<16x1xi32>
    %gather3A_1116 = vector.shape_cast %broadcast_in_dim3A_1115 : vector<16x1xi32> to vector<16xi32>
    %gather3A_1117 = tpu.dynamic_gather %get3A_1109[%gather3A_1116] in [0] : vector<16xi32>, vector<16xi32> -> vector<16xi32>
    %broadcast_in_dim3A_1118 = arith.constant 2 : i32
    %broadcast_in_dim3A_1119 = vector.broadcast %broadcast_in_dim3A_1118 : i32 to vector<16x1xi32>
    %gather3A_1120 = vector.shape_cast %broadcast_in_dim3A_1119 : vector<16x1xi32> to vector<16xi32>
    %gather3A_1121 = tpu.dynamic_gather %get3A_1109[%gather3A_1120] in [0] : vector<16xi32>, vector<16xi32> -> vector<16xi32>
    %broadcast_in_dim3A_1122 = arith.constant 3 : i32
    %broadcast_in_dim3A_1123 = vector.broadcast %broadcast_in_dim3A_1122 : i32 to vector<16x1xi32>
    %gather3A_1124 = vector.shape_cast %broadcast_in_dim3A_1123 : vector<16x1xi32> to vector<16xi32>
    %gather3A_1125 = tpu.dynamic_gather %get3A_1109[%gather3A_1124] in [0] : vector<16xi32>, vector<16xi32> -> vector<16xi32>
    %broadcast_in_dim3A_1126 = arith.constant 4 : i32
    %broadcast_in_dim3A_1127 = vector.broadcast %broadcast_in_dim3A_1126 : i32 to vector<16x1xi32>
    %gather3A_1128 = vector.shape_cast %broadcast_in_dim3A_1127 : vector<16x1xi32> to vector<16xi32>
    %gather3A_1129 = tpu.dynamic_gather %get3A_1109[%gather3A_1128] in [0] : vector<16xi32>, vector<16xi32> -> vector<16xi32>
    %broadcast_in_dim3A_1130 = arith.constant 5 : i32
    %broadcast_in_dim3A_1131 = vector.broadcast %broadcast_in_dim3A_1130 : i32 to vector<16x1xi32>
    %gather3A_1132 = vector.shape_cast %broadcast_in_dim3A_1131 : vector<16x1xi32> to vector<16xi32>
    %gather3A_1133 = tpu.dynamic_gather %get3A_1109[%gather3A_1132] in [0] : vector<16xi32>, vector<16xi32> -> vector<16xi32>
    %broadcast_in_dim3A_1134 = arith.constant 6 : i32
    %broadcast_in_dim3A_1135 = vector.broadcast %broadcast_in_dim3A_1134 : i32 to vector<16x1xi32>
    %gather3A_1136 = vector.shape_cast %broadcast_in_dim3A_1135 : vector<16x1xi32> to vector<16xi32>
    %gather3A_1137 = tpu.dynamic_gather %get3A_1109[%gather3A_1136] in [0] : vector<16xi32>, vector<16xi32> -> vector<16xi32>
    %broadcast_in_dim3A_1138 = arith.constant 7 : i32
    %broadcast_in_dim3A_1139 = vector.broadcast %broadcast_in_dim3A_1138 : i32 to vector<16x1xi32>
    %gather3A_1140 = vector.shape_cast %broadcast_in_dim3A_1139 : vector<16x1xi32> to vector<16xi32>
    %gather3A_1141 = tpu.dynamic_gather %get3A_1109[%gather3A_1140] in [0] : vector<16xi32>, vector<16xi32> -> vector<16xi32>
    %dma_start3A_1142 = arith.constant 0 : i32
    %dma_start3A_1143 = tpu.memref_slice %arg2[%add3A_1106, %dma_start3A_1142] : memref<1024x100000xf32, #tpu.memory_space<hbm>> -> memref<8x4096xf32, #tpu.memory_space<hbm>>
    %dma_start3A_1144 = arith.constant 0 : i32
    %dma_start3A_1145 = tpu.memref_slice %arg2[%add3A_1106, %dma_start3A_1144] : memref<1024x100000xf32, #tpu.memory_space<hbm>> -> memref<8x4096xf32, #tpu.memory_space<hbm>>
    tpu.enqueue_dma source(%dma_start3A_1145 : memref<8x4096xf32, #tpu.memory_space<hbm>>) target(%arg5 : memref<8x4096xf32, #tpu.memory_space<vmem>>) target_semaphore(%arg10 : memref<!tpu.dma_semaphore, #tpu.memory_space<semaphore_mem>>)
    %broadcast_in_dim3A_1146 = arith.constant 0.000000e+00 : f32
    %broadcast_in_dim3A_1147 = vector.broadcast %broadcast_in_dim3A_1146 : f32 to vector<16xf32>
    %broadcast_in_dim3A_1148 = arith.constant 0.000000e+00 : f32
    %broadcast_in_dim3A_1149 = vector.broadcast %broadcast_in_dim3A_1148 : f32 to vector<16xf32>
    %broadcast_in_dim3A_1150 = arith.constant 0.000000e+00 : f32
    %broadcast_in_dim3A_1151 = vector.broadcast %broadcast_in_dim3A_1150 : f32 to vector<16xf32>
    %broadcast_in_dim3A_1152 = arith.constant 0.000000e+00 : f32
    %broadcast_in_dim3A_1153 = vector.broadcast %broadcast_in_dim3A_1152 : f32 to vector<16xf32>
    %broadcast_in_dim3A_1154 = arith.constant 0.000000e+00 : f32
    %broadcast_in_dim3A_1155 = vector.broadcast %broadcast_in_dim3A_1154 : f32 to vector<16xf32>
    %broadcast_in_dim3A_1156 = arith.constant 0.000000e+00 : f32
    %broadcast_in_dim3A_1157 = vector.broadcast %broadcast_in_dim3A_1156 : f32 to vector<16xf32>
    %broadcast_in_dim3A_1158 = arith.constant 0.000000e+00 : f32
    %broadcast_in_dim3A_1159 = vector.broadcast %broadcast_in_dim3A_1158 : f32 to vector<16xf32>
    %broadcast_in_dim3A_1160 = arith.constant 0.000000e+00 : f32
    %broadcast_in_dim3A_1161 = vector.broadcast %broadcast_in_dim3A_1160 : f32 to vector<16xf32>
    %broadcast_in_dim3A_1162 = arith.constant 0.000000e+00 : f32
    %broadcast_in_dim3A_1163 = vector.broadcast %broadcast_in_dim3A_1162 : f32 to vector<16xf32>
    %broadcast_in_dim3A_1164 = arith.constant 0.000000e+00 : f32
    %broadcast_in_dim3A_1165 = vector.broadcast %broadcast_in_dim3A_1164 : f32 to vector<16xf32>
    %broadcast_in_dim3A_1166 = arith.constant 0.000000e+00 : f32
    %broadcast_in_dim3A_1167 = vector.broadcast %broadcast_in_dim3A_1166 : f32 to vector<16xf32>
    %broadcast_in_dim3A_1168 = arith.constant 0.000000e+00 : f32
    %broadcast_in_dim3A_1169 = vector.broadcast %broadcast_in_dim3A_1168 : f32 to vector<16xf32>
    %broadcast_in_dim3A_1170 = arith.constant 0.000000e+00 : f32
    %broadcast_in_dim3A_1171 = vector.broadcast %broadcast_in_dim3A_1170 : f32 to vector<16xf32>
    %broadcast_in_dim3A_1172 = arith.constant 0.000000e+00 : f32
    %broadcast_in_dim3A_1173 = vector.broadcast %broadcast_in_dim3A_1172 : f32 to vector<16xf32>
    %broadcast_in_dim3A_1174 = arith.constant 0.000000e+00 : f32
    %broadcast_in_dim3A_1175 = vector.broadcast %broadcast_in_dim3A_1174 : f32 to vector<16xf32>
    %broadcast_in_dim3A_1176 = arith.constant 0.000000e+00 : f32
    %broadcast_in_dim3A_1177 = vector.broadcast %broadcast_in_dim3A_1176 : f32 to vector<16xf32>
    %scan3A_1178 = arith.constant 0 : i32
    %scan3A_1179 = arith.constant 12 : i32
    %scan3A_1180 = arith.addi %scan3A_1178, %scan3A_1179 : i32
    %scan3A_1181 = arith.constant 1 : i32
    %scan3A_1182:17 = scf.for %scan3A_1476 = %scan3A_1178 to %scan3A_1180 step %scan3A_1181 iter_args(%scan3A_1477 = %broadcast_in_dim3A_1147, %scan3A_1478 = %broadcast_in_dim3A_1149, %scan3A_1479 = %broadcast_in_dim3A_1151, %scan3A_1480 = %broadcast_in_dim3A_1153, %scan3A_1481 = %broadcast_in_dim3A_1155, %scan3A_1482 = %broadcast_in_dim3A_1157, %scan3A_1483 = %broadcast_in_dim3A_1159, %scan3A_1484 = %broadcast_in_dim3A_1161, %scan3A_1485 = %broadcast_in_dim3A_1163, %scan3A_1486 = %broadcast_in_dim3A_1165, %scan3A_1487 = %broadcast_in_dim3A_1167, %scan3A_1488 = %broadcast_in_dim3A_1169, %scan3A_1489 = %broadcast_in_dim3A_1171, %scan3A_1490 = %broadcast_in_dim3A_1173, %scan3A_1491 = %broadcast_in_dim3A_1175, %scan3A_1492 = %broadcast_in_dim3A_1177, %scan3A_1493 = %iota3A) -> (vector<16xf32>, vector<16xf32>, vector<16xf32>, vector<16xf32>, vector<16xf32>, vector<16xf32>, vector<16xf32>, vector<16xf32>, vector<16xf32>, vector<16xf32>, vector<16xf32>, vector<16xf32>, vector<16xf32>, vector<16xf32>, vector<16xf32>, vector<16xf32>, vector<16xi32>)  : i32 {
      %mul3A_1494 = arith.constant 2 : i32
      %mul3A_1495 = arith.muli %mul3A_1494, %scan3A_1476 : i32
      %add3A_1496 = arith.constant 1 : i32
      %add3A_1497 = arith.addi %mul3A_1495, %add3A_1496 : i32
      %mul3A_1498 = arith.constant 4096 : i32
      %mul3A_1499 = arith.muli %add3A_1497, %mul3A_1498 : i32
      %dma_start3A_1500 = tpu.memref_slice %arg2[%add3A_1106, %mul3A_1499] : memref<1024x100000xf32, #tpu.memory_space<hbm>> -> memref<8x4096xf32, #tpu.memory_space<hbm>>
      %dma_start3A_1501 = tpu.memref_slice %arg2[%add3A_1106, %mul3A_1499] : memref<1024x100000xf32, #tpu.memory_space<hbm>> -> memref<8x4096xf32, #tpu.memory_space<hbm>>
      tpu.enqueue_dma source(%dma_start3A_1501 : memref<8x4096xf32, #tpu.memory_space<hbm>>) target(%arg6 : memref<8x4096xf32, #tpu.memory_space<vmem>>) target_semaphore(%arg11 : memref<!tpu.dma_semaphore, #tpu.memory_space<semaphore_mem>>)
      %dma_wait3A_1502 = arith.constant 0 : i32
      %dma_wait3A_1503 = tpu.memref_slice %arg2[%add3A_1106, %dma_wait3A_1502] : memref<1024x100000xf32, #tpu.memory_space<hbm>> -> memref<8x4096xf32, #tpu.memory_space<hbm>>
      %dma_wait3A_1504 = arith.constant 0 : i32
      %dma_wait3A_1505 = tpu.memref_slice %arg2[%add3A_1106, %dma_wait3A_1504] : memref<1024x100000xf32, #tpu.memory_space<hbm>> -> memref<8x4096xf32, #tpu.memory_space<hbm>>
      tpu.wait_dma2 semaphore(%arg10 : memref<!tpu.dma_semaphore, #tpu.memory_space<semaphore_mem>>) src(%dma_wait3A_1505 : memref<8x4096xf32, #tpu.memory_space<hbm>>) dst(%arg5 : memref<8x4096xf32, #tpu.memory_space<vmem>>)
      %parallel_loop3A_1506 = arith.constant 0 : i32
      %parallel_loop3A_1507 = arith.constant 4096 : i32
      %parallel_loop3A_1508 = arith.constant 16 : i32
      %parallel_loop3A_1509:17 = scf.for %parallel_loop3A_1525 = %parallel_loop3A_1506 to %parallel_loop3A_1507 step %parallel_loop3A_1508 iter_args(%parallel_loop3A_1526 = %scan3A_1477, %parallel_loop3A_1527 = %scan3A_1478, %parallel_loop3A_1528 = %scan3A_1479, %parallel_loop3A_1529 = %scan3A_1480, %parallel_loop3A_1530 = %scan3A_1481, %parallel_loop3A_1531 = %scan3A_1482, %parallel_loop3A_1532 = %scan3A_1483, %parallel_loop3A_1533 = %scan3A_1484, %parallel_loop3A_1534 = %scan3A_1485, %parallel_loop3A_1535 = %scan3A_1486, %parallel_loop3A_1536 = %scan3A_1487, %parallel_loop3A_1537 = %scan3A_1488, %parallel_loop3A_1538 = %scan3A_1489, %parallel_loop3A_1539 = %scan3A_1490, %parallel_loop3A_1540 = %scan3A_1491, %parallel_loop3A_1541 = %scan3A_1492, %parallel_loop3A_1542 = %scan3A_1493) -> (vector<16xf32>, vector<16xf32>, vector<16xf32>, vector<16xf32>, vector<16xf32>, vector<16xf32>, vector<16xf32>, vector<16xf32>, vector<16xf32>, vector<16xf32>, vector<16xf32>, vector<16xf32>, vector<16xf32>, vector<16xf32>, vector<16xf32>, vector<16xf32>, vector<16xi32>)  : i32 {
        %parallel_loop3A_1543 = arith.constant 0 : i32
        %parallel_loop3A_1544 = arith.index_cast %parallel_loop3A_1543 : i32 to index
        %parallel_loop3A_1545 = arith.index_cast %parallel_loop3A_1525 : i32 to index
        %parallel_loop3A_1546 = tpu.vector_load %arg5[%parallel_loop3A_1544, %parallel_loop3A_1545] {strides = array<i32>} : memref<8x4096xf32, #tpu.memory_space<vmem>>, vector<1x16xf32>,
        %parallel_loop3A_1547 = vector.shape_cast %parallel_loop3A_1546 : vector<1x16xf32> to vector<16xf32>
        %parallel_loop3A_1548 = arith.constant 1 : i32
        %parallel_loop3A_1549 = arith.index_cast %parallel_loop3A_1548 : i32 to index
        %parallel_loop3A_1550 = arith.index_cast %parallel_loop3A_1525 : i32 to index
        %parallel_loop3A_1551 = tpu.vector_load %arg5[%parallel_loop3A_1549, %parallel_loop3A_1550] {strides = array<i32>} : memref<8x4096xf32, #tpu.memory_space<vmem>>, vector<1x16xf32>,
        %parallel_loop3A_1552 = vector.shape_cast %parallel_loop3A_1551 : vector<1x16xf32> to vector<16xf32>
        %parallel_loop3A_1553 = arith.constant 2 : i32
        %parallel_loop3A_1554 = arith.index_cast %parallel_loop3A_1553 : i32 to index
        %parallel_loop3A_1555 = arith.index_cast %parallel_loop3A_1525 : i32 to index
        %parallel_loop3A_1556 = tpu.vector_load %arg5[%parallel_loop3A_1554, %parallel_loop3A_1555] {strides = array<i32>} : memref<8x4096xf32, #tpu.memory_space<vmem>>, vector<1x16xf32>,
        %parallel_loop3A_1557 = vector.shape_cast %parallel_loop3A_1556 : vector<1x16xf32> to vector<16xf32>
        %parallel_loop3A_1558 = arith.constant 3 : i32
        %parallel_loop3A_1559 = arith.index_cast %parallel_loop3A_1558 : i32 to index
        %parallel_loop3A_1560 = arith.index_cast %parallel_loop3A_1525 : i32 to index
        %parallel_loop3A_1561 = tpu.vector_load %arg5[%parallel_loop3A_1559, %parallel_loop3A_1560] {strides = array<i32>} : memref<8x4096xf32, #tpu.memory_space<vmem>>, vector<1x16xf32>,
        %parallel_loop3A_1562 = vector.shape_cast %parallel_loop3A_1561 : vector<1x16xf32> to vector<16xf32>
        %parallel_loop3A_1563 = arith.constant 4 : i32
        %parallel_loop3A_1564 = arith.index_cast %parallel_loop3A_1563 : i32 to index
        %parallel_loop3A_1565 = arith.index_cast %parallel_loop3A_1525 : i32 to index
        %parallel_loop3A_1566 = tpu.vector_load %arg5[%parallel_loop3A_1564, %parallel_loop3A_1565] {strides = array<i32>} : memref<8x4096xf32, #tpu.memory_space<vmem>>, vector<1x16xf32>,
        %parallel_loop3A_1567 = vector.shape_cast %parallel_loop3A_1566 : vector<1x16xf32> to vector<16xf32>
        %parallel_loop3A_1568 = arith.constant 5 : i32
        %parallel_loop3A_1569 = arith.index_cast %parallel_loop3A_1568 : i32 to index
        %parallel_loop3A_1570 = arith.index_cast %parallel_loop3A_1525 : i32 to index
        %parallel_loop3A_1571 = tpu.vector_load %arg5[%parallel_loop3A_1569, %parallel_loop3A_1570] {strides = array<i32>} : memref<8x4096xf32, #tpu.memory_space<vmem>>, vector<1x16xf32>,
        %parallel_loop3A_1572 = vector.shape_cast %parallel_loop3A_1571 : vector<1x16xf32> to vector<16xf32>
        %parallel_loop3A_1573 = arith.constant 6 : i32
        %parallel_loop3A_1574 = arith.index_cast %parallel_loop3A_1573 : i32 to index
        %parallel_loop3A_1575 = arith.index_cast %parallel_loop3A_1525 : i32 to index
        %parallel_loop3A_1576 = tpu.vector_load %arg5[%parallel_loop3A_1574, %parallel_loop3A_1575] {strides = array<i32>} : memref<8x4096xf32, #tpu.memory_space<vmem>>, vector<1x16xf32>,
        %parallel_loop3A_1577 = vector.shape_cast %parallel_loop3A_1576 : vector<1x16xf32> to vector<16xf32>
        %parallel_loop3A_1578 = arith.constant 7 : i32
        %parallel_loop3A_1579 = arith.index_cast %parallel_loop3A_1578 : i32 to index
        %parallel_loop3A_1580 = arith.index_cast %parallel_loop3A_1525 : i32 to index
        %parallel_loop3A_1581 = tpu.vector_load %arg5[%parallel_loop3A_1579, %parallel_loop3A_1580] {strides = array<i32>} : memref<8x4096xf32, #tpu.memory_space<vmem>>, vector<1x16xf32>,
        %parallel_loop3A_1582 = vector.shape_cast %parallel_loop3A_1581 : vector<1x16xf32> to vector<16xf32>
        %parallel_loop3A_1583 = math.exp %parallel_loop3A_1547 : vector<16xf32>
        %parallel_loop3A_1584 = arith.addf %parallel_loop3A_1526, %parallel_loop3A_1583 : vector<16xf32>
        %parallel_loop3A_1585 = math.exp %parallel_loop3A_1552 : vector<16xf32>
        %parallel_loop3A_1586 = arith.addf %parallel_loop3A_1527, %parallel_loop3A_1585 : vector<16xf32>
        %parallel_loop3A_1587 = math.exp %parallel_loop3A_1557 : vector<16xf32>
        %parallel_loop3A_1588 = arith.addf %parallel_loop3A_1528, %parallel_loop3A_1587 : vector<16xf32>
        %parallel_loop3A_1589 = math.exp %parallel_loop3A_1562 : vector<16xf32>
        %parallel_loop3A_1590 = arith.addf %parallel_loop3A_1529, %parallel_loop3A_1589 : vector<16xf32>
        %parallel_loop3A_1591 = math.exp %parallel_loop3A_1567 : vector<16xf32>
        %parallel_loop3A_1592 = arith.addf %parallel_loop3A_1530, %parallel_loop3A_1591 : vector<16xf32>
        %parallel_loop3A_1593 = math.exp %parallel_loop3A_1572 : vector<16xf32>
        %parallel_loop3A_1594 = arith.addf %parallel_loop3A_1531, %parallel_loop3A_1593 : vector<16xf32>
        %parallel_loop3A_1595 = math.exp %parallel_loop3A_1577 : vector<16xf32>
        %parallel_loop3A_1596 = arith.addf %parallel_loop3A_1532, %parallel_loop3A_1595 : vector<16xf32>
        %parallel_loop3A_1597 = math.exp %parallel_loop3A_1582 : vector<16xf32>
        %parallel_loop3A_1598 = arith.addf %parallel_loop3A_1533, %parallel_loop3A_1597 : vector<16xf32>
        %parallel_loop3A_1599 = arith.cmpi eq, %parallel_loop3A_1542, %gather3A_1113 : vector<16xi32>
        %parallel_loop3A_1600 = arith.constant 0.000000e+00 : f32
        %parallel_loop3A_1601 = vector.broadcast %parallel_loop3A_1600 : f32 to vector<16xf32>
        %parallel_loop3A_1602 = arith.select %parallel_loop3A_1599, %parallel_loop3A_1547, %parallel_loop3A_1601 : vector<16xi1>, vector<16xf32>
        %parallel_loop3A_1603 = arith.addf %parallel_loop3A_1534, %parallel_loop3A_1602 : vector<16xf32>
        %parallel_loop3A_1604 = arith.cmpi eq, %parallel_loop3A_1542, %gather3A_1117 : vector<16xi32>
        %parallel_loop3A_1605 = arith.constant 0.000000e+00 : f32
        %parallel_loop3A_1606 = vector.broadcast %parallel_loop3A_1605 : f32 to vector<16xf32>
        %parallel_loop3A_1607 = arith.select %parallel_loop3A_1604, %parallel_loop3A_1552, %parallel_loop3A_1606 : vector<16xi1>, vector<16xf32>
        %parallel_loop3A_1608 = arith.addf %parallel_loop3A_1535, %parallel_loop3A_1607 : vector<16xf32>
        %parallel_loop3A_1609 = arith.cmpi eq, %parallel_loop3A_1542, %gather3A_1121 : vector<16xi32>
        %parallel_loop3A_1610 = arith.constant 0.000000e+00 : f32
        %parallel_loop3A_1611 = vector.broadcast %parallel_loop3A_1610 : f32 to vector<16xf32>
        %parallel_loop3A_1612 = arith.select %parallel_loop3A_1609, %parallel_loop3A_1557, %parallel_loop3A_1611 : vector<16xi1>, vector<16xf32>
        %parallel_loop3A_1613 = arith.addf %parallel_loop3A_1536, %parallel_loop3A_1612 : vector<16xf32>
        %parallel_loop3A_1614 = arith.cmpi eq, %parallel_loop3A_1542, %gather3A_1125 : vector<16xi32>
        %parallel_loop3A_1615 = arith.constant 0.000000e+00 : f32
        %parallel_loop3A_1616 = vector.broadcast %parallel_loop3A_1615 : f32 to vector<16xf32>
        %parallel_loop3A_1617 = arith.select %parallel_loop3A_1614, %parallel_loop3A_1562, %parallel_loop3A_1616 : vector<16xi1>, vector<16xf32>
        %parallel_loop3A_1618 = arith.addf %parallel_loop3A_1537, %parallel_loop3A_1617 : vector<16xf32>
        %parallel_loop3A_1619 = arith.cmpi eq, %parallel_loop3A_1542, %gather3A_1129 : vector<16xi32>
        %parallel_loop3A_1620 = arith.constant 0.000000e+00 : f32
        %parallel_loop3A_1621 = vector.broadcast %parallel_loop3A_1620 : f32 to vector<16xf32>
        %parallel_loop3A_1622 = arith.select %parallel_loop3A_1619, %parallel_loop3A_1567, %parallel_loop3A_1621 : vector<16xi1>, vector<16xf32>
        %parallel_loop3A_1623 = arith.addf %parallel_loop3A_1538, %parallel_loop3A_1622 : vector<16xf32>
        %parallel_loop3A_1624 = arith.cmpi eq, %parallel_loop3A_1542, %gather3A_1133 : vector<16xi32>
        %parallel_loop3A_1625 = arith.constant 0.000000e+00 : f32
        %parallel_loop3A_1626 = vector.broadcast %parallel_loop3A_1625 : f32 to vector<16xf32>
        %parallel_loop3A_1627 = arith.select %parallel_loop3A_1624, %parallel_loop3A_1572, %parallel_loop3A_1626 : vector<16xi1>, vector<16xf32>
        %parallel_loop3A_1628 = arith.addf %parallel_loop3A_1539, %parallel_loop3A_1627 : vector<16xf32>
        %parallel_loop3A_1629 = arith.cmpi eq, %parallel_loop3A_1542, %gather3A_1137 : vector<16xi32>
        %parallel_loop3A_1630 = arith.constant 0.000000e+00 : f32
        %parallel_loop3A_1631 = vector.broadcast %parallel_loop3A_1630 : f32 to vector<16xf32>
        %parallel_loop3A_1632 = arith.select %parallel_loop3A_1629, %parallel_loop3A_1577, %parallel_loop3A_1631 : vector<16xi1>, vector<16xf32>
        %parallel_loop3A_1633 = arith.addf %parallel_loop3A_1540, %parallel_loop3A_1632 : vector<16xf32>
        %parallel_loop3A_1634 = arith.cmpi eq, %parallel_loop3A_1542, %gather3A_1141 : vector<16xi32>
        %parallel_loop3A_1635 = arith.constant 0.000000e+00 : f32
        %parallel_loop3A_1636 = vector.broadcast %parallel_loop3A_1635 : f32 to vector<16xf32>
        %parallel_loop3A_1637 = arith.select %parallel_loop3A_1634, %parallel_loop3A_1582, %parallel_loop3A_1636 : vector<16xi1>, vector<16xf32>
        %parallel_loop3A_1638 = arith.addf %parallel_loop3A_1541, %parallel_loop3A_1637 : vector<16xf32>
        %parallel_loop3A_1639 = arith.constant 16 : i32
        %parallel_loop3A_1640 = vector.broadcast %parallel_loop3A_1639 : i32 to vector<16xi32>
        %parallel_loop3A_1641 = arith.addi %parallel_loop3A_1542, %parallel_loop3A_1640 : vector<16xi32>
        scf.yield %parallel_loop3A_1584, %parallel_loop3A_1586, %parallel_loop3A_1588, %parallel_loop3A_1590, %parallel_loop3A_1592, %parallel_loop3A_1594, %parallel_loop3A_1596, %parallel_loop3A_1598, %parallel_loop3A_1603, %parallel_loop3A_1608, %parallel_loop3A_1613, %parallel_loop3A_1618, %parallel_loop3A_1623, %parallel_loop3A_1628, %parallel_loop3A_1633, %parallel_loop3A_1638, %parallel_loop3A_1641 : vector<16xf32>, vector<16xf32>, vector<16xf32>, vector<16xf32>, vector<16xf32>, vector<16xf32>, vector<16xf32>, vector<16xf32>, vector<16xf32>, vector<16xf32>, vector<16xf32>, vector<16xf32>, vector<16xf32>, vector<16xf32>, vector<16xf32>, vector<16xf32>, vector<16xi32>
      } {sc.loop_unroll_factor = 4 : i64, sc.parallel_access}
      %add3A_1510 = arith.constant 2 : i32
      %add3A_1511 = arith.addi %mul3A_1495, %add3A_1510 : i32
      %min3A = arith.constant 23 : i32
      %min3A_1512 = arith.minsi %add3A_1511, %min3A : i32
      %mul3A_1513 = arith.constant 4096 : i32
      %mul3A_1514 = arith.muli %min3A_1512, %mul3A_1513 : i32
      %dma_start3A_1515 = tpu.memref_slice %arg2[%add3A_1106, %mul3A_1514] : memref<1024x100000xf32, #tpu.memory_space<hbm>> -> memref<8x4096xf32, #tpu.memory_space<hbm>>
      %dma_start3A_1516 = tpu.memref_slice %arg2[%add3A_1106, %mul3A_1514] : memref<1024x100000xf32, #tpu.memory_space<hbm>> -> memref<8x4096xf32, #tpu.memory_space<hbm>>
      tpu.enqueue_dma source(%dma_start3A_1516 : memref<8x4096xf32, #tpu.memory_space<hbm>>) target(%arg5 : memref<8x4096xf32, #tpu.memory_space<vmem>>) target_semaphore(%arg10 : memref<!tpu.dma_semaphore, #tpu.memory_space<semaphore_mem>>)
      %dma_wait3A_1517 = arith.constant 0 : i32
      %dma_wait3A_1518 = tpu.memref_slice %arg2[%add3A_1106, %dma_wait3A_1517] : memref<1024x100000xf32, #tpu.memory_space<hbm>> -> memref<8x4096xf32, #tpu.memory_space<hbm>>
      %dma_wait3A_1519 = arith.constant 0 : i32
      %dma_wait3A_1520 = tpu.memref_slice %arg2[%add3A_1106, %dma_wait3A_1519] : memref<1024x100000xf32, #tpu.memory_space<hbm>> -> memref<8x4096xf32, #tpu.memory_space<hbm>>
      tpu.wait_dma2 semaphore(%arg11 : memref<!tpu.dma_semaphore, #tpu.memory_space<semaphore_mem>>) src(%dma_wait3A_1520 : memref<8x4096xf32, #tpu.memory_space<hbm>>) dst(%arg6 : memref<8x4096xf32, #tpu.memory_space<vmem>>)
      %parallel_loop3A_1521 = arith.constant 0 : i32
      %parallel_loop3A_1522 = arith.constant 4096 : i32
      %parallel_loop3A_1523 = arith.constant 16 : i32
      %parallel_loop3A_1524:17 = scf.for %parallel_loop3A_1525 = %parallel_loop3A_1521 to %parallel_loop3A_1522 step %parallel_loop3A_1523 iter_args(%parallel_loop3A_1526 = %parallel_loop3A_1509#0, %parallel_loop3A_1527 = %parallel_loop3A_1509#1, %parallel_loop3A_1528 = %parallel_loop3A_1509#2, %parallel_loop3A_1529 = %parallel_loop3A_1509#3, %parallel_loop3A_1530 = %parallel_loop3A_1509#4, %parallel_loop3A_1531 = %parallel_loop3A_1509#5, %parallel_loop3A_1532 = %parallel_loop3A_1509#6, %parallel_loop3A_1533 = %parallel_loop3A_1509#7, %parallel_loop3A_1534 = %parallel_loop3A_1509#8, %parallel_loop3A_1535 = %parallel_loop3A_1509#9, %parallel_loop3A_1536 = %parallel_loop3A_1509#10, %parallel_loop3A_1537 = %parallel_loop3A_1509#11, %parallel_loop3A_1538 = %parallel_loop3A_1509#12, %parallel_loop3A_1539 = %parallel_loop3A_1509#13, %parallel_loop3A_1540 = %parallel_loop3A_1509#14, %parallel_loop3A_1541 = %parallel_loop3A_1509#15, %parallel_loop3A_1542 = %parallel_loop3A_1509#16) -> (vector<16xf32>, vector<16xf32>, vector<16xf32>, vector<16xf32>, vector<16xf32>, vector<16xf32>, vector<16xf32>, vector<16xf32>, vector<16xf32>, vector<16xf32>, vector<16xf32>, vector<16xf32>, vector<16xf32>, vector<16xf32>, vector<16xf32>, vector<16xf32>, vector<16xi32>)  : i32 {
        %parallel_loop3A_1543 = arith.constant 0 : i32
        %parallel_loop3A_1544 = arith.index_cast %parallel_loop3A_1543 : i32 to index
        %parallel_loop3A_1545 = arith.index_cast %parallel_loop3A_1525 : i32 to index
        %parallel_loop3A_1546 = tpu.vector_load %arg6[%parallel_loop3A_1544, %parallel_loop3A_1545] {strides = array<i32>} : memref<8x4096xf32, #tpu.memory_space<vmem>>, vector<1x16xf32>,
        %parallel_loop3A_1547 = vector.shape_cast %parallel_loop3A_1546 : vector<1x16xf32> to vector<16xf32>
        %parallel_loop3A_1548 = arith.constant 1 : i32
        %parallel_loop3A_1549 = arith.index_cast %parallel_loop3A_1548 : i32 to index
        %parallel_loop3A_1550 = arith.index_cast %parallel_loop3A_1525 : i32 to index
        %parallel_loop3A_1551 = tpu.vector_load %arg6[%parallel_loop3A_1549, %parallel_loop3A_1550] {strides = array<i32>} : memref<8x4096xf32, #tpu.memory_space<vmem>>, vector<1x16xf32>,
        %parallel_loop3A_1552 = vector.shape_cast %parallel_loop3A_1551 : vector<1x16xf32> to vector<16xf32>
        %parallel_loop3A_1553 = arith.constant 2 : i32
        %parallel_loop3A_1554 = arith.index_cast %parallel_loop3A_1553 : i32 to index
        %parallel_loop3A_1555 = arith.index_cast %parallel_loop3A_1525 : i32 to index
        %parallel_loop3A_1556 = tpu.vector_load %arg6[%parallel_loop3A_1554, %parallel_loop3A_1555] {strides = array<i32>} : memref<8x4096xf32, #tpu.memory_space<vmem>>, vector<1x16xf32>,
        %parallel_loop3A_1557 = vector.shape_cast %parallel_loop3A_1556 : vector<1x16xf32> to vector<16xf32>
        %parallel_loop3A_1558 = arith.constant 3 : i32
        %parallel_loop3A_1559 = arith.index_cast %parallel_loop3A_1558 : i32 to index
        %parallel_loop3A_1560 = arith.index_cast %parallel_loop3A_1525 : i32 to index
        %parallel_loop3A_1561 = tpu.vector_load %arg6[%parallel_loop3A_1559, %parallel_loop3A_1560] {strides = array<i32>} : memref<8x4096xf32, #tpu.memory_space<vmem>>, vector<1x16xf32>,
        %parallel_loop3A_1562 = vector.shape_cast %parallel_loop3A_1561 : vector<1x16xf32> to vector<16xf32>
        %parallel_loop3A_1563 = arith.constant 4 : i32
        %parallel_loop3A_1564 = arith.index_cast %parallel_loop3A_1563 : i32 to index
        %parallel_loop3A_1565 = arith.index_cast %parallel_loop3A_1525 : i32 to index
        %parallel_loop3A_1566 = tpu.vector_load %arg6[%parallel_loop3A_1564, %parallel_loop3A_1565] {strides = array<i32>} : memref<8x4096xf32, #tpu.memory_space<vmem>>, vector<1x16xf32>,
        %parallel_loop3A_1567 = vector.shape_cast %parallel_loop3A_1566 : vector<1x16xf32> to vector<16xf32>
        %parallel_loop3A_1568 = arith.constant 5 : i32
        %parallel_loop3A_1569 = arith.index_cast %parallel_loop3A_1568 : i32 to index
        %parallel_loop3A_1570 = arith.index_cast %parallel_loop3A_1525 : i32 to index
        %parallel_loop3A_1571 = tpu.vector_load %arg6[%parallel_loop3A_1569, %parallel_loop3A_1570] {strides = array<i32>} : memref<8x4096xf32, #tpu.memory_space<vmem>>, vector<1x16xf32>,
        %parallel_loop3A_1572 = vector.shape_cast %parallel_loop3A_1571 : vector<1x16xf32> to vector<16xf32>
        %parallel_loop3A_1573 = arith.constant 6 : i32
        %parallel_loop3A_1574 = arith.index_cast %parallel_loop3A_1573 : i32 to index
        %parallel_loop3A_1575 = arith.index_cast %parallel_loop3A_1525 : i32 to index
        %parallel_loop3A_1576 = tpu.vector_load %arg6[%parallel_loop3A_1574, %parallel_loop3A_1575] {strides = array<i32>} : memref<8x4096xf32, #tpu.memory_space<vmem>>, vector<1x16xf32>,
        %parallel_loop3A_1577 = vector.shape_cast %parallel_loop3A_1576 : vector<1x16xf32> to vector<16xf32>
        %parallel_loop3A_1578 = arith.constant 7 : i32
        %parallel_loop3A_1579 = arith.index_cast %parallel_loop3A_1578 : i32 to index
        %parallel_loop3A_1580 = arith.index_cast %parallel_loop3A_1525 : i32 to index
        %parallel_loop3A_1581 = tpu.vector_load %arg6[%parallel_loop3A_1579, %parallel_loop3A_1580] {strides = array<i32>} : memref<8x4096xf32, #tpu.memory_space<vmem>>, vector<1x16xf32>,
        %parallel_loop3A_1582 = vector.shape_cast %parallel_loop3A_1581 : vector<1x16xf32> to vector<16xf32>
        %parallel_loop3A_1583 = math.exp %parallel_loop3A_1547 : vector<16xf32>
        %parallel_loop3A_1584 = arith.addf %parallel_loop3A_1526, %parallel_loop3A_1583 : vector<16xf32>
        %parallel_loop3A_1585 = math.exp %parallel_loop3A_1552 : vector<16xf32>
        %parallel_loop3A_1586 = arith.addf %parallel_loop3A_1527, %parallel_loop3A_1585 : vector<16xf32>
        %parallel_loop3A_1587 = math.exp %parallel_loop3A_1557 : vector<16xf32>
        %parallel_loop3A_1588 = arith.addf %parallel_loop3A_1528, %parallel_loop3A_1587 : vector<16xf32>
        %parallel_loop3A_1589 = math.exp %parallel_loop3A_1562 : vector<16xf32>
        %parallel_loop3A_1590 = arith.addf %parallel_loop3A_1529, %parallel_loop3A_1589 : vector<16xf32>
        %parallel_loop3A_1591 = math.exp %parallel_loop3A_1567 : vector<16xf32>
        %parallel_loop3A_1592 = arith.addf %parallel_loop3A_1530, %parallel_loop3A_1591 : vector<16xf32>
        %parallel_loop3A_1593 = math.exp %parallel_loop3A_1572 : vector<16xf32>
        %parallel_loop3A_1594 = arith.addf %parallel_loop3A_1531, %parallel_loop3A_1593 : vector<16xf32>
        %parallel_loop3A_1595 = math.exp %parallel_loop3A_1577 : vector<16xf32>
        %parallel_loop3A_1596 = arith.addf %parallel_loop3A_1532, %parallel_loop3A_1595 : vector<16xf32>
        %parallel_loop3A_1597 = math.exp %parallel_loop3A_1582 : vector<16xf32>
        %parallel_loop3A_1598 = arith.addf %parallel_loop3A_1533, %parallel_loop3A_1597 : vector<16xf32>
        %parallel_loop3A_1599 = arith.cmpi eq, %parallel_loop3A_1542, %gather3A_1113 : vector<16xi32>
        %parallel_loop3A_1600 = arith.constant 0.000000e+00 : f32
        %parallel_loop3A_1601 = vector.broadcast %parallel_loop3A_1600 : f32 to vector<16xf32>
        %parallel_loop3A_1602 = arith.select %parallel_loop3A_1599, %parallel_loop3A_1547, %parallel_loop3A_1601 : vector<16xi1>, vector<16xf32>
        %parallel_loop3A_1603 = arith.addf %parallel_loop3A_1534, %parallel_loop3A_1602 : vector<16xf32>
        %parallel_loop3A_1604 = arith.cmpi eq, %parallel_loop3A_1542, %gather3A_1117 : vector<16xi32>
        %parallel_loop3A_1605 = arith.constant 0.000000e+00 : f32
        %parallel_loop3A_1606 = vector.broadcast %parallel_loop3A_1605 : f32 to vector<16xf32>
        %parallel_loop3A_1607 = arith.select %parallel_loop3A_1604, %parallel_loop3A_1552, %parallel_loop3A_1606 : vector<16xi1>, vector<16xf32>
        %parallel_loop3A_1608 = arith.addf %parallel_loop3A_1535, %parallel_loop3A_1607 : vector<16xf32>
        %parallel_loop3A_1609 = arith.cmpi eq, %parallel_loop3A_1542, %gather3A_1121 : vector<16xi32>
        %parallel_loop3A_1610 = arith.constant 0.000000e+00 : f32
        %parallel_loop3A_1611 = vector.broadcast %parallel_loop3A_1610 : f32 to vector<16xf32>
        %parallel_loop3A_1612 = arith.select %parallel_loop3A_1609, %parallel_loop3A_1557, %parallel_loop3A_1611 : vector<16xi1>, vector<16xf32>
        %parallel_loop3A_1613 = arith.addf %parallel_loop3A_1536, %parallel_loop3A_1612 : vector<16xf32>
        %parallel_loop3A_1614 = arith.cmpi eq, %parallel_loop3A_1542, %gather3A_1125 : vector<16xi32>
        %parallel_loop3A_1615 = arith.constant 0.000000e+00 : f32
        %parallel_loop3A_1616 = vector.broadcast %parallel_loop3A_1615 : f32 to vector<16xf32>
        %parallel_loop3A_1617 = arith.select %parallel_loop3A_1614, %parallel_loop3A_1562, %parallel_loop3A_1616 : vector<16xi1>, vector<16xf32>
        %parallel_loop3A_1618 = arith.addf %parallel_loop3A_1537, %parallel_loop3A_1617 : vector<16xf32>
        %parallel_loop3A_1619 = arith.cmpi eq, %parallel_loop3A_1542, %gather3A_1129 : vector<16xi32>
        %parallel_loop3A_1620 = arith.constant 0.000000e+00 : f32
        %parallel_loop3A_1621 = vector.broadcast %parallel_loop3A_1620 : f32 to vector<16xf32>
        %parallel_loop3A_1622 = arith.select %parallel_loop3A_1619, %parallel_loop3A_1567, %parallel_loop3A_1621 : vector<16xi1>, vector<16xf32>
        %parallel_loop3A_1623 = arith.addf %parallel_loop3A_1538, %parallel_loop3A_1622 : vector<16xf32>
        %parallel_loop3A_1624 = arith.cmpi eq, %parallel_loop3A_1542, %gather3A_1133 : vector<16xi32>
        %parallel_loop3A_1625 = arith.constant 0.000000e+00 : f32
        %parallel_loop3A_1626 = vector.broadcast %parallel_loop3A_1625 : f32 to vector<16xf32>
        %parallel_loop3A_1627 = arith.select %parallel_loop3A_1624, %parallel_loop3A_1572, %parallel_loop3A_1626 : vector<16xi1>, vector<16xf32>
        %parallel_loop3A_1628 = arith.addf %parallel_loop3A_1539, %parallel_loop3A_1627 : vector<16xf32>
        %parallel_loop3A_1629 = arith.cmpi eq, %parallel_loop3A_1542, %gather3A_1137 : vector<16xi32>
        %parallel_loop3A_1630 = arith.constant 0.000000e+00 : f32
        %parallel_loop3A_1631 = vector.broadcast %parallel_loop3A_1630 : f32 to vector<16xf32>
        %parallel_loop3A_1632 = arith.select %parallel_loop3A_1629, %parallel_loop3A_1577, %parallel_loop3A_1631 : vector<16xi1>, vector<16xf32>
        %parallel_loop3A_1633 = arith.addf %parallel_loop3A_1540, %parallel_loop3A_1632 : vector<16xf32>
        %parallel_loop3A_1634 = arith.cmpi eq, %parallel_loop3A_1542, %gather3A_1141 : vector<16xi32>
        %parallel_loop3A_1635 = arith.constant 0.000000e+00 : f32
        %parallel_loop3A_1636 = vector.broadcast %parallel_loop3A_1635 : f32 to vector<16xf32>
        %parallel_loop3A_1637 = arith.select %parallel_loop3A_1634, %parallel_loop3A_1582, %parallel_loop3A_1636 : vector<16xi1>, vector<16xf32>
        %parallel_loop3A_1638 = arith.addf %parallel_loop3A_1541, %parallel_loop3A_1637 : vector<16xf32>
        %parallel_loop3A_1639 = arith.constant 16 : i32
        %parallel_loop3A_1640 = vector.broadcast %parallel_loop3A_1639 : i32 to vector<16xi32>
        %parallel_loop3A_1641 = arith.addi %parallel_loop3A_1542, %parallel_loop3A_1640 : vector<16xi32>
        scf.yield %parallel_loop3A_1584, %parallel_loop3A_1586, %parallel_loop3A_1588, %parallel_loop3A_1590, %parallel_loop3A_1592, %parallel_loop3A_1594, %parallel_loop3A_1596, %parallel_loop3A_1598, %parallel_loop3A_1603, %parallel_loop3A_1608, %parallel_loop3A_1613, %parallel_loop3A_1618, %parallel_loop3A_1623, %parallel_loop3A_1628, %parallel_loop3A_1633, %parallel_loop3A_1638, %parallel_loop3A_1641 : vector<16xf32>, vector<16xf32>, vector<16xf32>, vector<16xf32>, vector<16xf32>, vector<16xf32>, vector<16xf32>, vector<16xf32>, vector<16xf32>, vector<16xf32>, vector<16xf32>, vector<16xf32>, vector<16xf32>, vector<16xf32>, vector<16xf32>, vector<16xf32>, vector<16xi32>
      } {sc.loop_unroll_factor = 4 : i64, sc.parallel_access}
      scf.yield %parallel_loop3A_1524#0, %parallel_loop3A_1524#1, %parallel_loop3A_1524#2, %parallel_loop3A_1524#3, %parallel_loop3A_1524#4, %parallel_loop3A_1524#5, %parallel_loop3A_1524#6, %parallel_loop3A_1524#7, %parallel_loop3A_1524#8, %parallel_loop3A_1524#9, %parallel_loop3A_1524#10, %parallel_loop3A_1524#11, %parallel_loop3A_1524#12, %parallel_loop3A_1524#13, %parallel_loop3A_1524#14, %parallel_loop3A_1524#15, %parallel_loop3A_1524#16 : vector<16xf32>, vector<16xf32>, vector<16xf32>, vector<16xf32>, vector<16xf32>, vector<16xf32>, vector<16xf32>, vector<16xf32>, vector<16xf32>, vector<16xf32>, vector<16xf32>, vector<16xf32>, vector<16xf32>, vector<16xf32>, vector<16xf32>, vector<16xf32>, vector<16xi32>
    }
    %scan3A_1183 = arith.constant 12 : i32
    %dma_wait3A_1184 = arith.constant 0 : i32
    %dma_wait3A_1185 = tpu.memref_slice %arg2[%add3A_1106, %dma_wait3A_1184] : memref<1024x100000xf32, #tpu.memory_space<hbm>> -> memref<8x4096xf32, #tpu.memory_space<hbm>>
    %dma_wait3A_1186 = arith.constant 0 : i32
    %dma_wait3A_1187 = tpu.memref_slice %arg2[%add3A_1106, %dma_wait3A_1186] : memref<1024x100000xf32, #tpu.memory_space<hbm>> -> memref<8x4096xf32, #tpu.memory_space<hbm>>
    tpu.wait_dma2 semaphore(%arg10 : memref<!tpu.dma_semaphore, #tpu.memory_space<semaphore_mem>>) src(%dma_wait3A_1187 : memref<8x4096xf32, #tpu.memory_space<hbm>>) dst(%arg5 : memref<8x4096xf32, #tpu.memory_space<vmem>>)
    "tpu.region"() ({
      %run_scoped3A = tpu.sem_alloc : memref<!tpu.dma_semaphore, #tpu.memory_space<semaphore_mem>>
      %dma_start3A_1476 = arith.constant 98304 : i32
      %dma_start3A_1477 = tpu.memref_slice %arg2[%add3A_1106, %dma_start3A_1476] : memref<1024x100000xf32, #tpu.memory_space<hbm>> -> memref<8x1696xf32, #tpu.memory_space<hbm>>
      %dma_start3A_1478 = arith.constant 98304 : i32
      %dma_start3A_1479 = tpu.memref_slice %arg2[%add3A_1106, %dma_start3A_1478] : memref<1024x100000xf32, #tpu.memory_space<hbm>> -> memref<8x1696xf32, #tpu.memory_space<hbm>>
      tpu.enqueue_dma source(%dma_start3A_1479 : memref<8x1696xf32, #tpu.memory_space<hbm>>) target(%arg7 : memref<8x1696xf32, #tpu.memory_space<vmem>>) target_semaphore(%run_scoped3A : memref<!tpu.dma_semaphore, #tpu.memory_space<semaphore_mem>>)
      %dma_wait3A_1480 = arith.constant 98304 : i32
      %dma_wait3A_1481 = tpu.memref_slice %arg2[%add3A_1106, %dma_wait3A_1480] : memref<1024x100000xf32, #tpu.memory_space<hbm>> -> memref<8x1696xf32, #tpu.memory_space<hbm>>
      %dma_wait3A_1482 = arith.constant 98304 : i32
      %dma_wait3A_1483 = tpu.memref_slice %arg2[%add3A_1106, %dma_wait3A_1482] : memref<1024x100000xf32, #tpu.memory_space<hbm>> -> memref<8x1696xf32, #tpu.memory_space<hbm>>
      tpu.wait_dma2 semaphore(%run_scoped3A : memref<!tpu.dma_semaphore, #tpu.memory_space<semaphore_mem>>) src(%dma_wait3A_1483 : memref<8x1696xf32, #tpu.memory_space<hbm>>) dst(%arg7 : memref<8x1696xf32, #tpu.memory_space<vmem>>)
      tpu.yield
    }) : () -> ()
    %parallel_loop3A_1188 = arith.constant 0 : i32
    %parallel_loop3A_1189 = arith.constant 1696 : i32
    %parallel_loop3A_1190 = arith.constant 16 : i32
    %parallel_loop3A_1191:17 = scf.for %parallel_loop3A_1476 = %parallel_loop3A_1188 to %parallel_loop3A_1189 step %parallel_loop3A_1190 iter_args(%parallel_loop3A_1477 = %scan3A_1182#0, %parallel_loop3A_1478 = %scan3A_1182#1, %parallel_loop3A_1479 = %scan3A_1182#2, %parallel_loop3A_1480 = %scan3A_1182#3, %parallel_loop3A_1481 = %scan3A_1182#4, %parallel_loop3A_1482 = %scan3A_1182#5, %parallel_loop3A_1483 = %scan3A_1182#6, %parallel_loop3A_1484 = %scan3A_1182#7, %parallel_loop3A_1485 = %scan3A_1182#8, %parallel_loop3A_1486 = %scan3A_1182#9, %parallel_loop3A_1487 = %scan3A_1182#10, %parallel_loop3A_1488 = %scan3A_1182#11, %parallel_loop3A_1489 = %scan3A_1182#12, %parallel_loop3A_1490 = %scan3A_1182#13, %parallel_loop3A_1491 = %scan3A_1182#14, %parallel_loop3A_1492 = %scan3A_1182#15, %parallel_loop3A_1493 = %scan3A_1182#16) -> (vector<16xf32>, vector<16xf32>, vector<16xf32>, vector<16xf32>, vector<16xf32>, vector<16xf32>, vector<16xf32>, vector<16xf32>, vector<16xf32>, vector<16xf32>, vector<16xf32>, vector<16xf32>, vector<16xf32>, vector<16xf32>, vector<16xf32>, vector<16xf32>, vector<16xi32>)  : i32 {
      %parallel_loop3A_1494 = arith.constant 0 : i32
      %parallel_loop3A_1495 = arith.index_cast %parallel_loop3A_1494 : i32 to index
      %parallel_loop3A_1496 = arith.index_cast %parallel_loop3A_1476 : i32 to index
      %parallel_loop3A_1497 = tpu.vector_load %arg7[%parallel_loop3A_1495, %parallel_loop3A_1496] {strides = array<i32>} : memref<8x1696xf32, #tpu.memory_space<vmem>>, vector<1x16xf32>,
      %parallel_loop3A_1498 = vector.shape_cast %parallel_loop3A_1497 : vector<1x16xf32> to vector<16xf32>
      %parallel_loop3A_1499 = arith.constant 1 : i32
      %parallel_loop3A_1500 = arith.index_cast %parallel_loop3A_1499 : i32 to index
      %parallel_loop3A_1501 = arith.index_cast %parallel_loop3A_1476 : i32 to index
      %parallel_loop3A_1502 = tpu.vector_load %arg7[%parallel_loop3A_1500, %parallel_loop3A_1501] {strides = array<i32>} : memref<8x1696xf32, #tpu.memory_space<vmem>>, vector<1x16xf32>,
      %parallel_loop3A_1503 = vector.shape_cast %parallel_loop3A_1502 : vector<1x16xf32> to vector<16xf32>
      %parallel_loop3A_1504 = arith.constant 2 : i32
      %parallel_loop3A_1505 = arith.index_cast %parallel_loop3A_1504 : i32 to index
      %parallel_loop3A_1506 = arith.index_cast %parallel_loop3A_1476 : i32 to index
      %parallel_loop3A_1507 = tpu.vector_load %arg7[%parallel_loop3A_1505, %parallel_loop3A_1506] {strides = array<i32>} : memref<8x1696xf32, #tpu.memory_space<vmem>>, vector<1x16xf32>,
      %parallel_loop3A_1508 = vector.shape_cast %parallel_loop3A_1507 : vector<1x16xf32> to vector<16xf32>
      %parallel_loop3A_1509 = arith.constant 3 : i32
      %parallel_loop3A_1510 = arith.index_cast %parallel_loop3A_1509 : i32 to index
      %parallel_loop3A_1511 = arith.index_cast %parallel_loop3A_1476 : i32 to index
      %parallel_loop3A_1512 = tpu.vector_load %arg7[%parallel_loop3A_1510, %parallel_loop3A_1511] {strides = array<i32>} : memref<8x1696xf32, #tpu.memory_space<vmem>>, vector<1x16xf32>,
      %parallel_loop3A_1513 = vector.shape_cast %parallel_loop3A_1512 : vector<1x16xf32> to vector<16xf32>
      %parallel_loop3A_1514 = arith.constant 4 : i32
      %parallel_loop3A_1515 = arith.index_cast %parallel_loop3A_1514 : i32 to index
      %parallel_loop3A_1516 = arith.index_cast %parallel_loop3A_1476 : i32 to index
      %parallel_loop3A_1517 = tpu.vector_load %arg7[%parallel_loop3A_1515, %parallel_loop3A_1516] {strides = array<i32>} : memref<8x1696xf32, #tpu.memory_space<vmem>>, vector<1x16xf32>,
      %parallel_loop3A_1518 = vector.shape_cast %parallel_loop3A_1517 : vector<1x16xf32> to vector<16xf32>
      %parallel_loop3A_1519 = arith.constant 5 : i32
      %parallel_loop3A_1520 = arith.index_cast %parallel_loop3A_1519 : i32 to index
      %parallel_loop3A_1521 = arith.index_cast %parallel_loop3A_1476 : i32 to index
      %parallel_loop3A_1522 = tpu.vector_load %arg7[%parallel_loop3A_1520, %parallel_loop3A_1521] {strides = array<i32>} : memref<8x1696xf32, #tpu.memory_space<vmem>>, vector<1x16xf32>,
      %parallel_loop3A_1523 = vector.shape_cast %parallel_loop3A_1522 : vector<1x16xf32> to vector<16xf32>
      %parallel_loop3A_1524 = arith.constant 6 : i32
      %parallel_loop3A_1525 = arith.index_cast %parallel_loop3A_1524 : i32 to index
      %parallel_loop3A_1526 = arith.index_cast %parallel_loop3A_1476 : i32 to index
      %parallel_loop3A_1527 = tpu.vector_load %arg7[%parallel_loop3A_1525, %parallel_loop3A_1526] {strides = array<i32>} : memref<8x1696xf32, #tpu.memory_space<vmem>>, vector<1x16xf32>,
      %parallel_loop3A_1528 = vector.shape_cast %parallel_loop3A_1527 : vector<1x16xf32> to vector<16xf32>
      %parallel_loop3A_1529 = arith.constant 7 : i32
      %parallel_loop3A_1530 = arith.index_cast %parallel_loop3A_1529 : i32 to index
      %parallel_loop3A_1531 = arith.index_cast %parallel_loop3A_1476 : i32 to index
      %parallel_loop3A_1532 = tpu.vector_load %arg7[%parallel_loop3A_1530, %parallel_loop3A_1531] {strides = array<i32>} : memref<8x1696xf32, #tpu.memory_space<vmem>>, vector<1x16xf32>,
      %parallel_loop3A_1533 = vector.shape_cast %parallel_loop3A_1532 : vector<1x16xf32> to vector<16xf32>
      %parallel_loop3A_1534 = math.exp %parallel_loop3A_1498 : vector<16xf32>
      %parallel_loop3A_1535 = arith.addf %parallel_loop3A_1477, %parallel_loop3A_1534 : vector<16xf32>
      %parallel_loop3A_1536 = math.exp %parallel_loop3A_1503 : vector<16xf32>
      %parallel_loop3A_1537 = arith.addf %parallel_loop3A_1478, %parallel_loop3A_1536 : vector<16xf32>
      %parallel_loop3A_1538 = math.exp %parallel_loop3A_1508 : vector<16xf32>
      %parallel_loop3A_1539 = arith.addf %parallel_loop3A_1479, %parallel_loop3A_1538 : vector<16xf32>
      %parallel_loop3A_1540 = math.exp %parallel_loop3A_1513 : vector<16xf32>
      %parallel_loop3A_1541 = arith.addf %parallel_loop3A_1480, %parallel_loop3A_1540 : vector<16xf32>
      %parallel_loop3A_1542 = math.exp %parallel_loop3A_1518 : vector<16xf32>
      %parallel_loop3A_1543 = arith.addf %parallel_loop3A_1481, %parallel_loop3A_1542 : vector<16xf32>
      %parallel_loop3A_1544 = math.exp %parallel_loop3A_1523 : vector<16xf32>
      %parallel_loop3A_1545 = arith.addf %parallel_loop3A_1482, %parallel_loop3A_1544 : vector<16xf32>
      %parallel_loop3A_1546 = math.exp %parallel_loop3A_1528 : vector<16xf32>
      %parallel_loop3A_1547 = arith.addf %parallel_loop3A_1483, %parallel_loop3A_1546 : vector<16xf32>
      %parallel_loop3A_1548 = math.exp %parallel_loop3A_1533 : vector<16xf32>
      %parallel_loop3A_1549 = arith.addf %parallel_loop3A_1484, %parallel_loop3A_1548 : vector<16xf32>
      %parallel_loop3A_1550 = arith.cmpi eq, %parallel_loop3A_1493, %gather3A_1113 : vector<16xi32>
      %parallel_loop3A_1551 = arith.constant 0.000000e+00 : f32
      %parallel_loop3A_1552 = vector.broadcast %parallel_loop3A_1551 : f32 to vector<16xf32>
      %parallel_loop3A_1553 = arith.select %parallel_loop3A_1550, %parallel_loop3A_1498, %parallel_loop3A_1552 : vector<16xi1>, vector<16xf32>
      %parallel_loop3A_1554 = arith.addf %parallel_loop3A_1485, %parallel_loop3A_1553 : vector<16xf32>
      %parallel_loop3A_1555 = arith.cmpi eq, %parallel_loop3A_1493, %gather3A_1117 : vector<16xi32>
      %parallel_loop3A_1556 = arith.constant 0.000000e+00 : f32
      %parallel_loop3A_1557 = vector.broadcast %parallel_loop3A_1556 : f32 to vector<16xf32>
      %parallel_loop3A_1558 = arith.select %parallel_loop3A_1555, %parallel_loop3A_1503, %parallel_loop3A_1557 : vector<16xi1>, vector<16xf32>
      %parallel_loop3A_1559 = arith.addf %parallel_loop3A_1486, %parallel_loop3A_1558 : vector<16xf32>
      %parallel_loop3A_1560 = arith.cmpi eq, %parallel_loop3A_1493, %gather3A_1121 : vector<16xi32>
      %parallel_loop3A_1561 = arith.constant 0.000000e+00 : f32
      %parallel_loop3A_1562 = vector.broadcast %parallel_loop3A_1561 : f32 to vector<16xf32>
      %parallel_loop3A_1563 = arith.select %parallel_loop3A_1560, %parallel_loop3A_1508, %parallel_loop3A_1562 : vector<16xi1>, vector<16xf32>
      %parallel_loop3A_1564 = arith.addf %parallel_loop3A_1487, %parallel_loop3A_1563 : vector<16xf32>
      %parallel_loop3A_1565 = arith.cmpi eq, %parallel_loop3A_1493, %gather3A_1125 : vector<16xi32>
      %parallel_loop3A_1566 = arith.constant 0.000000e+00 : f32
      %parallel_loop3A_1567 = vector.broadcast %parallel_loop3A_1566 : f32 to vector<16xf32>
      %parallel_loop3A_1568 = arith.select %parallel_loop3A_1565, %parallel_loop3A_1513, %parallel_loop3A_1567 : vector<16xi1>, vector<16xf32>
      %parallel_loop3A_1569 = arith.addf %parallel_loop3A_1488, %parallel_loop3A_1568 : vector<16xf32>
      %parallel_loop3A_1570 = arith.cmpi eq, %parallel_loop3A_1493, %gather3A_1129 : vector<16xi32>
      %parallel_loop3A_1571 = arith.constant 0.000000e+00 : f32
      %parallel_loop3A_1572 = vector.broadcast %parallel_loop3A_1571 : f32 to vector<16xf32>
      %parallel_loop3A_1573 = arith.select %parallel_loop3A_1570, %parallel_loop3A_1518, %parallel_loop3A_1572 : vector<16xi1>, vector<16xf32>
      %parallel_loop3A_1574 = arith.addf %parallel_loop3A_1489, %parallel_loop3A_1573 : vector<16xf32>
      %parallel_loop3A_1575 = arith.cmpi eq, %parallel_loop3A_1493, %gather3A_1133 : vector<16xi32>
      %parallel_loop3A_1576 = arith.constant 0.000000e+00 : f32
      %parallel_loop3A_1577 = vector.broadcast %parallel_loop3A_1576 : f32 to vector<16xf32>
      %parallel_loop3A_1578 = arith.select %parallel_loop3A_1575, %parallel_loop3A_1523, %parallel_loop3A_1577 : vector<16xi1>, vector<16xf32>
      %parallel_loop3A_1579 = arith.addf %parallel_loop3A_1490, %parallel_loop3A_1578 : vector<16xf32>
      %parallel_loop3A_1580 = arith.cmpi eq, %parallel_loop3A_1493, %gather3A_1137 : vector<16xi32>
      %parallel_loop3A_1581 = arith.constant 0.000000e+00 : f32
      %parallel_loop3A_1582 = vector.broadcast %parallel_loop3A_1581 : f32 to vector<16xf32>
      %parallel_loop3A_1583 = arith.select %parallel_loop3A_1580, %parallel_loop3A_1528, %parallel_loop3A_1582 : vector<16xi1>, vector<16xf32>
      %parallel_loop3A_1584 = arith.addf %parallel_loop3A_1491, %parallel_loop3A_1583 : vector<16xf32>
      %parallel_loop3A_1585 = arith.cmpi eq, %parallel_loop3A_1493, %gather3A_1141 : vector<16xi32>
      %parallel_loop3A_1586 = arith.constant 0.000000e+00 : f32
      %parallel_loop3A_1587 = vector.broadcast %parallel_loop3A_1586 : f32 to vector<16xf32>
      %parallel_loop3A_1588 = arith.select %parallel_loop3A_1585, %parallel_loop3A_1533, %parallel_loop3A_1587 : vector<16xi1>, vector<16xf32>
      %parallel_loop3A_1589 = arith.addf %parallel_loop3A_1492, %parallel_loop3A_1588 : vector<16xf32>
      %parallel_loop3A_1590 = arith.constant 16 : i32
      %parallel_loop3A_1591 = vector.broadcast %parallel_loop3A_1590 : i32 to vector<16xi32>
      %parallel_loop3A_1592 = arith.addi %parallel_loop3A_1493, %parallel_loop3A_1591 : vector<16xi32>
      scf.yield %parallel_loop3A_1535, %parallel_loop3A_1537, %parallel_loop3A_1539, %parallel_loop3A_1541, %parallel_loop3A_1543, %parallel_loop3A_1545, %parallel_loop3A_1547, %parallel_loop3A_1549, %parallel_loop3A_1554, %parallel_loop3A_1559, %parallel_loop3A_1564, %parallel_loop3A_1569, %parallel_loop3A_1574, %parallel_loop3A_1579, %parallel_loop3A_1584, %parallel_loop3A_1589, %parallel_loop3A_1592 : vector<16xf32>, vector<16xf32>, vector<16xf32>, vector<16xf32>, vector<16xf32>, vector<16xf32>, vector<16xf32>, vector<16xf32>, vector<16xf32>, vector<16xf32>, vector<16xf32>, vector<16xf32>, vector<16xf32>, vector<16xf32>, vector<16xf32>, vector<16xf32>, vector<16xi32>
    } {sc.loop_unroll_factor = 4 : i64, sc.parallel_access}
    %xor3A_1192 = arith.constant 8 : i32
    %xor3A_1193 = vector.broadcast %xor3A_1192 : i32 to vector<16xi32>
    %xor3A_1194 = arith.xori %iota3A, %xor3A_1193 : vector<16xi32>
    %broadcast_in_dim3A_1195 = vector.shape_cast %xor3A_1194 : vector<16xi32> to vector<16x1xi32>
    %xor3A_1196 = arith.constant 4 : i32
    %xor3A_1197 = vector.broadcast %xor3A_1196 : i32 to vector<16xi32>
    %xor3A_1198 = arith.xori %iota3A, %xor3A_1197 : vector<16xi32>
    %broadcast_in_dim3A_1199 = vector.shape_cast %xor3A_1198 : vector<16xi32> to vector<16x1xi32>
    %xor3A_1200 = arith.constant 2 : i32
    %xor3A_1201 = vector.broadcast %xor3A_1200 : i32 to vector<16xi32>
    %xor3A_1202 = arith.xori %iota3A, %xor3A_1201 : vector<16xi32>
    %broadcast_in_dim3A_1203 = vector.shape_cast %xor3A_1202 : vector<16xi32> to vector<16x1xi32>
    %xor3A_1204 = arith.constant 1 : i32
    %xor3A_1205 = vector.broadcast %xor3A_1204 : i32 to vector<16xi32>
    %xor3A_1206 = arith.xori %iota3A, %xor3A_1205 : vector<16xi32>
    %broadcast_in_dim3A_1207 = vector.shape_cast %xor3A_1206 : vector<16xi32> to vector<16x1xi32>
    %broadcast_in_dim3A_1208 = arith.constant 0.000000e+00 : f32
    %broadcast_in_dim3A_1209 = vector.broadcast %broadcast_in_dim3A_1208 : f32 to vector<16xf32>
    %broadcast_in_dim3A_1210 = arith.constant 0.000000e+00 : f32
    %broadcast_in_dim3A_1211 = vector.broadcast %broadcast_in_dim3A_1210 : f32 to vector<16xf32>
    %eq3A_1212 = arith.constant 0 : i32
    %eq3A_1213 = vector.broadcast %eq3A_1212 : i32 to vector<16xi32>
    %eq3A_1214 = arith.cmpi eq, %iota3A, %eq3A_1213 : vector<16xi32>
    %gather3A_1215 = vector.shape_cast %broadcast_in_dim3A_1195 : vector<16x1xi32> to vector<16xi32>
    %gather3A_1216 = tpu.dynamic_gather %parallel_loop3A_1191#0[%gather3A_1215] in [0] : vector<16xf32>, vector<16xi32> -> vector<16xf32>
    %add3A_1217 = arith.addf %parallel_loop3A_1191#0, %gather3A_1216 : vector<16xf32>
    %gather3A_1218 = vector.shape_cast %broadcast_in_dim3A_1199 : vector<16x1xi32> to vector<16xi32>
    %gather3A_1219 = tpu.dynamic_gather %add3A_1217[%gather3A_1218] in [0] : vector<16xf32>, vector<16xi32> -> vector<16xf32>
    %add3A_1220 = arith.addf %add3A_1217, %gather3A_1219 : vector<16xf32>
    %gather3A_1221 = vector.shape_cast %broadcast_in_dim3A_1203 : vector<16x1xi32> to vector<16xi32>
    %gather3A_1222 = tpu.dynamic_gather %add3A_1220[%gather3A_1221] in [0] : vector<16xf32>, vector<16xi32> -> vector<16xf32>
    %add3A_1223 = arith.addf %add3A_1220, %gather3A_1222 : vector<16xf32>
    %gather3A_1224 = vector.shape_cast %broadcast_in_dim3A_1207 : vector<16x1xi32> to vector<16xi32>
    %gather3A_1225 = tpu.dynamic_gather %add3A_1223[%gather3A_1224] in [0] : vector<16xf32>, vector<16xi32> -> vector<16xf32>
    %add3A_1226 = arith.addf %add3A_1223, %gather3A_1225 : vector<16xf32>
    %select_n3A_1227 = arith.select %eq3A_1214, %add3A_1226, %broadcast_in_dim3A_1209 : vector<16xi1>, vector<16xf32>
    %eq3A_1228 = arith.constant 0 : i32
    %eq3A_1229 = vector.broadcast %eq3A_1228 : i32 to vector<16xi32>
    %eq3A_1230 = arith.cmpi eq, %iota3A, %eq3A_1229 : vector<16xi32>
    %gather3A_1231 = vector.shape_cast %broadcast_in_dim3A_1195 : vector<16x1xi32> to vector<16xi32>
    %gather3A_1232 = tpu.dynamic_gather %parallel_loop3A_1191#8[%gather3A_1231] in [0] : vector<16xf32>, vector<16xi32> -> vector<16xf32>
    %add3A_1233 = arith.addf %parallel_loop3A_1191#8, %gather3A_1232 : vector<16xf32>
    %gather3A_1234 = vector.shape_cast %broadcast_in_dim3A_1199 : vector<16x1xi32> to vector<16xi32>
    %gather3A_1235 = tpu.dynamic_gather %add3A_1233[%gather3A_1234] in [0] : vector<16xf32>, vector<16xi32> -> vector<16xf32>
    %add3A_1236 = arith.addf %add3A_1233, %gather3A_1235 : vector<16xf32>
    %gather3A_1237 = vector.shape_cast %broadcast_in_dim3A_1203 : vector<16x1xi32> to vector<16xi32>
    %gather3A_1238 = tpu.dynamic_gather %add3A_1236[%gather3A_1237] in [0] : vector<16xf32>, vector<16xi32> -> vector<16xf32>
    %add3A_1239 = arith.addf %add3A_1236, %gather3A_1238 : vector<16xf32>
    %gather3A_1240 = vector.shape_cast %broadcast_in_dim3A_1207 : vector<16x1xi32> to vector<16xi32>
    %gather3A_1241 = tpu.dynamic_gather %add3A_1239[%gather3A_1240] in [0] : vector<16xf32>, vector<16xi32> -> vector<16xf32>
    %add3A_1242 = arith.addf %add3A_1239, %gather3A_1241 : vector<16xf32>
    %select_n3A_1243 = arith.select %eq3A_1230, %add3A_1242, %broadcast_in_dim3A_1211 : vector<16xi1>, vector<16xf32>
    %eq3A_1244 = arith.constant 1 : i32
    %eq3A_1245 = vector.broadcast %eq3A_1244 : i32 to vector<16xi32>
    %eq3A_1246 = arith.cmpi eq, %iota3A, %eq3A_1245 : vector<16xi32>
    %gather3A_1247 = vector.shape_cast %broadcast_in_dim3A_1195 : vector<16x1xi32> to vector<16xi32>
    %gather3A_1248 = tpu.dynamic_gather %parallel_loop3A_1191#1[%gather3A_1247] in [0] : vector<16xf32>, vector<16xi32> -> vector<16xf32>
    %add3A_1249 = arith.addf %parallel_loop3A_1191#1, %gather3A_1248 : vector<16xf32>
    %gather3A_1250 = vector.shape_cast %broadcast_in_dim3A_1199 : vector<16x1xi32> to vector<16xi32>
    %gather3A_1251 = tpu.dynamic_gather %add3A_1249[%gather3A_1250] in [0] : vector<16xf32>, vector<16xi32> -> vector<16xf32>
    %add3A_1252 = arith.addf %add3A_1249, %gather3A_1251 : vector<16xf32>
    %gather3A_1253 = vector.shape_cast %broadcast_in_dim3A_1203 : vector<16x1xi32> to vector<16xi32>
    %gather3A_1254 = tpu.dynamic_gather %add3A_1252[%gather3A_1253] in [0] : vector<16xf32>, vector<16xi32> -> vector<16xf32>
    %add3A_1255 = arith.addf %add3A_1252, %gather3A_1254 : vector<16xf32>
    %gather3A_1256 = vector.shape_cast %broadcast_in_dim3A_1207 : vector<16x1xi32> to vector<16xi32>
    %gather3A_1257 = tpu.dynamic_gather %add3A_1255[%gather3A_1256] in [0] : vector<16xf32>, vector<16xi32> -> vector<16xf32>
    %add3A_1258 = arith.addf %add3A_1255, %gather3A_1257 : vector<16xf32>
    %select_n3A_1259 = arith.select %eq3A_1246, %add3A_1258, %select_n3A_1227 : vector<16xi1>, vector<16xf32>
    %eq3A_1260 = arith.constant 1 : i32
    %eq3A_1261 = vector.broadcast %eq3A_1260 : i32 to vector<16xi32>
    %eq3A_1262 = arith.cmpi eq, %iota3A, %eq3A_1261 : vector<16xi32>
    %gather3A_1263 = vector.shape_cast %broadcast_in_dim3A_1195 : vector<16x1xi32> to vector<16xi32>
    %gather3A_1264 = tpu.dynamic_gather %parallel_loop3A_1191#9[%gather3A_1263] in [0] : vector<16xf32>, vector<16xi32> -> vector<16xf32>
    %add3A_1265 = arith.addf %parallel_loop3A_1191#9, %gather3A_1264 : vector<16xf32>
    %gather3A_1266 = vector.shape_cast %broadcast_in_dim3A_1199 : vector<16x1xi32> to vector<16xi32>
    %gather3A_1267 = tpu.dynamic_gather %add3A_1265[%gather3A_1266] in [0] : vector<16xf32>, vector<16xi32> -> vector<16xf32>
    %add3A_1268 = arith.addf %add3A_1265, %gather3A_1267 : vector<16xf32>
    %gather3A_1269 = vector.shape_cast %broadcast_in_dim3A_1203 : vector<16x1xi32> to vector<16xi32>
    %gather3A_1270 = tpu.dynamic_gather %add3A_1268[%gather3A_1269] in [0] : vector<16xf32>, vector<16xi32> -> vector<16xf32>
    %add3A_1271 = arith.addf %add3A_1268, %gather3A_1270 : vector<16xf32>
    %gather3A_1272 = vector.shape_cast %broadcast_in_dim3A_1207 : vector<16x1xi32> to vector<16xi32>
    %gather3A_1273 = tpu.dynamic_gather %add3A_1271[%gather3A_1272] in [0] : vector<16xf32>, vector<16xi32> -> vector<16xf32>
    %add3A_1274 = arith.addf %add3A_1271, %gather3A_1273 : vector<16xf32>
    %select_n3A_1275 = arith.select %eq3A_1262, %add3A_1274, %select_n3A_1243 : vector<16xi1>, vector<16xf32>
    %eq3A_1276 = arith.constant 2 : i32
    %eq3A_1277 = vector.broadcast %eq3A_1276 : i32 to vector<16xi32>
    %eq3A_1278 = arith.cmpi eq, %iota3A, %eq3A_1277 : vector<16xi32>
    %gather3A_1279 = vector.shape_cast %broadcast_in_dim3A_1195 : vector<16x1xi32> to vector<16xi32>
    %gather3A_1280 = tpu.dynamic_gather %parallel_loop3A_1191#2[%gather3A_1279] in [0] : vector<16xf32>, vector<16xi32> -> vector<16xf32>
    %add3A_1281 = arith.addf %parallel_loop3A_1191#2, %gather3A_1280 : vector<16xf32>
    %gather3A_1282 = vector.shape_cast %broadcast_in_dim3A_1199 : vector<16x1xi32> to vector<16xi32>
    %gather3A_1283 = tpu.dynamic_gather %add3A_1281[%gather3A_1282] in [0] : vector<16xf32>, vector<16xi32> -> vector<16xf32>
    %add3A_1284 = arith.addf %add3A_1281, %gather3A_1283 : vector<16xf32>
    %gather3A_1285 = vector.shape_cast %broadcast_in_dim3A_1203 : vector<16x1xi32> to vector<16xi32>
    %gather3A_1286 = tpu.dynamic_gather %add3A_1284[%gather3A_1285] in [0] : vector<16xf32>, vector<16xi32> -> vector<16xf32>
    %add3A_1287 = arith.addf %add3A_1284, %gather3A_1286 : vector<16xf32>
    %gather3A_1288 = vector.shape_cast %broadcast_in_dim3A_1207 : vector<16x1xi32> to vector<16xi32>
    %gather3A_1289 = tpu.dynamic_gather %add3A_1287[%gather3A_1288] in [0] : vector<16xf32>, vector<16xi32> -> vector<16xf32>
    %add3A_1290 = arith.addf %add3A_1287, %gather3A_1289 : vector<16xf32>
    %select_n3A_1291 = arith.select %eq3A_1278, %add3A_1290, %select_n3A_1259 : vector<16xi1>, vector<16xf32>
    %eq3A_1292 = arith.constant 2 : i32
    %eq3A_1293 = vector.broadcast %eq3A_1292 : i32 to vector<16xi32>
    %eq3A_1294 = arith.cmpi eq, %iota3A, %eq3A_1293 : vector<16xi32>
    %gather3A_1295 = vector.shape_cast %broadcast_in_dim3A_1195 : vector<16x1xi32> to vector<16xi32>
    %gather3A_1296 = tpu.dynamic_gather %parallel_loop3A_1191#10[%gather3A_1295] in [0] : vector<16xf32>, vector<16xi32> -> vector<16xf32>
    %add3A_1297 = arith.addf %parallel_loop3A_1191#10, %gather3A_1296 : vector<16xf32>
    %gather3A_1298 = vector.shape_cast %broadcast_in_dim3A_1199 : vector<16x1xi32> to vector<16xi32>
    %gather3A_1299 = tpu.dynamic_gather %add3A_1297[%gather3A_1298] in [0] : vector<16xf32>, vector<16xi32> -> vector<16xf32>
    %add3A_1300 = arith.addf %add3A_1297, %gather3A_1299 : vector<16xf32>
    %gather3A_1301 = vector.shape_cast %broadcast_in_dim3A_1203 : vector<16x1xi32> to vector<16xi32>
    %gather3A_1302 = tpu.dynamic_gather %add3A_1300[%gather3A_1301] in [0] : vector<16xf32>, vector<16xi32> -> vector<16xf32>
    %add3A_1303 = arith.addf %add3A_1300, %gather3A_1302 : vector<16xf32>
    %gather3A_1304 = vector.shape_cast %broadcast_in_dim3A_1207 : vector<16x1xi32> to vector<16xi32>
    %gather3A_1305 = tpu.dynamic_gather %add3A_1303[%gather3A_1304] in [0] : vector<16xf32>, vector<16xi32> -> vector<16xf32>
    %add3A_1306 = arith.addf %add3A_1303, %gather3A_1305 : vector<16xf32>
    %select_n3A_1307 = arith.select %eq3A_1294, %add3A_1306, %select_n3A_1275 : vector<16xi1>, vector<16xf32>
    %eq3A_1308 = arith.constant 3 : i32
    %eq3A_1309 = vector.broadcast %eq3A_1308 : i32 to vector<16xi32>
    %eq3A_1310 = arith.cmpi eq, %iota3A, %eq3A_1309 : vector<16xi32>
    %gather3A_1311 = vector.shape_cast %broadcast_in_dim3A_1195 : vector<16x1xi32> to vector<16xi32>
    %gather3A_1312 = tpu.dynamic_gather %parallel_loop3A_1191#3[%gather3A_1311] in [0] : vector<16xf32>, vector<16xi32> -> vector<16xf32>
    %add3A_1313 = arith.addf %parallel_loop3A_1191#3, %gather3A_1312 : vector<16xf32>
    %gather3A_1314 = vector.shape_cast %broadcast_in_dim3A_1199 : vector<16x1xi32> to vector<16xi32>
    %gather3A_1315 = tpu.dynamic_gather %add3A_1313[%gather3A_1314] in [0] : vector<16xf32>, vector<16xi32> -> vector<16xf32>
    %add3A_1316 = arith.addf %add3A_1313, %gather3A_1315 : vector<16xf32>
    %gather3A_1317 = vector.shape_cast %broadcast_in_dim3A_1203 : vector<16x1xi32> to vector<16xi32>
    %gather3A_1318 = tpu.dynamic_gather %add3A_1316[%gather3A_1317] in [0] : vector<16xf32>, vector<16xi32> -> vector<16xf32>
    %add3A_1319 = arith.addf %add3A_1316, %gather3A_1318 : vector<16xf32>
    %gather3A_1320 = vector.shape_cast %broadcast_in_dim3A_1207 : vector<16x1xi32> to vector<16xi32>
    %gather3A_1321 = tpu.dynamic_gather %add3A_1319[%gather3A_1320] in [0] : vector<16xf32>, vector<16xi32> -> vector<16xf32>
    %add3A_1322 = arith.addf %add3A_1319, %gather3A_1321 : vector<16xf32>
    %select_n3A_1323 = arith.select %eq3A_1310, %add3A_1322, %select_n3A_1291 : vector<16xi1>, vector<16xf32>
    %eq3A_1324 = arith.constant 3 : i32
    %eq3A_1325 = vector.broadcast %eq3A_1324 : i32 to vector<16xi32>
    %eq3A_1326 = arith.cmpi eq, %iota3A, %eq3A_1325 : vector<16xi32>
    %gather3A_1327 = vector.shape_cast %broadcast_in_dim3A_1195 : vector<16x1xi32> to vector<16xi32>
    %gather3A_1328 = tpu.dynamic_gather %parallel_loop3A_1191#11[%gather3A_1327] in [0] : vector<16xf32>, vector<16xi32> -> vector<16xf32>
    %add3A_1329 = arith.addf %parallel_loop3A_1191#11, %gather3A_1328 : vector<16xf32>
    %gather3A_1330 = vector.shape_cast %broadcast_in_dim3A_1199 : vector<16x1xi32> to vector<16xi32>
    %gather3A_1331 = tpu.dynamic_gather %add3A_1329[%gather3A_1330] in [0] : vector<16xf32>, vector<16xi32> -> vector<16xf32>
    %add3A_1332 = arith.addf %add3A_1329, %gather3A_1331 : vector<16xf32>
    %gather3A_1333 = vector.shape_cast %broadcast_in_dim3A_1203 : vector<16x1xi32> to vector<16xi32>
    %gather3A_1334 = tpu.dynamic_gather %add3A_1332[%gather3A_1333] in [0] : vector<16xf32>, vector<16xi32> -> vector<16xf32>
    %add3A_1335 = arith.addf %add3A_1332, %gather3A_1334 : vector<16xf32>
    %gather3A_1336 = vector.shape_cast %broadcast_in_dim3A_1207 : vector<16x1xi32> to vector<16xi32>
    %gather3A_1337 = tpu.dynamic_gather %add3A_1335[%gather3A_1336] in [0] : vector<16xf32>, vector<16xi32> -> vector<16xf32>
    %add3A_1338 = arith.addf %add3A_1335, %gather3A_1337 : vector<16xf32>
    %select_n3A_1339 = arith.select %eq3A_1326, %add3A_1338, %select_n3A_1307 : vector<16xi1>, vector<16xf32>
    %eq3A_1340 = arith.constant 4 : i32
    %eq3A_1341 = vector.broadcast %eq3A_1340 : i32 to vector<16xi32>
    %eq3A_1342 = arith.cmpi eq, %iota3A, %eq3A_1341 : vector<16xi32>
    %gather3A_1343 = vector.shape_cast %broadcast_in_dim3A_1195 : vector<16x1xi32> to vector<16xi32>
    %gather3A_1344 = tpu.dynamic_gather %parallel_loop3A_1191#4[%gather3A_1343] in [0] : vector<16xf32>, vector<16xi32> -> vector<16xf32>
    %add3A_1345 = arith.addf %parallel_loop3A_1191#4, %gather3A_1344 : vector<16xf32>
    %gather3A_1346 = vector.shape_cast %broadcast_in_dim3A_1199 : vector<16x1xi32> to vector<16xi32>
    %gather3A_1347 = tpu.dynamic_gather %add3A_1345[%gather3A_1346] in [0] : vector<16xf32>, vector<16xi32> -> vector<16xf32>
    %add3A_1348 = arith.addf %add3A_1345, %gather3A_1347 : vector<16xf32>
    %gather3A_1349 = vector.shape_cast %broadcast_in_dim3A_1203 : vector<16x1xi32> to vector<16xi32>
    %gather3A_1350 = tpu.dynamic_gather %add3A_1348[%gather3A_1349] in [0] : vector<16xf32>, vector<16xi32> -> vector<16xf32>
    %add3A_1351 = arith.addf %add3A_1348, %gather3A_1350 : vector<16xf32>
    %gather3A_1352 = vector.shape_cast %broadcast_in_dim3A_1207 : vector<16x1xi32> to vector<16xi32>
    %gather3A_1353 = tpu.dynamic_gather %add3A_1351[%gather3A_1352] in [0] : vector<16xf32>, vector<16xi32> -> vector<16xf32>
    %add3A_1354 = arith.addf %add3A_1351, %gather3A_1353 : vector<16xf32>
    %select_n3A_1355 = arith.select %eq3A_1342, %add3A_1354, %select_n3A_1323 : vector<16xi1>, vector<16xf32>
    %eq3A_1356 = arith.constant 4 : i32
    %eq3A_1357 = vector.broadcast %eq3A_1356 : i32 to vector<16xi32>
    %eq3A_1358 = arith.cmpi eq, %iota3A, %eq3A_1357 : vector<16xi32>
    %gather3A_1359 = vector.shape_cast %broadcast_in_dim3A_1195 : vector<16x1xi32> to vector<16xi32>
    %gather3A_1360 = tpu.dynamic_gather %parallel_loop3A_1191#12[%gather3A_1359] in [0] : vector<16xf32>, vector<16xi32> -> vector<16xf32>
    %add3A_1361 = arith.addf %parallel_loop3A_1191#12, %gather3A_1360 : vector<16xf32>
    %gather3A_1362 = vector.shape_cast %broadcast_in_dim3A_1199 : vector<16x1xi32> to vector<16xi32>
    %gather3A_1363 = tpu.dynamic_gather %add3A_1361[%gather3A_1362] in [0] : vector<16xf32>, vector<16xi32> -> vector<16xf32>
    %add3A_1364 = arith.addf %add3A_1361, %gather3A_1363 : vector<16xf32>
    %gather3A_1365 = vector.shape_cast %broadcast_in_dim3A_1203 : vector<16x1xi32> to vector<16xi32>
    %gather3A_1366 = tpu.dynamic_gather %add3A_1364[%gather3A_1365] in [0] : vector<16xf32>, vector<16xi32> -> vector<16xf32>
    %add3A_1367 = arith.addf %add3A_1364, %gather3A_1366 : vector<16xf32>
    %gather3A_1368 = vector.shape_cast %broadcast_in_dim3A_1207 : vector<16x1xi32> to vector<16xi32>
    %gather3A_1369 = tpu.dynamic_gather %add3A_1367[%gather3A_1368] in [0] : vector<16xf32>, vector<16xi32> -> vector<16xf32>
    %add3A_1370 = arith.addf %add3A_1367, %gather3A_1369 : vector<16xf32>
    %select_n3A_1371 = arith.select %eq3A_1358, %add3A_1370, %select_n3A_1339 : vector<16xi1>, vector<16xf32>
    %eq3A_1372 = arith.constant 5 : i32
    %eq3A_1373 = vector.broadcast %eq3A_1372 : i32 to vector<16xi32>
    %eq3A_1374 = arith.cmpi eq, %iota3A, %eq3A_1373 : vector<16xi32>
    %gather3A_1375 = vector.shape_cast %broadcast_in_dim3A_1195 : vector<16x1xi32> to vector<16xi32>
    %gather3A_1376 = tpu.dynamic_gather %parallel_loop3A_1191#5[%gather3A_1375] in [0] : vector<16xf32>, vector<16xi32> -> vector<16xf32>
    %add3A_1377 = arith.addf %parallel_loop3A_1191#5, %gather3A_1376 : vector<16xf32>
    %gather3A_1378 = vector.shape_cast %broadcast_in_dim3A_1199 : vector<16x1xi32> to vector<16xi32>
    %gather3A_1379 = tpu.dynamic_gather %add3A_1377[%gather3A_1378] in [0] : vector<16xf32>, vector<16xi32> -> vector<16xf32>
    %add3A_1380 = arith.addf %add3A_1377, %gather3A_1379 : vector<16xf32>
    %gather3A_1381 = vector.shape_cast %broadcast_in_dim3A_1203 : vector<16x1xi32> to vector<16xi32>
    %gather3A_1382 = tpu.dynamic_gather %add3A_1380[%gather3A_1381] in [0] : vector<16xf32>, vector<16xi32> -> vector<16xf32>
    %add3A_1383 = arith.addf %add3A_1380, %gather3A_1382 : vector<16xf32>
    %gather3A_1384 = vector.shape_cast %broadcast_in_dim3A_1207 : vector<16x1xi32> to vector<16xi32>
    %gather3A_1385 = tpu.dynamic_gather %add3A_1383[%gather3A_1384] in [0] : vector<16xf32>, vector<16xi32> -> vector<16xf32>
    %add3A_1386 = arith.addf %add3A_1383, %gather3A_1385 : vector<16xf32>
    %select_n3A_1387 = arith.select %eq3A_1374, %add3A_1386, %select_n3A_1355 : vector<16xi1>, vector<16xf32>
    %eq3A_1388 = arith.constant 5 : i32
    %eq3A_1389 = vector.broadcast %eq3A_1388 : i32 to vector<16xi32>
    %eq3A_1390 = arith.cmpi eq, %iota3A, %eq3A_1389 : vector<16xi32>
    %gather3A_1391 = vector.shape_cast %broadcast_in_dim3A_1195 : vector<16x1xi32> to vector<16xi32>
    %gather3A_1392 = tpu.dynamic_gather %parallel_loop3A_1191#13[%gather3A_1391] in [0] : vector<16xf32>, vector<16xi32> -> vector<16xf32>
    %add3A_1393 = arith.addf %parallel_loop3A_1191#13, %gather3A_1392 : vector<16xf32>
    %gather3A_1394 = vector.shape_cast %broadcast_in_dim3A_1199 : vector<16x1xi32> to vector<16xi32>
    %gather3A_1395 = tpu.dynamic_gather %add3A_1393[%gather3A_1394] in [0] : vector<16xf32>, vector<16xi32> -> vector<16xf32>
    %add3A_1396 = arith.addf %add3A_1393, %gather3A_1395 : vector<16xf32>
    %gather3A_1397 = vector.shape_cast %broadcast_in_dim3A_1203 : vector<16x1xi32> to vector<16xi32>
    %gather3A_1398 = tpu.dynamic_gather %add3A_1396[%gather3A_1397] in [0] : vector<16xf32>, vector<16xi32> -> vector<16xf32>
    %add3A_1399 = arith.addf %add3A_1396, %gather3A_1398 : vector<16xf32>
    %gather3A_1400 = vector.shape_cast %broadcast_in_dim3A_1207 : vector<16x1xi32> to vector<16xi32>
    %gather3A_1401 = tpu.dynamic_gather %add3A_1399[%gather3A_1400] in [0] : vector<16xf32>, vector<16xi32> -> vector<16xf32>
    %add3A_1402 = arith.addf %add3A_1399, %gather3A_1401 : vector<16xf32>
    %select_n3A_1403 = arith.select %eq3A_1390, %add3A_1402, %select_n3A_1371 : vector<16xi1>, vector<16xf32>
    %eq3A_1404 = arith.constant 6 : i32
    %eq3A_1405 = vector.broadcast %eq3A_1404 : i32 to vector<16xi32>
    %eq3A_1406 = arith.cmpi eq, %iota3A, %eq3A_1405 : vector<16xi32>
    %gather3A_1407 = vector.shape_cast %broadcast_in_dim3A_1195 : vector<16x1xi32> to vector<16xi32>
    %gather3A_1408 = tpu.dynamic_gather %parallel_loop3A_1191#6[%gather3A_1407] in [0] : vector<16xf32>, vector<16xi32> -> vector<16xf32>
    %add3A_1409 = arith.addf %parallel_loop3A_1191#6, %gather3A_1408 : vector<16xf32>
    %gather3A_1410 = vector.shape_cast %broadcast_in_dim3A_1199 : vector<16x1xi32> to vector<16xi32>
    %gather3A_1411 = tpu.dynamic_gather %add3A_1409[%gather3A_1410] in [0] : vector<16xf32>, vector<16xi32> -> vector<16xf32>
    %add3A_1412 = arith.addf %add3A_1409, %gather3A_1411 : vector<16xf32>
    %gather3A_1413 = vector.shape_cast %broadcast_in_dim3A_1203 : vector<16x1xi32> to vector<16xi32>
    %gather3A_1414 = tpu.dynamic_gather %add3A_1412[%gather3A_1413] in [0] : vector<16xf32>, vector<16xi32> -> vector<16xf32>
    %add3A_1415 = arith.addf %add3A_1412, %gather3A_1414 : vector<16xf32>
    %gather3A_1416 = vector.shape_cast %broadcast_in_dim3A_1207 : vector<16x1xi32> to vector<16xi32>
    %gather3A_1417 = tpu.dynamic_gather %add3A_1415[%gather3A_1416] in [0] : vector<16xf32>, vector<16xi32> -> vector<16xf32>
    %add3A_1418 = arith.addf %add3A_1415, %gather3A_1417 : vector<16xf32>
    %select_n3A_1419 = arith.select %eq3A_1406, %add3A_1418, %select_n3A_1387 : vector<16xi1>, vector<16xf32>
    %eq3A_1420 = arith.constant 6 : i32
    %eq3A_1421 = vector.broadcast %eq3A_1420 : i32 to vector<16xi32>
    %eq3A_1422 = arith.cmpi eq, %iota3A, %eq3A_1421 : vector<16xi32>
    %gather3A_1423 = vector.shape_cast %broadcast_in_dim3A_1195 : vector<16x1xi32> to vector<16xi32>
    %gather3A_1424 = tpu.dynamic_gather %parallel_loop3A_1191#14[%gather3A_1423] in [0] : vector<16xf32>, vector<16xi32> -> vector<16xf32>
    %add3A_1425 = arith.addf %parallel_loop3A_1191#14, %gather3A_1424 : vector<16xf32>
    %gather3A_1426 = vector.shape_cast %broadcast_in_dim3A_1199 : vector<16x1xi32> to vector<16xi32>
    %gather3A_1427 = tpu.dynamic_gather %add3A_1425[%gather3A_1426] in [0] : vector<16xf32>, vector<16xi32> -> vector<16xf32>
    %add3A_1428 = arith.addf %add3A_1425, %gather3A_1427 : vector<16xf32>
    %gather3A_1429 = vector.shape_cast %broadcast_in_dim3A_1203 : vector<16x1xi32> to vector<16xi32>
    %gather3A_1430 = tpu.dynamic_gather %add3A_1428[%gather3A_1429] in [0] : vector<16xf32>, vector<16xi32> -> vector<16xf32>
    %add3A_1431 = arith.addf %add3A_1428, %gather3A_1430 : vector<16xf32>
    %gather3A_1432 = vector.shape_cast %broadcast_in_dim3A_1207 : vector<16x1xi32> to vector<16xi32>
    %gather3A_1433 = tpu.dynamic_gather %add3A_1431[%gather3A_1432] in [0] : vector<16xf32>, vector<16xi32> -> vector<16xf32>
    %add3A_1434 = arith.addf %add3A_1431, %gather3A_1433 : vector<16xf32>
    %select_n3A_1435 = arith.select %eq3A_1422, %add3A_1434, %select_n3A_1403 : vector<16xi1>, vector<16xf32>
    %eq3A_1436 = arith.constant 7 : i32
    %eq3A_1437 = vector.broadcast %eq3A_1436 : i32 to vector<16xi32>
    %eq3A_1438 = arith.cmpi eq, %iota3A, %eq3A_1437 : vector<16xi32>
    %gather3A_1439 = vector.shape_cast %broadcast_in_dim3A_1195 : vector<16x1xi32> to vector<16xi32>
    %gather3A_1440 = tpu.dynamic_gather %parallel_loop3A_1191#7[%gather3A_1439] in [0] : vector<16xf32>, vector<16xi32> -> vector<16xf32>
    %add3A_1441 = arith.addf %parallel_loop3A_1191#7, %gather3A_1440 : vector<16xf32>
    %gather3A_1442 = vector.shape_cast %broadcast_in_dim3A_1199 : vector<16x1xi32> to vector<16xi32>
    %gather3A_1443 = tpu.dynamic_gather %add3A_1441[%gather3A_1442] in [0] : vector<16xf32>, vector<16xi32> -> vector<16xf32>
    %add3A_1444 = arith.addf %add3A_1441, %gather3A_1443 : vector<16xf32>
    %gather3A_1445 = vector.shape_cast %broadcast_in_dim3A_1203 : vector<16x1xi32> to vector<16xi32>
    %gather3A_1446 = tpu.dynamic_gather %add3A_1444[%gather3A_1445] in [0] : vector<16xf32>, vector<16xi32> -> vector<16xf32>
    %add3A_1447 = arith.addf %add3A_1444, %gather3A_1446 : vector<16xf32>
    %gather3A_1448 = vector.shape_cast %broadcast_in_dim3A_1207 : vector<16x1xi32> to vector<16xi32>
    %gather3A_1449 = tpu.dynamic_gather %add3A_1447[%gather3A_1448] in [0] : vector<16xf32>, vector<16xi32> -> vector<16xf32>
    %add3A_1450 = arith.addf %add3A_1447, %gather3A_1449 : vector<16xf32>
    %select_n3A_1451 = arith.select %eq3A_1438, %add3A_1450, %select_n3A_1419 : vector<16xi1>, vector<16xf32>
    %eq3A_1452 = arith.constant 7 : i32
    %eq3A_1453 = vector.broadcast %eq3A_1452 : i32 to vector<16xi32>
    %eq3A_1454 = arith.cmpi eq, %iota3A, %eq3A_1453 : vector<16xi32>
    %gather3A_1455 = vector.shape_cast %broadcast_in_dim3A_1195 : vector<16x1xi32> to vector<16xi32>
    %gather3A_1456 = tpu.dynamic_gather %parallel_loop3A_1191#15[%gather3A_1455] in [0] : vector<16xf32>, vector<16xi32> -> vector<16xf32>
    %add3A_1457 = arith.addf %parallel_loop3A_1191#15, %gather3A_1456 : vector<16xf32>
    %gather3A_1458 = vector.shape_cast %broadcast_in_dim3A_1199 : vector<16x1xi32> to vector<16xi32>
    %gather3A_1459 = tpu.dynamic_gather %add3A_1457[%gather3A_1458] in [0] : vector<16xf32>, vector<16xi32> -> vector<16xf32>
    %add3A_1460 = arith.addf %add3A_1457, %gather3A_1459 : vector<16xf32>
    %gather3A_1461 = vector.shape_cast %broadcast_in_dim3A_1203 : vector<16x1xi32> to vector<16xi32>
    %gather3A_1462 = tpu.dynamic_gather %add3A_1460[%gather3A_1461] in [0] : vector<16xf32>, vector<16xi32> -> vector<16xf32>
    %add3A_1463 = arith.addf %add3A_1460, %gather3A_1462 : vector<16xf32>
    %gather3A_1464 = vector.shape_cast %broadcast_in_dim3A_1207 : vector<16x1xi32> to vector<16xi32>
    %gather3A_1465 = tpu.dynamic_gather %add3A_1463[%gather3A_1464] in [0] : vector<16xf32>, vector<16xi32> -> vector<16xf32>
    %add3A_1466 = arith.addf %add3A_1463, %gather3A_1465 : vector<16xf32>
    %select_n3A_1467 = arith.select %eq3A_1454, %add3A_1466, %select_n3A_1435 : vector<16xi1>, vector<16xf32>
    %swap3A_1468 = arith.constant 48 : index
    %swap3A_1469 = tpu.vector_load %arg9[%swap3A_1468] {strides = array<i32>} : memref<128xf32, #tpu.memory_space<vmem>>, vector<16xf32>,
    %swap3A_1470 = vector.shape_cast %swap3A_1469 : vector<16xf32> to vector<16xf32>
    %swap3A_1471 = vector.shape_cast %select_n3A_1451 : vector<16xf32> to vector<16xf32>
    tpu.vector_store %arg9[%swap3A_1468], %swap3A_1471 {strides = array<i32>} : memref<128xf32, #tpu.memory_space<vmem>>, vector<16xf32>,
    %swap3A_1472 = arith.constant 112 : index
    %swap3A_1473 = tpu.vector_load %arg9[%swap3A_1472] {strides = array<i32>} : memref<128xf32, #tpu.memory_space<vmem>>, vector<16xf32>,
    %swap3A_1474 = vector.shape_cast %swap3A_1473 : vector<16xf32> to vector<16xf32>
    %swap3A_1475 = vector.shape_cast %select_n3A_1467 : vector<16xf32> to vector<16xf32>
    tpu.vector_store %arg9[%swap3A_1472], %swap3A_1475 {strides = array<i32>} : memref<128xf32, #tpu.memory_space<vmem>>, vector<16xf32>,
    "tpu.region"() ({
      %run_scoped3A = tpu.sem_alloc : memref<!tpu.dma_semaphore, #tpu.memory_space<semaphore_mem>>
      %dma_start3A_1476 = arith.constant 0 : i32
      %dma_start3A_1477 = tpu.memref_slice %arg4[%add3A, %dma_start3A_1476] : memref<32x128xf32, #tpu.memory_space<hbm>> -> memref<1x128xf32, #tpu.memory_space<hbm>>
      %dma_start3A_1478 = tpu.memref_squeeze %dma_start3A_1477 : memref<1x128xf32, #tpu.memory_space<hbm>> -> memref<128xf32, #tpu.memory_space<hbm>>
      %dma_start3A_1479 = arith.constant 0 : i32
      %dma_start3A_1480 = tpu.memref_slice %arg4[%add3A, %dma_start3A_1479] : memref<32x128xf32, #tpu.memory_space<hbm>> -> memref<1x128xf32, #tpu.memory_space<hbm>>
      %dma_start3A_1481 = tpu.memref_squeeze %dma_start3A_1480 : memref<1x128xf32, #tpu.memory_space<hbm>> -> memref<128xf32, #tpu.memory_space<hbm>>
      tpu.enqueue_dma source(%arg9 : memref<128xf32, #tpu.memory_space<vmem>>) target(%dma_start3A_1481 : memref<128xf32, #tpu.memory_space<hbm>>) target_semaphore(%run_scoped3A : memref<!tpu.dma_semaphore, #tpu.memory_space<semaphore_mem>>)
      %dma_wait3A_1482 = arith.constant 0 : i32
      %dma_wait3A_1483 = tpu.memref_slice %arg4[%add3A, %dma_wait3A_1482] : memref<32x128xf32, #tpu.memory_space<hbm>> -> memref<1x128xf32, #tpu.memory_space<hbm>>
      %dma_wait3A_1484 = tpu.memref_squeeze %dma_wait3A_1483 : memref<1x128xf32, #tpu.memory_space<hbm>> -> memref<128xf32, #tpu.memory_space<hbm>>
      %dma_wait3A_1485 = arith.constant 0 : i32
      %dma_wait3A_1486 = tpu.memref_slice %arg4[%add3A, %dma_wait3A_1485] : memref<32x128xf32, #tpu.memory_space<hbm>> -> memref<1x128xf32, #tpu.memory_space<hbm>>
      %dma_wait3A_1487 = tpu.memref_squeeze %dma_wait3A_1486 : memref<1x128xf32, #tpu.memory_space<hbm>> -> memref<128xf32, #tpu.memory_space<hbm>>
      tpu.wait_dma2 semaphore(%run_scoped3A : memref<!tpu.dma_semaphore, #tpu.memory_space<semaphore_mem>>) src(%arg9 : memref<128xf32, #tpu.memory_space<vmem>>) dst(%dma_wait3A_1487 : memref<128xf32, #tpu.memory_space<hbm>>)
      tpu.yield
    }) : () -> ()
    return
  }
}

module attributes {stable_mosaic.version = 14 : i64} {
  func.func @body(%arg0: memref<32x128xf32, #tpu.memory_space<vmem>>, %arg1: memref<1x1xf32, #tpu.memory_space<smem>>) attributes {dimension_semantics = [], scalar_prefetch = 0 : i64, scratch_operands = 0 : i64, tpu.core_type = #tpu.core_type<tc>} {
    %get3A = arith.constant 0 : index
    %get3A_0 = arith.constant 0 : index
    %get3A_1 = vector.load %arg0[%get3A, %get3A_0] : memref<32x128xf32, #tpu.memory_space<vmem>>, vector<32x128xf32>
    %slice3A = vector.extract_strided_slice %get3A_1 {offsets = [0, 0], sizes = [32, 64], strides = [1, 1]} : vector<32x128xf32> to vector<32x64xf32>
    %slice3A_2 = vector.extract_strided_slice %get3A_1 {offsets = [0, 64], sizes = [32, 64], strides = [1, 1]} : vector<32x128xf32> to vector<32x64xf32>
    %iota3A = tpu.iota {dimensions = array<i32: 1>} : vector<32x64xi32>
    %jit3A = arith.constant 16 : i32
    %eq3A = arith.constant 0 : i32
    %eq3A_3 = arith.cmpi eq, %jit3A, %eq3A : i32
    %jit3A_4 = arith.constant 1 : i32
    %select_n3A = arith.select %eq3A_3, %jit3A_4, %jit3A : i32
    %rem3A = vector.broadcast %select_n3A : i32 to vector<32x64xi32>
    %rem3A_5 = arith.remsi %iota3A, %rem3A : vector<32x64xi32>
    %ne3A = arith.constant 0 : i32
    %ne3A_6 = vector.broadcast %ne3A : i32 to vector<32x64xi32>
    %ne3A_7 = arith.cmpi ne, %rem3A_5, %ne3A_6 : vector<32x64xi32>
    %lt3A = arith.constant 0 : i32
    %lt3A_8 = vector.broadcast %lt3A : i32 to vector<32x64xi32>
    %lt3A_9 = arith.cmpi slt, %rem3A_5, %lt3A_8 : vector<32x64xi32>
    %lt3A_10 = arith.constant 0 : i32
    %lt3A_11 = arith.cmpi slt, %select_n3A, %lt3A_10 : i32
    %ne3A_12 = vector.broadcast %lt3A_11 : i1 to vector<32x64xi1>
    %ne3A_13 = vector.broadcast %ne3A_12 : vector<32x64xi1> to vector<32x64xi1>
    %ne3A_14 = arith.xori %lt3A_9, %ne3A_13 : vector<32x64xi1>
    %and3A = arith.andi %ne3A_14, %ne3A_7 : vector<32x64xi1>
    %add3A = vector.broadcast %select_n3A : i32 to vector<32x64xi32>
    %add3A_15 = arith.addi %rem3A_5, %add3A : vector<32x64xi32>
    %select_n3A_16 = arith.select %and3A, %add3A_15, %rem3A_5 : vector<32x64xi1>, vector<32x64xi32>
    %lt3A_17 = arith.constant 8 : i32
    %lt3A_18 = vector.broadcast %lt3A_17 : i32 to vector<32x64xi32>
    %lt3A_19 = arith.cmpi slt, %select_n3A_16, %lt3A_18 : vector<32x64xi32>
    %mul3A = arith.constant 1.562500e-02 : f32
    %mul3A_20 = vector.broadcast %mul3A : f32 to vector<32x64xf32>
    %mul3A_21 = arith.mulf %slice3A_2, %mul3A_20 : vector<32x64xf32>
    %mul3A_22 = arith.mulf %mul3A_21, %mul3A_21 : vector<32x64xf32>
    %sub3A = arith.constant 1.000000e+00 : f32
    %sub3A_23 = vector.broadcast %sub3A : f32 to vector<32x64xf32>
    %sub3A_24 = arith.subf %sub3A_23, %mul3A_22 : vector<32x64xf32>
    %max3A = arith.constant 0.000000e+00 : f32
    %max3A_25 = vector.broadcast %max3A : f32 to vector<32x64xf32>
    %max3A_26 = arith.maximumf %sub3A_24, %max3A_25 : vector<32x64xf32>
    %sqrt3A = math.sqrt %max3A_26 : vector<32x64xf32>
    %mul3A_27 = arith.constant 0.87758255 : f32
    %mul3A_28 = vector.broadcast %mul3A_27 : f32 to vector<32x64xf32>
    %mul3A_29 = arith.mulf %mul3A_21, %mul3A_28 : vector<32x64xf32>
    %mul3A_30 = arith.constant 0.47942555 : f32
    %mul3A_31 = vector.broadcast %mul3A_30 : f32 to vector<32x64xf32>
    %mul3A_32 = arith.mulf %sqrt3A, %mul3A_31 : vector<32x64xf32>
    %sub3A_33 = arith.subf %mul3A_29, %mul3A_32 : vector<32x64xf32>
    %mul3A_34 = arith.constant 6.400000e+01 : f32
    %mul3A_35 = vector.broadcast %mul3A_34 : f32 to vector<32x64xf32>
    %mul3A_36 = arith.mulf %mul3A_35, %sub3A_33 : vector<32x64xf32>
    %exp3A = math.exp %slice3A_2 : vector<32x64xf32>
    %sub3A_37 = arith.subf %slice3A, %exp3A : vector<32x64xf32>
    %exp3A_38 = math.exp %mul3A_36 : vector<32x64xf32>
    %add3A_39 = arith.addf %sub3A_37, %exp3A_38 : vector<32x64xf32>
    %jit3A_40 = arith.constant 1.000000e+00 : f32
    %broadcast_in_dim3A = vector.broadcast %jit3A_40 : f32 to vector<32x64xf32>
    %select_n3A_41 = arith.select %lt3A_19, %add3A_39, %broadcast_in_dim3A : vector<32x64xi1>, vector<32x64xf32>
    %log3A = math.log %select_n3A_41 : vector<32x64xf32>
    %jit3A_42 = arith.constant 0.000000e+00 : f32
    %broadcast_in_dim3A_43 = vector.broadcast %jit3A_42 : f32 to vector<32x64xf32>
    %select_n3A_44 = arith.select %lt3A_19, %mul3A_36, %broadcast_in_dim3A_43 : vector<32x64xi1>, vector<32x64xf32>
    %sub3A_45 = arith.subf %log3A, %select_n3A_44 : vector<32x64xf32>
    %jit3A_46 = arith.constant 0.000000e+00 : f32
    %broadcast_in_dim3A_47 = vector.broadcast %jit3A_46 : f32 to vector<32x64xf32>
    %select_n3A_48 = arith.select %lt3A_19, %sub3A_45, %broadcast_in_dim3A_47 : vector<32x64xi1>, vector<32x64xf32>
    %reduce_sum3A = vector.shape_cast %select_n3A_48 : vector<32x64xf32> to vector<1x32x64xf32>
    %reduce_sum3A_49 = arith.constant dense<0.000000e+00> : vector<1xf32>
    %reduce_sum3A_50 = vector.multi_reduction <add>, %reduce_sum3A, %reduce_sum3A_49 [1, 2] : vector<1x32x64xf32> to vector<1xf32>
    %reduce_sum3A_51 = vector.shape_cast %reduce_sum3A_50 : vector<1xf32> to vector<1x1x1xf32>
    %reduce_sum3A_52 = vector.extract %reduce_sum3A_51[0, 0, 0] : f32 from vector<1x1x1xf32>
    %mul3A_53 = arith.constant 9.765625E-4 : f32
    %mul3A_54 = arith.mulf %reduce_sum3A_52, %mul3A_53 : f32
    %swap3A = arith.constant 0 : index
    %swap3A_55 = arith.constant 0 : index
    %swap3A_56 = memref.load %arg1[%swap3A, %swap3A_55] : memref<1x1xf32, #tpu.memory_space<smem>>
    memref.store %mul3A_54, %arg1[%swap3A, %swap3A_55] : memref<1x1xf32, #tpu.memory_space<smem>>
    return
  }
}

</mosaic_0001>

<sc_bundles>
// kernel: kernel.4.cloned.1.call-start
scs
__scs_entry_jumppad:
0x0: {  	(pc) =	sbr.rel $0x88, $3  }
0x1: {  	(tag) =	ssettag $0x0;
	lr =	simm.s32 $0x1  }
0x2: {  	[smem:$0x3F9F] =	sst lr;
	_ =	strace $0xD0000000  }
0x3: {  	_ = 	snop  }
0x4: {  	_ = 	snop  }
0x5: {  	_ = 	snop  }
0x6: {  	_ = 	snop  }
0x7: {  	_ = 	snop  }
__scs_overlays_trampoline_lowered:
0x8: {  	[smem:$0x3FAE] =	sst s0  }
0x9: {  	[smem:$0x3FAF] =	sst s1  }
0xa: {  	[smem:$0x3FB0] =	sst s2  }
0xb: {  	[smem:$0x3FB1] =	sst s3  }
0xc: {  	[smem:$0x3FB2] =	sst s4  }
0xd: {  	[smem:$0x3FB3] =	sst s5  }
0xe: {  	[smem:$0x3FB4] =	sst s6  }
0xf: {  	[smem:$0x3FB5] =	sst s7  }
0x10: {  	[smem:$0x3FB6] =	sst s8  }
0x11: {  	[smem:$0x3FB7] =	sst s9;
	s0 =	simm.s32 @!p0 $0x0  }
0x12: {  	s1 =	sld [smem:$0x3F9D];
	s0 =	simm.s32 @p0 $0x1  }
0x13: {  	[smem:$0x3FB8] =	sst s0;
	s0 =	simm.s32 @!p1 $0x0  }
0x14: {  	s2 =	sld [smem:$0x3F9C];
	s0 =	simm.s32 @p1 $0x1  }
0x15: {  	[smem:$0x3FB9] =	sst s0;
	s0 =	simm.s32 @!p2 $0x0  }
0x16: {  	s3 =	sld [smem:$0x3FDB];
	s0 =	simm.s32 @p2 $0x1  }
0x17: {  	s4 =	simm.s32 $0x1BF5;
	[smem:$0x3FBB] =	sst s0  }
0x18: {  	s0 =	sld [smem:$0x3F9E];
	_ =	swait.ge [sflag:s4], $0x0  }
0x19: {  	s7 =	sld [smem:$0x3F9F]  }
0x1a: {  	s8 =	sadd.s32 $0xFFFFE003, lr  }
0x1b: {  	s9 =	sadd.s32 $0xFFFFFEF7, lr;
	s5 =	simm.s32 $0xFFFFFFFF;
	p2 =	slt.u32 s8, $0xFFFFF086  }
0x1c: {  	p1 =	slt.u32 s9, $0xF7A;
	s5 =	simm.s32 @!p2 $0x0  }
0x1d: {  	s5 =	simm.s32 @p1 $0x1;
	p0 =	seq.s32 s7, s2  }
0x1e: {  	s7 =	smul.u32 @!p0 $0xF7A, s2;
	p2 =	seq.s32 @!p0 s5, $0x0  }
0x1f: {  	s9 =	smul.u32 $0xF7A, s1;
	s8 =	simm.s32 @!p0 $0x1BF5;
	p2 =	por !p2, p0  }
0x20: {  	[sflag:s8] =	ssyncset.s32 @!p0 $0xFFFFF086;
	s6 =	sadd.s32 @!p0 s3, s7;
	s7 =	simm.s32 @!p0 $0x108  }
0x21: {  	s3 =	sadd.s32 s3, s9;
	s6 =	sadd.s32 @!p0 $0x88, s6;
	s7 =	simm.s32 @p2 $0x1082  }
0x22: {  	[simem:s7], [sflag:s8] =	dma.local @!p0 [hbm:s6], $0xF7A  }
0x23: {  	s9 =	sor.u32 $0xD0000000, s2;
	s6 =	simm.s32 $0x108;
	_ =	swait.ge @!p0 [sflag:s8], $0x0  }
0x24: {  	s3 =	sadd.s32 $0x88, s3;
	s6 =	simm.s32 @!p1 $0x1082;
	[sflag:s4] =	ssyncset.s32 $0xFFFFF086  }
0x25: {  	[simem:s6], [sflag:s4] =	dma.local [hbm:s3], $0xF7A  }
0x26: {  	[smem:$0x3F9F] =	sst s1;
	(tag) =	ssettag s2;
	_ =	strace s9  }
0x27: {  	s1 =	sld [smem:$0x3FAF]  }
0x28: {  	s2 =	sld [smem:$0x3FB0]  }
0x29: {  	s4 =	sld [smem:$0x3FB2]  }
0x2a: {  	p0 =	seq.s32 s5, $0x0;
	s5 =	sld [smem:$0x3FB3]  }
0x2b: {  	s6 =	sld [smem:$0x3FB4]  }
0x2c: {  	s7 =	sld [smem:$0x3FB5]  }
0x2d: {  	s3 =	simm.s32 $0x108;
	s8 =	sld [smem:$0x3FB6]  }
0x2e: {  	s3 =	simm.s32 @!p0 $0x1082;
	s9 =	sld [smem:$0x3FB7]  }
0x2f: {  	lr =	sadd.s32 s0, s3;
	s0 =	sld [smem:$0x3FAE]  }
0x30: {  	s3 =	sld [smem:$0x3FB1]  }
0x31: {  	[smem:$0x3FBA] =	sst s10  }
0x32: {  	s10 =	sld [smem:$0x3FB8];
	_ =	sdelay $0x3  }
0x33: {  	p0 =	seq.s32 s10, $0x1;
	s10 =	sld [smem:$0x3FBA];
	_ =	sdelay $0x3  }
0x34: {  	[smem:$0x3FBA] =	sst s10  }
0x35: {  	s10 =	sld [smem:$0x3FB9];
	_ =	sdelay $0x3  }
0x36: {  	p1 =	seq.s32 s10, $0x1;
	s10 =	sld [smem:$0x3FBA];
	_ =	sdelay $0x3  }
0x37: {  	[smem:$0x3FBA] =	sst s10  }
0x38: {  	s10 =	sld [smem:$0x3FBB]  }
0x39: {  	_ = 	snop;
	(pc) =	sbr.ind lr, $3  }
0x3a: {  	_ = 	snop  }
0x3b: {  	_ = 	snop  }
0x3c: {  	p2 =	seq.s32 s10, $0x1;
	s10 =	sld [smem:$0x3FBA]  }
0x3d: {  	_ =	shalt  }
0x3e: {  	_ =	shalt  }
0x3f: {  	_ =	shalt  }
0x40: {  	_ =	shalt  }
0x41: {  	_ =	shalt  }
0x42: {  	_ =	shalt  }
0x43: {  	_ =	shalt  }
0x44: {  	_ =	shalt  }
0x45: {  	_ =	shalt  }
0x46: {  	_ =	shalt  }
0x47: {  	_ =	shalt  }
0x48: {  	_ =	shalt  }
0x49: {  	_ =	shalt  }
0x4a: {  	_ =	shalt  }
0x4b: {  	_ =	shalt  }
0x4c: {  	_ =	shalt  }
0x4d: {  	_ =	shalt  }
0x4e: {  	_ =	shalt  }
0x4f: {  	_ =	shalt  }
0x50: {  	_ =	shalt  }
0x51: {  	_ =	shalt  }
0x52: {  	_ =	shalt  }
0x53: {  	_ =	shalt  }
0x54: {  	_ =	shalt  }
0x55: {  	_ =	shalt  }
0x56: {  	_ =	shalt  }
0x57: {  	_ =	shalt  }
0x58: {  	_ =	shalt  }
0x59: {  	_ =	shalt  }
0x5a: {  	_ =	shalt  }
0x5b: {  	_ =	shalt  }
0x5c: {  	_ =	shalt  }
0x5d: {  	_ =	shalt  }
0x5e: {  	_ =	shalt  }
0x5f: {  	_ =	shalt  }
0x60: {  	_ =	shalt  }
0x61: {  	_ =	shalt  }
0x62: {  	_ =	shalt  }
0x63: {  	_ =	shalt  }
0x64: {  	_ =	shalt  }
0x65: {  	_ =	shalt  }
0x66: {  	_ =	shalt  }
0x67: {  	_ =	shalt  }
0x68: {  	_ =	shalt  }
0x69: {  	_ =	shalt  }
0x6a: {  	_ =	shalt  }
0x6b: {  	_ =	shalt  }
0x6c: {  	_ =	shalt  }
0x6d: {  	_ =	shalt  }
0x6e: {  	_ =	shalt  }
0x6f: {  	_ =	shalt  }
0x70: {  	_ =	shalt  }
0x71: {  	_ =	shalt  }
0x72: {  	_ =	shalt  }
0x73: {  	_ =	shalt  }
0x74: {  	_ =	shalt  }
0x75: {  	_ =	shalt  }
0x76: {  	_ =	shalt  }
0x77: {  	_ =	shalt  }
0x78: {  	_ =	shalt  }
0x79: {  	_ =	shalt  }
0x7a: {  	_ =	shalt  }
0x7b: {  	_ =	shalt  }
0x7c: {  	_ =	shalt  }
0x7d: {  	_ =	shalt  }
0x7e: {  	_ =	shalt  }
0x7f: {  	_ =	shalt  }
0x80: {  	_ =	shalt  }
0x81: {  	_ =	shalt  }
0x82: {  	_ =	shalt  }
0x83: {  	_ =	shalt  }
0x84: {  	_ =	shalt  }
0x85: {  	_ =	shalt  }
0x86: {  	_ =	shalt  }
0x87: {  	_ =	shalt  }
.Lfunc_end0:
.L_simem_size_0:
called_computation_lowered:
.L_overlay_start_0:
0x88: {  	s2 =	sld [smem:$0x3FD9]  }
0x89: {  	s3 =	sld [smem:$0x3FFE];
	_ =	sdelay $0x1  }
0x8a: {  	s1 =	srdreg.scid  }
0x8b: {  	s0 =	sand.u32 $0x1, s1  }
0x8c: {  	s17 =	sshll.u32 s0, $0xA;
	s2 =	sadd.s32 s3, s2  }
0x8d: {  	s2 =	sadd.s32 s2, s17  }
0x8e: {  	[smem:$0x3FC6] =	sst s2  }
0x8f: {  	_ = 	snop  }
0x90: {  	s2 =	sld [smem:$0x3FC8];
	(tm) =	ssettm $0x1  }
0x91: {  	s18 =	sld [smem:$0x3FFB];
	_ =	sdelay $0x3  }
0x92: {  	_ =	strace s18  }
0x93: {  	s3 =	sld [smem:$0x3FFC];
	_ =	sdelay $0x3  }
0x94: {  	_ =	strace s3  }
0x95: {  	s3 =	sld [smem:$0x3FFD];
	_ =	sdelay $0x3  }
0x96: {  	_ =	strace s3  }
0x97: {  	_ =	strace $0x8FFFFFFF  }
0x98: {  	s19 =	sld [smem:$0x3FDB];
	_ =	sdelay $0x1  }
0x99: {  	s4 =	simm.s32 $_scs_section_size  }
0x9a: {  	s5 =	simm.s32 $_size__tile_overlayer_lowered;
	s6 =	simm.s32 $_tile_overlayer_lowered  }
0x9b: {  	s22 =	simm.s32 $0x1BFF;
	s21 =	sshll.u32 s6, $0x1;
	s3 =	sadd.s32 s4, s19  }
0x9c: {  	s7 =	simm.s32 $0x0;
	s20 =	sshll.u32 s5, $0x1;
	s5 =	sadd.s32 s21, s3  }
0x9d: {  	[timem:s7], [sflag:s22] =	dma.local [hbm:s5], s20  }
0x9e: {  	_ =	swait.ge [sflag:s22], s20  }
0x9f: {  	s4 =	ssub.s32 $0x0, s20;
	[sflag:s22] =	ssyncset.done $0x0  }
0xa0: {  	[sflag:s22] =	ssyncadd.s32 s4;
	_ =	sdelay $0x1  }
0xa1: {  	s23 =	simm.s32 $0x1B8B  }
0xa2: {  	_ =	swait.ge [sflag:s23], $0x1  }
0xa3: {  	[sflag:s23] =	ssyncset.done $0x0  }
0xa4: {  	s25 =	simm.s32 $0x1B8E;
	s24 =	sld [smem:$0x3FFE];
	[sflag:s23] =	ssyncadd.s32 $0xFFFFFFFF  }
0xa5: {  	s26 =	simm.s32 $execute0_lowered;
	[smem:$0x3FD2] =	sst s25  }
0xa6: {  	s5 =	sshll.u32 s26, $0x1;
	_ =	strace $0x80000046;
	[dreg:$0x1] =	wrdreg $0xFFFFFFFF  }
0xa7: {  	s28 =	simm.s32 $_size_execute0_lowered;
	s3 =	sadd.s32 s3, s5;
	[dreg:$0x0] =	wrdreg $0x0  }
0xa8: {  	s5 =	sshll.u32 s28, $0x1;
	[dreg:$0x2] =	wrdreg s3  }
0xa9: {  	[dreg:$0x3] =	wrdreg s5  }
0xaa: {  	[dreg:$0x4] =	wrdreg $0xC0  }
0xab: {  	_ =	task [dreg:s7], $0x5FFFF  }
0xac: {  	[dreg:$0x1] =	wrdreg $0xFFFFFFFF  }
0xad: {  	[dreg:$0x0] =	wrdreg $0x60  }
0xae: {  	[dreg:$0x2] =	wrdreg s24  }
0xaf: {  	[dreg:$0x3] =	wrdreg s2  }
0xb0: {  	[dreg:$0x4] =	wrdreg $0x9  }
0xb1: {  	_ =	task.clear_ibuf [dreg:s7], $0x5FFFF;
	_ =	strace $0x90000046  }
0xb2: {  	s29 =	simm.s32 $0x9;
	_ =	strace $0x80000048  }
0xb3: {  	_ =	swait.ge [sflag:s29], $0x1  }
0xb4: {  	[sflag:s29] =	ssyncadd.s32 $0xFFFFFFFF  }
0xb5: {  	_ =	strace $0x90000048  }
0xb6: {  	_ =	sfence  }
0xb7: {  	s30 =	sld [smem:$0x0];
	_ =	sdelay $0x2  }
0xb8: {  	s31 =	sshll.u32 s1, $0xD;
	s1 =	sshrl.u32 s1, $0x2  }
0xb9: {  	s3 =	sand.u32 $0x4000, s31;
	s1 =	sadd.s32 s1, s30  }
0xba: {  	s0 =	sor.u32 s3, s0;
	s1 =	sshll.u32 s1, $0x11  }
0xbb: {  	s0 =	sor.u32 s1, s0  }
0xbc: {  	s0 =	sadd.s32 $0x8F2B, s0  }
0xbd: {  	[sflag:s0] =	ssyncadd.remote.s32 $0x1  }
0xbe: {  	_ =	sfence.sel $0xFFFF  }
0xbf: {  	[dreg:$0x0] =	wrdreg $0xFFFFFFFF;
	(pc) =	sbr.abs _section_cstart, $3  }
0xc0: {  	[dreg:$0x1] =	wrdreg $0xFFFFFFFF  }
0xc1: {  	_ =	task.clear_ibuf [dreg:s7], $0x2FFFF;
	_ =	strace $0x9FFFFFFF  }
0xc2: {  	(tm) =	ssettm $0x7FFFFFFF  }
0xc3: {  	_ =	shalt  }
tec
execute0_lowered:
.L_overlay_start_1:
0x0: {  	(tag) =	ssettag $0x1  }
0x1: {  	s1 =	rddreg [dreg:$0x0]  }
0x2: {  	s0 =	rddreg [dreg:$0x1];
	s2 =	simm.s32 $0x0;
	s3 =	srdreg.scid  }
0x3: {  	s5 =	stileid.u32;
	s28 =	simm.s32 $0x3;
	s29 =	simm.s32 $0x8000  }
0x4: {  	s30 =	simm.s32 $0x1;
	s31 =	simm.s32 $0x2;
	[smem:$0x7FF] =	sst s2  }
0x5: {  	s4 =	sand.u32 $0x1, s3;
	s5 =	sshll.u32 s5, $0x1;
	s3 =	sadd.s32 $0x600, s1  }
0x6: {  	_ =	strace $0x80000047;
	s8 =	sor.u32 s4, s5;
	s4 =	ssub.s32 $0x2, s4  }
0x7: {  	v0 =	vimm.s32 $0x0;
	v1 =	vimm.s32 $0x1;
	s5 =	sshll.u32 s8, $0x4;
	s6 =	sshrl.u32 s4, $0x1;
	s7 =	smul.u32 $0xC3800, s8  }
0x8: {  	v4 =	vimm.s32 $0xBA98FEDC;
	v5 =	vimm.s32 $0x76543210;
	v6 =	vimm.s32 $0xFEDCBA98;
	s17 =	sor.u32 $0x20, s8;
	s18 =	sadd.s32 s0, s8;
	s13 =	sor.u32 $0x40, s8  }
0x9: {  	v2 =	vimm.s32 $0x2;
	v9 =	vimm.s32 $0xDCFE98BA;
	v10 =	vimm.s32 $0x54761032;
	s8 =	sor.u32 $0x60, s8;
	s9 =	sadd.s32 s5, s1;
	s12 =	smul.u32 $0xC3800, s17  }
0xa: {  	v3 =	vimm.s32 $0x3;
	v11 =	vimm.s32 $0xEFCDAB89;
	v12 =	vimm.s32 $0x67452301;
	s1 =	ssub.s32 s4, s6;
	[dreg:$0x3] =	wrdreg s18;
	s21 =	smul.u32 $0xC3800, s13  }
0xb: {  	vm0 =	vcmask $0x320;
	vm1 =	vcmask $0x720;
	v7 =	vunpack.c.l.s4.s8 v4;
	s4 =	sadd.s32 s0, s17;
	s22 =	smul.u32 $0xC3800, s8;
	s13 =	sadd.s32 s0, s13  }
0xc: {  	vm2 =	vcmask $0xB20;
	vm3 =	vcmask $0xF20;
	v8 =	vunpack.c.l.s4.s8 v5;
	s0 =	sadd.s32 s0, s8;
	s19 =	sshrl.u32 s7, $0x3;
	[dreg:$0x5] =	wrdreg s4  }
0xd: {  	v5 =	vunpack.c.l.s4.s8 v6;
	v6 =	vunpack.c.0.s8.s32 v7;
	v7 =	vimm.s32 $0x32107654;
	s6 =	sadd.s32 $0x8000, s7;
	s7 =	sadd.s32 $0x10000, s7;
	[dreg:$0x7] =	wrdreg s13  }
0xe: {  	vm4 =	vcmask $0x1320;
	vm5 =	vcmask $0x1720;
	v7 =	vunpack.c.l.s4.s8 v7;
	[dreg:$0x9] =	wrdreg s0;
	s0 =	simm.s32 $0x10000;
	s5 =	sadd.s32 s3, s19  }
0xf: {  	vm6 =	vcmask $0x1B20;
	v9 =	vunpack.c.l.s4.s8 v9;
	v10 =	vunpack.c.l.s4.s8 v10;
	s20 =	sshrl.u32 s12, $0x3;
	s11 =	sadd.s32 $0x8000, s12;
	s12 =	sadd.s32 $0x10000, s12  }
0x10: {  	v11 =	vunpack.c.l.s4.s8 v11;
	v12 =	vunpack.c.l.s4.s8 v12;
	v7 =	vunpack.c.0.s8.s32 v7;
	s23 =	sshrl.u32 s21, $0x3;
	s16 =	sadd.s32 $0x8000, s21;
	s17 =	sadd.s32 $0x10000, s21  }
0x11: {  	v13 =	vunpack.c.0.s8.s32 v5;
	v9 =	vunpack.c.0.s8.s32 v9;
	v10 =	vunpack.c.0.s8.s32 v10;
	s25 =	sshrl.u32 s22, $0x3;
	s21 =	sadd.s32 $0x8000, s22;
	s10 =	sadd.s32 $0x18000, s5  }
0x12: {  	s22 =	sadd.s32 $0x10000, s22;
	s15 =	sadd.s32 s3, s23;
	[dreg:$0x4] =	wrdreg s10;
	v14 =	vcombine.low v7, v6;
	v7 =	vunpack.c.0.s8.s32 v11;
	v11 =	vunpack.c.0.s8.s32 v12  }
0x13: {  	v4 =	vimm.s32 $0x4;
	v8 =	vunpack.c.0.s8.s32 v8;
	v10 =	vcombine.low v10, v9;
	s10 =	sadd.s32 s3, s20;
	s24 =	sadd.s32 $0x18000, s15;
	s20 =	sadd.s32 s3, s25  }
0x14: {  	v5 =	vimm.s32 $0x5;
	v9 =	vand.u32 $0xF, v13;
	s25 =	smax.u32 s1, $0x1;
	s14 =	sadd.s32 $0x18000, s10;
	[dreg:$0x8] =	wrdreg s24;
	v11 =	vcombine.low v11, v7  }
0x15: {  	v8 =	vcombine.low v9, v8;
	v10 =	vand.u32 $0xF, v10;
	v6 =	vimm.s32 $0x6;
	s1 =	simm.s32 $0x0;
	s26 =	sadd.s32 $0x18000, s20;
	[dreg:$0x6] =	wrdreg s14  }
0x16: {  	s24 =	sadd.s32 $0xC38600, s9;
	[dreg:$0xa] =	wrdreg s26;
	v7 =	vimm.s32 $0x7;
	v9 =	vand.u32 $0xF, v14;
	s26 =	simm.s32 $0x13800;
	v11 =	vand.u32 $0xF, v11  }
.LBB2_1:
0x17: {  	s4 =	rddreg [dreg:$0x3]  }
0x18: {  	[tilespmem:s26], [sflag:$0x3] =	stream.linear.gather [hbm4b:s4+s2], $0x8, $0x38;
	[tilespmem:$0x13900] =	vst v63  }
0x19: {  	_ =	swait.ge [sflag:s28], $0x8  }
0x1a: {  	[sflag:s28] =	ssyncset.done $0x0  }
0x1b: {  	[sflag:s28] =	ssyncadd.s32 $0xFFFFFFF8  }
0x1c: {  	v20 =	vimm.f32 $0.0e+00;
	v19 =	vld [tilespmem:$0x13800]  }
0x1d: {  	v37 =	vlaneseq.u32;
	v38 =	vimm.f32 $0.0e+00;
	v25 =	vimm.f32 $0.0e+00  }
0x1e: {  	v31 =	vimm.f32 $0.0e+00;
	v35 =	vimm.f32 $0.0e+00;
	v30 =	vimm.f32 $0.0e+00  }
0x1f: {  	v36 =	vimm.f32 $0.0e+00;
	v40 =	vimm.f32 $0.0e+00;
	v39 =	vimm.f32 $0.0e+00  }
0x20: {  	v32 =	vimm.f32 $0.0e+00;
	v21 =	vimm.f32 $0.0e+00;
	v22 =	vimm.f32 $0.0e+00  }
0x21: {  	v23 =	vimm.f32 $0.0e+00;
	v12 =	vperm.xlane v19, v0;
	v13 =	vperm.xlane v19, v1  }
0x22: {  	v24 =	vimm.f32 $0.0e+00;
	v14 =	vperm.xlane v19, v2;
	v15 =	vperm.xlane v19, v3  }
0x23: {  	v26 =	vimm.f32 $0.0e+00;
	s4 =	simm.s32 $0x0;
	v16 =	vperm.xlane v19, v4;
	v17 =	vperm.xlane v19, v5  }
0x24: {  	v34 =	vimm.f32 $0.0e+00;
	[tilespmem:s2], [sflag:$0x1] =	stream.linear.gather [hbm4b:s5+s2], $0x8000, $0x38;
	v18 =	vperm.xlane v19, v6;
	v19 =	vperm.xlane v19, v7;
	[tilespmem:$0x13900] =	vst v63  }
.LBB2_2:
0x25: {  	s8 =	sshll.u32 s4, $0x10  }
0x26: {  	s8 =	sadd.s32 s8, s6  }
0x27: {  	s9 =	simm.s32 $0x0;
	s8 =	sshrl.u32 s8, $0x3  }
0x28: {  	s18 =	sand.u32 $0x7, s9;
	s8 =	sadd.s32 s3, s8  }
0x29: {  	[tilespmem:s29], [sflag:$0x2] =	stream.linear.gather [hbm4b:s8+s9], $0x8000, $0x38;
	[tilespmem:$0x13900] =	vst v63  }
0x2a: {  	s13 =	simm.s32 $0x0;
	s8 =	sshll.u32 s18, $0x4;
	_ =	swait.ge [sflag:s30], $0x8000  }
0x2b: {  	s13 =	sand.u32 $0x70, s13;
	s8 =	sadd.s32 $0x0, s8;
	[sflag:s30] =	ssyncset.done $0x0  }
0x2c: {  	s9 =	sand.u32 $0x7C00, s9;
	s8 =	sor.u32 $0x380, s8;
	[sflag:s30] =	ssyncadd.s32 $0xFFFF8000  }
0x2d: {  	s9 =	sor.u32 s13, s9;
	v27 =	vld [tilespmem:s8+$0x0]  }
0x2e: {  	v28 =	vld [tilespmem:s9+$0x0]  }
0x2f: {  	v29 =	vld [tilespmem:s9+$0x80]  }
0x30: {  	v33 =	vld [tilespmem:s9+$0x100]  }
0x31: {  	vm7 =	veq.s32 v37, v12;
	vm8 =	veq.s32 v37, v13;
	vm9 =	veq.s32 v37, v14;
	v41 =	vld [tilespmem:s9+$0x180]  }
0x32: {  	vm10 =	veq.s32 v37, v15;
	vm11 =	veq.s32 v37, v16;
	v42 =	vld [tilespmem:s9+$0x200];
	v43 =	vmul.f32 $1.442695020e+00, v27  }
0x33: {  	vm12 =	veq.s32 v37, v17;
	s19 =	simm.s32 $0x1;
	vm13 =	veq.s32 v37, v18;
	v44 =	vld [tilespmem:s9+$0x280];
	v45 =	vmul.f32 $1.442695020e+00, v28  }
0x34: {  	vm14 =	veq.s32 v37, v19;
	s8 =	sand.u32 $0x7, s19;
	v46 =	vmul.f32 $1.442695020e+00, v29;
	(erf) = vpow2.f32 v43  }
0x35: {  	v47 =	vld [tilespmem:s9+$0x300];
	s9 =	simm.s32 $0x80;
	s23 =	sshll.u32 s8, $0x4;
	s8 =	simm.s32 $0x10;
	v27 =	vnsel vm14, $0x0, v27;
	v52 =	vmul.f32 $1.442695020e+00, v33;
	v53 =	vnsel vm7, $0x0, v28  }
0x36: {  	s18 =	sand.u32 $0x7C00, s9;
	s14 =	sand.u32 $0x70, s8;
	v28 =	vmul.f32 $1.442695020e+00, v41;
	v54 =	vnsel vm8, $0x0, v29;
	(erf) = vpow2.f32 v45  }
0x37: {  	s14 =	sor.u32 s14, s18;
	v29 =	vmul.f32 $1.442695020e+00, v42;
	v33 =	vnsel vm9, $0x0, v33;
	(erf) = vpow2.f32 v46  }
0x38: {  	s13 =	sadd.s32 $0x80, s23;
	v63 =	vld [tilespmem:s14+$0x80];
	v55 =	vmul.f32 $1.442695020e+00, v44;
	v41 =	vnsel vm10, $0x0, v41;
	(erf) = vpow2.f32 v52  }
0x39: {  	s13 =	sor.u32 $0x380, s13;
	(erf) = vpow2.f32 v28;
	v28 =	vadd.f32 v27, v38;
	v27 =	vadd.f32 v54, v40;
	v54 =	vld [tilespmem:s14+$0x180]  }
0x3a: {  	v59 =	vld [tilespmem:s13+$0x0];
	v42 =	vnsel vm11, $0x0, v42;
	v44 =	vnsel vm12, $0x0, v44;
	v56 =	vmul.f32 $1.442695020e+00, v47  }
0x3b: {  	v57 =	vnsel vm13, $0x0, v47;
	v33 =	vadd.f32 v33, v36;
	v30 =	vadd.f32 v41, v30  }
0x3c: {  	v35 =	vadd.f32 v42, v35;
	v31 =	vadd.f32 v44, v31;
	(erf) = vpow2.f32 v29  }
0x3d: {  	v48 =	vmul.f32 $1.442695020e+00, v63;
	v29 =	vadd.f32 v53, v39;
	(erf) = vpow2.f32 v55;
	v58 =	vpop (erf)  }
0x3e: {  	v61 =	vld [tilespmem:s14+$0x0];
	(erf) = vpow2.f32 v56;
	v49 =	vmul.f32 $1.442695020e+00, v54;
	v36 =	vadd.f32 v58, v32  }
0x3f: {  	v32 =	vadd.f32 v57, v25;
	v25 =	vadd.s32 $0x10, v37;
	v60 =	vpop (erf);
	v57 =	vmul.f32 $1.442695020e+00, v59  }
0x40: {  	v52 =	vld [tilespmem:s14+$0x100];
	vm7 =	veq.s32 v25, v12;
	vm8 =	veq.s32 v25, v13;
	v34 =	vadd.f32 v60, v34  }
0x41: {  	v56 =	vld [tilespmem:s14+$0x200];
	vm9 =	veq.s32 v25, v14;
	vm10 =	veq.s32 v25, v15;
	vm11 =	veq.s32 v25, v16  }
0x42: {  	v62 =	vpop (erf);
	vm12 =	veq.s32 v25, v17;
	vm13 =	veq.s32 v25, v18;
	vm14 =	veq.s32 v25, v19  }
0x43: {  	v60 =	vmul.f32 $1.442695020e+00, v61;
	v26 =	vadd.f32 v62, v26;
	v37 =	vnsel vm14, $0x0, v59  }
0x44: {  	v51 =	vpop (erf);
	v59 =	vld [tilespmem:s14+$0x280];
	v38 =	vnsel vm7, $0x0, v61;
	v40 =	vnsel vm8, $0x0, v63;
	(erf) = vpow2.f32 v57  }
0x45: {  	v61 =	vld [tilespmem:s14+$0x300];
	v62 =	vmul.f32 $1.442695020e+00, v52;
	v39 =	vnsel vm9, $0x0, v52;
	v41 =	vnsel vm10, $0x0, v54;
	v53 =	vpop (erf)  }
0x46: {  	v63 =	vmul.f32 $1.442695020e+00, v56;
	v42 =	vnsel vm11, $0x0, v56;
	(erf) = vpow2.f32 v60;
	v55 =	vpop (erf)  }
0x47: {  	v24 =	vadd.f32 v51, v24;
	v23 =	vadd.f32 v53, v23;
	(erf) = vpow2.f32 v48;
	v58 =	vpop (erf)  }
0x48: {  	v22 =	vadd.f32 v55, v22;
	(erf) = vpow2.f32 v62;
	v21 =	vadd.f32 v58, v21  }
0x49: {  	(erf) = vpow2.f32 v49;
	v47 =	vmul.f32 $1.442695020e+00, v59;
	v44 =	vnsel vm12, $0x0, v59  }
0x4a: {  	s13 =	simm.s32 $0x2;
	v45 =	vpop (erf);
	v46 =	vmul.f32 $1.442695020e+00, v61;
	v43 =	vnsel vm13, $0x0, v61;
	(erf) = vpow2.f32 v63  }
.LBB2_3:
0x4b: {  	s14 =	sand.u32 $0x7, s13;
	v28 =	vadd.f32 v37, v28;
	(erf) = vpow2.f32 v47;
	v20 =	vadd.f32 v45, v20  }
0x4c: {  	s8 =	sadd.s32 $0x10, s8;
	v29 =	vadd.f32 v38, v29;
	v27 =	vadd.f32 v40, v27;
	s9 =	sadd.s32 $0x80, s9;
	s14 =	sshll.u32 s14, $0x4;
	(erf) = vpow2.f32 v46  }
0x4d: {  	v33 =	vadd.f32 v39, v33;
	v30 =	vadd.f32 v41, v30;
	s18 =	sand.u32 $0x70, s8;
	s19 =	sand.u32 $0x7C00, s9;
	s14 =	sadd.s32 s14, s9  }
0x4e: {  	v35 =	vadd.f32 v42, v35;
	v31 =	vadd.f32 v44, v31;
	p0 =	slt.u32 s8, $0xFF0;
	s18 =	sor.u32 s18, s19;
	s14 =	sor.u32 $0x380, s14;
	v37 =	vpop (erf)  }
0x4f: {  	v32 =	vadd.f32 v43, v32;
	v25 =	vadd.s32 $0x10, v25;
	v38 =	vld [tilespmem:s14+$0x0];
	v36 =	vadd.f32 v37, v36;
	v37 =	vpop (erf)  }
0x50: {  	vm13 =	veq.s32 v25, v12;
	vm11 =	veq.s32 v25, v13;
	v39 =	vld [tilespmem:s18+$0x0];
	v34 =	vadd.f32 v37, v34;
	v37 =	vpop (erf)  }
0x51: {  	vm12 =	veq.s32 v25, v14;
	vm9 =	veq.s32 v25, v15;
	v40 =	vld [tilespmem:s18+$0x80];
	v26 =	vadd.f32 v37, v26;
	v37 =	vpop (erf)  }
0x52: {  	vm10 =	veq.s32 v25, v16;
	vm7 =	veq.s32 v25, v17;
	v41 =	vld [tilespmem:s18+$0x100];
	v24 =	vadd.f32 v37, v24;
	v37 =	vpop (erf)  }
0x53: {  	vm8 =	veq.s32 v25, v18;
	vm14 =	veq.s32 v25, v19;
	v42 =	vld [tilespmem:s18+$0x180];
	v23 =	vadd.f32 v37, v23;
	v43 =	vpop (erf)  }
0x54: {  	v44 =	vld [tilespmem:s18+$0x200];
	v46 =	vmul.f32 $1.442695020e+00, v38;
	v37 =	vnsel vm14, $0x0, v38;
	v22 =	vadd.f32 v43, v22;
	v43 =	vpop (erf)  }
0x55: {  	v48 =	vld [tilespmem:s18+$0x280];
	v47 =	vmul.f32 $1.442695020e+00, v39;
	v38 =	vnsel vm13, $0x0, v39;
	v21 =	vadd.f32 v43, v21;
	v45 =	vpop (erf)  }
0x56: {  	v43 =	vld [tilespmem:s18+$0x300];
	v49 =	vmul.f32 $1.442695020e+00, v40;
	v40 =	vnsel vm11, $0x0, v40;
	(erf) = vpow2.f32 v46  }
.Ltmp0:
0x57: {  	v46 =	vmul.f32 $1.442695020e+00, v41;
	v39 =	vnsel vm12, $0x0, v41;
	(erf) = vpow2.f32 v47;
	(pc) =	sbr.rel @p0 .LBB2_3-.Ltmp0, $4  }
0x58: {  	v50 =	vmul.f32 $1.442695020e+00, v42;
	v41 =	vnsel vm9, $0x0, v42;
	(erf) = vpow2.f32 v49  }
0x59: {  	v49 =	vmul.f32 $1.442695020e+00, v44;
	v42 =	vnsel vm10, $0x0, v44;
	(erf) = vpow2.f32 v46  }
0x5a: {  	v47 =	vmul.f32 $1.442695020e+00, v48;
	v44 =	vnsel vm7, $0x0, v48;
	(erf) = vpow2.f32 v50  }
0x5b: {  	s13 =	sadd.s32 $0x1, s13;
	v46 =	vmul.f32 $1.442695020e+00, v43;
	v43 =	vnsel vm8, $0x0, v43;
	(erf) = vpow2.f32 v49  }
0x5c: {  	(erf) = vpow2.f32 v47  }
0x5d: {  	(erf) = vpow2.f32 v46;
	_ =	sdelay $0x1  }
0x5e: {  	v59 =	vpop (erf)  }
0x5f: {  	s8 =	sshll.u32 s4, $0x1;
	v60 =	vpop (erf)  }
0x60: {  	s8 =	smin.u32 s8, $0x15;
	v48 =	vpop (erf)  }
0x61: {  	s8 =	sshll.u32 s8, $0xF;
	v49 =	vpop (erf)  }
0x62: {  	s8 =	sadd.s32 s8, s7;
	v50 =	vpop (erf)  }
0x63: {  	s9 =	simm.s32 $0x0;
	s8 =	sshrl.u32 s8, $0x3;
	v51 =	vpop (erf)  }
0x64: {  	s18 =	sand.u32 $0x7, s9;
	s8 =	sadd.s32 s3, s8;
	v52 =	vpop (erf)  }
0x65: {  	[tilespmem:s9], [sflag:$0x1] =	stream.linear.gather [hbm4b:s8+s9], $0x8000, $0x38;
	v61 =	vpop (erf);
	[tilespmem:$0x13900] =	vst v63  }
0x66: {  	v28 =	vadd.f32 v37, v28;
	s13 =	simm.s32 $0x0;
	s8 =	sshll.u32 s18, $0x4;
	_ =	swait.ge [sflag:s31], $0x8000  }
0x67: {  	v20 =	vadd.f32 v45, v20;
	v29 =	vadd.f32 v38, v29;
	s13 =	sand.u32 $0x70, s13;
	s8 =	sadd.s32 $0x0, s8;
	[sflag:s31] =	ssyncset.done $0x0  }
0x68: {  	v27 =	vadd.f32 v40, v27;
	v33 =	vadd.f32 v39, v33;
	s9 =	sand.u32 $0x7C00, s9;
	s8 =	sor.u32 $0x380, s8;
	[sflag:s31] =	ssyncadd.s32 $0xFFFF8000  }
0x69: {  	v30 =	vadd.f32 v41, v30;
	v35 =	vadd.f32 v42, v35;
	s9 =	sor.u32 s13, s9;
	v62 =	vld [tilespmem:s8+$0x8000]  }
0x6a: {  	v31 =	vadd.f32 v44, v31;
	v40 =	vadd.f32 v49, v24;
	v24 =	vld [tilespmem:s9+$0x8000]  }
0x6b: {  	v38 =	vadd.f32 v43, v32;
	v63 =	vadd.s32 $0x10, v25;
	v43 =	vadd.f32 v51, v22;
	v22 =	vld [tilespmem:s9+$0x8080]  }
0x6c: {  	vm7 =	veq.s32 v63, v12;
	vm8 =	veq.s32 v63, v13;
	v44 =	vadd.f32 v52, v21;
	v21 =	vld [tilespmem:s9+$0x8100]  }
0x6d: {  	vm9 =	veq.s32 v63, v14;
	vm10 =	veq.s32 v63, v15;
	v42 =	vadd.f32 v50, v23;
	v23 =	vld [tilespmem:s9+$0x8180]  }
0x6e: {  	vm11 =	veq.s32 v63, v16;
	vm12 =	veq.s32 v63, v17;
	vm13 =	veq.s32 v63, v18;
	v25 =	vld [tilespmem:s9+$0x8200]  }
0x6f: {  	vm14 =	veq.s32 v63, v19;
	v36 =	vadd.f32 v59, v36;
	v34 =	vadd.f32 v60, v34;
	v52 =	vld [tilespmem:s9+$0x8280]  }
0x70: {  	s19 =	simm.s32 $0x1;
	v39 =	vadd.f32 v48, v26;
	v26 =	vmul.f32 $1.442695020e+00, v62;
	v53 =	vmul.f32 $1.442695020e+00, v24  }
0x71: {  	v20 =	vadd.f32 v61, v20;
	s8 =	sand.u32 $0x7, s19;
	v54 =	vmul.f32 $1.442695020e+00, v22;
	v55 =	vmul.f32 $1.442695020e+00, v21  }
0x72: {  	v56 =	vld [tilespmem:s9+$0x8300];
	s23 =	sshll.u32 s8, $0x4;
	v24 =	vnsel vm7, $0x0, v24;
	v57 =	vmul.f32 $1.442695020e+00, v23;
	(erf) = vpow2.f32 v26  }
0x73: {  	s9 =	simm.s32 $0x80;
	s8 =	simm.s32 $0x10;
	s13 =	sadd.s32 $0x80, s23;
	v58 =	vnsel vm8, $0x0, v22;
	v22 =	vmul.f32 $1.442695020e+00, v25;
	(erf) = vpow2.f32 v53  }
0x74: {  	s18 =	sand.u32 $0x7C00, s9;
	s14 =	sand.u32 $0x70, s8;
	s13 =	sor.u32 $0x380, s13;
	v21 =	vnsel vm9, $0x0, v21;
	v59 =	vmul.f32 $1.442695020e+00, v52;
	v60 =	vnsel vm10, $0x0, v23  }
0x75: {  	s14 =	sor.u32 s14, s18;
	v61 =	vnsel vm11, $0x0, v25;
	v37 =	vnsel vm12, $0x0, v52;
	v25 =	vadd.f32 v60, v30;
	v30 =	vld [tilespmem:s13+$0x8000]  }
0x76: {  	v24 =	vadd.f32 v24, v29;
	v26 =	vnsel vm14, $0x0, v62;
	v62 =	vld [tilespmem:s14+$0x8000];
	(erf) = vpow2.f32 v54  }
0x77: {  	v52 =	vld [tilespmem:s14+$0x8100];
	v23 =	vadd.f32 v58, v27;
	v29 =	vnsel vm13, $0x0, v56;
	(erf) = vpow2.f32 v55  }
0x78: {  	v27 =	vadd.f32 v37, v31;
	v29 =	vadd.f32 v29, v38;
	(erf) = vpow2.f32 v57  }
0x79: {  	(erf) = vpow2.f32 v22;
	v22 =	vadd.f32 v26, v28;
	v28 =	vmul.f32 $1.442695020e+00, v56  }
0x7a: {  	v55 =	vmul.f32 $1.442695020e+00, v30;
	v26 =	vadd.f32 v21, v33;
	(erf) = vpow2.f32 v59  }
0x7b: {  	v58 =	vmul.f32 $1.442695020e+00, v62;
	v59 =	vld [tilespmem:s14+$0x8300];
	(erf) = vpow2.f32 v28;
	v28 =	vadd.f32 v61, v35;
	v21 =	vpop (erf)  }
0x7c: {  	v53 =	vld [tilespmem:s14+$0x8180];
	v61 =	vmul.f32 $1.442695020e+00, v52;
	v32 =	vadd.f32 v21, v36;
	v21 =	vadd.s32 $0x10, v63;
	v31 =	vpop (erf)  }
0x7d: {  	v63 =	vld [tilespmem:s14+$0x8080];
	vm7 =	veq.s32 v21, v12;
	vm8 =	veq.s32 v21, v13;
	v33 =	vadd.f32 v31, v34  }
0x7e: {  	v54 =	vld [tilespmem:s14+$0x8200];
	vm9 =	veq.s32 v21, v14;
	vm10 =	veq.s32 v21, v15;
	vm11 =	veq.s32 v21, v16  }
0x7f: {  	v31 =	vpop (erf);
	vm12 =	veq.s32 v21, v17;
	vm13 =	veq.s32 v21, v18;
	vm14 =	veq.s32 v21, v19  }
0x80: {  	v38 =	vmul.f32 $1.442695020e+00, v59;
	v37 =	vadd.f32 v31, v39;
	v31 =	vpop (erf);
	v30 =	vnsel vm14, $0x0, v30  }
0x81: {  	v57 =	vld [tilespmem:s14+$0x8280];
	v34 =	vnsel vm9, $0x0, v52;
	v45 =	vnsel vm10, $0x0, v53;
	v41 =	vadd.f32 v31, v40;
	v31 =	vpop (erf)  }
0x82: {  	(erf) = vpow2.f32 v55;
	v42 =	vadd.f32 v31, v42;
	v31 =	vpop (erf);
	v60 =	vmul.f32 $1.442695020e+00, v63  }
0x83: {  	v46 =	vnsel vm11, $0x0, v54;
	(erf) = vpow2.f32 v58;
	v43 =	vadd.f32 v31, v43  }
0x84: {  	v31 =	vnsel vm7, $0x0, v62;
	v62 =	vmul.f32 $1.442695020e+00, v53;
	(erf) = vpow2.f32 v60  }
0x85: {  	v35 =	vnsel vm8, $0x0, v63;
	v63 =	vmul.f32 $1.442695020e+00, v54;
	(erf) = vpow2.f32 v61  }
0x86: {  	v39 =	vmul.f32 $1.442695020e+00, v57;
	v47 =	vnsel vm12, $0x0, v57;
	v56 =	vpop (erf);
	(erf) = vpow2.f32 v62  }
0x87: {  	s13 =	simm.s32 $0x2;
	v48 =	vnsel vm13, $0x0, v59;
	v44 =	vadd.f32 v56, v44;
	v36 =	vpop (erf);
	(erf) = vpow2.f32 v63  }
.LBB2_5:
0x88: {  	s14 =	sand.u32 $0x7, s13;
	v22 =	vadd.f32 v30, v22;
	(erf) = vpow2.f32 v39;
	v20 =	vadd.f32 v36, v20  }
0x89: {  	s8 =	sadd.s32 $0x10, s8;
	v24 =	vadd.f32 v31, v24;
	v23 =	vadd.f32 v35, v23;
	s9 =	sadd.s32 $0x80, s9;
	s14 =	sshll.u32 s14, $0x4;
	(erf) = vpow2.f32 v38  }
0x8a: {  	v26 =	vadd.f32 v34, v26;
	v25 =	vadd.f32 v45, v25;
	s18 =	sand.u32 $0x70, s8;
	s19 =	sand.u32 $0x7C00, s9;
	s14 =	sadd.s32 s14, s9  }
0x8b: {  	v28 =	vadd.f32 v46, v28;
	v27 =	vadd.f32 v47, v27;
	p0 =	slt.u32 s8, $0xFF0;
	s18 =	sor.u32 s18, s19;
	s14 =	sor.u32 $0x380, s14;
	v30 =	vpop (erf)  }
0x8c: {  	v29 =	vadd.f32 v48, v29;
	v21 =	vadd.s32 $0x10, v21;
	v31 =	vld [tilespmem:s14+$0x8000];
	v32 =	vadd.f32 v30, v32;
	v30 =	vpop (erf)  }
0x8d: {  	vm13 =	veq.s32 v21, v12;
	vm11 =	veq.s32 v21, v13;
	v34 =	vld [tilespmem:s18+$0x8000];
	v33 =	vadd.f32 v30, v33;
	v30 =	vpop (erf)  }
0x8e: {  	vm12 =	veq.s32 v21, v14;
	vm9 =	veq.s32 v21, v15;
	v35 =	vld [tilespmem:s18+$0x8080];
	v37 =	vadd.f32 v30, v37;
	v30 =	vpop (erf)  }
0x8f: {  	vm10 =	veq.s32 v21, v16;
	vm7 =	veq.s32 v21, v17;
	v38 =	vld [tilespmem:s18+$0x8100];
	v41 =	vadd.f32 v30, v41;
	v30 =	vpop (erf)  }
0x90: {  	vm8 =	veq.s32 v21, v18;
	vm14 =	veq.s32 v21, v19;
	v39 =	vld [tilespmem:s18+$0x8180];
	v42 =	vadd.f32 v30, v42;
	v36 =	vpop (erf)  }
0x91: {  	v40 =	vld [tilespmem:s18+$0x8200];
	v45 =	vmul.f32 $1.442695020e+00, v31;
	v30 =	vnsel vm14, $0x0, v31;
	v43 =	vadd.f32 v36, v43;
	v36 =	vpop (erf)  }
0x92: {  	v47 =	vld [tilespmem:s18+$0x8280];
	v46 =	vmul.f32 $1.442695020e+00, v34;
	v31 =	vnsel vm13, $0x0, v34;
	v44 =	vadd.f32 v36, v44;
	v36 =	vpop (erf)  }
0x93: {  	v48 =	vld [tilespmem:s18+$0x8300];
	v49 =	vmul.f32 $1.442695020e+00, v35;
	v35 =	vnsel vm11, $0x0, v35;
	(erf) = vpow2.f32 v45  }
.Ltmp1:
0x94: {  	v50 =	vmul.f32 $1.442695020e+00, v38;
	v34 =	vnsel vm12, $0x0, v38;
	(erf) = vpow2.f32 v46;
	(pc) =	sbr.rel @p0 .LBB2_5-.Ltmp1, $4  }
0x95: {  	v38 =	vmul.f32 $1.442695020e+00, v39;
	v45 =	vnsel vm9, $0x0, v39;
	(erf) = vpow2.f32 v49  }
0x96: {  	v49 =	vmul.f32 $1.442695020e+00, v40;
	v46 =	vnsel vm10, $0x0, v40;
	(erf) = vpow2.f32 v50  }
0x97: {  	v39 =	vmul.f32 $1.442695020e+00, v47;
	v47 =	vnsel vm7, $0x0, v47;
	(erf) = vpow2.f32 v38  }
0x98: {  	s13 =	sadd.s32 $0x1, s13;
	v38 =	vmul.f32 $1.442695020e+00, v48;
	v48 =	vnsel vm8, $0x0, v48;
	(erf) = vpow2.f32 v49  }
0x99: {  	(erf) = vpow2.f32 v39  }
0x9a: {  	(erf) = vpow2.f32 v38;
	_ =	sdelay $0x1  }
0x9b: {  	v38 =	vadd.f32 v30, v22;
	v22 =	vpop (erf)  }
0x9c: {  	v39 =	vadd.f32 v31, v24;
	v24 =	vpop (erf)  }
0x9d: {  	v40 =	vadd.f32 v35, v23;
	v23 =	vpop (erf)  }
0x9e: {  	v20 =	vadd.f32 v36, v20;
	v35 =	vadd.f32 v46, v28;
	s4 =	sadd.s32 $0x1, s4;
	v28 =	vpop (erf)  }
0x9f: {  	v36 =	vadd.f32 v34, v26;
	p0 =	sne.s32 s4, $0xC;
	v32 =	vadd.f32 v22, v32;
	v22 =	vpop (erf)  }
.Ltmp2:
0xa0: {  	v31 =	vadd.f32 v47, v27;
	v34 =	vadd.f32 v24, v33;
	v27 =	vpop (erf);
	(pc) =	sbr.rel @p0 .LBB2_2-.Ltmp2, $4  }
0xa1: {  	v26 =	vadd.f32 v23, v37;
	v24 =	vadd.f32 v28, v41;
	v28 =	vpop (erf)  }
0xa2: {  	v23 =	vadd.f32 v22, v42;
	v22 =	vadd.f32 v27, v43;
	v27 =	vpop (erf)  }
0xa3: {  	v30 =	vadd.f32 v45, v25;
	v20 =	vadd.f32 v27, v20  }
0xa4: {  	v25 =	vadd.f32 v48, v29;
	v37 =	vadd.s32 $0x10, v21;
	v21 =	vadd.f32 v28, v44  }
0xa5: {  	_ =	swait.ge [sflag:s30], $0x8000  }
0xa6: {  	s4 =	simm.s32 $0x0;
	[sflag:s30] =	ssyncset.done $0x0  }
0xa7: {  	s8 =	rddreg [dreg:$0x4];
	s18 =	sand.u32 $0x7, s4;
	[sflag:s30] =	ssyncadd.s32 $0xFFFF8000  }
0xa8: {  	[tilespmem:s0], [sflag:$0x3] =	stream.linear.gather [hbm4b:s8+s4], $0x3800, $0x38;
	[tilespmem:$0x13900] =	vst v63  }
0xa9: {  	s9 =	simm.s32 $0x0;
	s8 =	sshll.u32 s18, $0x4;
	_ =	swait.ge [sflag:s28], $0x3800  }
0xaa: {  	s9 =	sand.u32 $0x70, s9;
	s8 =	sadd.s32 $0x0, s8;
	[sflag:s28] =	ssyncset.done $0x0  }
0xab: {  	s4 =	sand.u32 $0x3C00, s4;
	s8 =	sor.u32 $0x380, s8;
	[sflag:s28] =	ssyncadd.s32 $0xFFFFC800  }
0xac: {  	s4 =	sor.u32 s9, s4;
	v27 =	vld [tilespmem:s8+$0x10000]  }
0xad: {  	v28 =	vld [tilespmem:s4+$0x10000]  }
0xae: {  	v29 =	vld [tilespmem:s4+$0x10080]  }
0xaf: {  	v33 =	vld [tilespmem:s4+$0x10100]  }
0xb0: {  	v41 =	vld [tilespmem:s4+$0x10180]  }
0xb1: {  	vm7 =	veq.s32 v37, v12;
	vm8 =	veq.s32 v37, v13;
	vm9 =	veq.s32 v37, v14;
	v42 =	vld [tilespmem:s4+$0x10200]  }
0xb2: {  	vm10 =	veq.s32 v37, v15;
	vm11 =	veq.s32 v37, v16;
	vm12 =	veq.s32 v37, v17;
	v44 =	vld [tilespmem:s4+$0x10280]  }
0xb3: {  	vm13 =	veq.s32 v37, v18;
	vm14 =	veq.s32 v37, v19;
	v54 =	vld [tilespmem:s4+$0x10300];
	v43 =	vmul.f32 $1.442695020e+00, v27  }
0xb4: {  	v45 =	vmul.f32 $1.442695020e+00, v28;
	v46 =	vmul.f32 $1.442695020e+00, v29;
	v27 =	vnsel vm14, $0x0, v27  }
0xb5: {  	s19 =	simm.s32 $0x1;
	v53 =	vmul.f32 $1.442695020e+00, v33;
	v28 =	vnsel vm7, $0x0, v28;
	v47 =	vmul.f32 $1.442695020e+00, v41  }
0xb6: {  	s4 =	sand.u32 $0x7, s19;
	v29 =	vnsel vm8, $0x0, v29;
	v55 =	vmul.f32 $1.442695020e+00, v42;
	v56 =	vnsel vm9, $0x0, v33  }
0xb7: {  	s8 =	simm.s32 $0x80;
	s23 =	sshll.u32 s4, $0x4;
	s4 =	simm.s32 $0x10;
	v57 =	vmul.f32 $1.442695020e+00, v44;
	v41 =	vnsel vm10, $0x0, v41;
	v42 =	vnsel vm11, $0x0, v42  }
0xb8: {  	s14 =	sand.u32 $0x3C00, s8;
	s13 =	sand.u32 $0x70, s4;
	v44 =	vnsel vm12, $0x0, v44;
	v58 =	vnsel vm13, $0x0, v54;
	(erf) = vpow2.f32 v43  }
0xb9: {  	s13 =	sor.u32 s13, s14;
	v38 =	vadd.f32 v27, v38;
	v27 =	vmul.f32 $1.442695020e+00, v54;
	(erf) = vpow2.f32 v45  }
0xba: {  	v61 =	vld [tilespmem:s13+$0x10000];
	v39 =	vadd.f32 v28, v39;
	v33 =	vadd.f32 v29, v40;
	(erf) = vpow2.f32 v46  }
0xbb: {  	v63 =	vld [tilespmem:s13+$0x10080];
	v36 =	vadd.f32 v56, v36;
	v28 =	vadd.f32 v41, v30;
	(erf) = vpow2.f32 v53  }
0xbc: {  	s9 =	sadd.s32 $0x80, s23;
	v52 =	vld [tilespmem:s13+$0x10100];
	v30 =	vadd.f32 v42, v35;
	v29 =	vadd.f32 v44, v31;
	(erf) = vpow2.f32 v47  }
0xbd: {  	s9 =	sor.u32 $0x380, s9;
	v25 =	vadd.f32 v58, v25;
	v31 =	vadd.s32 $0x10, v37;
	v54 =	vld [tilespmem:s13+$0x10180];
	(erf) = vpow2.f32 v55  }
0xbe: {  	v59 =	vld [tilespmem:s9+$0x10000];
	vm7 =	veq.s32 v31, v12;
	vm8 =	veq.s32 v31, v13;
	(erf) = vpow2.f32 v57  }
0xbf: {  	vm9 =	veq.s32 v31, v14;
	vm10 =	veq.s32 v31, v15;
	vm11 =	veq.s32 v31, v16  }
0xc0: {  	v56 =	vld [tilespmem:s13+$0x10200];
	vm12 =	veq.s32 v31, v17;
	vm13 =	veq.s32 v31, v18;
	vm14 =	veq.s32 v31, v19  }
0xc1: {  	v37 =	vnsel vm7, $0x0, v61;
	v48 =	vmul.f32 $1.442695020e+00, v63;
	(erf) = vpow2.f32 v27;
	v27 =	vpop (erf)  }
0xc2: {  	v44 =	vnsel vm8, $0x0, v63;
	v41 =	vnsel vm9, $0x0, v52;
	v49 =	vmul.f32 $1.442695020e+00, v54;
	v60 =	vpop (erf)  }
0xc3: {  	v42 =	vnsel vm10, $0x0, v54;
	v57 =	vmul.f32 $1.442695020e+00, v59;
	v27 =	vadd.f32 v27, v32;
	v62 =	vpop (erf)  }
0xc4: {  	v32 =	vadd.f32 v60, v34;
	v34 =	vnsel vm14, $0x0, v59;
	v59 =	vld [tilespmem:s13+$0x10280];
	v60 =	vmul.f32 $1.442695020e+00, v61;
	v51 =	vpop (erf)  }
0xc5: {  	v63 =	vmul.f32 $1.442695020e+00, v56;
	v40 =	vnsel vm11, $0x0, v56;
	v61 =	vld [tilespmem:s13+$0x10300];
	(erf) = vpow2.f32 v57;
	v53 =	vpop (erf)  }
0xc6: {  	v26 =	vadd.f32 v62, v26;
	v62 =	vmul.f32 $1.442695020e+00, v52;
	(erf) = vpow2.f32 v60;
	v55 =	vpop (erf)  }
0xc7: {  	v24 =	vadd.f32 v51, v24;
	v23 =	vadd.f32 v53, v23;
	(erf) = vpow2.f32 v48;
	v58 =	vpop (erf)  }
0xc8: {  	v22 =	vadd.f32 v55, v22;
	(erf) = vpow2.f32 v62;
	v21 =	vadd.f32 v58, v21  }
0xc9: {  	v47 =	vmul.f32 $1.442695020e+00, v59;
	v43 =	vnsel vm12, $0x0, v59;
	(erf) = vpow2.f32 v49  }
0xca: {  	s9 =	simm.s32 $0x2;
	v45 =	vpop (erf);
	v46 =	vmul.f32 $1.442695020e+00, v61;
	v35 =	vnsel vm13, $0x0, v61;
	(erf) = vpow2.f32 v63  }
.LBB2_8:
0xcb: {  	s13 =	sand.u32 $0x7, s9;
	v38 =	vadd.f32 v34, v38;
	(erf) = vpow2.f32 v47;
	v20 =	vadd.f32 v45, v20  }
0xcc: {  	s4 =	sadd.s32 $0x10, s4;
	v39 =	vadd.f32 v37, v39;
	v33 =	vadd.f32 v44, v33;
	s8 =	sadd.s32 $0x80, s8;
	s13 =	sshll.u32 s13, $0x4;
	(erf) = vpow2.f32 v46  }
0xcd: {  	v36 =	vadd.f32 v41, v36;
	v28 =	vadd.f32 v42, v28;
	s14 =	sand.u32 $0x70, s4;
	s18 =	sand.u32 $0x3C00, s8;
	s13 =	sadd.s32 s13, s8  }
0xce: {  	v30 =	vadd.f32 v40, v30;
	v29 =	vadd.f32 v43, v29;
	p0 =	slt.u32 s4, $0x690;
	s14 =	sor.u32 s14, s18;
	s13 =	sor.u32 $0x380, s13;
	v34 =	vpop (erf)  }
0xcf: {  	v25 =	vadd.f32 v35, v25;
	v31 =	vadd.s32 $0x10, v31;
	v37 =	vld [tilespmem:s13+$0x10000];
	v27 =	vadd.f32 v34, v27;
	v34 =	vpop (erf)  }
0xd0: {  	vm13 =	veq.s32 v31, v12;
	vm11 =	veq.s32 v31, v13;
	v35 =	vld [tilespmem:s14+$0x10000];
	v32 =	vadd.f32 v34, v32;
	v34 =	vpop (erf)  }
0xd1: {  	vm12 =	veq.s32 v31, v14;
	vm9 =	veq.s32 v31, v15;
	v40 =	vld [tilespmem:s14+$0x10080];
	v26 =	vadd.f32 v34, v26;
	v34 =	vpop (erf)  }
0xd2: {  	vm10 =	veq.s32 v31, v16;
	vm7 =	veq.s32 v31, v17;
	v41 =	vld [tilespmem:s14+$0x10100];
	v24 =	vadd.f32 v34, v24;
	v34 =	vpop (erf)  }
0xd3: {  	vm8 =	veq.s32 v31, v18;
	vm14 =	veq.s32 v31, v19;
	v42 =	vld [tilespmem:s14+$0x10180];
	v23 =	vadd.f32 v34, v23;
	v43 =	vpop (erf)  }
0xd4: {  	v46 =	vld [tilespmem:s14+$0x10200];
	v47 =	vmul.f32 $1.442695020e+00, v37;
	v34 =	vnsel vm14, $0x0, v37;
	v22 =	vadd.f32 v43, v22;
	v43 =	vpop (erf)  }
0xd5: {  	v48 =	vld [tilespmem:s14+$0x10280];
	v49 =	vmul.f32 $1.442695020e+00, v35;
	v37 =	vnsel vm13, $0x0, v35;
	v21 =	vadd.f32 v43, v21;
	v45 =	vpop (erf)  }
0xd6: {  	v35 =	vld [tilespmem:s14+$0x10300];
	v43 =	vmul.f32 $1.442695020e+00, v40;
	v44 =	vnsel vm11, $0x0, v40;
	(erf) = vpow2.f32 v47  }
.Ltmp3:
0xd7: {  	v47 =	vmul.f32 $1.442695020e+00, v41;
	v41 =	vnsel vm12, $0x0, v41;
	(erf) = vpow2.f32 v49;
	(pc) =	sbr.rel @p0 .LBB2_8-.Ltmp3, $4  }
0xd8: {  	v49 =	vmul.f32 $1.442695020e+00, v42;
	v42 =	vnsel vm9, $0x0, v42;
	(erf) = vpow2.f32 v43  }
0xd9: {  	v50 =	vmul.f32 $1.442695020e+00, v46;
	v40 =	vnsel vm10, $0x0, v46;
	(erf) = vpow2.f32 v47  }
0xda: {  	v47 =	vmul.f32 $1.442695020e+00, v48;
	v43 =	vnsel vm7, $0x0, v48;
	(erf) = vpow2.f32 v49  }
0xdb: {  	s9 =	sadd.s32 $0x1, s9;
	v46 =	vmul.f32 $1.442695020e+00, v35;
	v35 =	vnsel vm8, $0x0, v35;
	(erf) = vpow2.f32 v50  }
0xdc: {  	_ =	sdelay $0x2  }
0xdd: {  	v13 =	vpop (erf)  }
0xde: {  	v14 =	vpop (erf)  }
0xdf: {  	v14 =	vadd.f32 v14, v32  }
0xe0: {  	v16 =	vadd.f32 v37, v39;
	v15 =	vpop (erf)  }
0xe1: {  	v17 =	vadd.f32 v44, v33;
	v15 =	vadd.f32 v15, v26;
	v18 =	vperm.xlane v14, v8  }
0xe2: {  	v19 =	vadd.f32 v45, v20;
	v20 =	vperm.xlane v16, v8  }
0xe3: {  	v26 =	vperm.xlane v15, v8;
	v14 =	vadd.f32 v18, v14;
	v18 =	vperm.xlane v17, v8  }
0xe4: {  	v16 =	vadd.f32 v20, v16  }
0xe5: {  	v15 =	vadd.f32 v26, v15;
	v26 =	vperm.xlane v14, v9;
	v17 =	vadd.f32 v18, v17  }
0xe6: {  	v12 =	vadd.f32 v34, v38;
	v20 =	vadd.f32 v42, v28;
	(erf) = vpow2.f32 v47  }
0xe7: {  	v28 =	vperm.xlane v16, v9;
	v14 =	vadd.f32 v26, v14;
	v26 =	vperm.xlane v17, v9  }
0xe8: {  	v31 =	vadd.f32 v41, v36;
	v18 =	vadd.f32 v40, v30;
	v30 =	vperm.xlane v15, v9  }
0xe9: {  	v13 =	vadd.f32 v13, v27;
	v16 =	vadd.f32 v28, v16  }
0xea: {  	v15 =	vadd.f32 v30, v15;
	v27 =	vperm.xlane v14, v10;
	v17 =	vadd.f32 v26, v17  }
0xeb: {  	v29 =	vadd.f32 v43, v29;
	(erf) = vpow2.f32 v46;
	v28 =	vperm.xlane v16, v10;
	v26 =	vpop (erf)  }
0xec: {  	v30 =	vperm.xlane v15, v10;
	v24 =	vadd.f32 v26, v24;
	v26 =	vperm.xlane v17, v10  }
0xed: {  	v25 =	vadd.f32 v35, v25;
	v14 =	vadd.f32 v27, v14  }
0xee: {  	v16 =	vadd.f32 v28, v16;
	v15 =	vadd.f32 v30, v15;
	v27 =	vpop (erf)  }
0xef: {  	v28 =	vperm.xlane v14, v11;
	v23 =	vadd.f32 v27, v23;
	v27 =	vpop (erf);
	v17 =	vadd.f32 v26, v17  }
0xf0: {  	v30 =	vperm.xlane v15, v11;
	v22 =	vadd.f32 v27, v22;
	v27 =	vperm.xlane v16, v11;
	v26 =	vpop (erf)  }
0xf1: {  	v14 =	vadd.f32 v28, v14;
	v21 =	vadd.f32 v26, v21;
	v26 =	vperm.xlane v17, v11  }
0xf2: {  	vm7 =	vmmov $0x1;
	v15 =	vadd.f32 v30, v15;
	v16 =	vadd.f32 v27, v16  }
0xf3: {  	v14 =	vnsel vm7, $0x0, v14;
	v27 =	vperm.xlane v22, v8;
	v17 =	vadd.f32 v26, v17  }
0xf4: {  	v14 =	vsel vm0, v14, v15;
	v15 =	vperm.xlane v24, v8;
	v16 =	vnsel vm7, $0x0, v16  }
0xf5: {  	v28 =	vpop (erf);
	v26 =	vperm.xlane v23, v8;
	v16 =	vsel vm0, v16, v17;
	v17 =	vperm.xlane v31, v8  }
0xf6: {  	v19 =	vadd.f32 v28, v19;
	v15 =	vadd.f32 v15, v24;
	v24 =	vperm.xlane v20, v8  }
0xf7: {  	v23 =	vadd.f32 v26, v23;
	v26 =	vperm.xlane v18, v8;
	v17 =	vadd.f32 v17, v31  }
0xf8: {  	v22 =	vadd.f32 v27, v22;
	v28 =	vperm.xlane v15, v9;
	v20 =	vadd.f32 v24, v20  }
0xf9: {  	v27 =	vperm.xlane v23, v9;
	v18 =	vadd.f32 v26, v18;
	v24 =	vperm.xlane v17, v9  }
0xfa: {  	v15 =	vadd.f32 v28, v15;
	v26 =	vperm.xlane v20, v9;
	v28 =	vperm.xlane v22, v9  }
0xfb: {  	v23 =	vadd.f32 v27, v23;
	v17 =	vadd.f32 v24, v17;
	v24 =	vperm.xlane v18, v9  }
0xfc: {  	v27 =	vperm.xlane v15, v10;
	v20 =	vadd.f32 v26, v20;
	v22 =	vadd.f32 v28, v22  }
0xfd: {  	v28 =	vperm.xlane v23, v10;
	v26 =	vperm.xlane v17, v10;
	v18 =	vadd.f32 v24, v18  }
0xfe: {  	v15 =	vadd.f32 v27, v15;
	v27 =	vperm.xlane v22, v10;
	v24 =	vperm.xlane v20, v10  }
0xff: {  	v23 =	vadd.f32 v28, v23;
	v17 =	vadd.f32 v26, v17;
	v26 =	vperm.xlane v18, v10  }
0x100: {  	v28 =	vperm.xlane v15, v11;
	v22 =	vadd.f32 v27, v22;
	v20 =	vadd.f32 v24, v20  }
0x101: {  	v27 =	vperm.xlane v23, v11;
	v24 =	vperm.xlane v17, v11;
	v18 =	vadd.f32 v26, v18  }
0x102: {  	v15 =	vadd.f32 v28, v15;
	v28 =	vperm.xlane v22, v11;
	v26 =	vperm.xlane v20, v11  }
0x103: {  	v23 =	vadd.f32 v27, v23;
	v17 =	vadd.f32 v24, v17;
	v24 =	vperm.xlane v18, v11  }
0x104: {  	v14 =	vsel vm1, v14, v15;
	v15 =	vadd.f32 v26, v20;
	v20 =	vadd.f32 v28, v22  }
0x105: {  	v14 =	vsel vm2, v14, v23;
	v16 =	vsel vm1, v16, v17;
	v17 =	vadd.f32 v24, v18  }
0x106: {  	v14 =	vsel vm3, v14, v20;
	v15 =	vsel vm2, v16, v15;
	v16 =	vperm.xlane v21, v8  }
0x107: {  	v18 =	vperm.xlane v19, v8;
	v15 =	vsel vm3, v15, v17;
	v17 =	vperm.xlane v29, v8  }
0x108: {  	v20 =	vperm.xlane v25, v8;
	v16 =	vadd.f32 v16, v21;
	v21 =	vperm.xlane v13, v8  }
0x109: {  	v18 =	vadd.f32 v18, v19;
	v19 =	vperm.xlane v12, v8;
	v17 =	vadd.f32 v17, v29  }
0x10a: {  	v20 =	vadd.f32 v20, v25;
	v22 =	vperm.xlane v16, v9;
	v13 =	vadd.f32 v21, v13  }
0x10b: {  	v23 =	vperm.xlane v18, v9;
	v12 =	vadd.f32 v19, v12;
	v21 =	vperm.xlane v17, v9  }
0x10c: {  	v19 =	vperm.xlane v20, v9;
	v16 =	vadd.f32 v22, v16;
	v22 =	vperm.xlane v13, v9  }
0x10d: {  	v18 =	vadd.f32 v23, v18;
	v17 =	vadd.f32 v21, v17;
	v21 =	vperm.xlane v12, v9  }
0x10e: {  	v19 =	vadd.f32 v19, v20;
	v23 =	vperm.xlane v16, v10;
	v13 =	vadd.f32 v22, v13  }
0x10f: {  	v22 =	vperm.xlane v18, v10;
	v20 =	vperm.xlane v17, v10;
	v12 =	vadd.f32 v21, v12  }
0x110: {  	v21 =	vperm.xlane v19, v10;
	v16 =	vadd.f32 v23, v16;
	v23 =	vperm.xlane v13, v10  }
0x111: {  	v18 =	vadd.f32 v22, v18;
	v17 =	vadd.f32 v20, v17;
	v20 =	vperm.xlane v12, v10  }
0x112: {  	v19 =	vadd.f32 v21, v19;
	v22 =	vperm.xlane v16, v11;
	v13 =	vadd.f32 v23, v13  }
0x113: {  	v23 =	vperm.xlane v18, v11;
	v21 =	vperm.xlane v17, v11;
	v12 =	vadd.f32 v20, v12  }
0x114: {  	v20 =	vperm.xlane v19, v11;
	v16 =	vadd.f32 v22, v16;
	v22 =	vperm.xlane v13, v11  }
0x115: {  	v18 =	vadd.f32 v23, v18;
	v17 =	vadd.f32 v21, v17;
	v21 =	vperm.xlane v12, v11  }
0x116: {  	v14 =	vsel vm4, v14, v16;
	v16 =	vadd.f32 v20, v19;
	v13 =	vadd.f32 v22, v13  }
0x117: {  	v15 =	vsel vm4, v15, v17;
	v14 =	vsel vm5, v14, v18;
	v12 =	vadd.f32 v21, v12  }
0x118: {  	v15 =	vsel vm5, v15, v16;
	v13 =	vsel vm6, v14, v13  }
0x119: {  	v12 =	vsel vm6, v15, v12;
	[tilespmem:$0x13880] =	vst v13  }
0x11a: {  	s4 =	simm.s32 $0x0;
	s8 =	rddreg [dreg:$0x5];
	[tilespmem:$0x138C0] =	vst v12  }
0x11b: {  	[tilespmem:s26], [sflag:$0x3] =	stream.linear.gather [hbm4b:s8+s4], $0x8, $0x38;
	[tilespmem:$0x13900] =	vst v63  }
0x11c: {  	_ =	swait.ge [sflag:s28], $0x8  }
0x11d: {  	[sflag:s28] =	ssyncset.done $0x0  }
0x11e: {  	[sflag:s28] =	ssyncadd.s32 $0xFFFFFFF8  }
0x11f: {  	v37 =	vlaneseq.u32;
	v19 =	vld [tilespmem:$0x13800]  }
0x120: {  	v38 =	vimm.f32 $0.0e+00;
	v34 =	vimm.f32 $0.0e+00;
	v35 =	vimm.f32 $0.0e+00  }
0x121: {  	v39 =	vimm.f32 $0.0e+00;
	v36 =	vimm.f32 $0.0e+00;
	v32 =	vimm.f32 $0.0e+00  }
0x122: {  	v40 =	vimm.f32 $0.0e+00;
	v30 =	vimm.f32 $0.0e+00;
	v31 =	vimm.f32 $0.0e+00  }
0x123: {  	v26 =	vimm.f32 $0.0e+00;
	v24 =	vimm.f32 $0.0e+00;
	v25 =	vimm.f32 $0.0e+00  }
0x124: {  	v23 =	vimm.f32 $0.0e+00;
	v12 =	vperm.xlane v19, v0;
	v13 =	vperm.xlane v19, v1  }
0x125: {  	v20 =	vimm.f32 $0.0e+00;
	v14 =	vperm.xlane v19, v2;
	v15 =	vperm.xlane v19, v3  }
0x126: {  	v22 =	vimm.f32 $0.0e+00;
	s8 =	simm.s32 $0x0;
	v16 =	vperm.xlane v19, v4;
	v17 =	vperm.xlane v19, v5  }
0x127: {  	v21 =	vimm.f32 $0.0e+00;
	[tilespmem:s4], [sflag:$0x1] =	stream.linear.gather [hbm4b:s10+s4], $0x8000, $0x38;
	v18 =	vperm.xlane v19, v6;
	v19 =	vperm.xlane v19, v7;
	[tilespmem:$0x13900] =	vst v63  }
.LBB2_10:
0x128: {  	s9 =	sshll.u32 s8, $0x10  }
0x129: {  	s9 =	sadd.s32 s9, s11  }
0x12a: {  	s9 =	sshrl.u32 s9, $0x3  }
0x12b: {  	s18 =	sand.u32 $0x7, s4;
	s9 =	sadd.s32 s3, s9  }
0x12c: {  	[tilespmem:s29], [sflag:$0x2] =	stream.linear.gather [hbm4b:s9+s4], $0x8000, $0x38;
	[tilespmem:$0x13900] =	vst v63  }
0x12d: {  	s13 =	simm.s32 $0x0;
	s9 =	sshll.u32 s18, $0x4;
	_ =	swait.ge [sflag:s30], $0x8000  }
0x12e: {  	s14 =	sand.u32 $0x7C00, s4;
	s9 =	sadd.s32 $0x0, s9;
	[sflag:s30] =	ssyncset.done $0x0  }
0x12f: {  	s13 =	sand.u32 $0x70, s13;
	s9 =	sor.u32 $0x380, s9;
	[sflag:s30] =	ssyncadd.s32 $0xFFFF8000  }
0x130: {  	s13 =	sor.u32 s13, s14;
	v27 =	vld [tilespmem:s9+$0x0]  }
0x131: {  	v28 =	vld [tilespmem:s13+$0x0]  }
0x132: {  	v29 =	vld [tilespmem:s13+$0x80]  }
0x133: {  	v33 =	vld [tilespmem:s13+$0x100]  }
0x134: {  	vm8 =	veq.s32 v37, v12;
	vm9 =	veq.s32 v37, v13;
	vm10 =	veq.s32 v37, v14;
	v41 =	vld [tilespmem:s13+$0x180]  }
0x135: {  	vm11 =	veq.s32 v37, v15;
	vm12 =	veq.s32 v37, v16;
	v42 =	vld [tilespmem:s13+$0x200];
	v43 =	vmul.f32 $1.442695020e+00, v27  }
0x136: {  	vm13 =	veq.s32 v37, v17;
	s19 =	simm.s32 $0x1;
	vm14 =	veq.s32 v37, v18;
	v44 =	vld [tilespmem:s13+$0x280];
	v45 =	vmul.f32 $1.442695020e+00, v28  }
0x137: {  	vm15 =	veq.s32 v37, v19;
	s9 =	sand.u32 $0x7, s19;
	v46 =	vmul.f32 $1.442695020e+00, v29;
	(erf) = vpow2.f32 v43  }
0x138: {  	v47 =	vld [tilespmem:s13+$0x300];
	s13 =	simm.s32 $0x80;
	s23 =	sshll.u32 s9, $0x4;
	s9 =	simm.s32 $0x10;
	v27 =	vnsel vm15, $0x0, v27;
	v52 =	vmul.f32 $1.442695020e+00, v33;
	v53 =	vnsel vm8, $0x0, v28  }
0x139: {  	s19 =	sand.u32 $0x7C00, s13;
	s18 =	sand.u32 $0x70, s9;
	v28 =	vmul.f32 $1.442695020e+00, v41;
	v54 =	vnsel vm9, $0x0, v29;
	(erf) = vpow2.f32 v45  }
0x13a: {  	s18 =	sor.u32 s18, s19;
	v29 =	vmul.f32 $1.442695020e+00, v42;
	v33 =	vnsel vm10, $0x0, v33;
	(erf) = vpow2.f32 v46  }
0x13b: {  	s14 =	sadd.s32 $0x80, s23;
	v63 =	vld [tilespmem:s18+$0x80];
	v55 =	vmul.f32 $1.442695020e+00, v44;
	v41 =	vnsel vm11, $0x0, v41;
	(erf) = vpow2.f32 v52  }
0x13c: {  	s14 =	sor.u32 $0x380, s14;
	(erf) = vpow2.f32 v28;
	v28 =	vadd.f32 v27, v38;
	v27 =	vadd.f32 v54, v40;
	v54 =	vld [tilespmem:s18+$0x180]  }
0x13d: {  	v59 =	vld [tilespmem:s14+$0x0];
	v42 =	vnsel vm12, $0x0, v42;
	v44 =	vnsel vm13, $0x0, v44;
	v56 =	vmul.f32 $1.442695020e+00, v47  }
0x13e: {  	v57 =	vnsel vm14, $0x0, v47;
	v33 =	vadd.f32 v33, v35;
	v30 =	vadd.f32 v41, v30  }
0x13f: {  	v34 =	vadd.f32 v42, v34;
	v31 =	vadd.f32 v44, v31;
	(erf) = vpow2.f32 v29  }
0x140: {  	v48 =	vmul.f32 $1.442695020e+00, v63;
	v29 =	vadd.f32 v53, v39;
	(erf) = vpow2.f32 v55;
	v58 =	vpop (erf)  }
0x141: {  	v61 =	vld [tilespmem:s18+$0x0];
	(erf) = vpow2.f32 v56;
	v49 =	vmul.f32 $1.442695020e+00, v54;
	v35 =	vadd.f32 v58, v32  }
0x142: {  	v32 =	vadd.f32 v57, v25;
	v25 =	vadd.s32 $0x10, v37;
	v60 =	vpop (erf);
	v57 =	vmul.f32 $1.442695020e+00, v59  }
0x143: {  	v52 =	vld [tilespmem:s18+$0x100];
	vm8 =	veq.s32 v25, v12;
	vm9 =	veq.s32 v25, v13;
	v36 =	vadd.f32 v60, v36  }
0x144: {  	v56 =	vld [tilespmem:s18+$0x200];
	vm10 =	veq.s32 v25, v14;
	vm11 =	veq.s32 v25, v15;
	vm12 =	veq.s32 v25, v16  }
0x145: {  	v62 =	vpop (erf);
	vm13 =	veq.s32 v25, v17;
	vm14 =	veq.s32 v25, v18;
	vm15 =	veq.s32 v25, v19  }
0x146: {  	v60 =	vmul.f32 $1.442695020e+00, v61;
	v26 =	vadd.f32 v62, v26;
	v37 =	vnsel vm15, $0x0, v59  }
0x147: {  	v51 =	vpop (erf);
	v59 =	vld [tilespmem:s18+$0x280];
	v38 =	vnsel vm8, $0x0, v61;
	v40 =	vnsel vm9, $0x0, v63;
	(erf) = vpow2.f32 v57  }
0x148: {  	v61 =	vld [tilespmem:s18+$0x300];
	v62 =	vmul.f32 $1.442695020e+00, v52;
	v39 =	vnsel vm10, $0x0, v52;
	v41 =	vnsel vm11, $0x0, v54;
	v53 =	vpop (erf)  }
0x149: {  	v63 =	vmul.f32 $1.442695020e+00, v56;
	v42 =	vnsel vm12, $0x0, v56;
	(erf) = vpow2.f32 v60;
	v55 =	vpop (erf)  }
0x14a: {  	v24 =	vadd.f32 v51, v24;
	v23 =	vadd.f32 v53, v23;
	(erf) = vpow2.f32 v48;
	v58 =	vpop (erf)  }
0x14b: {  	v22 =	vadd.f32 v55, v22;
	(erf) = vpow2.f32 v62;
	v21 =	vadd.f32 v58, v21  }
0x14c: {  	(erf) = vpow2.f32 v49;
	v47 =	vmul.f32 $1.442695020e+00, v59;
	v44 =	vnsel vm13, $0x0, v59  }
0x14d: {  	s14 =	simm.s32 $0x2;
	v45 =	vpop (erf);
	v46 =	vmul.f32 $1.442695020e+00, v61;
	v43 =	vnsel vm14, $0x0, v61;
	(erf) = vpow2.f32 v63  }
.LBB2_11:
0x14e: {  	s18 =	sand.u32 $0x7, s14;
	v28 =	vadd.f32 v37, v28;
	(erf) = vpow2.f32 v47;
	v20 =	vadd.f32 v45, v20  }
0x14f: {  	s9 =	sadd.s32 $0x10, s9;
	v29 =	vadd.f32 v38, v29;
	v27 =	vadd.f32 v40, v27;
	s13 =	sadd.s32 $0x80, s13;
	s18 =	sshll.u32 s18, $0x4;
	(erf) = vpow2.f32 v46  }
0x150: {  	v33 =	vadd.f32 v39, v33;
	v30 =	vadd.f32 v41, v30;
	s19 =	sand.u32 $0x70, s9;
	s23 =	sand.u32 $0x7C00, s13;
	s18 =	sadd.s32 s18, s13  }
0x151: {  	v34 =	vadd.f32 v42, v34;
	v31 =	vadd.f32 v44, v31;
	p0 =	slt.u32 s9, $0xFF0;
	s19 =	sor.u32 s19, s23;
	s18 =	sor.u32 $0x380, s18;
	v37 =	vpop (erf)  }
0x152: {  	v32 =	vadd.f32 v43, v32;
	v25 =	vadd.s32 $0x10, v25;
	v38 =	vld [tilespmem:s18+$0x0];
	v35 =	vadd.f32 v37, v35;
	v37 =	vpop (erf)  }
0x153: {  	vm14 =	veq.s32 v25, v12;
	vm12 =	veq.s32 v25, v13;
	v39 =	vld [tilespmem:s19+$0x0];
	v36 =	vadd.f32 v37, v36;
	v37 =	vpop (erf)  }
0x154: {  	vm13 =	veq.s32 v25, v14;
	vm10 =	veq.s32 v25, v15;
	v40 =	vld [tilespmem:s19+$0x80];
	v26 =	vadd.f32 v37, v26;
	v37 =	vpop (erf)  }
0x155: {  	vm11 =	veq.s32 v25, v16;
	vm8 =	veq.s32 v25, v17;
	v41 =	vld [tilespmem:s19+$0x100];
	v24 =	vadd.f32 v37, v24;
	v37 =	vpop (erf)  }
0x156: {  	vm9 =	veq.s32 v25, v18;
	vm15 =	veq.s32 v25, v19;
	v42 =	vld [tilespmem:s19+$0x180];
	v23 =	vadd.f32 v37, v23;
	v43 =	vpop (erf)  }
0x157: {  	v44 =	vld [tilespmem:s19+$0x200];
	v46 =	vmul.f32 $1.442695020e+00, v38;
	v37 =	vnsel vm15, $0x0, v38;
	v22 =	vadd.f32 v43, v22;
	v43 =	vpop (erf)  }
0x158: {  	v48 =	vld [tilespmem:s19+$0x280];
	v47 =	vmul.f32 $1.442695020e+00, v39;
	v38 =	vnsel vm14, $0x0, v39;
	v21 =	vadd.f32 v43, v21;
	v45 =	vpop (erf)  }
0x159: {  	v43 =	vld [tilespmem:s19+$0x300];
	v49 =	vmul.f32 $1.442695020e+00, v40;
	v40 =	vnsel vm12, $0x0, v40;
	(erf) = vpow2.f32 v46  }
.Ltmp4:
0x15a: {  	v46 =	vmul.f32 $1.442695020e+00, v41;
	v39 =	vnsel vm13, $0x0, v41;
	(erf) = vpow2.f32 v47;
	(pc) =	sbr.rel @p0 .LBB2_11-.Ltmp4, $4  }
0x15b: {  	v50 =	vmul.f32 $1.442695020e+00, v42;
	v41 =	vnsel vm10, $0x0, v42;
	(erf) = vpow2.f32 v49  }
0x15c: {  	v49 =	vmul.f32 $1.442695020e+00, v44;
	v42 =	vnsel vm11, $0x0, v44;
	(erf) = vpow2.f32 v46  }
0x15d: {  	v47 =	vmul.f32 $1.442695020e+00, v48;
	v44 =	vnsel vm8, $0x0, v48;
	(erf) = vpow2.f32 v50  }
0x15e: {  	s14 =	sadd.s32 $0x1, s14;
	v46 =	vmul.f32 $1.442695020e+00, v43;
	v43 =	vnsel vm9, $0x0, v43;
	(erf) = vpow2.f32 v49  }
0x15f: {  	(erf) = vpow2.f32 v47  }
0x160: {  	(erf) = vpow2.f32 v46;
	_ =	sdelay $0x1  }
0x161: {  	v59 =	vpop (erf)  }
0x162: {  	s9 =	sshll.u32 s8, $0x1;
	v60 =	vpop (erf)  }
0x163: {  	s9 =	smin.u32 s9, $0x15;
	v48 =	vpop (erf)  }
0x164: {  	s9 =	sshll.u32 s9, $0xF;
	v49 =	vpop (erf)  }
0x165: {  	s9 =	sadd.s32 s9, s12;
	v50 =	vpop (erf)  }
0x166: {  	s13 =	simm.s32 $0x0;
	s9 =	sshrl.u32 s9, $0x3;
	v51 =	vpop (erf)  }
0x167: {  	s18 =	sand.u32 $0x7, s13;
	s9 =	sadd.s32 s3, s9;
	v52 =	vpop (erf)  }
0x168: {  	[tilespmem:s13], [sflag:$0x1] =	stream.linear.gather [hbm4b:s9+s13], $0x8000, $0x38;
	v61 =	vpop (erf);
	[tilespmem:$0x13900] =	vst v63  }
0x169: {  	v28 =	vadd.f32 v37, v28;
	s14 =	simm.s32 $0x0;
	s9 =	sshll.u32 s18, $0x4;
	_ =	swait.ge [sflag:s31], $0x8000  }
0x16a: {  	v20 =	vadd.f32 v45, v20;
	v29 =	vadd.f32 v38, v29;
	s14 =	sand.u32 $0x70, s14;
	s9 =	sadd.s32 $0x0, s9;
	[sflag:s31] =	ssyncset.done $0x0  }
0x16b: {  	v27 =	vadd.f32 v40, v27;
	v33 =	vadd.f32 v39, v33;
	s13 =	sand.u32 $0x7C00, s13;
	s9 =	sor.u32 $0x380, s9;
	[sflag:s31] =	ssyncadd.s32 $0xFFFF8000  }
0x16c: {  	v30 =	vadd.f32 v41, v30;
	v34 =	vadd.f32 v42, v34;
	s13 =	sor.u32 s14, s13;
	v62 =	vld [tilespmem:s9+$0x8000]  }
0x16d: {  	v31 =	vadd.f32 v44, v31;
	v40 =	vadd.f32 v49, v24;
	v24 =	vld [tilespmem:s13+$0x8000]  }
0x16e: {  	v38 =	vadd.f32 v43, v32;
	v63 =	vadd.s32 $0x10, v25;
	v43 =	vadd.f32 v51, v22;
	v22 =	vld [tilespmem:s13+$0x8080]  }
0x16f: {  	vm8 =	veq.s32 v63, v12;
	vm9 =	veq.s32 v63, v13;
	v44 =	vadd.f32 v52, v21;
	v21 =	vld [tilespmem:s13+$0x8100]  }
0x170: {  	vm10 =	veq.s32 v63, v14;
	vm11 =	veq.s32 v63, v15;
	v42 =	vadd.f32 v50, v23;
	v23 =	vld [tilespmem:s13+$0x8180]  }
0x171: {  	vm12 =	veq.s32 v63, v16;
	vm13 =	veq.s32 v63, v17;
	vm14 =	veq.s32 v63, v18;
	v25 =	vld [tilespmem:s13+$0x8200]  }
0x172: {  	vm15 =	veq.s32 v63, v19;
	v35 =	vadd.f32 v59, v35;
	v36 =	vadd.f32 v60, v36;
	v52 =	vld [tilespmem:s13+$0x8280]  }
0x173: {  	s19 =	simm.s32 $0x1;
	v39 =	vadd.f32 v48, v26;
	v26 =	vmul.f32 $1.442695020e+00, v62;
	v53 =	vmul.f32 $1.442695020e+00, v24  }
0x174: {  	v20 =	vadd.f32 v61, v20;
	s9 =	sand.u32 $0x7, s19;
	v54 =	vmul.f32 $1.442695020e+00, v22;
	v55 =	vmul.f32 $1.442695020e+00, v21  }
0x175: {  	v56 =	vld [tilespmem:s13+$0x8300];
	s23 =	sshll.u32 s9, $0x4;
	v24 =	vnsel vm8, $0x0, v24;
	v57 =	vmul.f32 $1.442695020e+00, v23;
	(erf) = vpow2.f32 v26  }
0x176: {  	s13 =	simm.s32 $0x80;
	s9 =	simm.s32 $0x10;
	s14 =	sadd.s32 $0x80, s23;
	v58 =	vnsel vm9, $0x0, v22;
	v22 =	vmul.f32 $1.442695020e+00, v25;
	(erf) = vpow2.f32 v53  }
0x177: {  	s19 =	sand.u32 $0x7C00, s13;
	s18 =	sand.u32 $0x70, s9;
	s14 =	sor.u32 $0x380, s14;
	v21 =	vnsel vm10, $0x0, v21;
	v59 =	vmul.f32 $1.442695020e+00, v52;
	v60 =	vnsel vm11, $0x0, v23  }
0x178: {  	s18 =	sor.u32 s18, s19;
	v61 =	vnsel vm12, $0x0, v25;
	v37 =	vnsel vm13, $0x0, v52;
	v25 =	vadd.f32 v60, v30;
	v30 =	vld [tilespmem:s14+$0x8000]  }
0x179: {  	v24 =	vadd.f32 v24, v29;
	v26 =	vnsel vm15, $0x0, v62;
	v62 =	vld [tilespmem:s18+$0x8000];
	(erf) = vpow2.f32 v54  }
0x17a: {  	v52 =	vld [tilespmem:s18+$0x8100];
	v23 =	vadd.f32 v58, v27;
	v29 =	vnsel vm14, $0x0, v56;
	(erf) = vpow2.f32 v55  }
0x17b: {  	v27 =	vadd.f32 v37, v31;
	v29 =	vadd.f32 v29, v38;
	(erf) = vpow2.f32 v57  }
0x17c: {  	(erf) = vpow2.f32 v22;
	v22 =	vadd.f32 v26, v28;
	v28 =	vmul.f32 $1.442695020e+00, v56  }
0x17d: {  	v55 =	vmul.f32 $1.442695020e+00, v30;
	v26 =	vadd.f32 v21, v33;
	(erf) = vpow2.f32 v59  }
0x17e: {  	v58 =	vmul.f32 $1.442695020e+00, v62;
	v59 =	vld [tilespmem:s18+$0x8300];
	(erf) = vpow2.f32 v28;
	v28 =	vadd.f32 v61, v34;
	v21 =	vpop (erf)  }
0x17f: {  	v53 =	vld [tilespmem:s18+$0x8180];
	v61 =	vmul.f32 $1.442695020e+00, v52;
	v32 =	vadd.f32 v21, v35;
	v21 =	vadd.s32 $0x10, v63;
	v31 =	vpop (erf)  }
0x180: {  	v63 =	vld [tilespmem:s18+$0x8080];
	vm8 =	veq.s32 v21, v12;
	vm9 =	veq.s32 v21, v13;
	v33 =	vadd.f32 v31, v36  }
0x181: {  	v54 =	vld [tilespmem:s18+$0x8200];
	vm10 =	veq.s32 v21, v14;
	vm11 =	veq.s32 v21, v15;
	vm12 =	veq.s32 v21, v16  }
0x182: {  	v31 =	vpop (erf);
	vm13 =	veq.s32 v21, v17;
	vm14 =	veq.s32 v21, v18;
	vm15 =	veq.s32 v21, v19  }
0x183: {  	v38 =	vmul.f32 $1.442695020e+00, v59;
	v37 =	vadd.f32 v31, v39;
	v31 =	vpop (erf);
	v30 =	vnsel vm15, $0x0, v30  }
0x184: {  	v57 =	vld [tilespmem:s18+$0x8280];
	v34 =	vnsel vm10, $0x0, v52;
	v36 =	vnsel vm11, $0x0, v53;
	v41 =	vadd.f32 v31, v40;
	v31 =	vpop (erf)  }
0x185: {  	(erf) = vpow2.f32 v55;
	v42 =	vadd.f32 v31, v42;
	v31 =	vpop (erf);
	v60 =	vmul.f32 $1.442695020e+00, v63  }
0x186: {  	v45 =	vnsel vm12, $0x0, v54;
	(erf) = vpow2.f32 v58;
	v43 =	vadd.f32 v31, v43  }
0x187: {  	v31 =	vnsel vm8, $0x0, v62;
	v62 =	vmul.f32 $1.442695020e+00, v53;
	(erf) = vpow2.f32 v60  }
0x188: {  	v35 =	vnsel vm9, $0x0, v63;
	v63 =	vmul.f32 $1.442695020e+00, v54;
	(erf) = vpow2.f32 v61  }
0x189: {  	v46 =	vnsel vm13, $0x0, v57;
	v40 =	vmul.f32 $1.442695020e+00, v57;
	v56 =	vpop (erf);
	(erf) = vpow2.f32 v62  }
0x18a: {  	s14 =	simm.s32 $0x2;
	v47 =	vnsel vm14, $0x0, v59;
	v44 =	vadd.f32 v56, v44;
	v39 =	vpop (erf);
	(erf) = vpow2.f32 v63  }
.LBB2_13:
0x18b: {  	s18 =	sand.u32 $0x7, s14;
	v22 =	vadd.f32 v30, v22;
	(erf) = vpow2.f32 v40;
	v20 =	vadd.f32 v39, v20  }
0x18c: {  	s9 =	sadd.s32 $0x10, s9;
	v24 =	vadd.f32 v31, v24;
	v23 =	vadd.f32 v35, v23;
	s13 =	sadd.s32 $0x80, s13;
	s18 =	sshll.u32 s18, $0x4;
	(erf) = vpow2.f32 v38  }
0x18d: {  	v26 =	vadd.f32 v34, v26;
	v25 =	vadd.f32 v36, v25;
	s19 =	sand.u32 $0x70, s9;
	s23 =	sand.u32 $0x7C00, s13;
	s18 =	sadd.s32 s18, s13  }
0x18e: {  	v28 =	vadd.f32 v45, v28;
	v27 =	vadd.f32 v46, v27;
	p0 =	slt.u32 s9, $0xFF0;
	s19 =	sor.u32 s19, s23;
	s18 =	sor.u32 $0x380, s18;
	v30 =	vpop (erf)  }
0x18f: {  	v29 =	vadd.f32 v47, v29;
	v21 =	vadd.s32 $0x10, v21;
	v31 =	vld [tilespmem:s18+$0x8000];
	v32 =	vadd.f32 v30, v32;
	v30 =	vpop (erf)  }
0x190: {  	vm14 =	veq.s32 v21, v12;
	vm12 =	veq.s32 v21, v13;
	v34 =	vld [tilespmem:s19+$0x8000];
	v33 =	vadd.f32 v30, v33;
	v30 =	vpop (erf)  }
0x191: {  	vm13 =	veq.s32 v21, v14;
	vm10 =	veq.s32 v21, v15;
	v35 =	vld [tilespmem:s19+$0x8080];
	v37 =	vadd.f32 v30, v37;
	v30 =	vpop (erf)  }
0x192: {  	vm11 =	veq.s32 v21, v16;
	vm8 =	veq.s32 v21, v17;
	v36 =	vld [tilespmem:s19+$0x8100];
	v41 =	vadd.f32 v30, v41;
	v30 =	vpop (erf)  }
0x193: {  	vm9 =	veq.s32 v21, v18;
	vm15 =	veq.s32 v21, v19;
	v38 =	vld [tilespmem:s19+$0x8180];
	v42 =	vadd.f32 v30, v42;
	v39 =	vpop (erf)  }
0x194: {  	v40 =	vld [tilespmem:s19+$0x8200];
	v45 =	vmul.f32 $1.442695020e+00, v31;
	v30 =	vnsel vm15, $0x0, v31;
	v43 =	vadd.f32 v39, v43;
	v39 =	vpop (erf)  }
0x195: {  	v46 =	vld [tilespmem:s19+$0x8280];
	v47 =	vmul.f32 $1.442695020e+00, v34;
	v31 =	vnsel vm14, $0x0, v34;
	v44 =	vadd.f32 v39, v44;
	v39 =	vpop (erf)  }
0x196: {  	v48 =	vld [tilespmem:s19+$0x8300];
	v49 =	vmul.f32 $1.442695020e+00, v35;
	v35 =	vnsel vm12, $0x0, v35;
	(erf) = vpow2.f32 v45  }
.Ltmp5:
0x197: {  	v50 =	vmul.f32 $1.442695020e+00, v36;
	v34 =	vnsel vm13, $0x0, v36;
	(erf) = vpow2.f32 v47;
	(pc) =	sbr.rel @p0 .LBB2_13-.Ltmp5, $4  }
0x198: {  	v47 =	vmul.f32 $1.442695020e+00, v38;
	v36 =	vnsel vm10, $0x0, v38;
	(erf) = vpow2.f32 v49  }
0x199: {  	v49 =	vmul.f32 $1.442695020e+00, v40;
	v45 =	vnsel vm11, $0x0, v40;
	(erf) = vpow2.f32 v50  }
0x19a: {  	v40 =	vmul.f32 $1.442695020e+00, v46;
	v46 =	vnsel vm8, $0x0, v46;
	(erf) = vpow2.f32 v47  }
0x19b: {  	s14 =	sadd.s32 $0x1, s14;
	v38 =	vmul.f32 $1.442695020e+00, v48;
	v47 =	vnsel vm9, $0x0, v48;
	(erf) = vpow2.f32 v49  }
0x19c: {  	(erf) = vpow2.f32 v40  }
0x19d: {  	(erf) = vpow2.f32 v38;
	_ =	sdelay $0x1  }
0x19e: {  	v38 =	vadd.f32 v30, v22;
	v22 =	vpop (erf)  }
0x19f: {  	v20 =	vadd.f32 v39, v20;
	v39 =	vadd.f32 v31, v24;
	v24 =	vpop (erf)  }
0x1a0: {  	v40 =	vadd.f32 v35, v23;
	v23 =	vpop (erf)  }
0x1a1: {  	v35 =	vadd.f32 v34, v26;
	v34 =	vadd.f32 v45, v28;
	s8 =	sadd.s32 $0x1, s8;
	v28 =	vpop (erf)  }
0x1a2: {  	v31 =	vadd.f32 v46, v27;
	p0 =	sne.s32 s8, $0xC;
	v32 =	vadd.f32 v22, v32;
	v22 =	vpop (erf)  }
.Ltmp6:
0x1a3: {  	v30 =	vadd.f32 v36, v25;
	v36 =	vadd.f32 v24, v33;
	v27 =	vpop (erf);
	(pc) =	sbr.rel @p0 .LBB2_10-.Ltmp6, $4  }
0x1a4: {  	v26 =	vadd.f32 v23, v37;
	v24 =	vadd.f32 v28, v41;
	v28 =	vpop (erf)  }
0x1a5: {  	v23 =	vadd.f32 v22, v42;
	v22 =	vadd.f32 v27, v43;
	v27 =	vpop (erf)  }
0x1a6: {  	v20 =	vadd.f32 v27, v20  }
0x1a7: {  	v25 =	vadd.f32 v47, v29;
	v37 =	vadd.s32 $0x10, v21;
	v21 =	vadd.f32 v28, v44  }
0x1a8: {  	_ =	swait.ge [sflag:s30], $0x8000  }
0x1a9: {  	s4 =	simm.s32 $0x0;
	[sflag:s30] =	ssyncset.done $0x0  }
0x1aa: {  	s8 =	rddreg [dreg:$0x6];
	s18 =	sand.u32 $0x7, s4;
	[sflag:s30] =	ssyncadd.s32 $0xFFFF8000  }
0x1ab: {  	[tilespmem:s0], [sflag:$0x3] =	stream.linear.gather [hbm4b:s8+s4], $0x3800, $0x38;
	[tilespmem:$0x13900] =	vst v63  }
0x1ac: {  	s9 =	simm.s32 $0x0;
	s8 =	sshll.u32 s18, $0x4;
	_ =	swait.ge [sflag:s28], $0x3800  }
0x1ad: {  	s9 =	sand.u32 $0x70, s9;
	s8 =	sadd.s32 $0x0, s8;
	[sflag:s28] =	ssyncset.done $0x0  }
0x1ae: {  	s4 =	sand.u32 $0x3C00, s4;
	s8 =	sor.u32 $0x380, s8;
	[sflag:s28] =	ssyncadd.s32 $0xFFFFC800  }
0x1af: {  	s4 =	sor.u32 s9, s4;
	v27 =	vld [tilespmem:s8+$0x10000]  }
0x1b0: {  	v28 =	vld [tilespmem:s4+$0x10000]  }
0x1b1: {  	v29 =	vld [tilespmem:s4+$0x10080]  }
0x1b2: {  	v33 =	vld [tilespmem:s4+$0x10100]  }
0x1b3: {  	v41 =	vld [tilespmem:s4+$0x10180]  }
0x1b4: {  	vm8 =	veq.s32 v37, v12;
	vm9 =	veq.s32 v37, v13;
	vm10 =	veq.s32 v37, v14;
	v42 =	vld [tilespmem:s4+$0x10200]  }
0x1b5: {  	vm11 =	veq.s32 v37, v15;
	vm12 =	veq.s32 v37, v16;
	vm13 =	veq.s32 v37, v17;
	v44 =	vld [tilespmem:s4+$0x10280]  }
0x1b6: {  	vm14 =	veq.s32 v37, v18;
	vm15 =	veq.s32 v37, v19;
	v54 =	vld [tilespmem:s4+$0x10300];
	v43 =	vmul.f32 $1.442695020e+00, v27  }
0x1b7: {  	v45 =	vmul.f32 $1.442695020e+00, v28;
	v46 =	vmul.f32 $1.442695020e+00, v29;
	v27 =	vnsel vm15, $0x0, v27  }
0x1b8: {  	s19 =	simm.s32 $0x1;
	v53 =	vmul.f32 $1.442695020e+00, v33;
	v28 =	vnsel vm8, $0x0, v28;
	v47 =	vmul.f32 $1.442695020e+00, v41  }
0x1b9: {  	s4 =	sand.u32 $0x7, s19;
	v29 =	vnsel vm9, $0x0, v29;
	v55 =	vmul.f32 $1.442695020e+00, v42;
	v56 =	vnsel vm10, $0x0, v33  }
0x1ba: {  	s23 =	sshll.u32 s4, $0x4;
	v57 =	vmul.f32 $1.442695020e+00, v44;
	v41 =	vnsel vm11, $0x0, v41;
	v42 =	vnsel vm12, $0x0, v42  }
0x1bb: {  	s8 =	simm.s32 $0x80;
	s4 =	simm.s32 $0x10;
	s9 =	sadd.s32 $0x80, s23;
	v44 =	vnsel vm13, $0x0, v44;
	v58 =	vnsel vm14, $0x0, v54;
	v38 =	vadd.f32 v27, v38  }
0x1bc: {  	s14 =	sand.u32 $0x3C00, s8;
	s13 =	sand.u32 $0x70, s4;
	s9 =	sor.u32 $0x380, s9;
	v27 =	vmul.f32 $1.442695020e+00, v54;
	v39 =	vadd.f32 v28, v39;
	(erf) = vpow2.f32 v43  }
0x1bd: {  	s13 =	sor.u32 s13, s14;
	v59 =	vld [tilespmem:s9+$0x10000];
	v33 =	vadd.f32 v29, v40;
	v35 =	vadd.f32 v56, v35;
	(erf) = vpow2.f32 v45  }
0x1be: {  	v61 =	vld [tilespmem:s13+$0x10000];
	v28 =	vadd.f32 v41, v30;
	v30 =	vadd.f32 v42, v34;
	(erf) = vpow2.f32 v46  }
0x1bf: {  	v63 =	vld [tilespmem:s13+$0x10080];
	v29 =	vadd.f32 v44, v31;
	v31 =	vadd.s32 $0x10, v37;
	(erf) = vpow2.f32 v53  }
0x1c0: {  	v52 =	vld [tilespmem:s13+$0x10100];
	v25 =	vadd.f32 v58, v25;
	vm8 =	veq.s32 v31, v12;
	(erf) = vpow2.f32 v47  }
0x1c1: {  	v54 =	vld [tilespmem:s13+$0x10180];
	vm9 =	veq.s32 v31, v13;
	vm10 =	veq.s32 v31, v14;
	(erf) = vpow2.f32 v55  }
0x1c2: {  	vm11 =	veq.s32 v31, v15;
	vm12 =	veq.s32 v31, v16;
	(erf) = vpow2.f32 v57  }
0x1c3: {  	v56 =	vld [tilespmem:s13+$0x10200];
	vm13 =	veq.s32 v31, v17;
	vm14 =	veq.s32 v31, v18;
	vm15 =	veq.s32 v31, v19  }
0x1c4: {  	v34 =	vnsel vm15, $0x0, v59;
	v37 =	vnsel vm8, $0x0, v61;
	(erf) = vpow2.f32 v27  }
0x1c5: {  	v48 =	vmul.f32 $1.442695020e+00, v63;
	v44 =	vnsel vm9, $0x0, v63;
	v57 =	vmul.f32 $1.442695020e+00, v59;
	v59 =	vld [tilespmem:s13+$0x10280];
	v27 =	vpop (erf)  }
0x1c6: {  	v41 =	vnsel vm10, $0x0, v52;
	v49 =	vmul.f32 $1.442695020e+00, v54;
	v42 =	vnsel vm11, $0x0, v54;
	v60 =	vpop (erf)  }
0x1c7: {  	v27 =	vadd.f32 v27, v32;
	v32 =	vadd.f32 v60, v36;
	v62 =	vpop (erf);
	v60 =	vmul.f32 $1.442695020e+00, v61  }
0x1c8: {  	v63 =	vmul.f32 $1.442695020e+00, v56;
	v40 =	vnsel vm12, $0x0, v56;
	v61 =	vld [tilespmem:s13+$0x10300];
	v51 =	vpop (erf);
	(erf) = vpow2.f32 v57  }
0x1c9: {  	v26 =	vadd.f32 v62, v26;
	v62 =	vmul.f32 $1.442695020e+00, v52;
	v53 =	vpop (erf);
	(erf) = vpow2.f32 v60  }
0x1ca: {  	v47 =	vmul.f32 $1.442695020e+00, v59;
	v43 =	vnsel vm13, $0x0, v59;
	v55 =	vpop (erf);
	(erf) = vpow2.f32 v48  }
0x1cb: {  	v24 =	vadd.f32 v51, v24;
	v23 =	vadd.f32 v53, v23;
	v58 =	vpop (erf);
	(erf) = vpow2.f32 v62  }
0x1cc: {  	v22 =	vadd.f32 v55, v22;
	v21 =	vadd.f32 v58, v21;
	(erf) = vpow2.f32 v49  }
0x1cd: {  	s9 =	simm.s32 $0x2;
	v45 =	vpop (erf);
	v46 =	vmul.f32 $1.442695020e+00, v61;
	v36 =	vnsel vm14, $0x0, v61;
	(erf) = vpow2.f32 v63  }
.LBB2_16:
0x1ce: {  	s13 =	sand.u32 $0x7, s9;
	v38 =	vadd.f32 v34, v38;
	(erf) = vpow2.f32 v47;
	v20 =	vadd.f32 v45, v20  }
0x1cf: {  	s4 =	sadd.s32 $0x10, s4;
	v39 =	vadd.f32 v37, v39;
	v33 =	vadd.f32 v44, v33;
	s8 =	sadd.s32 $0x80, s8;
	s13 =	sshll.u32 s13, $0x4;
	(erf) = vpow2.f32 v46  }
0x1d0: {  	v35 =	vadd.f32 v41, v35;
	v28 =	vadd.f32 v42, v28;
	s14 =	sand.u32 $0x70, s4;
	s18 =	sand.u32 $0x3C00, s8;
	s13 =	sadd.s32 s13, s8  }
0x1d1: {  	v30 =	vadd.f32 v40, v30;
	v29 =	vadd.f32 v43, v29;
	p0 =	slt.u32 s4, $0x690;
	s14 =	sor.u32 s14, s18;
	s13 =	sor.u32 $0x380, s13;
	v34 =	vpop (erf)  }
0x1d2: {  	v25 =	vadd.f32 v36, v25;
	v31 =	vadd.s32 $0x10, v31;
	v37 =	vld [tilespmem:s13+$0x10000];
	v27 =	vadd.f32 v34, v27;
	v34 =	vpop (erf)  }
0x1d3: {  	vm14 =	veq.s32 v31, v12;
	vm12 =	veq.s32 v31, v13;
	v36 =	vld [tilespmem:s14+$0x10000];
	v32 =	vadd.f32 v34, v32;
	v34 =	vpop (erf)  }
0x1d4: {  	vm13 =	veq.s32 v31, v14;
	vm10 =	veq.s32 v31, v15;
	v40 =	vld [tilespmem:s14+$0x10080];
	v26 =	vadd.f32 v34, v26;
	v34 =	vpop (erf)  }
0x1d5: {  	vm11 =	veq.s32 v31, v16;
	vm8 =	veq.s32 v31, v17;
	v41 =	vld [tilespmem:s14+$0x10100];
	v24 =	vadd.f32 v34, v24;
	v34 =	vpop (erf)  }
0x1d6: {  	vm9 =	veq.s32 v31, v18;
	vm15 =	veq.s32 v31, v19;
	v42 =	vld [tilespmem:s14+$0x10180];
	v23 =	vadd.f32 v34, v23;
	v43 =	vpop (erf)  }
0x1d7: {  	v46 =	vld [tilespmem:s14+$0x10200];
	v47 =	vmul.f32 $1.442695020e+00, v37;
	v34 =	vnsel vm15, $0x0, v37;
	v22 =	vadd.f32 v43, v22;
	v43 =	vpop (erf)  }
0x1d8: {  	v48 =	vld [tilespmem:s14+$0x10280];
	v49 =	vmul.f32 $1.442695020e+00, v36;
	v37 =	vnsel vm14, $0x0, v36;
	v21 =	vadd.f32 v43, v21;
	v45 =	vpop (erf)  }
0x1d9: {  	v36 =	vld [tilespmem:s14+$0x10300];
	v43 =	vmul.f32 $1.442695020e+00, v40;
	v44 =	vnsel vm12, $0x0, v40;
	(erf) = vpow2.f32 v47  }
.Ltmp7:
0x1da: {  	v47 =	vmul.f32 $1.442695020e+00, v41;
	v41 =	vnsel vm13, $0x0, v41;
	(erf) = vpow2.f32 v49;
	(pc) =	sbr.rel @p0 .LBB2_16-.Ltmp7, $4  }
0x1db: {  	v49 =	vmul.f32 $1.442695020e+00, v42;
	v42 =	vnsel vm10, $0x0, v42;
	(erf) = vpow2.f32 v43  }
0x1dc: {  	v50 =	vmul.f32 $1.442695020e+00, v46;
	v40 =	vnsel vm11, $0x0, v46;
	(erf) = vpow2.f32 v47  }
0x1dd: {  	v47 =	vmul.f32 $1.442695020e+00, v48;
	v43 =	vnsel vm8, $0x0, v48;
	(erf) = vpow2.f32 v49  }
0x1de: {  	s9 =	sadd.s32 $0x1, s9;
	v46 =	vmul.f32 $1.442695020e+00, v36;
	v36 =	vnsel vm9, $0x0, v36;
	(erf) = vpow2.f32 v50  }
0x1df: {  	_ =	sdelay $0x2  }
0x1e0: {  	v13 =	vpop (erf)  }
0x1e1: {  	v14 =	vpop (erf)  }
0x1e2: {  	v14 =	vadd.f32 v14, v32  }
0x1e3: {  	v16 =	vadd.f32 v37, v39;
	v15 =	vpop (erf)  }
0x1e4: {  	v17 =	vadd.f32 v44, v33;
	v15 =	vadd.f32 v15, v26;
	v18 =	vperm.xlane v14, v8  }
0x1e5: {  	v19 =	vadd.f32 v45, v20;
	v20 =	vperm.xlane v16, v8  }
0x1e6: {  	v26 =	vperm.xlane v15, v8;
	v14 =	vadd.f32 v18, v14;
	v18 =	vperm.xlane v17, v8  }
0x1e7: {  	v16 =	vadd.f32 v20, v16  }
0x1e8: {  	v15 =	vadd.f32 v26, v15;
	v26 =	vperm.xlane v14, v9;
	v17 =	vadd.f32 v18, v17  }
0x1e9: {  	v12 =	vadd.f32 v34, v38;
	v20 =	vadd.f32 v42, v28;
	(erf) = vpow2.f32 v47  }
0x1ea: {  	v28 =	vperm.xlane v16, v9;
	v14 =	vadd.f32 v26, v14;
	v26 =	vperm.xlane v17, v9  }
0x1eb: {  	v31 =	vadd.f32 v41, v35;
	v18 =	vadd.f32 v40, v30;
	v30 =	vperm.xlane v15, v9  }
0x1ec: {  	v13 =	vadd.f32 v13, v27;
	v16 =	vadd.f32 v28, v16  }
0x1ed: {  	v15 =	vadd.f32 v30, v15;
	v27 =	vperm.xlane v14, v10;
	v17 =	vadd.f32 v26, v17  }
0x1ee: {  	v29 =	vadd.f32 v43, v29;
	(erf) = vpow2.f32 v46;
	v28 =	vperm.xlane v16, v10;
	v26 =	vpop (erf)  }
0x1ef: {  	v30 =	vperm.xlane v15, v10;
	v24 =	vadd.f32 v26, v24;
	v26 =	vperm.xlane v17, v10  }
0x1f0: {  	v25 =	vadd.f32 v36, v25;
	v14 =	vadd.f32 v27, v14  }
0x1f1: {  	v16 =	vadd.f32 v28, v16;
	v15 =	vadd.f32 v30, v15;
	v27 =	vpop (erf)  }
0x1f2: {  	v28 =	vperm.xlane v14, v11;
	v23 =	vadd.f32 v27, v23;
	v27 =	vpop (erf);
	v17 =	vadd.f32 v26, v17  }
0x1f3: {  	v30 =	vperm.xlane v15, v11;
	v22 =	vadd.f32 v27, v22;
	v27 =	vperm.xlane v16, v11;
	v26 =	vpop (erf)  }
0x1f4: {  	v14 =	vadd.f32 v28, v14;
	v21 =	vadd.f32 v26, v21;
	v26 =	vperm.xlane v17, v11  }
0x1f5: {  	v15 =	vadd.f32 v30, v15;
	v16 =	vadd.f32 v27, v16  }
0x1f6: {  	v14 =	vnsel vm7, $0x0, v14;
	v27 =	vperm.xlane v22, v8;
	v17 =	vadd.f32 v26, v17  }
0x1f7: {  	v14 =	vsel vm0, v14, v15;
	v15 =	vperm.xlane v24, v8;
	v16 =	vnsel vm7, $0x0, v16  }
0x1f8: {  	v28 =	vpop (erf);
	v26 =	vperm.xlane v23, v8;
	v16 =	vsel vm0, v16, v17;
	v17 =	vperm.xlane v31, v8  }
0x1f9: {  	v19 =	vadd.f32 v28, v19;
	v15 =	vadd.f32 v15, v24;
	v24 =	vperm.xlane v20, v8  }
0x1fa: {  	v23 =	vadd.f32 v26, v23;
	v26 =	vperm.xlane v18, v8;
	v17 =	vadd.f32 v17, v31  }
0x1fb: {  	v22 =	vadd.f32 v27, v22;
	v28 =	vperm.xlane v15, v9;
	v20 =	vadd.f32 v24, v20  }
0x1fc: {  	v27 =	vperm.xlane v23, v9;
	v18 =	vadd.f32 v26, v18;
	v24 =	vperm.xlane v17, v9  }
0x1fd: {  	v15 =	vadd.f32 v28, v15;
	v26 =	vperm.xlane v20, v9;
	v28 =	vperm.xlane v22, v9  }
0x1fe: {  	v23 =	vadd.f32 v27, v23;
	v17 =	vadd.f32 v24, v17;
	v24 =	vperm.xlane v18, v9  }
0x1ff: {  	v27 =	vperm.xlane v15, v10;
	v20 =	vadd.f32 v26, v20;
	v22 =	vadd.f32 v28, v22  }
0x200: {  	v28 =	vperm.xlane v23, v10;
	v26 =	vperm.xlane v17, v10;
	v18 =	vadd.f32 v24, v18  }
0x201: {  	v15 =	vadd.f32 v27, v15;
	v27 =	vperm.xlane v22, v10;
	v24 =	vperm.xlane v20, v10  }
0x202: {  	v23 =	vadd.f32 v28, v23;
	v17 =	vadd.f32 v26, v17;
	v26 =	vperm.xlane v18, v10  }
0x203: {  	v28 =	vperm.xlane v15, v11;
	v22 =	vadd.f32 v27, v22;
	v20 =	vadd.f32 v24, v20  }
0x204: {  	v27 =	vperm.xlane v23, v11;
	v24 =	vperm.xlane v17, v11;
	v18 =	vadd.f32 v26, v18  }
0x205: {  	v15 =	vadd.f32 v28, v15;
	v28 =	vperm.xlane v22, v11;
	v26 =	vperm.xlane v20, v11  }
0x206: {  	v23 =	vadd.f32 v27, v23;
	v17 =	vadd.f32 v24, v17;
	v24 =	vperm.xlane v18, v11  }
0x207: {  	v14 =	vsel vm1, v14, v15;
	v15 =	vadd.f32 v26, v20;
	v20 =	vadd.f32 v28, v22  }
0x208: {  	v14 =	vsel vm2, v14, v23;
	v16 =	vsel vm1, v16, v17;
	v17 =	vadd.f32 v24, v18  }
0x209: {  	v14 =	vsel vm3, v14, v20;
	v15 =	vsel vm2, v16, v15;
	v16 =	vperm.xlane v21, v8  }
0x20a: {  	v18 =	vperm.xlane v19, v8;
	v15 =	vsel vm3, v15, v17;
	v17 =	vperm.xlane v29, v8  }
0x20b: {  	v20 =	vperm.xlane v25, v8;
	v16 =	vadd.f32 v16, v21;
	v21 =	vperm.xlane v13, v8  }
0x20c: {  	v18 =	vadd.f32 v18, v19;
	v19 =	vperm.xlane v12, v8;
	v17 =	vadd.f32 v17, v29  }
0x20d: {  	v20 =	vadd.f32 v20, v25;
	v22 =	vperm.xlane v16, v9;
	v13 =	vadd.f32 v21, v13  }
0x20e: {  	v23 =	vperm.xlane v18, v9;
	v12 =	vadd.f32 v19, v12;
	v21 =	vperm.xlane v17, v9  }
0x20f: {  	v19 =	vperm.xlane v20, v9;
	v16 =	vadd.f32 v22, v16;
	v22 =	vperm.xlane v13, v9  }
0x210: {  	v18 =	vadd.f32 v23, v18;
	v17 =	vadd.f32 v21, v17;
	v21 =	vperm.xlane v12, v9  }
0x211: {  	v19 =	vadd.f32 v19, v20;
	v23 =	vperm.xlane v16, v10;
	v13 =	vadd.f32 v22, v13  }
0x212: {  	v22 =	vperm.xlane v18, v10;
	v20 =	vperm.xlane v17, v10;
	v12 =	vadd.f32 v21, v12  }
0x213: {  	v21 =	vperm.xlane v19, v10;
	v16 =	vadd.f32 v23, v16;
	v23 =	vperm.xlane v13, v10  }
0x214: {  	v18 =	vadd.f32 v22, v18;
	v17 =	vadd.f32 v20, v17;
	v20 =	vperm.xlane v12, v10  }
0x215: {  	v19 =	vadd.f32 v21, v19;
	v22 =	vperm.xlane v16, v11;
	v13 =	vadd.f32 v23, v13  }
0x216: {  	v23 =	vperm.xlane v18, v11;
	v21 =	vperm.xlane v17, v11;
	v12 =	vadd.f32 v20, v12  }
0x217: {  	v20 =	vperm.xlane v19, v11;
	v16 =	vadd.f32 v22, v16;
	v22 =	vperm.xlane v13, v11  }
0x218: {  	v18 =	vadd.f32 v23, v18;
	v17 =	vadd.f32 v21, v17;
	v21 =	vperm.xlane v12, v11  }
0x219: {  	v14 =	vsel vm4, v14, v16;
	v16 =	vadd.f32 v20, v19;
	v13 =	vadd.f32 v22, v13  }
0x21a: {  	v15 =	vsel vm4, v15, v17;
	v14 =	vsel vm5, v14, v18;
	v12 =	vadd.f32 v21, v12  }
0x21b: {  	v15 =	vsel vm5, v15, v16;
	v13 =	vsel vm6, v14, v13  }
0x21c: {  	v12 =	vsel vm6, v15, v12;
	[tilespmem:$0x13890] =	vst v13  }
0x21d: {  	s4 =	simm.s32 $0x0;
	s8 =	rddreg [dreg:$0x7];
	[tilespmem:$0x138D0] =	vst v12  }
0x21e: {  	[tilespmem:s26], [sflag:$0x3] =	stream.linear.gather [hbm4b:s8+s4], $0x8, $0x38;
	[tilespmem:$0x13900] =	vst v63  }
0x21f: {  	_ =	swait.ge [sflag:s28], $0x8  }
0x220: {  	[sflag:s28] =	ssyncset.done $0x0  }
0x221: {  	[sflag:s28] =	ssyncadd.s32 $0xFFFFFFF8  }
0x222: {  	v37 =	vlaneseq.u32;
	v19 =	vld [tilespmem:$0x13800]  }
0x223: {  	v38 =	vimm.f32 $0.0e+00;
	v34 =	vimm.f32 $0.0e+00;
	v35 =	vimm.f32 $0.0e+00  }
0x224: {  	v39 =	vimm.f32 $0.0e+00;
	v36 =	vimm.f32 $0.0e+00;
	v32 =	vimm.f32 $0.0e+00  }
0x225: {  	v40 =	vimm.f32 $0.0e+00;
	v30 =	vimm.f32 $0.0e+00;
	v31 =	vimm.f32 $0.0e+00  }
0x226: {  	v26 =	vimm.f32 $0.0e+00;
	v24 =	vimm.f32 $0.0e+00;
	v25 =	vimm.f32 $0.0e+00  }
0x227: {  	v23 =	vimm.f32 $0.0e+00;
	v12 =	vperm.xlane v19, v0;
	v13 =	vperm.xlane v19, v1  }
0x228: {  	v20 =	vimm.f32 $0.0e+00;
	v14 =	vperm.xlane v19, v2;
	v15 =	vperm.xlane v19, v3  }
0x229: {  	v22 =	vimm.f32 $0.0e+00;
	s8 =	simm.s32 $0x0;
	v16 =	vperm.xlane v19, v4;
	v17 =	vperm.xlane v19, v5  }
0x22a: {  	v21 =	vimm.f32 $0.0e+00;
	[tilespmem:s4], [sflag:$0x1] =	stream.linear.gather [hbm4b:s15+s4], $0x8000, $0x38;
	v18 =	vperm.xlane v19, v6;
	v19 =	vperm.xlane v19, v7;
	[tilespmem:$0x13900] =	vst v63  }
.LBB2_18:
0x22b: {  	s9 =	sshll.u32 s8, $0x10  }
0x22c: {  	s9 =	sadd.s32 s9, s16  }
0x22d: {  	s9 =	sshrl.u32 s9, $0x3  }
0x22e: {  	s18 =	sand.u32 $0x7, s4;
	s9 =	sadd.s32 s3, s9  }
0x22f: {  	[tilespmem:s29], [sflag:$0x2] =	stream.linear.gather [hbm4b:s9+s4], $0x8000, $0x38;
	[tilespmem:$0x13900] =	vst v63  }
0x230: {  	s13 =	simm.s32 $0x0;
	s9 =	sshll.u32 s18, $0x4;
	_ =	swait.ge [sflag:s30], $0x8000  }
0x231: {  	s14 =	sand.u32 $0x7C00, s4;
	s9 =	sadd.s32 $0x0, s9;
	[sflag:s30] =	ssyncset.done $0x0  }
0x232: {  	s13 =	sand.u32 $0x70, s13;
	s9 =	sor.u32 $0x380, s9;
	[sflag:s30] =	ssyncadd.s32 $0xFFFF8000  }
0x233: {  	s13 =	sor.u32 s13, s14;
	v27 =	vld [tilespmem:s9+$0x0]  }
0x234: {  	v28 =	vld [tilespmem:s13+$0x0]  }
0x235: {  	v29 =	vld [tilespmem:s13+$0x80]  }
0x236: {  	v33 =	vld [tilespmem:s13+$0x100]  }
0x237: {  	vm8 =	veq.s32 v37, v12;
	vm9 =	veq.s32 v37, v13;
	vm10 =	veq.s32 v37, v14;
	v41 =	vld [tilespmem:s13+$0x180]  }
0x238: {  	vm11 =	veq.s32 v37, v15;
	vm12 =	veq.s32 v37, v16;
	v42 =	vld [tilespmem:s13+$0x200];
	v43 =	vmul.f32 $1.442695020e+00, v27  }
0x239: {  	vm13 =	veq.s32 v37, v17;
	s19 =	simm.s32 $0x1;
	vm14 =	veq.s32 v37, v18;
	v44 =	vld [tilespmem:s13+$0x280];
	v45 =	vmul.f32 $1.442695020e+00, v28  }
0x23a: {  	vm15 =	veq.s32 v37, v19;
	s9 =	sand.u32 $0x7, s19;
	v46 =	vmul.f32 $1.442695020e+00, v29;
	(erf) = vpow2.f32 v43  }
0x23b: {  	v47 =	vld [tilespmem:s13+$0x300];
	s13 =	simm.s32 $0x80;
	s23 =	sshll.u32 s9, $0x4;
	s9 =	simm.s32 $0x10;
	v27 =	vnsel vm15, $0x0, v27;
	v52 =	vmul.f32 $1.442695020e+00, v33;
	v53 =	vnsel vm8, $0x0, v28  }
0x23c: {  	s19 =	sand.u32 $0x7C00, s13;
	s18 =	sand.u32 $0x70, s9;
	v28 =	vmul.f32 $1.442695020e+00, v41;
	v54 =	vnsel vm9, $0x0, v29;
	(erf) = vpow2.f32 v45  }
0x23d: {  	s18 =	sor.u32 s18, s19;
	v29 =	vmul.f32 $1.442695020e+00, v42;
	v33 =	vnsel vm10, $0x0, v33;
	(erf) = vpow2.f32 v46  }
0x23e: {  	s14 =	sadd.s32 $0x80, s23;
	v63 =	vld [tilespmem:s18+$0x80];
	v55 =	vmul.f32 $1.442695020e+00, v44;
	v41 =	vnsel vm11, $0x0, v41;
	(erf) = vpow2.f32 v52  }
0x23f: {  	s14 =	sor.u32 $0x380, s14;
	(erf) = vpow2.f32 v28;
	v28 =	vadd.f32 v27, v38;
	v27 =	vadd.f32 v54, v40;
	v54 =	vld [tilespmem:s18+$0x180]  }
0x240: {  	v59 =	vld [tilespmem:s14+$0x0];
	v42 =	vnsel vm12, $0x0, v42;
	v44 =	vnsel vm13, $0x0, v44;
	v56 =	vmul.f32 $1.442695020e+00, v47  }
0x241: {  	v57 =	vnsel vm14, $0x0, v47;
	v33 =	vadd.f32 v33, v35;
	v30 =	vadd.f32 v41, v30  }
0x242: {  	v34 =	vadd.f32 v42, v34;
	v31 =	vadd.f32 v44, v31;
	(erf) = vpow2.f32 v29  }
0x243: {  	v48 =	vmul.f32 $1.442695020e+00, v63;
	v29 =	vadd.f32 v53, v39;
	(erf) = vpow2.f32 v55;
	v58 =	vpop (erf)  }
0x244: {  	v61 =	vld [tilespmem:s18+$0x0];
	(erf) = vpow2.f32 v56;
	v49 =	vmul.f32 $1.442695020e+00, v54;
	v35 =	vadd.f32 v58, v32  }
0x245: {  	v32 =	vadd.f32 v57, v25;
	v25 =	vadd.s32 $0x10, v37;
	v60 =	vpop (erf);
	v57 =	vmul.f32 $1.442695020e+00, v59  }
0x246: {  	v52 =	vld [tilespmem:s18+$0x100];
	vm8 =	veq.s32 v25, v12;
	vm9 =	veq.s32 v25, v13;
	v36 =	vadd.f32 v60, v36  }
0x247: {  	v56 =	vld [tilespmem:s18+$0x200];
	vm10 =	veq.s32 v25, v14;
	vm11 =	veq.s32 v25, v15;
	vm12 =	veq.s32 v25, v16  }
0x248: {  	v62 =	vpop (erf);
	vm13 =	veq.s32 v25, v17;
	vm14 =	veq.s32 v25, v18;
	vm15 =	veq.s32 v25, v19  }
0x249: {  	v60 =	vmul.f32 $1.442695020e+00, v61;
	v26 =	vadd.f32 v62, v26;
	v37 =	vnsel vm15, $0x0, v59  }
0x24a: {  	v51 =	vpop (erf);
	v59 =	vld [tilespmem:s18+$0x280];
	v38 =	vnsel vm8, $0x0, v61;
	v40 =	vnsel vm9, $0x0, v63;
	(erf) = vpow2.f32 v57  }
0x24b: {  	v61 =	vld [tilespmem:s18+$0x300];
	v62 =	vmul.f32 $1.442695020e+00, v52;
	v39 =	vnsel vm10, $0x0, v52;
	v41 =	vnsel vm11, $0x0, v54;
	v53 =	vpop (erf)  }
0x24c: {  	v63 =	vmul.f32 $1.442695020e+00, v56;
	v42 =	vnsel vm12, $0x0, v56;
	(erf) = vpow2.f32 v60;
	v55 =	vpop (erf)  }
0x24d: {  	v24 =	vadd.f32 v51, v24;
	v23 =	vadd.f32 v53, v23;
	(erf) = vpow2.f32 v48;
	v58 =	vpop (erf)  }
0x24e: {  	v22 =	vadd.f32 v55, v22;
	(erf) = vpow2.f32 v62;
	v21 =	vadd.f32 v58, v21  }
0x24f: {  	(erf) = vpow2.f32 v49;
	v47 =	vmul.f32 $1.442695020e+00, v59;
	v44 =	vnsel vm13, $0x0, v59  }
0x250: {  	s14 =	simm.s32 $0x2;
	v45 =	vpop (erf);
	v46 =	vmul.f32 $1.442695020e+00, v61;
	v43 =	vnsel vm14, $0x0, v61;
	(erf) = vpow2.f32 v63  }
.LBB2_19:
0x251: {  	s18 =	sand.u32 $0x7, s14;
	v28 =	vadd.f32 v37, v28;
	(erf) = vpow2.f32 v47;
	v20 =	vadd.f32 v45, v20  }
0x252: {  	s9 =	sadd.s32 $0x10, s9;
	v29 =	vadd.f32 v38, v29;
	v27 =	vadd.f32 v40, v27;
	s13 =	sadd.s32 $0x80, s13;
	s18 =	sshll.u32 s18, $0x4;
	(erf) = vpow2.f32 v46  }
0x253: {  	v33 =	vadd.f32 v39, v33;
	v30 =	vadd.f32 v41, v30;
	s19 =	sand.u32 $0x70, s9;
	s23 =	sand.u32 $0x7C00, s13;
	s18 =	sadd.s32 s18, s13  }
0x254: {  	v34 =	vadd.f32 v42, v34;
	v31 =	vadd.f32 v44, v31;
	p0 =	slt.u32 s9, $0xFF0;
	s19 =	sor.u32 s19, s23;
	s18 =	sor.u32 $0x380, s18;
	v37 =	vpop (erf)  }
0x255: {  	v32 =	vadd.f32 v43, v32;
	v25 =	vadd.s32 $0x10, v25;
	v38 =	vld [tilespmem:s18+$0x0];
	v35 =	vadd.f32 v37, v35;
	v37 =	vpop (erf)  }
0x256: {  	vm14 =	veq.s32 v25, v12;
	vm12 =	veq.s32 v25, v13;
	v39 =	vld [tilespmem:s19+$0x0];
	v36 =	vadd.f32 v37, v36;
	v37 =	vpop (erf)  }
0x257: {  	vm13 =	veq.s32 v25, v14;
	vm10 =	veq.s32 v25, v15;
	v40 =	vld [tilespmem:s19+$0x80];
	v26 =	vadd.f32 v37, v26;
	v37 =	vpop (erf)  }
0x258: {  	vm11 =	veq.s32 v25, v16;
	vm8 =	veq.s32 v25, v17;
	v41 =	vld [tilespmem:s19+$0x100];
	v24 =	vadd.f32 v37, v24;
	v37 =	vpop (erf)  }
0x259: {  	vm9 =	veq.s32 v25, v18;
	vm15 =	veq.s32 v25, v19;
	v42 =	vld [tilespmem:s19+$0x180];
	v23 =	vadd.f32 v37, v23;
	v43 =	vpop (erf)  }
0x25a: {  	v44 =	vld [tilespmem:s19+$0x200];
	v46 =	vmul.f32 $1.442695020e+00, v38;
	v37 =	vnsel vm15, $0x0, v38;
	v22 =	vadd.f32 v43, v22;
	v43 =	vpop (erf)  }
0x25b: {  	v48 =	vld [tilespmem:s19+$0x280];
	v47 =	vmul.f32 $1.442695020e+00, v39;
	v38 =	vnsel vm14, $0x0, v39;
	v21 =	vadd.f32 v43, v21;
	v45 =	vpop (erf)  }
0x25c: {  	v43 =	vld [tilespmem:s19+$0x300];
	v49 =	vmul.f32 $1.442695020e+00, v40;
	v40 =	vnsel vm12, $0x0, v40;
	(erf) = vpow2.f32 v46  }
.Ltmp8:
0x25d: {  	v46 =	vmul.f32 $1.442695020e+00, v41;
	v39 =	vnsel vm13, $0x0, v41;
	(erf) = vpow2.f32 v47;
	(pc) =	sbr.rel @p0 .LBB2_19-.Ltmp8, $4  }
0x25e: {  	v50 =	vmul.f32 $1.442695020e+00, v42;
	v41 =	vnsel vm10, $0x0, v42;
	(erf) = vpow2.f32 v49  }
0x25f: {  	v49 =	vmul.f32 $1.442695020e+00, v44;
	v42 =	vnsel vm11, $0x0, v44;
	(erf) = vpow2.f32 v46  }
0x260: {  	v47 =	vmul.f32 $1.442695020e+00, v48;
	v44 =	vnsel vm8, $0x0, v48;
	(erf) = vpow2.f32 v50  }
0x261: {  	s14 =	sadd.s32 $0x1, s14;
	v46 =	vmul.f32 $1.442695020e+00, v43;
	v43 =	vnsel vm9, $0x0, v43;
	(erf) = vpow2.f32 v49  }
0x262: {  	(erf) = vpow2.f32 v47  }
0x263: {  	(erf) = vpow2.f32 v46;
	_ =	sdelay $0x1  }
0x264: {  	v59 =	vpop (erf)  }
0x265: {  	s9 =	sshll.u32 s8, $0x1;
	v60 =	vpop (erf)  }
0x266: {  	s9 =	smin.u32 s9, $0x15;
	v48 =	vpop (erf)  }
0x267: {  	s9 =	sshll.u32 s9, $0xF;
	v49 =	vpop (erf)  }
0x268: {  	s9 =	sadd.s32 s9, s17;
	v50 =	vpop (erf)  }
0x269: {  	s13 =	simm.s32 $0x0;
	s9 =	sshrl.u32 s9, $0x3;
	v51 =	vpop (erf)  }
0x26a: {  	s18 =	sand.u32 $0x7, s13;
	s9 =	sadd.s32 s3, s9;
	v52 =	vpop (erf)  }
0x26b: {  	[tilespmem:s13], [sflag:$0x1] =	stream.linear.gather [hbm4b:s9+s13], $0x8000, $0x38;
	v61 =	vpop (erf);
	[tilespmem:$0x13900] =	vst v63  }
0x26c: {  	v28 =	vadd.f32 v37, v28;
	s14 =	simm.s32 $0x0;
	s9 =	sshll.u32 s18, $0x4;
	_ =	swait.ge [sflag:s31], $0x8000  }
0x26d: {  	v20 =	vadd.f32 v45, v20;
	v29 =	vadd.f32 v38, v29;
	s14 =	sand.u32 $0x70, s14;
	s9 =	sadd.s32 $0x0, s9;
	[sflag:s31] =	ssyncset.done $0x0  }
0x26e: {  	v27 =	vadd.f32 v40, v27;
	v33 =	vadd.f32 v39, v33;
	s13 =	sand.u32 $0x7C00, s13;
	s9 =	sor.u32 $0x380, s9;
	[sflag:s31] =	ssyncadd.s32 $0xFFFF8000  }
0x26f: {  	v30 =	vadd.f32 v41, v30;
	v34 =	vadd.f32 v42, v34;
	s13 =	sor.u32 s14, s13;
	v62 =	vld [tilespmem:s9+$0x8000]  }
0x270: {  	v31 =	vadd.f32 v44, v31;
	v40 =	vadd.f32 v49, v24;
	v24 =	vld [tilespmem:s13+$0x8000]  }
0x271: {  	v38 =	vadd.f32 v43, v32;
	v63 =	vadd.s32 $0x10, v25;
	v43 =	vadd.f32 v51, v22;
	v22 =	vld [tilespmem:s13+$0x8080]  }
0x272: {  	vm8 =	veq.s32 v63, v12;
	vm9 =	veq.s32 v63, v13;
	v44 =	vadd.f32 v52, v21;
	v21 =	vld [tilespmem:s13+$0x8100]  }
0x273: {  	vm10 =	veq.s32 v63, v14;
	vm11 =	veq.s32 v63, v15;
	v42 =	vadd.f32 v50, v23;
	v23 =	vld [tilespmem:s13+$0x8180]  }
0x274: {  	vm12 =	veq.s32 v63, v16;
	vm13 =	veq.s32 v63, v17;
	vm14 =	veq.s32 v63, v18;
	v25 =	vld [tilespmem:s13+$0x8200]  }
0x275: {  	vm15 =	veq.s32 v63, v19;
	v35 =	vadd.f32 v59, v35;
	v36 =	vadd.f32 v60, v36;
	v52 =	vld [tilespmem:s13+$0x8280]  }
0x276: {  	s19 =	simm.s32 $0x1;
	v39 =	vadd.f32 v48, v26;
	v26 =	vmul.f32 $1.442695020e+00, v62;
	v53 =	vmul.f32 $1.442695020e+00, v24  }
0x277: {  	v20 =	vadd.f32 v61, v20;
	s9 =	sand.u32 $0x7, s19;
	v54 =	vmul.f32 $1.442695020e+00, v22;
	v55 =	vmul.f32 $1.442695020e+00, v21  }
0x278: {  	v56 =	vld [tilespmem:s13+$0x8300];
	s23 =	sshll.u32 s9, $0x4;
	v24 =	vnsel vm8, $0x0, v24;
	v57 =	vmul.f32 $1.442695020e+00, v23;
	(erf) = vpow2.f32 v26  }
0x279: {  	s13 =	simm.s32 $0x80;
	s9 =	simm.s32 $0x10;
	s14 =	sadd.s32 $0x80, s23;
	v58 =	vnsel vm9, $0x0, v22;
	v22 =	vmul.f32 $1.442695020e+00, v25;
	(erf) = vpow2.f32 v53  }
0x27a: {  	s19 =	sand.u32 $0x7C00, s13;
	s18 =	sand.u32 $0x70, s9;
	s14 =	sor.u32 $0x380, s14;
	v21 =	vnsel vm10, $0x0, v21;
	v59 =	vmul.f32 $1.442695020e+00, v52;
	v60 =	vnsel vm11, $0x0, v23  }
0x27b: {  	s18 =	sor.u32 s18, s19;
	v61 =	vnsel vm12, $0x0, v25;
	v37 =	vnsel vm13, $0x0, v52;
	v25 =	vadd.f32 v60, v30;
	v30 =	vld [tilespmem:s14+$0x8000]  }
0x27c: {  	v24 =	vadd.f32 v24, v29;
	v26 =	vnsel vm15, $0x0, v62;
	v62 =	vld [tilespmem:s18+$0x8000];
	(erf) = vpow2.f32 v54  }
0x27d: {  	v52 =	vld [tilespmem:s18+$0x8100];
	v23 =	vadd.f32 v58, v27;
	v29 =	vnsel vm14, $0x0, v56;
	(erf) = vpow2.f32 v55  }
0x27e: {  	v27 =	vadd.f32 v37, v31;
	v29 =	vadd.f32 v29, v38;
	(erf) = vpow2.f32 v57  }
0x27f: {  	(erf) = vpow2.f32 v22;
	v22 =	vadd.f32 v26, v28;
	v28 =	vmul.f32 $1.442695020e+00, v56  }
0x280: {  	v55 =	vmul.f32 $1.442695020e+00, v30;
	v26 =	vadd.f32 v21, v33;
	(erf) = vpow2.f32 v59  }
0x281: {  	v58 =	vmul.f32 $1.442695020e+00, v62;
	v59 =	vld [tilespmem:s18+$0x8300];
	(erf) = vpow2.f32 v28;
	v28 =	vadd.f32 v61, v34;
	v21 =	vpop (erf)  }
0x282: {  	v53 =	vld [tilespmem:s18+$0x8180];
	v61 =	vmul.f32 $1.442695020e+00, v52;
	v32 =	vadd.f32 v21, v35;
	v21 =	vadd.s32 $0x10, v63;
	v31 =	vpop (erf)  }
0x283: {  	v63 =	vld [tilespmem:s18+$0x8080];
	vm8 =	veq.s32 v21, v12;
	vm9 =	veq.s32 v21, v13;
	v33 =	vadd.f32 v31, v36  }
0x284: {  	v54 =	vld [tilespmem:s18+$0x8200];
	vm10 =	veq.s32 v21, v14;
	vm11 =	veq.s32 v21, v15;
	vm12 =	veq.s32 v21, v16  }
0x285: {  	v31 =	vpop (erf);
	vm13 =	veq.s32 v21, v17;
	vm14 =	veq.s32 v21, v18;
	vm15 =	veq.s32 v21, v19  }
0x286: {  	v38 =	vmul.f32 $1.442695020e+00, v59;
	v37 =	vadd.f32 v31, v39;
	v31 =	vpop (erf);
	v30 =	vnsel vm15, $0x0, v30  }
0x287: {  	v57 =	vld [tilespmem:s18+$0x8280];
	v34 =	vnsel vm10, $0x0, v52;
	v36 =	vnsel vm11, $0x0, v53;
	v41 =	vadd.f32 v31, v40;
	v31 =	vpop (erf)  }
0x288: {  	(erf) = vpow2.f32 v55;
	v42 =	vadd.f32 v31, v42;
	v31 =	vpop (erf);
	v60 =	vmul.f32 $1.442695020e+00, v63  }
0x289: {  	v45 =	vnsel vm12, $0x0, v54;
	(erf) = vpow2.f32 v58;
	v43 =	vadd.f32 v31, v43  }
0x28a: {  	v31 =	vnsel vm8, $0x0, v62;
	v62 =	vmul.f32 $1.442695020e+00, v53;
	(erf) = vpow2.f32 v60  }
0x28b: {  	v35 =	vnsel vm9, $0x0, v63;
	v63 =	vmul.f32 $1.442695020e+00, v54;
	(erf) = vpow2.f32 v61  }
0x28c: {  	v46 =	vnsel vm13, $0x0, v57;
	v40 =	vmul.f32 $1.442695020e+00, v57;
	v56 =	vpop (erf);
	(erf) = vpow2.f32 v62  }
0x28d: {  	s14 =	simm.s32 $0x2;
	v47 =	vnsel vm14, $0x0, v59;
	v44 =	vadd.f32 v56, v44;
	v39 =	vpop (erf);
	(erf) = vpow2.f32 v63  }
.LBB2_21:
0x28e: {  	s18 =	sand.u32 $0x7, s14;
	v22 =	vadd.f32 v30, v22;
	(erf) = vpow2.f32 v40;
	v20 =	vadd.f32 v39, v20  }
0x28f: {  	s9 =	sadd.s32 $0x10, s9;
	v24 =	vadd.f32 v31, v24;
	v23 =	vadd.f32 v35, v23;
	s13 =	sadd.s32 $0x80, s13;
	s18 =	sshll.u32 s18, $0x4;
	(erf) = vpow2.f32 v38  }
0x290: {  	v26 =	vadd.f32 v34, v26;
	v25 =	vadd.f32 v36, v25;
	s19 =	sand.u32 $0x70, s9;
	s23 =	sand.u32 $0x7C00, s13;
	s18 =	sadd.s32 s18, s13  }
0x291: {  	v28 =	vadd.f32 v45, v28;
	v27 =	vadd.f32 v46, v27;
	p0 =	slt.u32 s9, $0xFF0;
	s19 =	sor.u32 s19, s23;
	s18 =	sor.u32 $0x380, s18;
	v30 =	vpop (erf)  }
0x292: {  	v29 =	vadd.f32 v47, v29;
	v21 =	vadd.s32 $0x10, v21;
	v31 =	vld [tilespmem:s18+$0x8000];
	v32 =	vadd.f32 v30, v32;
	v30 =	vpop (erf)  }
0x293: {  	vm14 =	veq.s32 v21, v12;
	vm12 =	veq.s32 v21, v13;
	v34 =	vld [tilespmem:s19+$0x8000];
	v33 =	vadd.f32 v30, v33;
	v30 =	vpop (erf)  }
0x294: {  	vm13 =	veq.s32 v21, v14;
	vm10 =	veq.s32 v21, v15;
	v35 =	vld [tilespmem:s19+$0x8080];
	v37 =	vadd.f32 v30, v37;
	v30 =	vpop (erf)  }
0x295: {  	vm11 =	veq.s32 v21, v16;
	vm8 =	veq.s32 v21, v17;
	v36 =	vld [tilespmem:s19+$0x8100];
	v41 =	vadd.f32 v30, v41;
	v30 =	vpop (erf)  }
0x296: {  	vm9 =	veq.s32 v21, v18;
	vm15 =	veq.s32 v21, v19;
	v38 =	vld [tilespmem:s19+$0x8180];
	v42 =	vadd.f32 v30, v42;
	v39 =	vpop (erf)  }
0x297: {  	v40 =	vld [tilespmem:s19+$0x8200];
	v45 =	vmul.f32 $1.442695020e+00, v31;
	v30 =	vnsel vm15, $0x0, v31;
	v43 =	vadd.f32 v39, v43;
	v39 =	vpop (erf)  }
0x298: {  	v46 =	vld [tilespmem:s19+$0x8280];
	v47 =	vmul.f32 $1.442695020e+00, v34;
	v31 =	vnsel vm14, $0x0, v34;
	v44 =	vadd.f32 v39, v44;
	v39 =	vpop (erf)  }
0x299: {  	v48 =	vld [tilespmem:s19+$0x8300];
	v49 =	vmul.f32 $1.442695020e+00, v35;
	v35 =	vnsel vm12, $0x0, v35;
	(erf) = vpow2.f32 v45  }
.Ltmp9:
0x29a: {  	v50 =	vmul.f32 $1.442695020e+00, v36;
	v34 =	vnsel vm13, $0x0, v36;
	(erf) = vpow2.f32 v47;
	(pc) =	sbr.rel @p0 .LBB2_21-.Ltmp9, $4  }
0x29b: {  	v47 =	vmul.f32 $1.442695020e+00, v38;
	v36 =	vnsel vm10, $0x0, v38;
	(erf) = vpow2.f32 v49  }
0x29c: {  	v49 =	vmul.f32 $1.442695020e+00, v40;
	v45 =	vnsel vm11, $0x0, v40;
	(erf) = vpow2.f32 v50  }
0x29d: {  	v40 =	vmul.f32 $1.442695020e+00, v46;
	v46 =	vnsel vm8, $0x0, v46;
	(erf) = vpow2.f32 v47  }
0x29e: {  	s14 =	sadd.s32 $0x1, s14;
	v38 =	vmul.f32 $1.442695020e+00, v48;
	v47 =	vnsel vm9, $0x0, v48;
	(erf) = vpow2.f32 v49  }
0x29f: {  	(erf) = vpow2.f32 v40  }
0x2a0: {  	(erf) = vpow2.f32 v38;
	_ =	sdelay $0x1  }
0x2a1: {  	v38 =	vadd.f32 v30, v22;
	v22 =	vpop (erf)  }
0x2a2: {  	v20 =	vadd.f32 v39, v20;
	v39 =	vadd.f32 v31, v24;
	v24 =	vpop (erf)  }
0x2a3: {  	v40 =	vadd.f32 v35, v23;
	v23 =	vpop (erf)  }
0x2a4: {  	v35 =	vadd.f32 v34, v26;
	v34 =	vadd.f32 v45, v28;
	s8 =	sadd.s32 $0x1, s8;
	v28 =	vpop (erf)  }
0x2a5: {  	v31 =	vadd.f32 v46, v27;
	p0 =	sne.s32 s8, $0xC;
	v32 =	vadd.f32 v22, v32;
	v22 =	vpop (erf)  }
.Ltmp10:
0x2a6: {  	v30 =	vadd.f32 v36, v25;
	v36 =	vadd.f32 v24, v33;
	v27 =	vpop (erf);
	(pc) =	sbr.rel @p0 .LBB2_18-.Ltmp10, $4  }
0x2a7: {  	v26 =	vadd.f32 v23, v37;
	v24 =	vadd.f32 v28, v41;
	v28 =	vpop (erf)  }
0x2a8: {  	v23 =	vadd.f32 v22, v42;
	v22 =	vadd.f32 v27, v43;
	v27 =	vpop (erf)  }
0x2a9: {  	v20 =	vadd.f32 v27, v20  }
0x2aa: {  	v25 =	vadd.f32 v47, v29;
	v37 =	vadd.s32 $0x10, v21;
	v21 =	vadd.f32 v28, v44  }
0x2ab: {  	_ =	swait.ge [sflag:s30], $0x8000  }
0x2ac: {  	s4 =	simm.s32 $0x0;
	[sflag:s30] =	ssyncset.done $0x0  }
0x2ad: {  	s8 =	rddreg [dreg:$0x8];
	s18 =	sand.u32 $0x7, s4;
	[sflag:s30] =	ssyncadd.s32 $0xFFFF8000  }
0x2ae: {  	[tilespmem:s0], [sflag:$0x3] =	stream.linear.gather [hbm4b:s8+s4], $0x3800, $0x38;
	[tilespmem:$0x13900] =	vst v63  }
0x2af: {  	s9 =	simm.s32 $0x0;
	s8 =	sshll.u32 s18, $0x4;
	_ =	swait.ge [sflag:s28], $0x3800  }
0x2b0: {  	s9 =	sand.u32 $0x70, s9;
	s8 =	sadd.s32 $0x0, s8;
	[sflag:s28] =	ssyncset.done $0x0  }
0x2b1: {  	s4 =	sand.u32 $0x3C00, s4;
	s8 =	sor.u32 $0x380, s8;
	[sflag:s28] =	ssyncadd.s32 $0xFFFFC800  }
0x2b2: {  	s4 =	sor.u32 s9, s4;
	v27 =	vld [tilespmem:s8+$0x10000]  }
0x2b3: {  	v28 =	vld [tilespmem:s4+$0x10000]  }
0x2b4: {  	v29 =	vld [tilespmem:s4+$0x10080]  }
0x2b5: {  	v33 =	vld [tilespmem:s4+$0x10100]  }
0x2b6: {  	v41 =	vld [tilespmem:s4+$0x10180]  }
0x2b7: {  	vm8 =	veq.s32 v37, v12;
	vm9 =	veq.s32 v37, v13;
	vm10 =	veq.s32 v37, v14;
	v42 =	vld [tilespmem:s4+$0x10200]  }
0x2b8: {  	vm11 =	veq.s32 v37, v15;
	vm12 =	veq.s32 v37, v16;
	vm13 =	veq.s32 v37, v17;
	v44 =	vld [tilespmem:s4+$0x10280]  }
0x2b9: {  	vm14 =	veq.s32 v37, v18;
	vm15 =	veq.s32 v37, v19;
	v54 =	vld [tilespmem:s4+$0x10300];
	v43 =	vmul.f32 $1.442695020e+00, v27  }
0x2ba: {  	v45 =	vmul.f32 $1.442695020e+00, v28;
	v46 =	vmul.f32 $1.442695020e+00, v29;
	v27 =	vnsel vm15, $0x0, v27  }
0x2bb: {  	s19 =	simm.s32 $0x1;
	v53 =	vmul.f32 $1.442695020e+00, v33;
	v28 =	vnsel vm8, $0x0, v28;
	v47 =	vmul.f32 $1.442695020e+00, v41  }
0x2bc: {  	s4 =	sand.u32 $0x7, s19;
	v29 =	vnsel vm9, $0x0, v29;
	v55 =	vmul.f32 $1.442695020e+00, v42;
	v56 =	vnsel vm10, $0x0, v33  }
0x2bd: {  	s23 =	sshll.u32 s4, $0x4;
	v57 =	vmul.f32 $1.442695020e+00, v44;
	v41 =	vnsel vm11, $0x0, v41;
	v42 =	vnsel vm12, $0x0, v42  }
0x2be: {  	s8 =	simm.s32 $0x80;
	s4 =	simm.s32 $0x10;
	s9 =	sadd.s32 $0x80, s23;
	v44 =	vnsel vm13, $0x0, v44;
	v58 =	vnsel vm14, $0x0, v54;
	v38 =	vadd.f32 v27, v38  }
0x2bf: {  	s14 =	sand.u32 $0x3C00, s8;
	s13 =	sand.u32 $0x70, s4;
	s9 =	sor.u32 $0x380, s9;
	v27 =	vmul.f32 $1.442695020e+00, v54;
	v39 =	vadd.f32 v28, v39;
	(erf) = vpow2.f32 v43  }
0x2c0: {  	s13 =	sor.u32 s13, s14;
	v59 =	vld [tilespmem:s9+$0x10000];
	v33 =	vadd.f32 v29, v40;
	v35 =	vadd.f32 v56, v35;
	(erf) = vpow2.f32 v45  }
0x2c1: {  	v61 =	vld [tilespmem:s13+$0x10000];
	v28 =	vadd.f32 v41, v30;
	v30 =	vadd.f32 v42, v34;
	(erf) = vpow2.f32 v46  }
0x2c2: {  	v63 =	vld [tilespmem:s13+$0x10080];
	v29 =	vadd.f32 v44, v31;
	v31 =	vadd.s32 $0x10, v37;
	(erf) = vpow2.f32 v53  }
0x2c3: {  	v52 =	vld [tilespmem:s13+$0x10100];
	v25 =	vadd.f32 v58, v25;
	vm8 =	veq.s32 v31, v12;
	(erf) = vpow2.f32 v47  }
0x2c4: {  	v54 =	vld [tilespmem:s13+$0x10180];
	vm9 =	veq.s32 v31, v13;
	vm10 =	veq.s32 v31, v14;
	(erf) = vpow2.f32 v55  }
0x2c5: {  	vm11 =	veq.s32 v31, v15;
	vm12 =	veq.s32 v31, v16;
	(erf) = vpow2.f32 v57  }
0x2c6: {  	v56 =	vld [tilespmem:s13+$0x10200];
	vm13 =	veq.s32 v31, v17;
	vm14 =	veq.s32 v31, v18;
	vm15 =	veq.s32 v31, v19  }
0x2c7: {  	v34 =	vnsel vm15, $0x0, v59;
	v37 =	vnsel vm8, $0x0, v61;
	(erf) = vpow2.f32 v27  }
0x2c8: {  	v48 =	vmul.f32 $1.442695020e+00, v63;
	v44 =	vnsel vm9, $0x0, v63;
	v57 =	vmul.f32 $1.442695020e+00, v59;
	v59 =	vld [tilespmem:s13+$0x10280];
	v27 =	vpop (erf)  }
0x2c9: {  	v41 =	vnsel vm10, $0x0, v52;
	v49 =	vmul.f32 $1.442695020e+00, v54;
	v42 =	vnsel vm11, $0x0, v54;
	v60 =	vpop (erf)  }
0x2ca: {  	v27 =	vadd.f32 v27, v32;
	v32 =	vadd.f32 v60, v36;
	v62 =	vpop (erf);
	v60 =	vmul.f32 $1.442695020e+00, v61  }
0x2cb: {  	v63 =	vmul.f32 $1.442695020e+00, v56;
	v40 =	vnsel vm12, $0x0, v56;
	v61 =	vld [tilespmem:s13+$0x10300];
	v51 =	vpop (erf);
	(erf) = vpow2.f32 v57  }
0x2cc: {  	v26 =	vadd.f32 v62, v26;
	v62 =	vmul.f32 $1.442695020e+00, v52;
	v53 =	vpop (erf);
	(erf) = vpow2.f32 v60  }
0x2cd: {  	v47 =	vmul.f32 $1.442695020e+00, v59;
	v43 =	vnsel vm13, $0x0, v59;
	v55 =	vpop (erf);
	(erf) = vpow2.f32 v48  }
0x2ce: {  	v24 =	vadd.f32 v51, v24;
	v23 =	vadd.f32 v53, v23;
	v58 =	vpop (erf);
	(erf) = vpow2.f32 v62  }
0x2cf: {  	v22 =	vadd.f32 v55, v22;
	v21 =	vadd.f32 v58, v21;
	(erf) = vpow2.f32 v49  }
0x2d0: {  	s9 =	simm.s32 $0x2;
	v45 =	vpop (erf);
	v46 =	vmul.f32 $1.442695020e+00, v61;
	v36 =	vnsel vm14, $0x0, v61;
	(erf) = vpow2.f32 v63  }
.LBB2_24:
0x2d1: {  	s13 =	sand.u32 $0x7, s9;
	v38 =	vadd.f32 v34, v38;
	(erf) = vpow2.f32 v47;
	v20 =	vadd.f32 v45, v20  }
0x2d2: {  	s4 =	sadd.s32 $0x10, s4;
	v39 =	vadd.f32 v37, v39;
	v33 =	vadd.f32 v44, v33;
	s8 =	sadd.s32 $0x80, s8;
	s13 =	sshll.u32 s13, $0x4;
	(erf) = vpow2.f32 v46  }
0x2d3: {  	v35 =	vadd.f32 v41, v35;
	v28 =	vadd.f32 v42, v28;
	s14 =	sand.u32 $0x70, s4;
	s18 =	sand.u32 $0x3C00, s8;
	s13 =	sadd.s32 s13, s8  }
0x2d4: {  	v30 =	vadd.f32 v40, v30;
	v29 =	vadd.f32 v43, v29;
	p0 =	slt.u32 s4, $0x690;
	s14 =	sor.u32 s14, s18;
	s13 =	sor.u32 $0x380, s13;
	v34 =	vpop (erf)  }
0x2d5: {  	v25 =	vadd.f32 v36, v25;
	v31 =	vadd.s32 $0x10, v31;
	v37 =	vld [tilespmem:s13+$0x10000];
	v27 =	vadd.f32 v34, v27;
	v34 =	vpop (erf)  }
0x2d6: {  	vm14 =	veq.s32 v31, v12;
	vm12 =	veq.s32 v31, v13;
	v36 =	vld [tilespmem:s14+$0x10000];
	v32 =	vadd.f32 v34, v32;
	v34 =	vpop (erf)  }
0x2d7: {  	vm13 =	veq.s32 v31, v14;
	vm10 =	veq.s32 v31, v15;
	v40 =	vld [tilespmem:s14+$0x10080];
	v26 =	vadd.f32 v34, v26;
	v34 =	vpop (erf)  }
0x2d8: {  	vm11 =	veq.s32 v31, v16;
	vm8 =	veq.s32 v31, v17;
	v41 =	vld [tilespmem:s14+$0x10100];
	v24 =	vadd.f32 v34, v24;
	v34 =	vpop (erf)  }
0x2d9: {  	vm9 =	veq.s32 v31, v18;
	vm15 =	veq.s32 v31, v19;
	v42 =	vld [tilespmem:s14+$0x10180];
	v23 =	vadd.f32 v34, v23;
	v43 =	vpop (erf)  }
0x2da: {  	v46 =	vld [tilespmem:s14+$0x10200];
	v47 =	vmul.f32 $1.442695020e+00, v37;
	v34 =	vnsel vm15, $0x0, v37;
	v22 =	vadd.f32 v43, v22;
	v43 =	vpop (erf)  }
0x2db: {  	v48 =	vld [tilespmem:s14+$0x10280];
	v49 =	vmul.f32 $1.442695020e+00, v36;
	v37 =	vnsel vm14, $0x0, v36;
	v21 =	vadd.f32 v43, v21;
	v45 =	vpop (erf)  }
0x2dc: {  	v36 =	vld [tilespmem:s14+$0x10300];
	v43 =	vmul.f32 $1.442695020e+00, v40;
	v44 =	vnsel vm12, $0x0, v40;
	(erf) = vpow2.f32 v47  }
.Ltmp11:
0x2dd: {  	v47 =	vmul.f32 $1.442695020e+00, v41;
	v41 =	vnsel vm13, $0x0, v41;
	(erf) = vpow2.f32 v49;
	(pc) =	sbr.rel @p0 .LBB2_24-.Ltmp11, $4  }
0x2de: {  	v49 =	vmul.f32 $1.442695020e+00, v42;
	v42 =	vnsel vm10, $0x0, v42;
	(erf) = vpow2.f32 v43  }
0x2df: {  	v50 =	vmul.f32 $1.442695020e+00, v46;
	v40 =	vnsel vm11, $0x0, v46;
	(erf) = vpow2.f32 v47  }
0x2e0: {  	v47 =	vmul.f32 $1.442695020e+00, v48;
	v43 =	vnsel vm8, $0x0, v48;
	(erf) = vpow2.f32 v49  }
0x2e1: {  	s9 =	sadd.s32 $0x1, s9;
	v46 =	vmul.f32 $1.442695020e+00, v36;
	v36 =	vnsel vm9, $0x0, v36;
	(erf) = vpow2.f32 v50  }
0x2e2: {  	_ =	sdelay $0x2  }
0x2e3: {  	v13 =	vpop (erf)  }
0x2e4: {  	v14 =	vpop (erf)  }
0x2e5: {  	v14 =	vadd.f32 v14, v32  }
0x2e6: {  	v16 =	vadd.f32 v37, v39;
	v15 =	vpop (erf)  }
0x2e7: {  	v17 =	vadd.f32 v44, v33;
	v15 =	vadd.f32 v15, v26;
	v18 =	vperm.xlane v14, v8  }
0x2e8: {  	v19 =	vadd.f32 v45, v20;
	v20 =	vperm.xlane v16, v8  }
0x2e9: {  	v26 =	vperm.xlane v15, v8;
	v14 =	vadd.f32 v18, v14;
	v18 =	vperm.xlane v17, v8  }
0x2ea: {  	v16 =	vadd.f32 v20, v16  }
0x2eb: {  	v15 =	vadd.f32 v26, v15;
	v26 =	vperm.xlane v14, v9;
	v17 =	vadd.f32 v18, v17  }
0x2ec: {  	v12 =	vadd.f32 v34, v38;
	v20 =	vadd.f32 v42, v28;
	(erf) = vpow2.f32 v47  }
0x2ed: {  	v28 =	vperm.xlane v16, v9;
	v14 =	vadd.f32 v26, v14;
	v26 =	vperm.xlane v17, v9  }
0x2ee: {  	v31 =	vadd.f32 v41, v35;
	v18 =	vadd.f32 v40, v30;
	v30 =	vperm.xlane v15, v9  }
0x2ef: {  	v13 =	vadd.f32 v13, v27;
	v16 =	vadd.f32 v28, v16  }
0x2f0: {  	v15 =	vadd.f32 v30, v15;
	v27 =	vperm.xlane v14, v10;
	v17 =	vadd.f32 v26, v17  }
0x2f1: {  	v29 =	vadd.f32 v43, v29;
	(erf) = vpow2.f32 v46;
	v28 =	vperm.xlane v16, v10;
	v26 =	vpop (erf)  }
0x2f2: {  	v30 =	vperm.xlane v15, v10;
	v24 =	vadd.f32 v26, v24;
	v26 =	vperm.xlane v17, v10  }
0x2f3: {  	v25 =	vadd.f32 v36, v25;
	v14 =	vadd.f32 v27, v14  }
0x2f4: {  	v16 =	vadd.f32 v28, v16;
	v15 =	vadd.f32 v30, v15;
	v27 =	vpop (erf)  }
0x2f5: {  	v28 =	vperm.xlane v14, v11;
	v23 =	vadd.f32 v27, v23;
	v27 =	vpop (erf);
	v17 =	vadd.f32 v26, v17  }
0x2f6: {  	v30 =	vperm.xlane v15, v11;
	v22 =	vadd.f32 v27, v22;
	v27 =	vperm.xlane v16, v11;
	v26 =	vpop (erf)  }
0x2f7: {  	v14 =	vadd.f32 v28, v14;
	v21 =	vadd.f32 v26, v21;
	v26 =	vperm.xlane v17, v11  }
0x2f8: {  	v15 =	vadd.f32 v30, v15;
	v16 =	vadd.f32 v27, v16  }
0x2f9: {  	v14 =	vnsel vm7, $0x0, v14;
	v27 =	vperm.xlane v22, v8;
	v17 =	vadd.f32 v26, v17  }
0x2fa: {  	v14 =	vsel vm0, v14, v15;
	v15 =	vperm.xlane v24, v8;
	v16 =	vnsel vm7, $0x0, v16  }
0x2fb: {  	v28 =	vpop (erf);
	v26 =	vperm.xlane v23, v8;
	v16 =	vsel vm0, v16, v17;
	v17 =	vperm.xlane v31, v8  }
0x2fc: {  	v19 =	vadd.f32 v28, v19;
	v15 =	vadd.f32 v15, v24;
	v24 =	vperm.xlane v20, v8  }
0x2fd: {  	v23 =	vadd.f32 v26, v23;
	v26 =	vperm.xlane v18, v8;
	v17 =	vadd.f32 v17, v31  }
0x2fe: {  	v22 =	vadd.f32 v27, v22;
	v28 =	vperm.xlane v15, v9;
	v20 =	vadd.f32 v24, v20  }
0x2ff: {  	v27 =	vperm.xlane v23, v9;
	v18 =	vadd.f32 v26, v18;
	v24 =	vperm.xlane v17, v9  }
0x300: {  	v15 =	vadd.f32 v28, v15;
	v26 =	vperm.xlane v20, v9;
	v28 =	vperm.xlane v22, v9  }
0x301: {  	v23 =	vadd.f32 v27, v23;
	v17 =	vadd.f32 v24, v17;
	v24 =	vperm.xlane v18, v9  }
0x302: {  	v27 =	vperm.xlane v15, v10;
	v20 =	vadd.f32 v26, v20;
	v22 =	vadd.f32 v28, v22  }
0x303: {  	v28 =	vperm.xlane v23, v10;
	v26 =	vperm.xlane v17, v10;
	v18 =	vadd.f32 v24, v18  }
0x304: {  	v15 =	vadd.f32 v27, v15;
	v27 =	vperm.xlane v22, v10;
	v24 =	vperm.xlane v20, v10  }
0x305: {  	v23 =	vadd.f32 v28, v23;
	v17 =	vadd.f32 v26, v17;
	v26 =	vperm.xlane v18, v10  }
0x306: {  	v28 =	vperm.xlane v15, v11;
	v22 =	vadd.f32 v27, v22;
	v20 =	vadd.f32 v24, v20  }
0x307: {  	v27 =	vperm.xlane v23, v11;
	v24 =	vperm.xlane v17, v11;
	v18 =	vadd.f32 v26, v18  }
0x308: {  	v15 =	vadd.f32 v28, v15;
	v28 =	vperm.xlane v22, v11;
	v26 =	vperm.xlane v20, v11  }
0x309: {  	v23 =	vadd.f32 v27, v23;
	v17 =	vadd.f32 v24, v17;
	v24 =	vperm.xlane v18, v11  }
0x30a: {  	v14 =	vsel vm1, v14, v15;
	v15 =	vadd.f32 v26, v20;
	v20 =	vadd.f32 v28, v22  }
0x30b: {  	v14 =	vsel vm2, v14, v23;
	v16 =	vsel vm1, v16, v17;
	v17 =	vadd.f32 v24, v18  }
0x30c: {  	v14 =	vsel vm3, v14, v20;
	v15 =	vsel vm2, v16, v15;
	v16 =	vperm.xlane v21, v8  }
0x30d: {  	v18 =	vperm.xlane v19, v8;
	v15 =	vsel vm3, v15, v17;
	v17 =	vperm.xlane v29, v8  }
0x30e: {  	v20 =	vperm.xlane v25, v8;
	v16 =	vadd.f32 v16, v21;
	v21 =	vperm.xlane v13, v8  }
0x30f: {  	v18 =	vadd.f32 v18, v19;
	v19 =	vperm.xlane v12, v8;
	v17 =	vadd.f32 v17, v29  }
0x310: {  	v20 =	vadd.f32 v20, v25;
	v22 =	vperm.xlane v16, v9;
	v13 =	vadd.f32 v21, v13  }
0x311: {  	v23 =	vperm.xlane v18, v9;
	v12 =	vadd.f32 v19, v12;
	v21 =	vperm.xlane v17, v9  }
0x312: {  	v19 =	vperm.xlane v20, v9;
	v16 =	vadd.f32 v22, v16;
	v22 =	vperm.xlane v13, v9  }
0x313: {  	v18 =	vadd.f32 v23, v18;
	v17 =	vadd.f32 v21, v17;
	v21 =	vperm.xlane v12, v9  }
0x314: {  	v19 =	vadd.f32 v19, v20;
	v23 =	vperm.xlane v16, v10;
	v13 =	vadd.f32 v22, v13  }
0x315: {  	v22 =	vperm.xlane v18, v10;
	v20 =	vperm.xlane v17, v10;
	v12 =	vadd.f32 v21, v12  }
0x316: {  	v21 =	vperm.xlane v19, v10;
	v16 =	vadd.f32 v23, v16;
	v23 =	vperm.xlane v13, v10  }
0x317: {  	v18 =	vadd.f32 v22, v18;
	v17 =	vadd.f32 v20, v17;
	v20 =	vperm.xlane v12, v10  }
0x318: {  	v19 =	vadd.f32 v21, v19;
	v22 =	vperm.xlane v16, v11;
	v13 =	vadd.f32 v23, v13  }
0x319: {  	v23 =	vperm.xlane v18, v11;
	v21 =	vperm.xlane v17, v11;
	v12 =	vadd.f32 v20, v12  }
0x31a: {  	v20 =	vperm.xlane v19, v11;
	v16 =	vadd.f32 v22, v16;
	v22 =	vperm.xlane v13, v11  }
0x31b: {  	v18 =	vadd.f32 v23, v18;
	v17 =	vadd.f32 v21, v17;
	v21 =	vperm.xlane v12, v11  }
0x31c: {  	v14 =	vsel vm4, v14, v16;
	v16 =	vadd.f32 v20, v19;
	v13 =	vadd.f32 v22, v13  }
0x31d: {  	v15 =	vsel vm4, v15, v17;
	v14 =	vsel vm5, v14, v18;
	v12 =	vadd.f32 v21, v12  }
0x31e: {  	v15 =	vsel vm5, v15, v16;
	v13 =	vsel vm6, v14, v13  }
0x31f: {  	v12 =	vsel vm6, v15, v12;
	[tilespmem:$0x138A0] =	vst v13  }
0x320: {  	s4 =	simm.s32 $0x0;
	s8 =	rddreg [dreg:$0x9];
	[tilespmem:$0x138E0] =	vst v12  }
0x321: {  	[tilespmem:s26], [sflag:$0x3] =	stream.linear.gather [hbm4b:s8+s4], $0x8, $0x38;
	[tilespmem:$0x13900] =	vst v63  }
0x322: {  	_ =	swait.ge [sflag:s28], $0x8  }
0x323: {  	[sflag:s28] =	ssyncset.done $0x0  }
0x324: {  	[sflag:s28] =	ssyncadd.s32 $0xFFFFFFF8  }
0x325: {  	v37 =	vlaneseq.u32;
	v19 =	vld [tilespmem:$0x13800]  }
0x326: {  	v38 =	vimm.f32 $0.0e+00;
	v34 =	vimm.f32 $0.0e+00;
	v35 =	vimm.f32 $0.0e+00  }
0x327: {  	v39 =	vimm.f32 $0.0e+00;
	v36 =	vimm.f32 $0.0e+00;
	v32 =	vimm.f32 $0.0e+00  }
0x328: {  	v40 =	vimm.f32 $0.0e+00;
	v30 =	vimm.f32 $0.0e+00;
	v31 =	vimm.f32 $0.0e+00  }
0x329: {  	v26 =	vimm.f32 $0.0e+00;
	v24 =	vimm.f32 $0.0e+00;
	v25 =	vimm.f32 $0.0e+00  }
0x32a: {  	v23 =	vimm.f32 $0.0e+00;
	v12 =	vperm.xlane v19, v0;
	v13 =	vperm.xlane v19, v1  }
0x32b: {  	v20 =	vimm.f32 $0.0e+00;
	v14 =	vperm.xlane v19, v2;
	v15 =	vperm.xlane v19, v3  }
0x32c: {  	v22 =	vimm.f32 $0.0e+00;
	s8 =	simm.s32 $0x0;
	v16 =	vperm.xlane v19, v4;
	v17 =	vperm.xlane v19, v5  }
0x32d: {  	v21 =	vimm.f32 $0.0e+00;
	[tilespmem:s4], [sflag:$0x1] =	stream.linear.gather [hbm4b:s20+s4], $0x8000, $0x38;
	v18 =	vperm.xlane v19, v6;
	v19 =	vperm.xlane v19, v7;
	[tilespmem:$0x13900] =	vst v63  }
.LBB2_26:
0x32e: {  	s9 =	sshll.u32 s8, $0x10  }
0x32f: {  	s9 =	sadd.s32 s9, s21  }
0x330: {  	s9 =	sshrl.u32 s9, $0x3  }
0x331: {  	s18 =	sand.u32 $0x7, s4;
	s9 =	sadd.s32 s3, s9  }
0x332: {  	[tilespmem:s29], [sflag:$0x2] =	stream.linear.gather [hbm4b:s9+s4], $0x8000, $0x38;
	[tilespmem:$0x13900] =	vst v63  }
0x333: {  	s13 =	simm.s32 $0x0;
	s9 =	sshll.u32 s18, $0x4;
	_ =	swait.ge [sflag:s30], $0x8000  }
0x334: {  	s14 =	sand.u32 $0x7C00, s4;
	s9 =	sadd.s32 $0x0, s9;
	[sflag:s30] =	ssyncset.done $0x0  }
0x335: {  	s13 =	sand.u32 $0x70, s13;
	s9 =	sor.u32 $0x380, s9;
	[sflag:s30] =	ssyncadd.s32 $0xFFFF8000  }
0x336: {  	s13 =	sor.u32 s13, s14;
	v27 =	vld [tilespmem:s9+$0x0]  }
0x337: {  	v28 =	vld [tilespmem:s13+$0x0]  }
0x338: {  	v29 =	vld [tilespmem:s13+$0x80]  }
0x339: {  	v33 =	vld [tilespmem:s13+$0x100]  }
0x33a: {  	vm8 =	veq.s32 v37, v12;
	vm9 =	veq.s32 v37, v13;
	vm10 =	veq.s32 v37, v14;
	v41 =	vld [tilespmem:s13+$0x180]  }
0x33b: {  	vm11 =	veq.s32 v37, v15;
	vm12 =	veq.s32 v37, v16;
	v42 =	vld [tilespmem:s13+$0x200];
	v43 =	vmul.f32 $1.442695020e+00, v27  }
0x33c: {  	vm13 =	veq.s32 v37, v17;
	s19 =	simm.s32 $0x1;
	vm14 =	veq.s32 v37, v18;
	v44 =	vld [tilespmem:s13+$0x280];
	v45 =	vmul.f32 $1.442695020e+00, v28  }
0x33d: {  	vm15 =	veq.s32 v37, v19;
	s9 =	sand.u32 $0x7, s19;
	v46 =	vmul.f32 $1.442695020e+00, v29;
	(erf) = vpow2.f32 v43  }
0x33e: {  	v47 =	vld [tilespmem:s13+$0x300];
	s13 =	simm.s32 $0x80;
	s23 =	sshll.u32 s9, $0x4;
	s9 =	simm.s32 $0x10;
	v27 =	vnsel vm15, $0x0, v27;
	v52 =	vmul.f32 $1.442695020e+00, v33;
	v53 =	vnsel vm8, $0x0, v28  }
0x33f: {  	s19 =	sand.u32 $0x7C00, s13;
	s18 =	sand.u32 $0x70, s9;
	v28 =	vmul.f32 $1.442695020e+00, v41;
	v54 =	vnsel vm9, $0x0, v29;
	(erf) = vpow2.f32 v45  }
0x340: {  	s18 =	sor.u32 s18, s19;
	v29 =	vmul.f32 $1.442695020e+00, v42;
	v33 =	vnsel vm10, $0x0, v33;
	(erf) = vpow2.f32 v46  }
0x341: {  	s14 =	sadd.s32 $0x80, s23;
	v63 =	vld [tilespmem:s18+$0x80];
	v55 =	vmul.f32 $1.442695020e+00, v44;
	v41 =	vnsel vm11, $0x0, v41;
	(erf) = vpow2.f32 v52  }
0x342: {  	s14 =	sor.u32 $0x380, s14;
	(erf) = vpow2.f32 v28;
	v28 =	vadd.f32 v27, v38;
	v27 =	vadd.f32 v54, v40;
	v54 =	vld [tilespmem:s18+$0x180]  }
0x343: {  	v59 =	vld [tilespmem:s14+$0x0];
	v42 =	vnsel vm12, $0x0, v42;
	v44 =	vnsel vm13, $0x0, v44;
	v56 =	vmul.f32 $1.442695020e+00, v47  }
0x344: {  	v57 =	vnsel vm14, $0x0, v47;
	v33 =	vadd.f32 v33, v35;
	v30 =	vadd.f32 v41, v30  }
0x345: {  	v34 =	vadd.f32 v42, v34;
	v31 =	vadd.f32 v44, v31;
	(erf) = vpow2.f32 v29  }
0x346: {  	v48 =	vmul.f32 $1.442695020e+00, v63;
	v29 =	vadd.f32 v53, v39;
	(erf) = vpow2.f32 v55;
	v58 =	vpop (erf)  }
0x347: {  	v61 =	vld [tilespmem:s18+$0x0];
	(erf) = vpow2.f32 v56;
	v49 =	vmul.f32 $1.442695020e+00, v54;
	v35 =	vadd.f32 v58, v32  }
0x348: {  	v32 =	vadd.f32 v57, v25;
	v25 =	vadd.s32 $0x10, v37;
	v60 =	vpop (erf);
	v57 =	vmul.f32 $1.442695020e+00, v59  }
0x349: {  	v52 =	vld [tilespmem:s18+$0x100];
	vm8 =	veq.s32 v25, v12;
	vm9 =	veq.s32 v25, v13;
	v36 =	vadd.f32 v60, v36  }
0x34a: {  	v56 =	vld [tilespmem:s18+$0x200];
	vm10 =	veq.s32 v25, v14;
	vm11 =	veq.s32 v25, v15;
	vm12 =	veq.s32 v25, v16  }
0x34b: {  	v62 =	vpop (erf);
	vm13 =	veq.s32 v25, v17;
	vm14 =	veq.s32 v25, v18;
	vm15 =	veq.s32 v25, v19  }
0x34c: {  	v60 =	vmul.f32 $1.442695020e+00, v61;
	v26 =	vadd.f32 v62, v26;
	v37 =	vnsel vm15, $0x0, v59  }
0x34d: {  	v51 =	vpop (erf);
	v59 =	vld [tilespmem:s18+$0x280];
	v38 =	vnsel vm8, $0x0, v61;
	v40 =	vnsel vm9, $0x0, v63;
	(erf) = vpow2.f32 v57  }
0x34e: {  	v61 =	vld [tilespmem:s18+$0x300];
	v62 =	vmul.f32 $1.442695020e+00, v52;
	v39 =	vnsel vm10, $0x0, v52;
	v41 =	vnsel vm11, $0x0, v54;
	v53 =	vpop (erf)  }
0x34f: {  	v63 =	vmul.f32 $1.442695020e+00, v56;
	v42 =	vnsel vm12, $0x0, v56;
	(erf) = vpow2.f32 v60;
	v55 =	vpop (erf)  }
0x350: {  	v24 =	vadd.f32 v51, v24;
	v23 =	vadd.f32 v53, v23;
	(erf) = vpow2.f32 v48;
	v58 =	vpop (erf)  }
0x351: {  	v22 =	vadd.f32 v55, v22;
	(erf) = vpow2.f32 v62;
	v21 =	vadd.f32 v58, v21  }
0x352: {  	(erf) = vpow2.f32 v49;
	v47 =	vmul.f32 $1.442695020e+00, v59;
	v44 =	vnsel vm13, $0x0, v59  }
0x353: {  	s14 =	simm.s32 $0x2;
	v45 =	vpop (erf);
	v46 =	vmul.f32 $1.442695020e+00, v61;
	v43 =	vnsel vm14, $0x0, v61;
	(erf) = vpow2.f32 v63  }
.LBB2_27:
0x354: {  	s18 =	sand.u32 $0x7, s14;
	v28 =	vadd.f32 v37, v28;
	(erf) = vpow2.f32 v47;
	v20 =	vadd.f32 v45, v20  }
0x355: {  	s9 =	sadd.s32 $0x10, s9;
	v29 =	vadd.f32 v38, v29;
	v27 =	vadd.f32 v40, v27;
	s13 =	sadd.s32 $0x80, s13;
	s18 =	sshll.u32 s18, $0x4;
	(erf) = vpow2.f32 v46  }
0x356: {  	v33 =	vadd.f32 v39, v33;
	v30 =	vadd.f32 v41, v30;
	s19 =	sand.u32 $0x70, s9;
	s23 =	sand.u32 $0x7C00, s13;
	s18 =	sadd.s32 s18, s13  }
0x357: {  	v34 =	vadd.f32 v42, v34;
	v31 =	vadd.f32 v44, v31;
	p0 =	slt.u32 s9, $0xFF0;
	s19 =	sor.u32 s19, s23;
	s18 =	sor.u32 $0x380, s18;
	v37 =	vpop (erf)  }
0x358: {  	v32 =	vadd.f32 v43, v32;
	v25 =	vadd.s32 $0x10, v25;
	v38 =	vld [tilespmem:s18+$0x0];
	v35 =	vadd.f32 v37, v35;
	v37 =	vpop (erf)  }
0x359: {  	vm14 =	veq.s32 v25, v12;
	vm12 =	veq.s32 v25, v13;
	v39 =	vld [tilespmem:s19+$0x0];
	v36 =	vadd.f32 v37, v36;
	v37 =	vpop (erf)  }
0x35a: {  	vm13 =	veq.s32 v25, v14;
	vm10 =	veq.s32 v25, v15;
	v40 =	vld [tilespmem:s19+$0x80];
	v26 =	vadd.f32 v37, v26;
	v37 =	vpop (erf)  }
0x35b: {  	vm11 =	veq.s32 v25, v16;
	vm8 =	veq.s32 v25, v17;
	v41 =	vld [tilespmem:s19+$0x100];
	v24 =	vadd.f32 v37, v24;
	v37 =	vpop (erf)  }
0x35c: {  	vm9 =	veq.s32 v25, v18;
	vm15 =	veq.s32 v25, v19;
	v42 =	vld [tilespmem:s19+$0x180];
	v23 =	vadd.f32 v37, v23;
	v43 =	vpop (erf)  }
0x35d: {  	v44 =	vld [tilespmem:s19+$0x200];
	v46 =	vmul.f32 $1.442695020e+00, v38;
	v37 =	vnsel vm15, $0x0, v38;
	v22 =	vadd.f32 v43, v22;
	v43 =	vpop (erf)  }
0x35e: {  	v48 =	vld [tilespmem:s19+$0x280];
	v47 =	vmul.f32 $1.442695020e+00, v39;
	v38 =	vnsel vm14, $0x0, v39;
	v21 =	vadd.f32 v43, v21;
	v45 =	vpop (erf)  }
0x35f: {  	v43 =	vld [tilespmem:s19+$0x300];
	v49 =	vmul.f32 $1.442695020e+00, v40;
	v40 =	vnsel vm12, $0x0, v40;
	(erf) = vpow2.f32 v46  }
.Ltmp12:
0x360: {  	v46 =	vmul.f32 $1.442695020e+00, v41;
	v39 =	vnsel vm13, $0x0, v41;
	(erf) = vpow2.f32 v47;
	(pc) =	sbr.rel @p0 .LBB2_27-.Ltmp12, $4  }
0x361: {  	v50 =	vmul.f32 $1.442695020e+00, v42;
	v41 =	vnsel vm10, $0x0, v42;
	(erf) = vpow2.f32 v49  }
0x362: {  	v49 =	vmul.f32 $1.442695020e+00, v44;
	v42 =	vnsel vm11, $0x0, v44;
	(erf) = vpow2.f32 v46  }
0x363: {  	v47 =	vmul.f32 $1.442695020e+00, v48;
	v44 =	vnsel vm8, $0x0, v48;
	(erf) = vpow2.f32 v50  }
0x364: {  	s14 =	sadd.s32 $0x1, s14;
	v46 =	vmul.f32 $1.442695020e+00, v43;
	v43 =	vnsel vm9, $0x0, v43;
	(erf) = vpow2.f32 v49  }
0x365: {  	(erf) = vpow2.f32 v47  }
0x366: {  	(erf) = vpow2.f32 v46;
	_ =	sdelay $0x1  }
0x367: {  	v59 =	vpop (erf)  }
0x368: {  	s9 =	sshll.u32 s8, $0x1;
	v60 =	vpop (erf)  }
0x369: {  	s9 =	smin.u32 s9, $0x15;
	v48 =	vpop (erf)  }
0x36a: {  	s9 =	sshll.u32 s9, $0xF;
	v49 =	vpop (erf)  }
0x36b: {  	s9 =	sadd.s32 s9, s22;
	v50 =	vpop (erf)  }
0x36c: {  	s13 =	simm.s32 $0x0;
	s9 =	sshrl.u32 s9, $0x3;
	v51 =	vpop (erf)  }
0x36d: {  	s18 =	sand.u32 $0x7, s13;
	s9 =	sadd.s32 s3, s9;
	v52 =	vpop (erf)  }
0x36e: {  	[tilespmem:s13], [sflag:$0x1] =	stream.linear.gather [hbm4b:s9+s13], $0x8000, $0x38;
	v61 =	vpop (erf);
	[tilespmem:$0x13900] =	vst v63  }
0x36f: {  	v28 =	vadd.f32 v37, v28;
	s14 =	simm.s32 $0x0;
	s9 =	sshll.u32 s18, $0x4;
	_ =	swait.ge [sflag:s31], $0x8000  }
0x370: {  	v20 =	vadd.f32 v45, v20;
	v29 =	vadd.f32 v38, v29;
	s14 =	sand.u32 $0x70, s14;
	s9 =	sadd.s32 $0x0, s9;
	[sflag:s31] =	ssyncset.done $0x0  }
0x371: {  	v27 =	vadd.f32 v40, v27;
	v33 =	vadd.f32 v39, v33;
	s13 =	sand.u32 $0x7C00, s13;
	s9 =	sor.u32 $0x380, s9;
	[sflag:s31] =	ssyncadd.s32 $0xFFFF8000  }
0x372: {  	v30 =	vadd.f32 v41, v30;
	v34 =	vadd.f32 v42, v34;
	s13 =	sor.u32 s14, s13;
	v62 =	vld [tilespmem:s9+$0x8000]  }
0x373: {  	v31 =	vadd.f32 v44, v31;
	v40 =	vadd.f32 v49, v24;
	v24 =	vld [tilespmem:s13+$0x8000]  }
0x374: {  	v38 =	vadd.f32 v43, v32;
	v63 =	vadd.s32 $0x10, v25;
	v43 =	vadd.f32 v51, v22;
	v22 =	vld [tilespmem:s13+$0x8080]  }
0x375: {  	vm8 =	veq.s32 v63, v12;
	vm9 =	veq.s32 v63, v13;
	v44 =	vadd.f32 v52, v21;
	v21 =	vld [tilespmem:s13+$0x8100]  }
0x376: {  	vm10 =	veq.s32 v63, v14;
	vm11 =	veq.s32 v63, v15;
	v42 =	vadd.f32 v50, v23;
	v23 =	vld [tilespmem:s13+$0x8180]  }
0x377: {  	vm12 =	veq.s32 v63, v16;
	vm13 =	veq.s32 v63, v17;
	vm14 =	veq.s32 v63, v18;
	v25 =	vld [tilespmem:s13+$0x8200]  }
0x378: {  	vm15 =	veq.s32 v63, v19;
	v35 =	vadd.f32 v59, v35;
	v36 =	vadd.f32 v60, v36;
	v52 =	vld [tilespmem:s13+$0x8280]  }
0x379: {  	s19 =	simm.s32 $0x1;
	v39 =	vadd.f32 v48, v26;
	v26 =	vmul.f32 $1.442695020e+00, v62;
	v53 =	vmul.f32 $1.442695020e+00, v24  }
0x37a: {  	v20 =	vadd.f32 v61, v20;
	s9 =	sand.u32 $0x7, s19;
	v54 =	vmul.f32 $1.442695020e+00, v22;
	v55 =	vmul.f32 $1.442695020e+00, v21  }
0x37b: {  	v56 =	vld [tilespmem:s13+$0x8300];
	s23 =	sshll.u32 s9, $0x4;
	v24 =	vnsel vm8, $0x0, v24;
	v57 =	vmul.f32 $1.442695020e+00, v23;
	(erf) = vpow2.f32 v26  }
0x37c: {  	s13 =	simm.s32 $0x80;
	s9 =	simm.s32 $0x10;
	s14 =	sadd.s32 $0x80, s23;
	v58 =	vnsel vm9, $0x0, v22;
	v22 =	vmul.f32 $1.442695020e+00, v25;
	(erf) = vpow2.f32 v53  }
0x37d: {  	s19 =	sand.u32 $0x7C00, s13;
	s18 =	sand.u32 $0x70, s9;
	s14 =	sor.u32 $0x380, s14;
	v21 =	vnsel vm10, $0x0, v21;
	v59 =	vmul.f32 $1.442695020e+00, v52;
	v60 =	vnsel vm11, $0x0, v23  }
0x37e: {  	s18 =	sor.u32 s18, s19;
	v61 =	vnsel vm12, $0x0, v25;
	v37 =	vnsel vm13, $0x0, v52;
	v25 =	vadd.f32 v60, v30;
	v30 =	vld [tilespmem:s14+$0x8000]  }
0x37f: {  	v24 =	vadd.f32 v24, v29;
	v26 =	vnsel vm15, $0x0, v62;
	v62 =	vld [tilespmem:s18+$0x8000];
	(erf) = vpow2.f32 v54  }
0x380: {  	v52 =	vld [tilespmem:s18+$0x8100];
	v23 =	vadd.f32 v58, v27;
	v29 =	vnsel vm14, $0x0, v56;
	(erf) = vpow2.f32 v55  }
0x381: {  	v27 =	vadd.f32 v37, v31;
	v29 =	vadd.f32 v29, v38;
	(erf) = vpow2.f32 v57  }
0x382: {  	(erf) = vpow2.f32 v22;
	v22 =	vadd.f32 v26, v28;
	v28 =	vmul.f32 $1.442695020e+00, v56  }
0x383: {  	v55 =	vmul.f32 $1.442695020e+00, v30;
	v26 =	vadd.f32 v21, v33;
	(erf) = vpow2.f32 v59  }
0x384: {  	v58 =	vmul.f32 $1.442695020e+00, v62;
	v59 =	vld [tilespmem:s18+$0x8300];
	(erf) = vpow2.f32 v28;
	v28 =	vadd.f32 v61, v34;
	v21 =	vpop (erf)  }
0x385: {  	v53 =	vld [tilespmem:s18+$0x8180];
	v61 =	vmul.f32 $1.442695020e+00, v52;
	v32 =	vadd.f32 v21, v35;
	v21 =	vadd.s32 $0x10, v63;
	v31 =	vpop (erf)  }
0x386: {  	v63 =	vld [tilespmem:s18+$0x8080];
	vm8 =	veq.s32 v21, v12;
	vm9 =	veq.s32 v21, v13;
	v33 =	vadd.f32 v31, v36  }
0x387: {  	v54 =	vld [tilespmem:s18+$0x8200];
	vm10 =	veq.s32 v21, v14;
	vm11 =	veq.s32 v21, v15;
	vm12 =	veq.s32 v21, v16  }
0x388: {  	v31 =	vpop (erf);
	vm13 =	veq.s32 v21, v17;
	vm14 =	veq.s32 v21, v18;
	vm15 =	veq.s32 v21, v19  }
0x389: {  	v38 =	vmul.f32 $1.442695020e+00, v59;
	v37 =	vadd.f32 v31, v39;
	v31 =	vpop (erf);
	v30 =	vnsel vm15, $0x0, v30  }
0x38a: {  	v57 =	vld [tilespmem:s18+$0x8280];
	v34 =	vnsel vm10, $0x0, v52;
	v36 =	vnsel vm11, $0x0, v53;
	v41 =	vadd.f32 v31, v40;
	v31 =	vpop (erf)  }
0x38b: {  	(erf) = vpow2.f32 v55;
	v42 =	vadd.f32 v31, v42;
	v31 =	vpop (erf);
	v60 =	vmul.f32 $1.442695020e+00, v63  }
0x38c: {  	v45 =	vnsel vm12, $0x0, v54;
	(erf) = vpow2.f32 v58;
	v43 =	vadd.f32 v31, v43  }
0x38d: {  	v31 =	vnsel vm8, $0x0, v62;
	v62 =	vmul.f32 $1.442695020e+00, v53;
	(erf) = vpow2.f32 v60  }
0x38e: {  	v35 =	vnsel vm9, $0x0, v63;
	v63 =	vmul.f32 $1.442695020e+00, v54;
	(erf) = vpow2.f32 v61  }
0x38f: {  	v46 =	vnsel vm13, $0x0, v57;
	v40 =	vmul.f32 $1.442695020e+00, v57;
	v56 =	vpop (erf);
	(erf) = vpow2.f32 v62  }
0x390: {  	s14 =	simm.s32 $0x2;
	v47 =	vnsel vm14, $0x0, v59;
	v44 =	vadd.f32 v56, v44;
	v39 =	vpop (erf);
	(erf) = vpow2.f32 v63  }
.LBB2_29:
0x391: {  	s18 =	sand.u32 $0x7, s14;
	v22 =	vadd.f32 v30, v22;
	(erf) = vpow2.f32 v40;
	v20 =	vadd.f32 v39, v20  }
0x392: {  	s9 =	sadd.s32 $0x10, s9;
	v24 =	vadd.f32 v31, v24;
	v23 =	vadd.f32 v35, v23;
	s13 =	sadd.s32 $0x80, s13;
	s18 =	sshll.u32 s18, $0x4;
	(erf) = vpow2.f32 v38  }
0x393: {  	v26 =	vadd.f32 v34, v26;
	v25 =	vadd.f32 v36, v25;
	s19 =	sand.u32 $0x70, s9;
	s23 =	sand.u32 $0x7C00, s13;
	s18 =	sadd.s32 s18, s13  }
0x394: {  	v28 =	vadd.f32 v45, v28;
	v27 =	vadd.f32 v46, v27;
	p0 =	slt.u32 s9, $0xFF0;
	s19 =	sor.u32 s19, s23;
	s18 =	sor.u32 $0x380, s18;
	v30 =	vpop (erf)  }
0x395: {  	v29 =	vadd.f32 v47, v29;
	v21 =	vadd.s32 $0x10, v21;
	v31 =	vld [tilespmem:s18+$0x8000];
	v32 =	vadd.f32 v30, v32;
	v30 =	vpop (erf)  }
0x396: {  	vm14 =	veq.s32 v21, v12;
	vm12 =	veq.s32 v21, v13;
	v34 =	vld [tilespmem:s19+$0x8000];
	v33 =	vadd.f32 v30, v33;
	v30 =	vpop (erf)  }
0x397: {  	vm13 =	veq.s32 v21, v14;
	vm10 =	veq.s32 v21, v15;
	v35 =	vld [tilespmem:s19+$0x8080];
	v37 =	vadd.f32 v30, v37;
	v30 =	vpop (erf)  }
0x398: {  	vm11 =	veq.s32 v21, v16;
	vm8 =	veq.s32 v21, v17;
	v36 =	vld [tilespmem:s19+$0x8100];
	v41 =	vadd.f32 v30, v41;
	v30 =	vpop (erf)  }
0x399: {  	vm9 =	veq.s32 v21, v18;
	vm15 =	veq.s32 v21, v19;
	v38 =	vld [tilespmem:s19+$0x8180];
	v42 =	vadd.f32 v30, v42;
	v39 =	vpop (erf)  }
0x39a: {  	v40 =	vld [tilespmem:s19+$0x8200];
	v45 =	vmul.f32 $1.442695020e+00, v31;
	v30 =	vnsel vm15, $0x0, v31;
	v43 =	vadd.f32 v39, v43;
	v39 =	vpop (erf)  }
0x39b: {  	v46 =	vld [tilespmem:s19+$0x8280];
	v47 =	vmul.f32 $1.442695020e+00, v34;
	v31 =	vnsel vm14, $0x0, v34;
	v44 =	vadd.f32 v39, v44;
	v39 =	vpop (erf)  }
0x39c: {  	v48 =	vld [tilespmem:s19+$0x8300];
	v49 =	vmul.f32 $1.442695020e+00, v35;
	v35 =	vnsel vm12, $0x0, v35;
	(erf) = vpow2.f32 v45  }
.Ltmp13:
0x39d: {  	v50 =	vmul.f32 $1.442695020e+00, v36;
	v34 =	vnsel vm13, $0x0, v36;
	(erf) = vpow2.f32 v47;
	(pc) =	sbr.rel @p0 .LBB2_29-.Ltmp13, $4  }
0x39e: {  	v47 =	vmul.f32 $1.442695020e+00, v38;
	v36 =	vnsel vm10, $0x0, v38;
	(erf) = vpow2.f32 v49  }
0x39f: {  	v49 =	vmul.f32 $1.442695020e+00, v40;
	v45 =	vnsel vm11, $0x0, v40;
	(erf) = vpow2.f32 v50  }
0x3a0: {  	v40 =	vmul.f32 $1.442695020e+00, v46;
	v46 =	vnsel vm8, $0x0, v46;
	(erf) = vpow2.f32 v47  }
0x3a1: {  	s14 =	sadd.s32 $0x1, s14;
	v38 =	vmul.f32 $1.442695020e+00, v48;
	v47 =	vnsel vm9, $0x0, v48;
	(erf) = vpow2.f32 v49  }
0x3a2: {  	(erf) = vpow2.f32 v40  }
0x3a3: {  	(erf) = vpow2.f32 v38;
	_ =	sdelay $0x1  }
0x3a4: {  	v38 =	vadd.f32 v30, v22;
	v22 =	vpop (erf)  }
0x3a5: {  	v20 =	vadd.f32 v39, v20;
	v39 =	vadd.f32 v31, v24;
	v24 =	vpop (erf)  }
0x3a6: {  	v40 =	vadd.f32 v35, v23;
	v23 =	vpop (erf)  }
0x3a7: {  	v35 =	vadd.f32 v34, v26;
	v34 =	vadd.f32 v45, v28;
	s8 =	sadd.s32 $0x1, s8;
	v28 =	vpop (erf)  }
0x3a8: {  	v31 =	vadd.f32 v46, v27;
	p0 =	sne.s32 s8, $0xC;
	v32 =	vadd.f32 v22, v32;
	v22 =	vpop (erf)  }
.Ltmp14:
0x3a9: {  	v30 =	vadd.f32 v36, v25;
	v36 =	vadd.f32 v24, v33;
	v27 =	vpop (erf);
	(pc) =	sbr.rel @p0 .LBB2_26-.Ltmp14, $4  }
0x3aa: {  	v26 =	vadd.f32 v23, v37;
	v24 =	vadd.f32 v28, v41;
	v28 =	vpop (erf)  }
0x3ab: {  	v23 =	vadd.f32 v22, v42;
	v22 =	vadd.f32 v27, v43;
	v27 =	vpop (erf)  }
0x3ac: {  	v20 =	vadd.f32 v27, v20  }
0x3ad: {  	v25 =	vadd.f32 v47, v29;
	v37 =	vadd.s32 $0x10, v21;
	v21 =	vadd.f32 v28, v44  }
0x3ae: {  	_ =	swait.ge [sflag:s30], $0x8000  }
0x3af: {  	s4 =	simm.s32 $0x0;
	[sflag:s30] =	ssyncset.done $0x0  }
0x3b0: {  	s8 =	rddreg [dreg:$0xa];
	s18 =	sand.u32 $0x7, s4;
	[sflag:s30] =	ssyncadd.s32 $0xFFFF8000  }
0x3b1: {  	[tilespmem:s0], [sflag:$0x3] =	stream.linear.gather [hbm4b:s8+s4], $0x3800, $0x38;
	[tilespmem:$0x13900] =	vst v63  }
0x3b2: {  	s9 =	simm.s32 $0x0;
	s8 =	sshll.u32 s18, $0x4;
	_ =	swait.ge [sflag:s28], $0x3800  }
0x3b3: {  	s9 =	sand.u32 $0x70, s9;
	s8 =	sadd.s32 $0x0, s8;
	[sflag:s28] =	ssyncset.done $0x0  }
0x3b4: {  	s4 =	sand.u32 $0x3C00, s4;
	s8 =	sor.u32 $0x380, s8;
	[sflag:s28] =	ssyncadd.s32 $0xFFFFC800  }
0x3b5: {  	s4 =	sor.u32 s9, s4;
	v27 =	vld [tilespmem:s8+$0x10000]  }
0x3b6: {  	v28 =	vld [tilespmem:s4+$0x10000]  }
0x3b7: {  	v29 =	vld [tilespmem:s4+$0x10080]  }
0x3b8: {  	v33 =	vld [tilespmem:s4+$0x10100]  }
0x3b9: {  	v41 =	vld [tilespmem:s4+$0x10180]  }
0x3ba: {  	vm8 =	veq.s32 v37, v12;
	vm9 =	veq.s32 v37, v13;
	vm10 =	veq.s32 v37, v14;
	v42 =	vld [tilespmem:s4+$0x10200]  }
0x3bb: {  	vm11 =	veq.s32 v37, v15;
	vm12 =	veq.s32 v37, v16;
	vm13 =	veq.s32 v37, v17;
	v44 =	vld [tilespmem:s4+$0x10280]  }
0x3bc: {  	vm14 =	veq.s32 v37, v18;
	vm15 =	veq.s32 v37, v19;
	v54 =	vld [tilespmem:s4+$0x10300];
	v43 =	vmul.f32 $1.442695020e+00, v27  }
0x3bd: {  	v45 =	vmul.f32 $1.442695020e+00, v28;
	v46 =	vmul.f32 $1.442695020e+00, v29;
	v27 =	vnsel vm15, $0x0, v27  }
0x3be: {  	s19 =	simm.s32 $0x1;
	v53 =	vmul.f32 $1.442695020e+00, v33;
	v28 =	vnsel vm8, $0x0, v28;
	v47 =	vmul.f32 $1.442695020e+00, v41  }
0x3bf: {  	s4 =	sand.u32 $0x7, s19;
	v29 =	vnsel vm9, $0x0, v29;
	v55 =	vmul.f32 $1.442695020e+00, v42;
	v56 =	vnsel vm10, $0x0, v33  }
0x3c0: {  	s23 =	sshll.u32 s4, $0x4;
	v57 =	vmul.f32 $1.442695020e+00, v44;
	v41 =	vnsel vm11, $0x0, v41;
	v42 =	vnsel vm12, $0x0, v42  }
0x3c1: {  	s8 =	simm.s32 $0x80;
	s4 =	simm.s32 $0x10;
	s9 =	sadd.s32 $0x80, s23;
	v44 =	vnsel vm13, $0x0, v44;
	v58 =	vnsel vm14, $0x0, v54;
	v38 =	vadd.f32 v27, v38  }
0x3c2: {  	s14 =	sand.u32 $0x3C00, s8;
	s13 =	sand.u32 $0x70, s4;
	s9 =	sor.u32 $0x380, s9;
	v27 =	vmul.f32 $1.442695020e+00, v54;
	v39 =	vadd.f32 v28, v39;
	(erf) = vpow2.f32 v43  }
0x3c3: {  	s13 =	sor.u32 s13, s14;
	v59 =	vld [tilespmem:s9+$0x10000];
	v33 =	vadd.f32 v29, v40;
	v35 =	vadd.f32 v56, v35;
	(erf) = vpow2.f32 v45  }
0x3c4: {  	v61 =	vld [tilespmem:s13+$0x10000];
	v28 =	vadd.f32 v41, v30;
	v30 =	vadd.f32 v42, v34;
	(erf) = vpow2.f32 v46  }
0x3c5: {  	v63 =	vld [tilespmem:s13+$0x10080];
	v29 =	vadd.f32 v44, v31;
	v31 =	vadd.s32 $0x10, v37;
	(erf) = vpow2.f32 v53  }
0x3c6: {  	v52 =	vld [tilespmem:s13+$0x10100];
	v25 =	vadd.f32 v58, v25;
	vm8 =	veq.s32 v31, v12;
	(erf) = vpow2.f32 v47  }
0x3c7: {  	v54 =	vld [tilespmem:s13+$0x10180];
	vm9 =	veq.s32 v31, v13;
	vm10 =	veq.s32 v31, v14;
	(erf) = vpow2.f32 v55  }
0x3c8: {  	vm11 =	veq.s32 v31, v15;
	vm12 =	veq.s32 v31, v16;
	(erf) = vpow2.f32 v57  }
0x3c9: {  	v56 =	vld [tilespmem:s13+$0x10200];
	vm13 =	veq.s32 v31, v17;
	vm14 =	veq.s32 v31, v18;
	vm15 =	veq.s32 v31, v19  }
0x3ca: {  	v34 =	vnsel vm15, $0x0, v59;
	v37 =	vnsel vm8, $0x0, v61;
	(erf) = vpow2.f32 v27  }
0x3cb: {  	v48 =	vmul.f32 $1.442695020e+00, v63;
	v44 =	vnsel vm9, $0x0, v63;
	v57 =	vmul.f32 $1.442695020e+00, v59;
	v59 =	vld [tilespmem:s13+$0x10280];
	v27 =	vpop (erf)  }
0x3cc: {  	v41 =	vnsel vm10, $0x0, v52;
	v49 =	vmul.f32 $1.442695020e+00, v54;
	v42 =	vnsel vm11, $0x0, v54;
	v60 =	vpop (erf)  }
0x3cd: {  	v27 =	vadd.f32 v27, v32;
	v32 =	vadd.f32 v60, v36;
	v62 =	vpop (erf);
	v60 =	vmul.f32 $1.442695020e+00, v61  }
0x3ce: {  	v63 =	vmul.f32 $1.442695020e+00, v56;
	v40 =	vnsel vm12, $0x0, v56;
	v61 =	vld [tilespmem:s13+$0x10300];
	v51 =	vpop (erf);
	(erf) = vpow2.f32 v57  }
0x3cf: {  	v26 =	vadd.f32 v62, v26;
	v62 =	vmul.f32 $1.442695020e+00, v52;
	v53 =	vpop (erf);
	(erf) = vpow2.f32 v60  }
0x3d0: {  	v47 =	vmul.f32 $1.442695020e+00, v59;
	v43 =	vnsel vm13, $0x0, v59;
	v55 =	vpop (erf);
	(erf) = vpow2.f32 v48  }
0x3d1: {  	v24 =	vadd.f32 v51, v24;
	v23 =	vadd.f32 v53, v23;
	v58 =	vpop (erf);
	(erf) = vpow2.f32 v62  }
0x3d2: {  	v22 =	vadd.f32 v55, v22;
	v21 =	vadd.f32 v58, v21;
	(erf) = vpow2.f32 v49  }
0x3d3: {  	s9 =	simm.s32 $0x2;
	v45 =	vpop (erf);
	v46 =	vmul.f32 $1.442695020e+00, v61;
	v36 =	vnsel vm14, $0x0, v61;
	(erf) = vpow2.f32 v63  }
.LBB2_32:
0x3d4: {  	s13 =	sand.u32 $0x7, s9;
	v38 =	vadd.f32 v34, v38;
	(erf) = vpow2.f32 v47;
	v20 =	vadd.f32 v45, v20  }
0x3d5: {  	s4 =	sadd.s32 $0x10, s4;
	v39 =	vadd.f32 v37, v39;
	v33 =	vadd.f32 v44, v33;
	s8 =	sadd.s32 $0x80, s8;
	s13 =	sshll.u32 s13, $0x4;
	(erf) = vpow2.f32 v46  }
0x3d6: {  	v35 =	vadd.f32 v41, v35;
	v28 =	vadd.f32 v42, v28;
	s14 =	sand.u32 $0x70, s4;
	s18 =	sand.u32 $0x3C00, s8;
	s13 =	sadd.s32 s13, s8  }
0x3d7: {  	v30 =	vadd.f32 v40, v30;
	v29 =	vadd.f32 v43, v29;
	p0 =	slt.u32 s4, $0x690;
	s14 =	sor.u32 s14, s18;
	s13 =	sor.u32 $0x380, s13;
	v34 =	vpop (erf)  }
0x3d8: {  	v25 =	vadd.f32 v36, v25;
	v31 =	vadd.s32 $0x10, v31;
	v37 =	vld [tilespmem:s13+$0x10000];
	v27 =	vadd.f32 v34, v27;
	v34 =	vpop (erf)  }
0x3d9: {  	vm14 =	veq.s32 v31, v12;
	vm12 =	veq.s32 v31, v13;
	v36 =	vld [tilespmem:s14+$0x10000];
	v32 =	vadd.f32 v34, v32;
	v34 =	vpop (erf)  }
0x3da: {  	vm13 =	veq.s32 v31, v14;
	vm10 =	veq.s32 v31, v15;
	v40 =	vld [tilespmem:s14+$0x10080];
	v26 =	vadd.f32 v34, v26;
	v34 =	vpop (erf)  }
0x3db: {  	vm11 =	veq.s32 v31, v16;
	vm8 =	veq.s32 v31, v17;
	v41 =	vld [tilespmem:s14+$0x10100];
	v24 =	vadd.f32 v34, v24;
	v34 =	vpop (erf)  }
0x3dc: {  	vm9 =	veq.s32 v31, v18;
	vm15 =	veq.s32 v31, v19;
	v42 =	vld [tilespmem:s14+$0x10180];
	v23 =	vadd.f32 v34, v23;
	v43 =	vpop (erf)  }
0x3dd: {  	v46 =	vld [tilespmem:s14+$0x10200];
	v47 =	vmul.f32 $1.442695020e+00, v37;
	v34 =	vnsel vm15, $0x0, v37;
	v22 =	vadd.f32 v43, v22;
	v43 =	vpop (erf)  }
0x3de: {  	v48 =	vld [tilespmem:s14+$0x10280];
	v49 =	vmul.f32 $1.442695020e+00, v36;
	v37 =	vnsel vm14, $0x0, v36;
	v21 =	vadd.f32 v43, v21;
	v45 =	vpop (erf)  }
0x3df: {  	v36 =	vld [tilespmem:s14+$0x10300];
	v43 =	vmul.f32 $1.442695020e+00, v40;
	v44 =	vnsel vm12, $0x0, v40;
	(erf) = vpow2.f32 v47  }
.Ltmp15:
0x3e0: {  	v47 =	vmul.f32 $1.442695020e+00, v41;
	v41 =	vnsel vm13, $0x0, v41;
	(erf) = vpow2.f32 v49;
	(pc) =	sbr.rel @p0 .LBB2_32-.Ltmp15, $4  }
0x3e1: {  	v49 =	vmul.f32 $1.442695020e+00, v42;
	v42 =	vnsel vm10, $0x0, v42;
	(erf) = vpow2.f32 v43  }
0x3e2: {  	v50 =	vmul.f32 $1.442695020e+00, v46;
	v40 =	vnsel vm11, $0x0, v46;
	(erf) = vpow2.f32 v47  }
0x3e3: {  	v47 =	vmul.f32 $1.442695020e+00, v48;
	v43 =	vnsel vm8, $0x0, v48;
	(erf) = vpow2.f32 v49  }
0x3e4: {  	s9 =	sadd.s32 $0x1, s9;
	v46 =	vmul.f32 $1.442695020e+00, v36;
	v36 =	vnsel vm9, $0x0, v36;
	(erf) = vpow2.f32 v50  }
0x3e5: {  	v12 =	vadd.f32 v34, v38;
	v16 =	vadd.f32 v37, v39  }
0x3e6: {  	v17 =	vadd.f32 v44, v33;
	v19 =	vadd.f32 v45, v20  }
0x3e7: {  	v31 =	vadd.f32 v41, v35;
	v59 =	vadd.f32 v42, v28;
	v57 =	vperm.xlane v16, v8  }
0x3e8: {  	v61 =	vadd.f32 v40, v30;
	v29 =	vadd.f32 v43, v29;
	v58 =	vperm.xlane v17, v8  }
0x3e9: {  	v25 =	vadd.f32 v36, v25;
	v45 =	vperm.xlane v31, v8;
	v13 =	vpop (erf);
	v16 =	vadd.f32 v57, v16  }
0x3ea: {  	v49 =	vperm.xlane v61, v8;
	v14 =	vpop (erf);
	v17 =	vadd.f32 v58, v17;
	v13 =	vadd.f32 v13, v27  }
0x3eb: {  	v14 =	vadd.f32 v14, v32;
	v15 =	vpop (erf);
	(erf) = vpow2.f32 v47;
	v47 =	vperm.xlane v59, v8  }
0x3ec: {  	v15 =	vadd.f32 v15, v26;
	v62 =	vperm.xlane v16, v9;
	v33 =	vperm.xlane v17, v9;
	v35 =	vpop (erf)  }
0x3ed: {  	v18 =	vperm.xlane v14, v8;
	v24 =	vadd.f32 v35, v24;
	v20 =	vadd.f32 v47, v59  }
0x3ee: {  	v37 =	vpop (erf);
	v26 =	vperm.xlane v15, v8;
	v16 =	vadd.f32 v62, v16;
	v17 =	vadd.f32 v33, v17  }
0x3ef: {  	(erf) = vpow2.f32 v46;
	v23 =	vadd.f32 v37, v23;
	v14 =	vadd.f32 v18, v14  }
0x3f0: {  	v38 =	vpop (erf);
	v44 =	vperm.xlane v24, v8;
	v53 =	vperm.xlane v20, v9;
	v15 =	vadd.f32 v26, v15  }
0x3f1: {  	v22 =	vadd.f32 v38, v22;
	v28 =	vperm.xlane v16, v10;
	v60 =	vperm.xlane v14, v9  }
0x3f2: {  	v18 =	vadd.f32 v49, v61;
	v36 =	vperm.xlane v17, v10;
	v63 =	vperm.xlane v15, v9  }
0x3f3: {  	v46 =	vperm.xlane v23, v8;
	v48 =	vperm.xlane v22, v8;
	v14 =	vadd.f32 v60, v14  }
0x3f4: {  	v55 =	vperm.xlane v18, v9;
	v20 =	vadd.f32 v53, v20;
	v15 =	vadd.f32 v63, v15  }
0x3f5: {  	v16 =	vadd.f32 v28, v16;
	v17 =	vadd.f32 v36, v17;
	v34 =	vperm.xlane v14, v10  }
0x3f6: {  	v23 =	vadd.f32 v46, v23;
	v22 =	vadd.f32 v48, v22;
	v30 =	vperm.xlane v15, v10  }
0x3f7: {  	v18 =	vadd.f32 v55, v18;
	v59 =	vperm.xlane v20, v10;
	v14 =	vadd.f32 v34, v14  }
0x3f8: {  	v40 =	vpop (erf);
	v41 =	vperm.xlane v16, v11;
	v42 =	vperm.xlane v17, v11;
	v15 =	vadd.f32 v30, v15  }
0x3f9: {  	v52 =	vperm.xlane v23, v9;
	v21 =	vadd.f32 v40, v21;
	v39 =	vperm.xlane v14, v11  }
0x3fa: {  	v54 =	vperm.xlane v22, v9;
	v16 =	vadd.f32 v41, v16;
	v30 =	vperm.xlane v15, v11  }
0x3fb: {  	v61 =	vperm.xlane v18, v10;
	v17 =	vadd.f32 v42, v17;
	v14 =	vadd.f32 v39, v14  }
0x3fc: {  	v20 =	vadd.f32 v59, v20;
	v16 =	vnsel vm7, $0x0, v16;
	v15 =	vadd.f32 v30, v15  }
0x3fd: {  	v16 =	vsel vm0, v16, v17;
	v17 =	vadd.f32 v45, v31;
	v14 =	vnsel vm7, $0x0, v14  }
0x3fe: {  	v43 =	vpop (erf);
	v40 =	vperm.xlane v29, v8;
	v14 =	vsel vm0, v14, v15;
	v15 =	vadd.f32 v44, v24  }
0x3ff: {  	v19 =	vadd.f32 v43, v19;
	v23 =	vadd.f32 v52, v23;
	v51 =	vperm.xlane v17, v9  }
0x400: {  	v42 =	vperm.xlane v25, v8;
	v22 =	vadd.f32 v54, v22;
	v50 =	vperm.xlane v15, v9  }
0x401: {  	v43 =	vperm.xlane v13, v8;
	v18 =	vadd.f32 v61, v18;
	v17 =	vadd.f32 v51, v17  }
0x402: {  	v33 =	vperm.xlane v20, v11;
	v58 =	vperm.xlane v23, v10;
	v15 =	vadd.f32 v50, v15  }
0x403: {  	v41 =	vperm.xlane v19, v8;
	v13 =	vadd.f32 v43, v13;
	v57 =	vperm.xlane v17, v10  }
0x404: {  	v60 =	vperm.xlane v22, v10;
	v36 =	vadd.f32 v33, v20;
	v56 =	vperm.xlane v15, v10  }
0x405: {  	v35 =	vperm.xlane v18, v11;
	v20 =	vadd.f32 v42, v25;
	v17 =	vadd.f32 v57, v17  }
0x406: {  	v23 =	vadd.f32 v58, v23;
	v49 =	vperm.xlane v13, v9;
	v15 =	vadd.f32 v56, v15  }
0x407: {  	v22 =	vadd.f32 v60, v22;
	v38 =	vadd.f32 v35, v18;
	v63 =	vperm.xlane v17, v11  }
0x408: {  	v39 =	vperm.xlane v21, v8;
	v18 =	vadd.f32 v41, v19;
	v62 =	vperm.xlane v15, v11  }
0x409: {  	v48 =	vperm.xlane v20, v9;
	v32 =	vperm.xlane v23, v11;
	v17 =	vadd.f32 v63, v17  }
0x40a: {  	v13 =	vadd.f32 v49, v13;
	v34 =	vperm.xlane v22, v11;
	v15 =	vadd.f32 v62, v15  }
0x40b: {  	v44 =	vperm.xlane v12, v8;
	v16 =	vsel vm1, v16, v17;
	v17 =	vadd.f32 v40, v29  }
0x40c: {  	v14 =	vsel vm1, v14, v15;
	v15 =	vsel vm2, v16, v36;
	v16 =	vadd.f32 v39, v21  }
0x40d: {  	v47 =	vperm.xlane v18, v9;
	v12 =	vadd.f32 v44, v12;
	v46 =	vperm.xlane v17, v9  }
0x40e: {  	v19 =	vadd.f32 v48, v20;
	v23 =	vadd.f32 v32, v23;
	v45 =	vperm.xlane v16, v9  }
0x40f: {  	v18 =	vadd.f32 v47, v18;
	v50 =	vperm.xlane v12, v9;
	v17 =	vadd.f32 v46, v17  }
0x410: {  	v55 =	vperm.xlane v13, v10;
	v54 =	vperm.xlane v19, v10;
	v16 =	vadd.f32 v45, v16  }
0x411: {  	v53 =	vperm.xlane v18, v10;
	v12 =	vadd.f32 v50, v12;
	v52 =	vperm.xlane v17, v10  }
0x412: {  	v37 =	vadd.f32 v34, v22;
	v19 =	vadd.f32 v54, v19;
	v51 =	vperm.xlane v16, v10  }
0x413: {  	v18 =	vadd.f32 v53, v18;
	v56 =	vperm.xlane v12, v10;
	v17 =	vadd.f32 v52, v17  }
0x414: {  	v13 =	vadd.f32 v55, v13;
	v60 =	vperm.xlane v19, v11;
	v16 =	vadd.f32 v51, v16  }
0x415: {  	v59 =	vperm.xlane v18, v11;
	v12 =	vadd.f32 v56, v12;
	v58 =	vperm.xlane v17, v11  }
0x416: {  	v61 =	vperm.xlane v13, v11;
	v63 =	vadd.f32 v60, v19;
	v57 =	vperm.xlane v16, v11  }
0x417: {  	v18 =	vadd.f32 v59, v18;
	v62 =	vperm.xlane v12, v11;
	v17 =	vadd.f32 v58, v17  }
0x418: {  	v14 =	vsel vm2, v14, v23;
	v15 =	vsel vm3, v15, v38;
	v16 =	vadd.f32 v57, v16  }
0x419: {  	v12 =	vadd.f32 v62, v12;
	v14 =	vsel vm3, v14, v37;
	v15 =	vsel vm4, v15, v17  }
0x41a: {  	v13 =	vadd.f32 v61, v13;
	v15 =	vsel vm5, v15, v63;
	v14 =	vsel vm4, v14, v16  }
0x41b: {  	s1 =	sadd.s32 $0x1, s1;
	v12 =	vsel vm6, v15, v12;
	v14 =	vsel vm5, v14, v18  }
0x41c: {  	p0 =	sne.s32 s1, s25;
	[tilespmem:$0x138F0] =	vst v12;
	v13 =	vsel vm6, v14, v13  }
.Ltmp16:
0x41d: {  	s4 =	simm.s32 $0x13880;
	[tilespmem:$0x138B0] =	vst v13;
	(pc) =	sbr.rel @p0 .LBB2_1-.Ltmp16, $4  }
0x41e: {  	[hbm4b:s24+s2] =	stream.linear.scatter [tilespmem:s4], [sflag:$0x3], $0x80, $0x38;
	[tilespmem:$0x13900] =	vst v63  }
0x41f: {  	_ =	swait.ge [sflag:s28], $0x80  }
0x420: {  	[sflag:s28] =	ssyncset.done $0x0  }
0x421: {  	[sflag:s28] =	ssyncadd.s32 $0xFFFFFF80  }
0x422: {  	_ =	sfence.sel $0x180000  }
0x423: {  	[bflag:$0x0] =	sbarrier.arrive $0xFFFF  }
0x424: {  	_ =	strace $0x90000047  }
0x425: {  	s0 =	stileid.u32;
	[bflag:$0x2] =	sbarrier.arrive $0xFFFF  }
0x426: {  	p0 =	sne.s32 s0, $0x0;
	s0 =	rddreg [dreg:$0x2]  }
0x427: {  	s0 =	sadd.s32 @!p0 $0x100000, s0  }
0x428: {  	[sflag:s0] =	ssyncadd.tile.s32 @!p0 $0x1;
	_ =	shalt  }
.Lfunc_end2:
_tile_overlayer_lowered:
.L_overlay_start_2:
0x429: {  	(tag) =	ssettag $0x2  }
0x42a: {  	s0 =	rddreg [dreg:$0x0];
	s2 =	stileid.u32  }
0x42b: {  	s1 =	rddreg [dreg:$0x1];
	p0 =	sne.s32 s2, $0x0  }
0x42c: {  	s3 =	rddreg [dreg:$0x2];
	[bflag:$0x3] =	sbarrier.arrive $0xFFFF;
	s2 =	simm.s32 @!p0 $0x1C03  }
0x42d: {  	[timem:s3], [sflag:s2] =	dma.local @!p0 [hbm:s0], s1  }
0x42e: {  	s0 =	simm.s32 @!p0 $0x3  }
0x42f: {  	_ =	swait.ge @!p0 [sflag:s0], s1  }
0x430: {  	s1 =	ssub.s32 @!p0 $0x0, s1;
	[sflag:s0] =	ssyncset.done @!p0 $0x0  }
0x431: {  	[sflag:s0] =	ssyncadd.s32 @!p0 s1  }
0x432: {  	[bflag:$0x3] =	sbarrier.arrive $0xFFFF  }
0x433: {  	_ =	shalt  }

</sc_bundles>
